<compile_context>
chip_gen: v7x
topology: tpu7x:2x2x1
jax: 0.10.2.dev20260603
libtpu: 0.0.44.dev20260713+nightly
codegen_flags: <defaults>
</compile_context>

<pallas_src>
import functools

import jax
import jax.numpy as jnp
from jax import lax
from jax.experimental import pallas as pl
from jax.experimental.pallas import tpu as pltpu
from jax.experimental.pallas import tpu_sc as plsc

N = 10000
E = 320000
IN_CH = 128
D = 64

NC = 2
NS = 16
NW = NC * NS
CH = 80
NCHT = E // NS // CH
NCHD = NCHT // NC
RPT = N // NS
NBUF = 5

_MESH = plsc.VectorSubcoreMesh(core_axis_name="c", subcore_axis_name="s")
_SC_PARAMS = pltpu.CompilerParams(use_tc_tiling_on_sc=False)



@functools.partial(
    pl.kernel,
    mesh=_MESH,
    compiler_params=_SC_PARAMS,
    out_type=jax.ShapeDtypeStruct((NC, N, 16), jnp.float32),
    scratch_types=[
        pltpu.VMEM((NCHD, CH), jnp.int32),
        pltpu.VMEM((CH, 16), jnp.float32),
        pltpu.VMEM_SHARED((N, 16), jnp.float32),
        pltpu.SemaphoreType.DMA((NBUF,)),
    ],
)
def _deg_kernel(idx_hbm, out_hbm, dst_v, ones_v, deg_sh, sems):
    c = lax.axis_index("c")
    s = lax.axis_index("s")
    def zrow(r, carry):
        ones_v[r] = jnp.zeros((16,), jnp.float32)
        return carry

    lax.fori_loop(0, CH, zrow, 0)
    for j in range(7):
        pltpu.sync_copy(ones_v, deg_sh.at[pl.ds(s * RPT + j * CH, CH)])
    pltpu.sync_copy(ones_v.at[pl.ds(0, RPT - 7 * CH)],
                    deg_sh.at[pl.ds(s * RPT + 7 * CH, RPT - 7 * CH)])

    def orow(r, carry):
        ones_v[r] = jnp.ones((16,), jnp.float32)
        return carry

    lax.fori_loop(0, CH, orow, 0)
    pltpu.sync_copy(idx_hbm.at[1].at[s].at[pl.ds(c * NCHD, NCHD)], dst_v)
    plsc.subcore_barrier()

    def outer(kk, carry):
        for b in range(NBUF):
            k = kk * NBUF + b

            @pl.when(k >= NBUF)
            def _():
                pltpu.make_async_copy(ones_v, deg_sh.at[dst_v.at[k - NBUF]],
                                      sems.at[b]).wait()

            pltpu.async_copy(ones_v, deg_sh.at[dst_v.at[k]], sems.at[b],
                             add=True)
        return carry

    lax.fori_loop(0, NCHD // NBUF, outer, 0)
    for b in range(NBUF):
        pltpu.make_async_copy(ones_v, deg_sh.at[dst_v.at[NCHD - NBUF + b]],
                              sems.at[b]).wait()
    plsc.subcore_barrier()
    pltpu.sync_copy(deg_sh.at[pl.ds(s * RPT, RPT)],
                    out_hbm.at[c].at[pl.ds(s * RPT, RPT)])



@functools.partial(
    pl.kernel,
    mesh=_MESH,
    compiler_params=_SC_PARAMS,
    out_type=jax.ShapeDtypeStruct((NC, N, D), jnp.float32),
    scratch_types=[
        pltpu.VMEM((NCHD, CH), jnp.int32),
        pltpu.VMEM((NCHD, CH), jnp.int32),
        pltpu.VMEM((NBUF, CH, D), jnp.float32),
        pltpu.VMEM_SHARED((N, D), jnp.float32),
        pltpu.SemaphoreType.DMA((NBUF,)),
        pltpu.SemaphoreType.DMA((NBUF,)),
    ],
)
def _agg_kernel(rows_hbm, idx_hbm, out_hbm,
                src_v, dst_v, rows_v, acc_sh, semg, sems):
    c = lax.axis_index("c")
    s = lax.axis_index("s")

    def zrow(r, carry):
        for j in range(D // 16):
            rows_v[0, r, pl.ds(j * 16, 16)] = jnp.zeros((16,), jnp.float32)
        return carry

    lax.fori_loop(0, CH, zrow, 0)
    for j in range(7):
        pltpu.sync_copy(rows_v.at[0], acc_sh.at[pl.ds(s * RPT + j * CH, CH)])
    pltpu.sync_copy(rows_v.at[0].at[pl.ds(0, RPT - 7 * CH)],
                    acc_sh.at[pl.ds(s * RPT + 7 * CH, RPT - 7 * CH)])
    pltpu.sync_copy(idx_hbm.at[0].at[s].at[pl.ds(c * NCHD, NCHD)], src_v)
    pltpu.sync_copy(idx_hbm.at[1].at[s].at[pl.ds(c * NCHD, NCHD)], dst_v)
    plsc.subcore_barrier()

    for b in range(NBUF):
        pltpu.async_copy(rows_hbm.at[src_v.at[b]], rows_v.at[b], semg.at[b])

    def outer(kk, carry):
        for b in range(NBUF):
            k = kk * NBUF + b
            pltpu.make_async_copy(rows_hbm.at[src_v.at[k]], rows_v.at[b],
                                  semg.at[b]).wait()
            pltpu.async_copy(rows_v.at[b], acc_sh.at[dst_v.at[k]], sems.at[b],
                             add=True)
            bb = (b - 2) % NBUF
            kg = k + NBUF - 2

            @pl.when(jnp.logical_and(kg >= NBUF, kg < NCHD))
            def _():
                pltpu.make_async_copy(rows_v.at[bb],
                                      acc_sh.at[dst_v.at[kg - NBUF]],
                                      sems.at[bb]).wait()
                pltpu.async_copy(rows_hbm.at[src_v.at[kg]], rows_v.at[bb],
                                 semg.at[bb])
        return carry

    lax.fori_loop(0, NCHD // NBUF, outer, 0)
    for b in range(NBUF):
        pltpu.make_async_copy(rows_v.at[b],
                              acc_sh.at[dst_v.at[NCHD - NBUF + b]],
                              sems.at[b]).wait()
    plsc.subcore_barrier()
    pltpu.sync_copy(acc_sh.at[pl.ds(s * RPT, RPT)],
                    out_hbm.at[c].at[pl.ds(s * RPT, RPT)])



def _k0_body(x_ref, w1_ref, t1_ref):
    t1_ref[...] = jnp.dot(x_ref[...], w1_ref[...],
                          preferred_element_type=jnp.float32)


def _k1_body(t1_ref, degp_ref, t1p_ref, dinv_ref):
    deg = degp_ref[0, :, 0:1] + degp_ref[1, :, 0:1] + 1.0
    dinv = lax.rsqrt(deg)
    t1p_ref[...] = t1_ref[...] * dinv
    dinv_ref[...] = dinv


def _k3_body(accp_ref, t1p_ref, dinv_ref, b1_ref, hp_ref):
    dinv = dinv_ref[...]
    a = (accp_ref[0] + accp_ref[1] + t1p_ref[...]) * dinv
    h = jnp.maximum(a + b1_ref[...], 0.0)
    hp_ref[...] = h * dinv


def _k5_body(accp_ref, hp_ref, dinv_ref, wmu_ref, bmu_ref, wls_ref, bls_ref,
             mu_ref, ls_ref):
    dinv = dinv_ref[...]
    a2 = (accp_ref[0] + accp_ref[1] + hp_ref[...]) * dinv
    mu_ref[...] = jnp.dot(a2, wmu_ref[...],
                          preferred_element_type=jnp.float32) + bmu_ref[...]
    ls_ref[...] = jnp.dot(a2, wls_ref[...],
                          preferred_element_type=jnp.float32) + bls_ref[...]


_k0 = pl.pallas_call(
    _k0_body,
    out_shape=jax.ShapeDtypeStruct((N, D), jnp.float32),
)

_k1 = pl.pallas_call(
    _k1_body,
    out_shape=[jax.ShapeDtypeStruct((N, D), jnp.float32),
               jax.ShapeDtypeStruct((N, 1), jnp.float32)],
)

_k3 = pl.pallas_call(
    _k3_body,
    out_shape=jax.ShapeDtypeStruct((N, D), jnp.float32),
)

_k5 = pl.pallas_call(
    _k5_body,
    out_shape=[jax.ShapeDtypeStruct((N, D), jnp.float32),
               jax.ShapeDtypeStruct((N, D), jnp.float32)],
)


def kernel(x, edge_index, W1, b1, Wmu, bmu, Wls, bls):
    idx4 = edge_index.reshape(2, NS, NCHT, CH)

    t1 = _k0(x, W1)
    degp = _deg_kernel(idx4)
    t1p, dinv = _k1(t1, degp)
    accB = _agg_kernel(t1p, idx4)
    hp = _k3(accB, t1p, dinv, b1.reshape(1, D))
    accC = _agg_kernel(hp, idx4)
    mu, ls = _k5(accC, hp, dinv, Wmu, bmu.reshape(1, D), Wls, bls.reshape(1, D))
    return (mu, ls)

# --- scband reference (transcript-rebuilt; emitter-appended) ---
"""Pipeline reference for scband-encoder-91319594647570 (READ-ONLY COPY).

The authoritative reference and input builder live on the scoring server;
editing this copy changes nothing except your own understanding.
"""

import jax, jax.numpy as jnp
import numpy as np

N_NODES = 10000
N_EDGES = 320000
IN_CH = 128
HID = 64
OUT_CH = 64


def _glorot(key, shape):
    fan_in, fan_out = shape[0], shape[1]
    limit = np.sqrt(6.0 / (fan_in + fan_out))
    return jax.random.uniform(key, shape, dtype=jnp.float32, minval=-limit, maxval=limit)


def setup_inputs(seed: int = 0) -> dict:
    key = jax.random.key(seed)
    k1, k2, k3, k4, k5 = jax.random.split(key, 5)
    x = jax.random.normal(k1, (N_NODES, IN_CH), dtype=jnp.float32)
    edge_index = jax.random.randint(k2, (2, N_EDGES), 0, N_NODES, dtype=jnp.int32)
    W1 = _glorot(k3, (IN_CH, HID))
    b1 = jnp.zeros((HID,), dtype=jnp.float32)
    Wmu = _glorot(k4, (HID, OUT_CH))
    bmu = jnp.zeros((OUT_CH,), dtype=jnp.float32)
    Wls = _glorot(k5, (HID, OUT_CH))
    bls = jnp.zeros((OUT_CH,), dtype=jnp.float32)
    return {"x": x, "edge_index": edge_index, "W1": W1, "b1": b1,
            "Wmu": Wmu, "bmu": bmu, "Wls": Wls, "bls": bls}


def _gcn_conv(x, W, b, src, dst, norm):
    # GCNConv: x @ W, then normalized sum-aggregation, then bias
    h = x @ W
    msg = h[src] * norm[:, None]
    out = jnp.zeros((x.shape[0], W.shape[1]), dtype=h.dtype).at[dst].add(msg)
    return out + b


def reference(x, edge_index, W1, b1, Wmu, bmu, Wls, bls):
    n = x.shape[0]
    loops = jnp.arange(n, dtype=edge_index.dtype)
    src = jnp.concatenate([edge_index[0], loops])
    dst = jnp.concatenate([edge_index[1], loops])
    # symmetric normalization with self-loops (PyG GCNConv default)
    deg = jnp.zeros((n,), dtype=x.dtype).at[dst].add(1.0)
    deg_inv_sqrt = jnp.where(deg > 0, 1.0 / jnp.sqrt(deg), 0.0)
    norm = deg_inv_sqrt[src] * deg_inv_sqrt[dst]
    h = jax.nn.relu(_gcn_conv(x, W1, b1, src, dst, norm))
    mu = _gcn_conv(h, Wmu, bmu, src, dst, norm)
    logstd = _gcn_conv(h, Wls, bls, src, dst, norm)
    return (mu, logstd)

if __name__ == "__main__":
    import jax
    _d = setup_inputs()
    print(jax.jit(kernel)(*tuple(_d.values())))

</pallas_src>

<mosaic_0001>
#map = affine_map<(d0, d1) -> (0, 0, 0, 0)>
#map1 = affine_map<(d0, d1) -> (0, 0, 0)>
module attributes {stable_mosaic.version = 14 : i64} {
  func.func @_deg_kernel(%arg0: i32, %arg1: i32, %arg2: memref<2x16x250x80xi32, #tpu.memory_space<hbm>>, %arg3: memref<2x10000x16xf32, #tpu.memory_space<hbm>>, %arg4: memref<125x80xi32, #tpu.memory_space<vmem>>, %arg5: memref<80x16xf32, #tpu.memory_space<vmem>>, %arg6: memref<10000x16xf32, #tpu.memory_space<vmem_shared>>, %arg7: memref<5x!tpu.dma_semaphore, #tpu.memory_space<semaphore_mem>>) attributes {dimension_semantics = [#tpu.dimension_semantics<core_parallel>, #tpu.dimension_semantics<subcore_parallel>], iteration_bounds = array<i64: 2, 16>, scalar_prefetch = 0 : i64, scratch_operands = 4 : i64, tpu.core_type = #tpu.core_type<sc_vector_subcore>, window_params = [{transform_indices = #map}, {transform_indices = #map1}]} {
    %scan3A = arith.constant 0 : i32
    %scan3A_0 = arith.constant 0 : i32
    %scan3A_1 = arith.constant 80 : i32
    %scan3A_2 = arith.addi %scan3A_0, %scan3A_1 : i32
    %scan3A_3 = arith.constant 1 : i32
    scf.for %scan3A_103 = %scan3A_0 to %scan3A_2 step %scan3A_3  : i32 {
      %broadcast_in_dim3A = arith.constant 0.000000e+00 : f32
      %broadcast_in_dim3A_104 = vector.broadcast %broadcast_in_dim3A : f32 to vector<16xf32>
      %swap3A = arith.index_cast %scan3A_103 : i32 to index
      %swap3A_105 = arith.constant 0 : index
      %swap3A_106 = tpu.vector_load %arg5[%swap3A, %swap3A_105] {strides = array<i32>} : memref<80x16xf32, #tpu.memory_space<vmem>>, vector<1x16xf32>,
      %swap3A_107 = vector.shape_cast %swap3A_106 : vector<1x16xf32> to vector<16xf32>
      %swap3A_108 = vector.shape_cast %broadcast_in_dim3A_104 : vector<16xf32> to vector<1x16xf32>
      tpu.vector_store %arg5[%swap3A, %swap3A_105], %swap3A_108 {strides = array<i32>} : memref<80x16xf32, #tpu.memory_space<vmem>>, vector<1x16xf32>,
    }
    %scan3A_4 = arith.constant 80 : i32
    %mul3A = arith.constant 625 : i32
    %mul3A_5 = arith.muli %arg1, %mul3A : i32
    %add3A = arith.constant 0 : i32
    %add3A_6 = arith.addi %mul3A_5, %add3A : i32
    "tpu.region"() ({
      %run_scoped3A_103 = tpu.sem_alloc : memref<!tpu.dma_semaphore, #tpu.memory_space<semaphore_mem>>
      %dma_start3A = arith.constant 0 : i32
      %dma_start3A_104 = tpu.memref_slice %arg6[%add3A_6, %dma_start3A] : memref<10000x16xf32, #tpu.memory_space<vmem_shared>> -> memref<80x16xf32, #tpu.memory_space<vmem_shared>>
      %dma_start3A_105 = arith.constant 0 : i32
      %dma_start3A_106 = tpu.memref_slice %arg6[%add3A_6, %dma_start3A_105] : memref<10000x16xf32, #tpu.memory_space<vmem_shared>> -> memref<80x16xf32, #tpu.memory_space<vmem_shared>>
      tpu.enqueue_dma source(%arg5 : memref<80x16xf32, #tpu.memory_space<vmem>>) target(%dma_start3A_106 : memref<80x16xf32, #tpu.memory_space<vmem_shared>>) target_semaphore(%run_scoped3A_103 : memref<!tpu.dma_semaphore, #tpu.memory_space<semaphore_mem>>)
      %dma_wait3A_107 = arith.constant 0 : i32
      %dma_wait3A_108 = tpu.memref_slice %arg6[%add3A_6, %dma_wait3A_107] : memref<10000x16xf32, #tpu.memory_space<vmem_shared>> -> memref<80x16xf32, #tpu.memory_space<vmem_shared>>
      %dma_wait3A_109 = arith.constant 0 : i32
      %dma_wait3A_110 = tpu.memref_slice %arg6[%add3A_6, %dma_wait3A_109] : memref<10000x16xf32, #tpu.memory_space<vmem_shared>> -> memref<80x16xf32, #tpu.memory_space<vmem_shared>>
      tpu.wait_dma2 semaphore(%run_scoped3A_103 : memref<!tpu.dma_semaphore, #tpu.memory_space<semaphore_mem>>) src(%arg5 : memref<80x16xf32, #tpu.memory_space<vmem>>) dst(%dma_wait3A_110 : memref<80x16xf32, #tpu.memory_space<vmem_shared>>)
      tpu.yield
    }) : () -> ()
    %mul3A_7 = arith.constant 625 : i32
    %mul3A_8 = arith.muli %arg1, %mul3A_7 : i32
    %add3A_9 = arith.constant 80 : i32
    %add3A_10 = arith.addi %mul3A_8, %add3A_9 : i32
    "tpu.region"() ({
      %run_scoped3A_103 = tpu.sem_alloc : memref<!tpu.dma_semaphore, #tpu.memory_space<semaphore_mem>>
      %dma_start3A = arith.constant 0 : i32
      %dma_start3A_104 = tpu.memref_slice %arg6[%add3A_10, %dma_start3A] : memref<10000x16xf32, #tpu.memory_space<vmem_shared>> -> memref<80x16xf32, #tpu.memory_space<vmem_shared>>
      %dma_start3A_105 = arith.constant 0 : i32
      %dma_start3A_106 = tpu.memref_slice %arg6[%add3A_10, %dma_start3A_105] : memref<10000x16xf32, #tpu.memory_space<vmem_shared>> -> memref<80x16xf32, #tpu.memory_space<vmem_shared>>
      tpu.enqueue_dma source(%arg5 : memref<80x16xf32, #tpu.memory_space<vmem>>) target(%dma_start3A_106 : memref<80x16xf32, #tpu.memory_space<vmem_shared>>) target_semaphore(%run_scoped3A_103 : memref<!tpu.dma_semaphore, #tpu.memory_space<semaphore_mem>>)
      %dma_wait3A_107 = arith.constant 0 : i32
      %dma_wait3A_108 = tpu.memref_slice %arg6[%add3A_10, %dma_wait3A_107] : memref<10000x16xf32, #tpu.memory_space<vmem_shared>> -> memref<80x16xf32, #tpu.memory_space<vmem_shared>>
      %dma_wait3A_109 = arith.constant 0 : i32
      %dma_wait3A_110 = tpu.memref_slice %arg6[%add3A_10, %dma_wait3A_109] : memref<10000x16xf32, #tpu.memory_space<vmem_shared>> -> memref<80x16xf32, #tpu.memory_space<vmem_shared>>
      tpu.wait_dma2 semaphore(%run_scoped3A_103 : memref<!tpu.dma_semaphore, #tpu.memory_space<semaphore_mem>>) src(%arg5 : memref<80x16xf32, #tpu.memory_space<vmem>>) dst(%dma_wait3A_110 : memref<80x16xf32, #tpu.memory_space<vmem_shared>>)
      tpu.yield
    }) : () -> ()
    %mul3A_11 = arith.constant 625 : i32
    %mul3A_12 = arith.muli %arg1, %mul3A_11 : i32
    %add3A_13 = arith.constant 160 : i32
    %add3A_14 = arith.addi %mul3A_12, %add3A_13 : i32
    "tpu.region"() ({
      %run_scoped3A_103 = tpu.sem_alloc : memref<!tpu.dma_semaphore, #tpu.memory_space<semaphore_mem>>
      %dma_start3A = arith.constant 0 : i32
      %dma_start3A_104 = tpu.memref_slice %arg6[%add3A_14, %dma_start3A] : memref<10000x16xf32, #tpu.memory_space<vmem_shared>> -> memref<80x16xf32, #tpu.memory_space<vmem_shared>>
      %dma_start3A_105 = arith.constant 0 : i32
      %dma_start3A_106 = tpu.memref_slice %arg6[%add3A_14, %dma_start3A_105] : memref<10000x16xf32, #tpu.memory_space<vmem_shared>> -> memref<80x16xf32, #tpu.memory_space<vmem_shared>>
      tpu.enqueue_dma source(%arg5 : memref<80x16xf32, #tpu.memory_space<vmem>>) target(%dma_start3A_106 : memref<80x16xf32, #tpu.memory_space<vmem_shared>>) target_semaphore(%run_scoped3A_103 : memref<!tpu.dma_semaphore, #tpu.memory_space<semaphore_mem>>)
      %dma_wait3A_107 = arith.constant 0 : i32
      %dma_wait3A_108 = tpu.memref_slice %arg6[%add3A_14, %dma_wait3A_107] : memref<10000x16xf32, #tpu.memory_space<vmem_shared>> -> memref<80x16xf32, #tpu.memory_space<vmem_shared>>
      %dma_wait3A_109 = arith.constant 0 : i32
      %dma_wait3A_110 = tpu.memref_slice %arg6[%add3A_14, %dma_wait3A_109] : memref<10000x16xf32, #tpu.memory_space<vmem_shared>> -> memref<80x16xf32, #tpu.memory_space<vmem_shared>>
      tpu.wait_dma2 semaphore(%run_scoped3A_103 : memref<!tpu.dma_semaphore, #tpu.memory_space<semaphore_mem>>) src(%arg5 : memref<80x16xf32, #tpu.memory_space<vmem>>) dst(%dma_wait3A_110 : memref<80x16xf32, #tpu.memory_space<vmem_shared>>)
      tpu.yield
    }) : () -> ()
    %mul3A_15 = arith.constant 625 : i32
    %mul3A_16 = arith.muli %arg1, %mul3A_15 : i32
    %add3A_17 = arith.constant 240 : i32
    %add3A_18 = arith.addi %mul3A_16, %add3A_17 : i32
    "tpu.region"() ({
      %run_scoped3A_103 = tpu.sem_alloc : memref<!tpu.dma_semaphore, #tpu.memory_space<semaphore_mem>>
      %dma_start3A = arith.constant 0 : i32
      %dma_start3A_104 = tpu.memref_slice %arg6[%add3A_18, %dma_start3A] : memref<10000x16xf32, #tpu.memory_space<vmem_shared>> -> memref<80x16xf32, #tpu.memory_space<vmem_shared>>
      %dma_start3A_105 = arith.constant 0 : i32
      %dma_start3A_106 = tpu.memref_slice %arg6[%add3A_18, %dma_start3A_105] : memref<10000x16xf32, #tpu.memory_space<vmem_shared>> -> memref<80x16xf32, #tpu.memory_space<vmem_shared>>
      tpu.enqueue_dma source(%arg5 : memref<80x16xf32, #tpu.memory_space<vmem>>) target(%dma_start3A_106 : memref<80x16xf32, #tpu.memory_space<vmem_shared>>) target_semaphore(%run_scoped3A_103 : memref<!tpu.dma_semaphore, #tpu.memory_space<semaphore_mem>>)
      %dma_wait3A_107 = arith.constant 0 : i32
      %dma_wait3A_108 = tpu.memref_slice %arg6[%add3A_18, %dma_wait3A_107] : memref<10000x16xf32, #tpu.memory_space<vmem_shared>> -> memref<80x16xf32, #tpu.memory_space<vmem_shared>>
      %dma_wait3A_109 = arith.constant 0 : i32
      %dma_wait3A_110 = tpu.memref_slice %arg6[%add3A_18, %dma_wait3A_109] : memref<10000x16xf32, #tpu.memory_space<vmem_shared>> -> memref<80x16xf32, #tpu.memory_space<vmem_shared>>
      tpu.wait_dma2 semaphore(%run_scoped3A_103 : memref<!tpu.dma_semaphore, #tpu.memory_space<semaphore_mem>>) src(%arg5 : memref<80x16xf32, #tpu.memory_space<vmem>>) dst(%dma_wait3A_110 : memref<80x16xf32, #tpu.memory_space<vmem_shared>>)
      tpu.yield
    }) : () -> ()
    %mul3A_19 = arith.constant 625 : i32
    %mul3A_20 = arith.muli %arg1, %mul3A_19 : i32
    %add3A_21 = arith.constant 320 : i32
    %add3A_22 = arith.addi %mul3A_20, %add3A_21 : i32
    "tpu.region"() ({
      %run_scoped3A_103 = tpu.sem_alloc : memref<!tpu.dma_semaphore, #tpu.memory_space<semaphore_mem>>
      %dma_start3A = arith.constant 0 : i32
      %dma_start3A_104 = tpu.memref_slice %arg6[%add3A_22, %dma_start3A] : memref<10000x16xf32, #tpu.memory_space<vmem_shared>> -> memref<80x16xf32, #tpu.memory_space<vmem_shared>>
      %dma_start3A_105 = arith.constant 0 : i32
      %dma_start3A_106 = tpu.memref_slice %arg6[%add3A_22, %dma_start3A_105] : memref<10000x16xf32, #tpu.memory_space<vmem_shared>> -> memref<80x16xf32, #tpu.memory_space<vmem_shared>>
      tpu.enqueue_dma source(%arg5 : memref<80x16xf32, #tpu.memory_space<vmem>>) target(%dma_start3A_106 : memref<80x16xf32, #tpu.memory_space<vmem_shared>>) target_semaphore(%run_scoped3A_103 : memref<!tpu.dma_semaphore, #tpu.memory_space<semaphore_mem>>)
      %dma_wait3A_107 = arith.constant 0 : i32
      %dma_wait3A_108 = tpu.memref_slice %arg6[%add3A_22, %dma_wait3A_107] : memref<10000x16xf32, #tpu.memory_space<vmem_shared>> -> memref<80x16xf32, #tpu.memory_space<vmem_shared>>
      %dma_wait3A_109 = arith.constant 0 : i32
      %dma_wait3A_110 = tpu.memref_slice %arg6[%add3A_22, %dma_wait3A_109] : memref<10000x16xf32, #tpu.memory_space<vmem_shared>> -> memref<80x16xf32, #tpu.memory_space<vmem_shared>>
      tpu.wait_dma2 semaphore(%run_scoped3A_103 : memref<!tpu.dma_semaphore, #tpu.memory_space<semaphore_mem>>) src(%arg5 : memref<80x16xf32, #tpu.memory_space<vmem>>) dst(%dma_wait3A_110 : memref<80x16xf32, #tpu.memory_space<vmem_shared>>)
      tpu.yield
    }) : () -> ()
    %mul3A_23 = arith.constant 625 : i32
    %mul3A_24 = arith.muli %arg1, %mul3A_23 : i32
    %add3A_25 = arith.constant 400 : i32
    %add3A_26 = arith.addi %mul3A_24, %add3A_25 : i32
    "tpu.region"() ({
      %run_scoped3A_103 = tpu.sem_alloc : memref<!tpu.dma_semaphore, #tpu.memory_space<semaphore_mem>>
      %dma_start3A = arith.constant 0 : i32
      %dma_start3A_104 = tpu.memref_slice %arg6[%add3A_26, %dma_start3A] : memref<10000x16xf32, #tpu.memory_space<vmem_shared>> -> memref<80x16xf32, #tpu.memory_space<vmem_shared>>
      %dma_start3A_105 = arith.constant 0 : i32
      %dma_start3A_106 = tpu.memref_slice %arg6[%add3A_26, %dma_start3A_105] : memref<10000x16xf32, #tpu.memory_space<vmem_shared>> -> memref<80x16xf32, #tpu.memory_space<vmem_shared>>
      tpu.enqueue_dma source(%arg5 : memref<80x16xf32, #tpu.memory_space<vmem>>) target(%dma_start3A_106 : memref<80x16xf32, #tpu.memory_space<vmem_shared>>) target_semaphore(%run_scoped3A_103 : memref<!tpu.dma_semaphore, #tpu.memory_space<semaphore_mem>>)
      %dma_wait3A_107 = arith.constant 0 : i32
      %dma_wait3A_108 = tpu.memref_slice %arg6[%add3A_26, %dma_wait3A_107] : memref<10000x16xf32, #tpu.memory_space<vmem_shared>> -> memref<80x16xf32, #tpu.memory_space<vmem_shared>>
      %dma_wait3A_109 = arith.constant 0 : i32
      %dma_wait3A_110 = tpu.memref_slice %arg6[%add3A_26, %dma_wait3A_109] : memref<10000x16xf32, #tpu.memory_space<vmem_shared>> -> memref<80x16xf32, #tpu.memory_space<vmem_shared>>
      tpu.wait_dma2 semaphore(%run_scoped3A_103 : memref<!tpu.dma_semaphore, #tpu.memory_space<semaphore_mem>>) src(%arg5 : memref<80x16xf32, #tpu.memory_space<vmem>>) dst(%dma_wait3A_110 : memref<80x16xf32, #tpu.memory_space<vmem_shared>>)
      tpu.yield
    }) : () -> ()
    %mul3A_27 = arith.constant 625 : i32
    %mul3A_28 = arith.muli %arg1, %mul3A_27 : i32
    %add3A_29 = arith.constant 480 : i32
    %add3A_30 = arith.addi %mul3A_28, %add3A_29 : i32
    "tpu.region"() ({
      %run_scoped3A_103 = tpu.sem_alloc : memref<!tpu.dma_semaphore, #tpu.memory_space<semaphore_mem>>
      %dma_start3A = arith.constant 0 : i32
      %dma_start3A_104 = tpu.memref_slice %arg6[%add3A_30, %dma_start3A] : memref<10000x16xf32, #tpu.memory_space<vmem_shared>> -> memref<80x16xf32, #tpu.memory_space<vmem_shared>>
      %dma_start3A_105 = arith.constant 0 : i32
      %dma_start3A_106 = tpu.memref_slice %arg6[%add3A_30, %dma_start3A_105] : memref<10000x16xf32, #tpu.memory_space<vmem_shared>> -> memref<80x16xf32, #tpu.memory_space<vmem_shared>>
      tpu.enqueue_dma source(%arg5 : memref<80x16xf32, #tpu.memory_space<vmem>>) target(%dma_start3A_106 : memref<80x16xf32, #tpu.memory_space<vmem_shared>>) target_semaphore(%run_scoped3A_103 : memref<!tpu.dma_semaphore, #tpu.memory_space<semaphore_mem>>)
      %dma_wait3A_107 = arith.constant 0 : i32
      %dma_wait3A_108 = tpu.memref_slice %arg6[%add3A_30, %dma_wait3A_107] : memref<10000x16xf32, #tpu.memory_space<vmem_shared>> -> memref<80x16xf32, #tpu.memory_space<vmem_shared>>
      %dma_wait3A_109 = arith.constant 0 : i32
      %dma_wait3A_110 = tpu.memref_slice %arg6[%add3A_30, %dma_wait3A_109] : memref<10000x16xf32, #tpu.memory_space<vmem_shared>> -> memref<80x16xf32, #tpu.memory_space<vmem_shared>>
      tpu.wait_dma2 semaphore(%run_scoped3A_103 : memref<!tpu.dma_semaphore, #tpu.memory_space<semaphore_mem>>) src(%arg5 : memref<80x16xf32, #tpu.memory_space<vmem>>) dst(%dma_wait3A_110 : memref<80x16xf32, #tpu.memory_space<vmem_shared>>)
      tpu.yield
    }) : () -> ()
    %mul3A_31 = arith.constant 625 : i32
    %mul3A_32 = arith.muli %arg1, %mul3A_31 : i32
    %add3A_33 = arith.constant 560 : i32
    %add3A_34 = arith.addi %mul3A_32, %add3A_33 : i32
    "tpu.region"() ({
      %run_scoped3A_103 = tpu.sem_alloc : memref<!tpu.dma_semaphore, #tpu.memory_space<semaphore_mem>>
      %dma_start3A = arith.constant 0 : i32
      %dma_start3A_104 = arith.constant 0 : i32
      %dma_start3A_105 = tpu.memref_slice %arg5[%dma_start3A, %dma_start3A_104] : memref<80x16xf32, #tpu.memory_space<vmem>> -> memref<65x16xf32, #tpu.memory_space<vmem>>
      %dma_start3A_106 = arith.constant 0 : i32
      %dma_start3A_107 = tpu.memref_slice %arg6[%add3A_34, %dma_start3A_106] : memref<10000x16xf32, #tpu.memory_space<vmem_shared>> -> memref<65x16xf32, #tpu.memory_space<vmem_shared>>
      %dma_start3A_108 = arith.constant 0 : i32
      %dma_start3A_109 = tpu.memref_slice %arg6[%add3A_34, %dma_start3A_108] : memref<10000x16xf32, #tpu.memory_space<vmem_shared>> -> memref<65x16xf32, #tpu.memory_space<vmem_shared>>
      %dma_start3A_110 = arith.constant 0 : i32
      %dma_start3A_111 = arith.constant 0 : i32
      %dma_start3A_112 = tpu.memref_slice %arg5[%dma_start3A_110, %dma_start3A_111] : memref<80x16xf32, #tpu.memory_space<vmem>> -> memref<65x16xf32, #tpu.memory_space<vmem>>
      tpu.enqueue_dma source(%dma_start3A_112 : memref<65x16xf32, #tpu.memory_space<vmem>>) target(%dma_start3A_109 : memref<65x16xf32, #tpu.memory_space<vmem_shared>>) target_semaphore(%run_scoped3A_103 : memref<!tpu.dma_semaphore, #tpu.memory_space<semaphore_mem>>)
      %dma_wait3A_113 = arith.constant 0 : i32
      %dma_wait3A_114 = arith.constant 0 : i32
      %dma_wait3A_115 = tpu.memref_slice %arg5[%dma_wait3A_113, %dma_wait3A_114] : memref<80x16xf32, #tpu.memory_space<vmem>> -> memref<65x16xf32, #tpu.memory_space<vmem>>
      %dma_wait3A_116 = arith.constant 0 : i32
      %dma_wait3A_117 = tpu.memref_slice %arg6[%add3A_34, %dma_wait3A_116] : memref<10000x16xf32, #tpu.memory_space<vmem_shared>> -> memref<65x16xf32, #tpu.memory_space<vmem_shared>>
      %dma_wait3A_118 = arith.constant 0 : i32
      %dma_wait3A_119 = tpu.memref_slice %arg6[%add3A_34, %dma_wait3A_118] : memref<10000x16xf32, #tpu.memory_space<vmem_shared>> -> memref<65x16xf32, #tpu.memory_space<vmem_shared>>
      %dma_wait3A_120 = arith.constant 0 : i32
      %dma_wait3A_121 = arith.constant 0 : i32
      %dma_wait3A_122 = tpu.memref_slice %arg5[%dma_wait3A_120, %dma_wait3A_121] : memref<80x16xf32, #tpu.memory_space<vmem>> -> memref<65x16xf32, #tpu.memory_space<vmem>>
      tpu.wait_dma2 semaphore(%run_scoped3A_103 : memref<!tpu.dma_semaphore, #tpu.memory_space<semaphore_mem>>) src(%dma_wait3A_122 : memref<65x16xf32, #tpu.memory_space<vmem>>) dst(%dma_wait3A_119 : memref<65x16xf32, #tpu.memory_space<vmem_shared>>)
      tpu.yield
    }) : () -> ()
    %scan3A_35 = arith.constant 0 : i32
    %scan3A_36 = arith.constant 0 : i32
    %scan3A_37 = arith.constant 80 : i32
    %scan3A_38 = arith.addi %scan3A_36, %scan3A_37 : i32
    %scan3A_39 = arith.constant 1 : i32
    scf.for %scan3A_103 = %scan3A_36 to %scan3A_38 step %scan3A_39  : i32 {
      %broadcast_in_dim3A = arith.constant 1.000000e+00 : f32
      %broadcast_in_dim3A_104 = vector.broadcast %broadcast_in_dim3A : f32 to vector<16xf32>
      %swap3A = arith.index_cast %scan3A_103 : i32 to index
      %swap3A_105 = arith.constant 0 : index
      %swap3A_106 = tpu.vector_load %arg5[%swap3A, %swap3A_105] {strides = array<i32>} : memref<80x16xf32, #tpu.memory_space<vmem>>, vector<1x16xf32>,
      %swap3A_107 = vector.shape_cast %swap3A_106 : vector<1x16xf32> to vector<16xf32>
      %swap3A_108 = vector.shape_cast %broadcast_in_dim3A_104 : vector<16xf32> to vector<1x16xf32>
      tpu.vector_store %arg5[%swap3A, %swap3A_105], %swap3A_108 {strides = array<i32>} : memref<80x16xf32, #tpu.memory_space<vmem>>, vector<1x16xf32>,
    }
    %scan3A_40 = arith.constant 80 : i32
    %mul3A_41 = arith.constant 125 : i32
    %mul3A_42 = arith.muli %arg0, %mul3A_41 : i32
    %run_scoped3A = arith.constant 1 : i32
    "tpu.region"() ({
      %run_scoped3A_103 = tpu.sem_alloc : memref<!tpu.dma_semaphore, #tpu.memory_space<semaphore_mem>>
      %dma_start3A = arith.constant 0 : i32
      %dma_start3A_104 = arith.constant 0 : i32
      %dma_start3A_105 = arith.constant 0 : i32
      %dma_start3A_106 = tpu.memref_slice %arg2[%run_scoped3A, %dma_start3A, %dma_start3A_104, %dma_start3A_105] : memref<2x16x250x80xi32, #tpu.memory_space<hbm>> -> memref<1x16x250x80xi32, #tpu.memory_space<hbm>>
      %dma_start3A_107 = tpu.memref_squeeze %dma_start3A_106 : memref<1x16x250x80xi32, #tpu.memory_space<hbm>> -> memref<16x250x80xi32, #tpu.memory_space<hbm>>
      %dma_start3A_108 = arith.constant 0 : i32
      %dma_start3A_109 = arith.constant 0 : i32
      %dma_start3A_110 = tpu.memref_slice %dma_start3A_107[%arg1, %dma_start3A_108, %dma_start3A_109] : memref<16x250x80xi32, #tpu.memory_space<hbm>> -> memref<1x250x80xi32, #tpu.memory_space<hbm>>
      %dma_start3A_111 = tpu.memref_squeeze %dma_start3A_110 : memref<1x250x80xi32, #tpu.memory_space<hbm>> -> memref<250x80xi32, #tpu.memory_space<hbm>>
      %dma_start3A_112 = arith.constant 0 : i32
      %dma_start3A_113 = tpu.memref_slice %dma_start3A_111[%mul3A_42, %dma_start3A_112] : memref<250x80xi32, #tpu.memory_space<hbm>> -> memref<125x80xi32, #tpu.memory_space<hbm>>
      %dma_start3A_114 = arith.constant 0 : i32
      %dma_start3A_115 = arith.constant 0 : i32
      %dma_start3A_116 = arith.constant 0 : i32
      %dma_start3A_117 = tpu.memref_slice %arg2[%run_scoped3A, %dma_start3A_114, %dma_start3A_115, %dma_start3A_116] : memref<2x16x250x80xi32, #tpu.memory_space<hbm>> -> memref<1x16x250x80xi32, #tpu.memory_space<hbm>>
      %dma_start3A_118 = tpu.memref_squeeze %dma_start3A_117 : memref<1x16x250x80xi32, #tpu.memory_space<hbm>> -> memref<16x250x80xi32, #tpu.memory_space<hbm>>
      %dma_start3A_119 = arith.constant 0 : i32
      %dma_start3A_120 = arith.constant 0 : i32
      %dma_start3A_121 = tpu.memref_slice %dma_start3A_118[%arg1, %dma_start3A_119, %dma_start3A_120] : memref<16x250x80xi32, #tpu.memory_space<hbm>> -> memref<1x250x80xi32, #tpu.memory_space<hbm>>
      %dma_start3A_122 = tpu.memref_squeeze %dma_start3A_121 : memref<1x250x80xi32, #tpu.memory_space<hbm>> -> memref<250x80xi32, #tpu.memory_space<hbm>>
      %dma_start3A_123 = arith.constant 0 : i32
      %dma_start3A_124 = tpu.memref_slice %dma_start3A_122[%mul3A_42, %dma_start3A_123] : memref<250x80xi32, #tpu.memory_space<hbm>> -> memref<125x80xi32, #tpu.memory_space<hbm>>
      tpu.enqueue_dma source(%dma_start3A_124 : memref<125x80xi32, #tpu.memory_space<hbm>>) target(%arg4 : memref<125x80xi32, #tpu.memory_space<vmem>>) target_semaphore(%run_scoped3A_103 : memref<!tpu.dma_semaphore, #tpu.memory_space<semaphore_mem>>)
      %dma_wait3A_125 = arith.constant 0 : i32
      %dma_wait3A_126 = arith.constant 0 : i32
      %dma_wait3A_127 = arith.constant 0 : i32
      %dma_wait3A_128 = tpu.memref_slice %arg2[%run_scoped3A, %dma_wait3A_125, %dma_wait3A_126, %dma_wait3A_127] : memref<2x16x250x80xi32, #tpu.memory_space<hbm>> -> memref<1x16x250x80xi32, #tpu.memory_space<hbm>>
      %dma_wait3A_129 = tpu.memref_squeeze %dma_wait3A_128 : memref<1x16x250x80xi32, #tpu.memory_space<hbm>> -> memref<16x250x80xi32, #tpu.memory_space<hbm>>
      %dma_wait3A_130 = arith.constant 0 : i32
      %dma_wait3A_131 = arith.constant 0 : i32
      %dma_wait3A_132 = tpu.memref_slice %dma_wait3A_129[%arg1, %dma_wait3A_130, %dma_wait3A_131] : memref<16x250x80xi32, #tpu.memory_space<hbm>> -> memref<1x250x80xi32, #tpu.memory_space<hbm>>
      %dma_wait3A_133 = tpu.memref_squeeze %dma_wait3A_132 : memref<1x250x80xi32, #tpu.memory_space<hbm>> -> memref<250x80xi32, #tpu.memory_space<hbm>>
      %dma_wait3A_134 = arith.constant 0 : i32
      %dma_wait3A_135 = tpu.memref_slice %dma_wait3A_133[%mul3A_42, %dma_wait3A_134] : memref<250x80xi32, #tpu.memory_space<hbm>> -> memref<125x80xi32, #tpu.memory_space<hbm>>
      %dma_wait3A_136 = arith.constant 0 : i32
      %dma_wait3A_137 = arith.constant 0 : i32
      %dma_wait3A_138 = arith.constant 0 : i32
      %dma_wait3A_139 = tpu.memref_slice %arg2[%run_scoped3A, %dma_wait3A_136, %dma_wait3A_137, %dma_wait3A_138] : memref<2x16x250x80xi32, #tpu.memory_space<hbm>> -> memref<1x16x250x80xi32, #tpu.memory_space<hbm>>
      %dma_wait3A_140 = tpu.memref_squeeze %dma_wait3A_139 : memref<1x16x250x80xi32, #tpu.memory_space<hbm>> -> memref<16x250x80xi32, #tpu.memory_space<hbm>>
      %dma_wait3A_141 = arith.constant 0 : i32
      %dma_wait3A_142 = arith.constant 0 : i32
      %dma_wait3A_143 = tpu.memref_slice %dma_wait3A_140[%arg1, %dma_wait3A_141, %dma_wait3A_142] : memref<16x250x80xi32, #tpu.memory_space<hbm>> -> memref<1x250x80xi32, #tpu.memory_space<hbm>>
      %dma_wait3A_144 = tpu.memref_squeeze %dma_wait3A_143 : memref<1x250x80xi32, #tpu.memory_space<hbm>> -> memref<250x80xi32, #tpu.memory_space<hbm>>
      %dma_wait3A_145 = arith.constant 0 : i32
      %dma_wait3A_146 = tpu.memref_slice %dma_wait3A_144[%mul3A_42, %dma_wait3A_145] : memref<250x80xi32, #tpu.memory_space<hbm>> -> memref<125x80xi32, #tpu.memory_space<hbm>>
      tpu.wait_dma2 semaphore(%run_scoped3A_103 : memref<!tpu.dma_semaphore, #tpu.memory_space<semaphore_mem>>) src(%dma_wait3A_146 : memref<125x80xi32, #tpu.memory_space<hbm>>) dst(%arg4 : memref<125x80xi32, #tpu.memory_space<vmem>>)
      tpu.yield
    }) : () -> ()
    %barrier3A = arith.constant 0 : index
    tpu.barrier barrier_id(%barrier3A)
    %scan3A_43 = arith.constant 0 : i32
    %scan3A_44 = arith.constant 0 : i32
    %scan3A_45 = arith.constant 25 : i32
    %scan3A_46 = arith.addi %scan3A_44, %scan3A_45 : i32
    %scan3A_47 = arith.constant 1 : i32
    scf.for %scan3A_103 = %scan3A_44 to %scan3A_46 step %scan3A_47  : i32 {
      %mul3A_104 = arith.constant 5 : i32
      %mul3A_105 = arith.muli %scan3A_103, %mul3A_104 : i32
      %add3A_106 = arith.constant 0 : i32
      %add3A_107 = arith.addi %mul3A_105, %add3A_106 : i32
      %ge3A = arith.constant 5 : i32
      %ge3A_108 = arith.cmpi sge, %add3A_107, %ge3A : i32
      %convert_element_type3A = arith.extui %ge3A_108 : i1 to i32
      %cond3A = arith.constant 0 : i32
      %cond3A_109 = arith.cmpi ne, %convert_element_type3A, %cond3A : i32
      scf.if %cond3A_109 {
        %sub3A = arith.constant 5 : i32
        %sub3A_190 = arith.subi %add3A_107, %sub3A : i32
        %dma_wait3A_191 = arith.constant 0 : i32
        %dma_wait3A_192 = arith.constant 0 : i32
        %dma_wait3A_193 = tpu.memref_slice %arg4[%sub3A_190, %dma_wait3A_192] : memref<125x80xi32, #tpu.memory_space<vmem>> -> memref<1x80xi32, #tpu.memory_space<vmem>>
        %dma_wait3A_194 = tpu.memref_squeeze %dma_wait3A_193 : memref<1x80xi32, #tpu.memory_space<vmem>> -> memref<80xi32, #tpu.memory_space<vmem>>
        %dma_wait3A_195 = arith.constant 0 : i32
        %dma_wait3A_196 = arith.constant 0 : i32
        %dma_wait3A_197 = tpu.memref_slice %arg6[%dma_wait3A_195, %dma_wait3A_196] : memref<10000x16xf32, #tpu.memory_space<vmem_shared>> -> memref<10000x16xf32, #tpu.memory_space<vmem_shared>>
        %dma_wait3A_198 = tpu.memref_slice %arg7[%dma_wait3A_191] : memref<5x!tpu.dma_semaphore, #tpu.memory_space<semaphore_mem>> -> memref<1x!tpu.dma_semaphore, #tpu.memory_space<semaphore_mem>>
        %dma_wait3A_199 = tpu.memref_squeeze %dma_wait3A_198 : memref<1x!tpu.dma_semaphore, #tpu.memory_space<semaphore_mem>> -> memref<!tpu.dma_semaphore, #tpu.memory_space<semaphore_mem>>
        tpu.wait_indirect_dma semaphore(%dma_wait3A_199 : memref<!tpu.dma_semaphore, #tpu.memory_space<semaphore_mem>>) src(%arg5 : memref<80x16xf32, #tpu.memory_space<vmem>>) dst(%dma_wait3A_197 : memref<10000x16xf32, #tpu.memory_space<vmem_shared>>)
      } else {
      }
      %dma_start3A = arith.constant 0 : i32
      %dma_start3A_110 = arith.constant 0 : i32
      %dma_start3A_111 = tpu.memref_slice %arg4[%add3A_107, %dma_start3A_110] : memref<125x80xi32, #tpu.memory_space<vmem>> -> memref<1x80xi32, #tpu.memory_space<vmem>>
      %dma_start3A_112 = tpu.memref_squeeze %dma_start3A_111 : memref<1x80xi32, #tpu.memory_space<vmem>> -> memref<80xi32, #tpu.memory_space<vmem>>
      %dma_start3A_113 = arith.constant 0 : i32
      %dma_start3A_114 = arith.constant 0 : i32
      %dma_start3A_115 = tpu.memref_slice %arg6[%dma_start3A_113, %dma_start3A_114] : memref<10000x16xf32, #tpu.memory_space<vmem_shared>> -> memref<10000x16xf32, #tpu.memory_space<vmem_shared>>
      %dma_start3A_116 = tpu.memref_slice %arg7[%dma_start3A] : memref<5x!tpu.dma_semaphore, #tpu.memory_space<semaphore_mem>> -> memref<1x!tpu.dma_semaphore, #tpu.memory_space<semaphore_mem>>
      %dma_start3A_117 = tpu.memref_squeeze %dma_start3A_116 : memref<1x!tpu.dma_semaphore, #tpu.memory_space<semaphore_mem>> -> memref<!tpu.dma_semaphore, #tpu.memory_space<semaphore_mem>>
      tpu.enqueue_indirect_dma source(%arg5 : memref<80x16xf32, #tpu.memory_space<vmem>>) target(%dma_start3A_115 : memref<10000x16xf32, #tpu.memory_space<vmem_shared>>) offsets(%dma_start3A_112 : memref<80xi32, #tpu.memory_space<vmem>>) semaphore(%dma_start3A_117 : memref<!tpu.dma_semaphore, #tpu.memory_space<semaphore_mem>>) {add = true}
      %mul3A_118 = arith.constant 5 : i32
      %mul3A_119 = arith.muli %scan3A_103, %mul3A_118 : i32
      %add3A_120 = arith.constant 1 : i32
      %add3A_121 = arith.addi %mul3A_119, %add3A_120 : i32
      %ge3A_122 = arith.constant 5 : i32
      %ge3A_123 = arith.cmpi sge, %add3A_121, %ge3A_122 : i32
      %convert_element_type3A_124 = arith.extui %ge3A_123 : i1 to i32
      %cond3A_125 = arith.constant 0 : i32
      %cond3A_126 = arith.cmpi ne, %convert_element_type3A_124, %cond3A_125 : i32
      scf.if %cond3A_126 {
        %sub3A = arith.constant 5 : i32
        %sub3A_190 = arith.subi %add3A_121, %sub3A : i32
        %dma_wait3A_191 = arith.constant 1 : i32
        %dma_wait3A_192 = arith.constant 0 : i32
        %dma_wait3A_193 = tpu.memref_slice %arg4[%sub3A_190, %dma_wait3A_192] : memref<125x80xi32, #tpu.memory_space<vmem>> -> memref<1x80xi32, #tpu.memory_space<vmem>>
        %dma_wait3A_194 = tpu.memref_squeeze %dma_wait3A_193 : memref<1x80xi32, #tpu.memory_space<vmem>> -> memref<80xi32, #tpu.memory_space<vmem>>
        %dma_wait3A_195 = arith.constant 0 : i32
        %dma_wait3A_196 = arith.constant 0 : i32
        %dma_wait3A_197 = tpu.memref_slice %arg6[%dma_wait3A_195, %dma_wait3A_196] : memref<10000x16xf32, #tpu.memory_space<vmem_shared>> -> memref<10000x16xf32, #tpu.memory_space<vmem_shared>>
        %dma_wait3A_198 = tpu.memref_slice %arg7[%dma_wait3A_191] : memref<5x!tpu.dma_semaphore, #tpu.memory_space<semaphore_mem>> -> memref<1x!tpu.dma_semaphore, #tpu.memory_space<semaphore_mem>>
        %dma_wait3A_199 = tpu.memref_squeeze %dma_wait3A_198 : memref<1x!tpu.dma_semaphore, #tpu.memory_space<semaphore_mem>> -> memref<!tpu.dma_semaphore, #tpu.memory_space<semaphore_mem>>
        tpu.wait_indirect_dma semaphore(%dma_wait3A_199 : memref<!tpu.dma_semaphore, #tpu.memory_space<semaphore_mem>>) src(%arg5 : memref<80x16xf32, #tpu.memory_space<vmem>>) dst(%dma_wait3A_197 : memref<10000x16xf32, #tpu.memory_space<vmem_shared>>)
      } else {
      }
      %dma_start3A_127 = arith.constant 1 : i32
      %dma_start3A_128 = arith.constant 0 : i32
      %dma_start3A_129 = tpu.memref_slice %arg4[%add3A_121, %dma_start3A_128] : memref<125x80xi32, #tpu.memory_space<vmem>> -> memref<1x80xi32, #tpu.memory_space<vmem>>
      %dma_start3A_130 = tpu.memref_squeeze %dma_start3A_129 : memref<1x80xi32, #tpu.memory_space<vmem>> -> memref<80xi32, #tpu.memory_space<vmem>>
      %dma_start3A_131 = arith.constant 0 : i32
      %dma_start3A_132 = arith.constant 0 : i32
      %dma_start3A_133 = tpu.memref_slice %arg6[%dma_start3A_131, %dma_start3A_132] : memref<10000x16xf32, #tpu.memory_space<vmem_shared>> -> memref<10000x16xf32, #tpu.memory_space<vmem_shared>>
      %dma_start3A_134 = tpu.memref_slice %arg7[%dma_start3A_127] : memref<5x!tpu.dma_semaphore, #tpu.memory_space<semaphore_mem>> -> memref<1x!tpu.dma_semaphore, #tpu.memory_space<semaphore_mem>>
      %dma_start3A_135 = tpu.memref_squeeze %dma_start3A_134 : memref<1x!tpu.dma_semaphore, #tpu.memory_space<semaphore_mem>> -> memref<!tpu.dma_semaphore, #tpu.memory_space<semaphore_mem>>
      tpu.enqueue_indirect_dma source(%arg5 : memref<80x16xf32, #tpu.memory_space<vmem>>) target(%dma_start3A_133 : memref<10000x16xf32, #tpu.memory_space<vmem_shared>>) offsets(%dma_start3A_130 : memref<80xi32, #tpu.memory_space<vmem>>) semaphore(%dma_start3A_135 : memref<!tpu.dma_semaphore, #tpu.memory_space<semaphore_mem>>) {add = true}
      %mul3A_136 = arith.constant 5 : i32
      %mul3A_137 = arith.muli %scan3A_103, %mul3A_136 : i32
      %add3A_138 = arith.constant 2 : i32
      %add3A_139 = arith.addi %mul3A_137, %add3A_138 : i32
      %ge3A_140 = arith.constant 5 : i32
      %ge3A_141 = arith.cmpi sge, %add3A_139, %ge3A_140 : i32
      %convert_element_type3A_142 = arith.extui %ge3A_141 : i1 to i32
      %cond3A_143 = arith.constant 0 : i32
      %cond3A_144 = arith.cmpi ne, %convert_element_type3A_142, %cond3A_143 : i32
      scf.if %cond3A_144 {
        %sub3A = arith.constant 5 : i32
        %sub3A_190 = arith.subi %add3A_139, %sub3A : i32
        %dma_wait3A_191 = arith.constant 2 : i32
        %dma_wait3A_192 = arith.constant 0 : i32
        %dma_wait3A_193 = tpu.memref_slice %arg4[%sub3A_190, %dma_wait3A_192] : memref<125x80xi32, #tpu.memory_space<vmem>> -> memref<1x80xi32, #tpu.memory_space<vmem>>
        %dma_wait3A_194 = tpu.memref_squeeze %dma_wait3A_193 : memref<1x80xi32, #tpu.memory_space<vmem>> -> memref<80xi32, #tpu.memory_space<vmem>>
        %dma_wait3A_195 = arith.constant 0 : i32
        %dma_wait3A_196 = arith.constant 0 : i32
        %dma_wait3A_197 = tpu.memref_slice %arg6[%dma_wait3A_195, %dma_wait3A_196] : memref<10000x16xf32, #tpu.memory_space<vmem_shared>> -> memref<10000x16xf32, #tpu.memory_space<vmem_shared>>
        %dma_wait3A_198 = tpu.memref_slice %arg7[%dma_wait3A_191] : memref<5x!tpu.dma_semaphore, #tpu.memory_space<semaphore_mem>> -> memref<1x!tpu.dma_semaphore, #tpu.memory_space<semaphore_mem>>
        %dma_wait3A_199 = tpu.memref_squeeze %dma_wait3A_198 : memref<1x!tpu.dma_semaphore, #tpu.memory_space<semaphore_mem>> -> memref<!tpu.dma_semaphore, #tpu.memory_space<semaphore_mem>>
        tpu.wait_indirect_dma semaphore(%dma_wait3A_199 : memref<!tpu.dma_semaphore, #tpu.memory_space<semaphore_mem>>) src(%arg5 : memref<80x16xf32, #tpu.memory_space<vmem>>) dst(%dma_wait3A_197 : memref<10000x16xf32, #tpu.memory_space<vmem_shared>>)
      } else {
      }
      %dma_start3A_145 = arith.constant 2 : i32
      %dma_start3A_146 = arith.constant 0 : i32
      %dma_start3A_147 = tpu.memref_slice %arg4[%add3A_139, %dma_start3A_146] : memref<125x80xi32, #tpu.memory_space<vmem>> -> memref<1x80xi32, #tpu.memory_space<vmem>>
      %dma_start3A_148 = tpu.memref_squeeze %dma_start3A_147 : memref<1x80xi32, #tpu.memory_space<vmem>> -> memref<80xi32, #tpu.memory_space<vmem>>
      %dma_start3A_149 = arith.constant 0 : i32
      %dma_start3A_150 = arith.constant 0 : i32
      %dma_start3A_151 = tpu.memref_slice %arg6[%dma_start3A_149, %dma_start3A_150] : memref<10000x16xf32, #tpu.memory_space<vmem_shared>> -> memref<10000x16xf32, #tpu.memory_space<vmem_shared>>
      %dma_start3A_152 = tpu.memref_slice %arg7[%dma_start3A_145] : memref<5x!tpu.dma_semaphore, #tpu.memory_space<semaphore_mem>> -> memref<1x!tpu.dma_semaphore, #tpu.memory_space<semaphore_mem>>
      %dma_start3A_153 = tpu.memref_squeeze %dma_start3A_152 : memref<1x!tpu.dma_semaphore, #tpu.memory_space<semaphore_mem>> -> memref<!tpu.dma_semaphore, #tpu.memory_space<semaphore_mem>>
      tpu.enqueue_indirect_dma source(%arg5 : memref<80x16xf32, #tpu.memory_space<vmem>>) target(%dma_start3A_151 : memref<10000x16xf32, #tpu.memory_space<vmem_shared>>) offsets(%dma_start3A_148 : memref<80xi32, #tpu.memory_space<vmem>>) semaphore(%dma_start3A_153 : memref<!tpu.dma_semaphore, #tpu.memory_space<semaphore_mem>>) {add = true}
      %mul3A_154 = arith.constant 5 : i32
      %mul3A_155 = arith.muli %scan3A_103, %mul3A_154 : i32
      %add3A_156 = arith.constant 3 : i32
      %add3A_157 = arith.addi %mul3A_155, %add3A_156 : i32
      %ge3A_158 = arith.constant 5 : i32
      %ge3A_159 = arith.cmpi sge, %add3A_157, %ge3A_158 : i32
      %convert_element_type3A_160 = arith.extui %ge3A_159 : i1 to i32
      %cond3A_161 = arith.constant 0 : i32
      %cond3A_162 = arith.cmpi ne, %convert_element_type3A_160, %cond3A_161 : i32
      scf.if %cond3A_162 {
        %sub3A = arith.constant 5 : i32
        %sub3A_190 = arith.subi %add3A_157, %sub3A : i32
        %dma_wait3A_191 = arith.constant 3 : i32
        %dma_wait3A_192 = arith.constant 0 : i32
        %dma_wait3A_193 = tpu.memref_slice %arg4[%sub3A_190, %dma_wait3A_192] : memref<125x80xi32, #tpu.memory_space<vmem>> -> memref<1x80xi32, #tpu.memory_space<vmem>>
        %dma_wait3A_194 = tpu.memref_squeeze %dma_wait3A_193 : memref<1x80xi32, #tpu.memory_space<vmem>> -> memref<80xi32, #tpu.memory_space<vmem>>
        %dma_wait3A_195 = arith.constant 0 : i32
        %dma_wait3A_196 = arith.constant 0 : i32
        %dma_wait3A_197 = tpu.memref_slice %arg6[%dma_wait3A_195, %dma_wait3A_196] : memref<10000x16xf32, #tpu.memory_space<vmem_shared>> -> memref<10000x16xf32, #tpu.memory_space<vmem_shared>>
        %dma_wait3A_198 = tpu.memref_slice %arg7[%dma_wait3A_191] : memref<5x!tpu.dma_semaphore, #tpu.memory_space<semaphore_mem>> -> memref<1x!tpu.dma_semaphore, #tpu.memory_space<semaphore_mem>>
        %dma_wait3A_199 = tpu.memref_squeeze %dma_wait3A_198 : memref<1x!tpu.dma_semaphore, #tpu.memory_space<semaphore_mem>> -> memref<!tpu.dma_semaphore, #tpu.memory_space<semaphore_mem>>
        tpu.wait_indirect_dma semaphore(%dma_wait3A_199 : memref<!tpu.dma_semaphore, #tpu.memory_space<semaphore_mem>>) src(%arg5 : memref<80x16xf32, #tpu.memory_space<vmem>>) dst(%dma_wait3A_197 : memref<10000x16xf32, #tpu.memory_space<vmem_shared>>)
      } else {
      }
      %dma_start3A_163 = arith.constant 3 : i32
      %dma_start3A_164 = arith.constant 0 : i32
      %dma_start3A_165 = tpu.memref_slice %arg4[%add3A_157, %dma_start3A_164] : memref<125x80xi32, #tpu.memory_space<vmem>> -> memref<1x80xi32, #tpu.memory_space<vmem>>
      %dma_start3A_166 = tpu.memref_squeeze %dma_start3A_165 : memref<1x80xi32, #tpu.memory_space<vmem>> -> memref<80xi32, #tpu.memory_space<vmem>>
      %dma_start3A_167 = arith.constant 0 : i32
      %dma_start3A_168 = arith.constant 0 : i32
      %dma_start3A_169 = tpu.memref_slice %arg6[%dma_start3A_167, %dma_start3A_168] : memref<10000x16xf32, #tpu.memory_space<vmem_shared>> -> memref<10000x16xf32, #tpu.memory_space<vmem_shared>>
      %dma_start3A_170 = tpu.memref_slice %arg7[%dma_start3A_163] : memref<5x!tpu.dma_semaphore, #tpu.memory_space<semaphore_mem>> -> memref<1x!tpu.dma_semaphore, #tpu.memory_space<semaphore_mem>>
      %dma_start3A_171 = tpu.memref_squeeze %dma_start3A_170 : memref<1x!tpu.dma_semaphore, #tpu.memory_space<semaphore_mem>> -> memref<!tpu.dma_semaphore, #tpu.memory_space<semaphore_mem>>
      tpu.enqueue_indirect_dma source(%arg5 : memref<80x16xf32, #tpu.memory_space<vmem>>) target(%dma_start3A_169 : memref<10000x16xf32, #tpu.memory_space<vmem_shared>>) offsets(%dma_start3A_166 : memref<80xi32, #tpu.memory_space<vmem>>) semaphore(%dma_start3A_171 : memref<!tpu.dma_semaphore, #tpu.memory_space<semaphore_mem>>) {add = true}
      %mul3A_172 = arith.constant 5 : i32
      %mul3A_173 = arith.muli %scan3A_103, %mul3A_172 : i32
      %add3A_174 = arith.constant 4 : i32
      %add3A_175 = arith.addi %mul3A_173, %add3A_174 : i32
      %ge3A_176 = arith.constant 5 : i32
      %ge3A_177 = arith.cmpi sge, %add3A_175, %ge3A_176 : i32
      %convert_element_type3A_178 = arith.extui %ge3A_177 : i1 to i32
      %cond3A_179 = arith.constant 0 : i32
      %cond3A_180 = arith.cmpi ne, %convert_element_type3A_178, %cond3A_179 : i32
      scf.if %cond3A_180 {
        %sub3A = arith.constant 5 : i32
        %sub3A_190 = arith.subi %add3A_175, %sub3A : i32
        %dma_wait3A_191 = arith.constant 4 : i32
        %dma_wait3A_192 = arith.constant 0 : i32
        %dma_wait3A_193 = tpu.memref_slice %arg4[%sub3A_190, %dma_wait3A_192] : memref<125x80xi32, #tpu.memory_space<vmem>> -> memref<1x80xi32, #tpu.memory_space<vmem>>
        %dma_wait3A_194 = tpu.memref_squeeze %dma_wait3A_193 : memref<1x80xi32, #tpu.memory_space<vmem>> -> memref<80xi32, #tpu.memory_space<vmem>>
        %dma_wait3A_195 = arith.constant 0 : i32
        %dma_wait3A_196 = arith.constant 0 : i32
        %dma_wait3A_197 = tpu.memref_slice %arg6[%dma_wait3A_195, %dma_wait3A_196] : memref<10000x16xf32, #tpu.memory_space<vmem_shared>> -> memref<10000x16xf32, #tpu.memory_space<vmem_shared>>
        %dma_wait3A_198 = tpu.memref_slice %arg7[%dma_wait3A_191] : memref<5x!tpu.dma_semaphore, #tpu.memory_space<semaphore_mem>> -> memref<1x!tpu.dma_semaphore, #tpu.memory_space<semaphore_mem>>
        %dma_wait3A_199 = tpu.memref_squeeze %dma_wait3A_198 : memref<1x!tpu.dma_semaphore, #tpu.memory_space<semaphore_mem>> -> memref<!tpu.dma_semaphore, #tpu.memory_space<semaphore_mem>>
        tpu.wait_indirect_dma semaphore(%dma_wait3A_199 : memref<!tpu.dma_semaphore, #tpu.memory_space<semaphore_mem>>) src(%arg5 : memref<80x16xf32, #tpu.memory_space<vmem>>) dst(%dma_wait3A_197 : memref<10000x16xf32, #tpu.memory_space<vmem_shared>>)
      } else {
      }
      %dma_start3A_181 = arith.constant 4 : i32
      %dma_start3A_182 = arith.constant 0 : i32
      %dma_start3A_183 = tpu.memref_slice %arg4[%add3A_175, %dma_start3A_182] : memref<125x80xi32, #tpu.memory_space<vmem>> -> memref<1x80xi32, #tpu.memory_space<vmem>>
      %dma_start3A_184 = tpu.memref_squeeze %dma_start3A_183 : memref<1x80xi32, #tpu.memory_space<vmem>> -> memref<80xi32, #tpu.memory_space<vmem>>
      %dma_start3A_185 = arith.constant 0 : i32
      %dma_start3A_186 = arith.constant 0 : i32
      %dma_start3A_187 = tpu.memref_slice %arg6[%dma_start3A_185, %dma_start3A_186] : memref<10000x16xf32, #tpu.memory_space<vmem_shared>> -> memref<10000x16xf32, #tpu.memory_space<vmem_shared>>
      %dma_start3A_188 = tpu.memref_slice %arg7[%dma_start3A_181] : memref<5x!tpu.dma_semaphore, #tpu.memory_space<semaphore_mem>> -> memref<1x!tpu.dma_semaphore, #tpu.memory_space<semaphore_mem>>
      %dma_start3A_189 = tpu.memref_squeeze %dma_start3A_188 : memref<1x!tpu.dma_semaphore, #tpu.memory_space<semaphore_mem>> -> memref<!tpu.dma_semaphore, #tpu.memory_space<semaphore_mem>>
      tpu.enqueue_indirect_dma source(%arg5 : memref<80x16xf32, #tpu.memory_space<vmem>>) target(%dma_start3A_187 : memref<10000x16xf32, #tpu.memory_space<vmem_shared>>) offsets(%dma_start3A_184 : memref<80xi32, #tpu.memory_space<vmem>>) semaphore(%dma_start3A_189 : memref<!tpu.dma_semaphore, #tpu.memory_space<semaphore_mem>>) {add = true}
    }
    %scan3A_48 = arith.constant 25 : i32
    %dma_wait3A = arith.constant 120 : i32
    %dma_wait3A_49 = arith.constant 0 : i32
    %dma_wait3A_50 = arith.constant 0 : i32
    %dma_wait3A_51 = tpu.memref_slice %arg4[%dma_wait3A, %dma_wait3A_50] : memref<125x80xi32, #tpu.memory_space<vmem>> -> memref<1x80xi32, #tpu.memory_space<vmem>>
    %dma_wait3A_52 = tpu.memref_squeeze %dma_wait3A_51 : memref<1x80xi32, #tpu.memory_space<vmem>> -> memref<80xi32, #tpu.memory_space<vmem>>
    %dma_wait3A_53 = arith.constant 0 : i32
    %dma_wait3A_54 = arith.constant 0 : i32
    %dma_wait3A_55 = tpu.memref_slice %arg6[%dma_wait3A_53, %dma_wait3A_54] : memref<10000x16xf32, #tpu.memory_space<vmem_shared>> -> memref<10000x16xf32, #tpu.memory_space<vmem_shared>>
    %dma_wait3A_56 = tpu.memref_slice %arg7[%dma_wait3A_49] : memref<5x!tpu.dma_semaphore, #tpu.memory_space<semaphore_mem>> -> memref<1x!tpu.dma_semaphore, #tpu.memory_space<semaphore_mem>>
    %dma_wait3A_57 = tpu.memref_squeeze %dma_wait3A_56 : memref<1x!tpu.dma_semaphore, #tpu.memory_space<semaphore_mem>> -> memref<!tpu.dma_semaphore, #tpu.memory_space<semaphore_mem>>
    tpu.wait_indirect_dma semaphore(%dma_wait3A_57 : memref<!tpu.dma_semaphore, #tpu.memory_space<semaphore_mem>>) src(%arg5 : memref<80x16xf32, #tpu.memory_space<vmem>>) dst(%dma_wait3A_55 : memref<10000x16xf32, #tpu.memory_space<vmem_shared>>)
    %dma_wait3A_58 = arith.constant 121 : i32
    %dma_wait3A_59 = arith.constant 1 : i32
    %dma_wait3A_60 = arith.constant 0 : i32
    %dma_wait3A_61 = tpu.memref_slice %arg4[%dma_wait3A_58, %dma_wait3A_60] : memref<125x80xi32, #tpu.memory_space<vmem>> -> memref<1x80xi32, #tpu.memory_space<vmem>>
    %dma_wait3A_62 = tpu.memref_squeeze %dma_wait3A_61 : memref<1x80xi32, #tpu.memory_space<vmem>> -> memref<80xi32, #tpu.memory_space<vmem>>
    %dma_wait3A_63 = arith.constant 0 : i32
    %dma_wait3A_64 = arith.constant 0 : i32
    %dma_wait3A_65 = tpu.memref_slice %arg6[%dma_wait3A_63, %dma_wait3A_64] : memref<10000x16xf32, #tpu.memory_space<vmem_shared>> -> memref<10000x16xf32, #tpu.memory_space<vmem_shared>>
    %dma_wait3A_66 = tpu.memref_slice %arg7[%dma_wait3A_59] : memref<5x!tpu.dma_semaphore, #tpu.memory_space<semaphore_mem>> -> memref<1x!tpu.dma_semaphore, #tpu.memory_space<semaphore_mem>>
    %dma_wait3A_67 = tpu.memref_squeeze %dma_wait3A_66 : memref<1x!tpu.dma_semaphore, #tpu.memory_space<semaphore_mem>> -> memref<!tpu.dma_semaphore, #tpu.memory_space<semaphore_mem>>
    tpu.wait_indirect_dma semaphore(%dma_wait3A_67 : memref<!tpu.dma_semaphore, #tpu.memory_space<semaphore_mem>>) src(%arg5 : memref<80x16xf32, #tpu.memory_space<vmem>>) dst(%dma_wait3A_65 : memref<10000x16xf32, #tpu.memory_space<vmem_shared>>)
    %dma_wait3A_68 = arith.constant 122 : i32
    %dma_wait3A_69 = arith.constant 2 : i32
    %dma_wait3A_70 = arith.constant 0 : i32
    %dma_wait3A_71 = tpu.memref_slice %arg4[%dma_wait3A_68, %dma_wait3A_70] : memref<125x80xi32, #tpu.memory_space<vmem>> -> memref<1x80xi32, #tpu.memory_space<vmem>>
    %dma_wait3A_72 = tpu.memref_squeeze %dma_wait3A_71 : memref<1x80xi32, #tpu.memory_space<vmem>> -> memref<80xi32, #tpu.memory_space<vmem>>
    %dma_wait3A_73 = arith.constant 0 : i32
    %dma_wait3A_74 = arith.constant 0 : i32
    %dma_wait3A_75 = tpu.memref_slice %arg6[%dma_wait3A_73, %dma_wait3A_74] : memref<10000x16xf32, #tpu.memory_space<vmem_shared>> -> memref<10000x16xf32, #tpu.memory_space<vmem_shared>>
    %dma_wait3A_76 = tpu.memref_slice %arg7[%dma_wait3A_69] : memref<5x!tpu.dma_semaphore, #tpu.memory_space<semaphore_mem>> -> memref<1x!tpu.dma_semaphore, #tpu.memory_space<semaphore_mem>>
    %dma_wait3A_77 = tpu.memref_squeeze %dma_wait3A_76 : memref<1x!tpu.dma_semaphore, #tpu.memory_space<semaphore_mem>> -> memref<!tpu.dma_semaphore, #tpu.memory_space<semaphore_mem>>
    tpu.wait_indirect_dma semaphore(%dma_wait3A_77 : memref<!tpu.dma_semaphore, #tpu.memory_space<semaphore_mem>>) src(%arg5 : memref<80x16xf32, #tpu.memory_space<vmem>>) dst(%dma_wait3A_75 : memref<10000x16xf32, #tpu.memory_space<vmem_shared>>)
    %dma_wait3A_78 = arith.constant 123 : i32
    %dma_wait3A_79 = arith.constant 3 : i32
    %dma_wait3A_80 = arith.constant 0 : i32
    %dma_wait3A_81 = tpu.memref_slice %arg4[%dma_wait3A_78, %dma_wait3A_80] : memref<125x80xi32, #tpu.memory_space<vmem>> -> memref<1x80xi32, #tpu.memory_space<vmem>>
    %dma_wait3A_82 = tpu.memref_squeeze %dma_wait3A_81 : memref<1x80xi32, #tpu.memory_space<vmem>> -> memref<80xi32, #tpu.memory_space<vmem>>
    %dma_wait3A_83 = arith.constant 0 : i32
    %dma_wait3A_84 = arith.constant 0 : i32
    %dma_wait3A_85 = tpu.memref_slice %arg6[%dma_wait3A_83, %dma_wait3A_84] : memref<10000x16xf32, #tpu.memory_space<vmem_shared>> -> memref<10000x16xf32, #tpu.memory_space<vmem_shared>>
    %dma_wait3A_86 = tpu.memref_slice %arg7[%dma_wait3A_79] : memref<5x!tpu.dma_semaphore, #tpu.memory_space<semaphore_mem>> -> memref<1x!tpu.dma_semaphore, #tpu.memory_space<semaphore_mem>>
    %dma_wait3A_87 = tpu.memref_squeeze %dma_wait3A_86 : memref<1x!tpu.dma_semaphore, #tpu.memory_space<semaphore_mem>> -> memref<!tpu.dma_semaphore, #tpu.memory_space<semaphore_mem>>
    tpu.wait_indirect_dma semaphore(%dma_wait3A_87 : memref<!tpu.dma_semaphore, #tpu.memory_space<semaphore_mem>>) src(%arg5 : memref<80x16xf32, #tpu.memory_space<vmem>>) dst(%dma_wait3A_85 : memref<10000x16xf32, #tpu.memory_space<vmem_shared>>)
    %dma_wait3A_88 = arith.constant 124 : i32
    %dma_wait3A_89 = arith.constant 4 : i32
    %dma_wait3A_90 = arith.constant 0 : i32
    %dma_wait3A_91 = tpu.memref_slice %arg4[%dma_wait3A_88, %dma_wait3A_90] : memref<125x80xi32, #tpu.memory_space<vmem>> -> memref<1x80xi32, #tpu.memory_space<vmem>>
    %dma_wait3A_92 = tpu.memref_squeeze %dma_wait3A_91 : memref<1x80xi32, #tpu.memory_space<vmem>> -> memref<80xi32, #tpu.memory_space<vmem>>
    %dma_wait3A_93 = arith.constant 0 : i32
    %dma_wait3A_94 = arith.constant 0 : i32
    %dma_wait3A_95 = tpu.memref_slice %arg6[%dma_wait3A_93, %dma_wait3A_94] : memref<10000x16xf32, #tpu.memory_space<vmem_shared>> -> memref<10000x16xf32, #tpu.memory_space<vmem_shared>>
    %dma_wait3A_96 = tpu.memref_slice %arg7[%dma_wait3A_89] : memref<5x!tpu.dma_semaphore, #tpu.memory_space<semaphore_mem>> -> memref<1x!tpu.dma_semaphore, #tpu.memory_space<semaphore_mem>>
    %dma_wait3A_97 = tpu.memref_squeeze %dma_wait3A_96 : memref<1x!tpu.dma_semaphore, #tpu.memory_space<semaphore_mem>> -> memref<!tpu.dma_semaphore, #tpu.memory_space<semaphore_mem>>
    tpu.wait_indirect_dma semaphore(%dma_wait3A_97 : memref<!tpu.dma_semaphore, #tpu.memory_space<semaphore_mem>>) src(%arg5 : memref<80x16xf32, #tpu.memory_space<vmem>>) dst(%dma_wait3A_95 : memref<10000x16xf32, #tpu.memory_space<vmem_shared>>)
    %barrier3A_98 = arith.constant 0 : index
    tpu.barrier barrier_id(%barrier3A_98)
    %mul3A_99 = arith.constant 625 : i32
    %mul3A_100 = arith.muli %arg1, %mul3A_99 : i32
    %mul3A_101 = arith.constant 625 : i32
    %mul3A_102 = arith.muli %arg1, %mul3A_101 : i32
    "tpu.region"() ({
      %run_scoped3A_103 = tpu.sem_alloc : memref<!tpu.dma_semaphore, #tpu.memory_space<semaphore_mem>>
      %dma_start3A = arith.constant 0 : i32
      %dma_start3A_104 = arith.constant 0 : i32
      %dma_start3A_105 = tpu.memref_slice %arg3[%arg0, %dma_start3A, %dma_start3A_104] : memref<2x10000x16xf32, #tpu.memory_space<hbm>> -> memref<1x10000x16xf32, #tpu.memory_space<hbm>>
      %dma_start3A_106 = tpu.memref_squeeze %dma_start3A_105 : memref<1x10000x16xf32, #tpu.memory_space<hbm>> -> memref<10000x16xf32, #tpu.memory_space<hbm>>
      %dma_start3A_107 = arith.constant 0 : i32
      %dma_start3A_108 = tpu.memref_slice %dma_start3A_106[%mul3A_102, %dma_start3A_107] : memref<10000x16xf32, #tpu.memory_space<hbm>> -> memref<625x16xf32, #tpu.memory_space<hbm>>
      %dma_start3A_109 = arith.constant 0 : i32
      %dma_start3A_110 = tpu.memref_slice %arg6[%mul3A_100, %dma_start3A_109] : memref<10000x16xf32, #tpu.memory_space<vmem_shared>> -> memref<625x16xf32, #tpu.memory_space<vmem_shared>>
      tpu.enqueue_dma source(%dma_start3A_110 : memref<625x16xf32, #tpu.memory_space<vmem_shared>>) target(%dma_start3A_108 : memref<625x16xf32, #tpu.memory_space<hbm>>) target_semaphore(%run_scoped3A_103 : memref<!tpu.dma_semaphore, #tpu.memory_space<semaphore_mem>>)
      %dma_wait3A_111 = arith.constant 0 : i32
      %dma_wait3A_112 = arith.constant 0 : i32
      %dma_wait3A_113 = tpu.memref_slice %arg3[%arg0, %dma_wait3A_111, %dma_wait3A_112] : memref<2x10000x16xf32, #tpu.memory_space<hbm>> -> memref<1x10000x16xf32, #tpu.memory_space<hbm>>
      %dma_wait3A_114 = tpu.memref_squeeze %dma_wait3A_113 : memref<1x10000x16xf32, #tpu.memory_space<hbm>> -> memref<10000x16xf32, #tpu.memory_space<hbm>>
      %dma_wait3A_115 = arith.constant 0 : i32
      %dma_wait3A_116 = tpu.memref_slice %dma_wait3A_114[%mul3A_102, %dma_wait3A_115] : memref<10000x16xf32, #tpu.memory_space<hbm>> -> memref<625x16xf32, #tpu.memory_space<hbm>>
      %dma_wait3A_117 = arith.constant 0 : i32
      %dma_wait3A_118 = tpu.memref_slice %arg6[%mul3A_100, %dma_wait3A_117] : memref<10000x16xf32, #tpu.memory_space<vmem_shared>> -> memref<625x16xf32, #tpu.memory_space<vmem_shared>>
      tpu.wait_dma2 semaphore(%run_scoped3A_103 : memref<!tpu.dma_semaphore, #tpu.memory_space<semaphore_mem>>) src(%dma_wait3A_118 : memref<625x16xf32, #tpu.memory_space<vmem_shared>>) dst(%dma_wait3A_116 : memref<625x16xf32, #tpu.memory_space<hbm>>)
      tpu.yield
    }) : () -> ()
    return
  }
}

#map = affine_map<(d0, d1) -> (0, 0)>
#map1 = affine_map<(d0, d1) -> (0, 0, 0, 0)>
#map2 = affine_map<(d0, d1) -> (0, 0, 0)>
module attributes {stable_mosaic.version = 14 : i64} {
  func.func @_agg_kernel(%arg0: i32, %arg1: i32, %arg2: memref<10000x64xf32, #tpu.memory_space<hbm>>, %arg3: memref<2x16x250x80xi32, #tpu.memory_space<hbm>>, %arg4: memref<2x10000x64xf32, #tpu.memory_space<hbm>>, %arg5: memref<125x80xi32, #tpu.memory_space<vmem>>, %arg6: memref<125x80xi32, #tpu.memory_space<vmem>>, %arg7: memref<5x80x64xf32, #tpu.memory_space<vmem>>, %arg8: memref<10000x64xf32, #tpu.memory_space<vmem_shared>>, %arg9: memref<5x!tpu.dma_semaphore, #tpu.memory_space<semaphore_mem>>, %arg10: memref<5x!tpu.dma_semaphore, #tpu.memory_space<semaphore_mem>>) attributes {dimension_semantics = [#tpu.dimension_semantics<core_parallel>, #tpu.dimension_semantics<subcore_parallel>], iteration_bounds = array<i64: 2, 16>, scalar_prefetch = 0 : i64, scratch_operands = 6 : i64, tpu.core_type = #tpu.core_type<sc_vector_subcore>, window_params = [{transform_indices = #map}, {transform_indices = #map1}, {transform_indices = #map2}]} {
    %scan3A = arith.constant 0 : i32
    %scan3A_0 = arith.constant 0 : i32
    %scan3A_1 = arith.constant 80 : i32
    %scan3A_2 = arith.addi %scan3A_0, %scan3A_1 : i32
    %scan3A_3 = arith.constant 1 : i32
    scf.for %scan3A_207 = %scan3A_0 to %scan3A_2 step %scan3A_3  : i32 {
      %broadcast_in_dim3A = arith.constant 0.000000e+00 : f32
      %broadcast_in_dim3A_208 = vector.broadcast %broadcast_in_dim3A : f32 to vector<16xf32>
      %swap3A = arith.constant 0 : i32
      %swap3A_209 = arith.index_cast %swap3A : i32 to index
      %swap3A_210 = arith.index_cast %scan3A_207 : i32 to index
      %swap3A_211 = arith.constant 0 : index
      %swap3A_212 = tpu.vector_load %arg7[%swap3A_209, %swap3A_210, %swap3A_211] {strides = array<i32>} : memref<5x80x64xf32, #tpu.memory_space<vmem>>, vector<1x1x16xf32>,
      %swap3A_213 = vector.shape_cast %swap3A_212 : vector<1x1x16xf32> to vector<16xf32>
      %swap3A_214 = vector.shape_cast %broadcast_in_dim3A_208 : vector<16xf32> to vector<1x1x16xf32>
      tpu.vector_store %arg7[%swap3A_209, %swap3A_210, %swap3A_211], %swap3A_214 {strides = array<i32>} : memref<5x80x64xf32, #tpu.memory_space<vmem>>, vector<1x1x16xf32>,
      %broadcast_in_dim3A_215 = arith.constant 0.000000e+00 : f32
      %broadcast_in_dim3A_216 = vector.broadcast %broadcast_in_dim3A_215 : f32 to vector<16xf32>
      %swap3A_217 = arith.constant 0 : i32
      %swap3A_218 = arith.index_cast %swap3A_217 : i32 to index
      %swap3A_219 = arith.index_cast %scan3A_207 : i32 to index
      %swap3A_220 = arith.constant 16 : index
      %swap3A_221 = tpu.vector_load %arg7[%swap3A_218, %swap3A_219, %swap3A_220] {strides = array<i32>} : memref<5x80x64xf32, #tpu.memory_space<vmem>>, vector<1x1x16xf32>,
      %swap3A_222 = vector.shape_cast %swap3A_221 : vector<1x1x16xf32> to vector<16xf32>
      %swap3A_223 = vector.shape_cast %broadcast_in_dim3A_216 : vector<16xf32> to vector<1x1x16xf32>
      tpu.vector_store %arg7[%swap3A_218, %swap3A_219, %swap3A_220], %swap3A_223 {strides = array<i32>} : memref<5x80x64xf32, #tpu.memory_space<vmem>>, vector<1x1x16xf32>,
      %broadcast_in_dim3A_224 = arith.constant 0.000000e+00 : f32
      %broadcast_in_dim3A_225 = vector.broadcast %broadcast_in_dim3A_224 : f32 to vector<16xf32>
      %swap3A_226 = arith.constant 0 : i32
      %swap3A_227 = arith.index_cast %swap3A_226 : i32 to index
      %swap3A_228 = arith.index_cast %scan3A_207 : i32 to index
      %swap3A_229 = arith.constant 32 : index
      %swap3A_230 = tpu.vector_load %arg7[%swap3A_227, %swap3A_228, %swap3A_229] {strides = array<i32>} : memref<5x80x64xf32, #tpu.memory_space<vmem>>, vector<1x1x16xf32>,
      %swap3A_231 = vector.shape_cast %swap3A_230 : vector<1x1x16xf32> to vector<16xf32>
      %swap3A_232 = vector.shape_cast %broadcast_in_dim3A_225 : vector<16xf32> to vector<1x1x16xf32>
      tpu.vector_store %arg7[%swap3A_227, %swap3A_228, %swap3A_229], %swap3A_232 {strides = array<i32>} : memref<5x80x64xf32, #tpu.memory_space<vmem>>, vector<1x1x16xf32>,
      %broadcast_in_dim3A_233 = arith.constant 0.000000e+00 : f32
      %broadcast_in_dim3A_234 = vector.broadcast %broadcast_in_dim3A_233 : f32 to vector<16xf32>
      %swap3A_235 = arith.constant 0 : i32
      %swap3A_236 = arith.index_cast %swap3A_235 : i32 to index
      %swap3A_237 = arith.index_cast %scan3A_207 : i32 to index
      %swap3A_238 = arith.constant 48 : index
      %swap3A_239 = tpu.vector_load %arg7[%swap3A_236, %swap3A_237, %swap3A_238] {strides = array<i32>} : memref<5x80x64xf32, #tpu.memory_space<vmem>>, vector<1x1x16xf32>,
      %swap3A_240 = vector.shape_cast %swap3A_239 : vector<1x1x16xf32> to vector<16xf32>
      %swap3A_241 = vector.shape_cast %broadcast_in_dim3A_234 : vector<16xf32> to vector<1x1x16xf32>
      tpu.vector_store %arg7[%swap3A_236, %swap3A_237, %swap3A_238], %swap3A_241 {strides = array<i32>} : memref<5x80x64xf32, #tpu.memory_space<vmem>>, vector<1x1x16xf32>,
    }
    %scan3A_4 = arith.constant 80 : i32
    %mul3A = arith.constant 625 : i32
    %mul3A_5 = arith.muli %arg1, %mul3A : i32
    %add3A = arith.constant 0 : i32
    %add3A_6 = arith.addi %mul3A_5, %add3A : i32
    %run_scoped3A = arith.constant 0 : i32
    "tpu.region"() ({
      %run_scoped3A_207 = tpu.sem_alloc : memref<!tpu.dma_semaphore, #tpu.memory_space<semaphore_mem>>
      %dma_start3A_208 = arith.constant 0 : i32
      %dma_start3A_209 = arith.constant 0 : i32
      %dma_start3A_210 = tpu.memref_slice %arg7[%run_scoped3A, %dma_start3A_208, %dma_start3A_209] : memref<5x80x64xf32, #tpu.memory_space<vmem>> -> memref<1x80x64xf32, #tpu.memory_space<vmem>>
      %dma_start3A_211 = tpu.memref_squeeze %dma_start3A_210 : memref<1x80x64xf32, #tpu.memory_space<vmem>> -> memref<80x64xf32, #tpu.memory_space<vmem>>
      %dma_start3A_212 = arith.constant 0 : i32
      %dma_start3A_213 = tpu.memref_slice %arg8[%add3A_6, %dma_start3A_212] : memref<10000x64xf32, #tpu.memory_space<vmem_shared>> -> memref<80x64xf32, #tpu.memory_space<vmem_shared>>
      %dma_start3A_214 = arith.constant 0 : i32
      %dma_start3A_215 = tpu.memref_slice %arg8[%add3A_6, %dma_start3A_214] : memref<10000x64xf32, #tpu.memory_space<vmem_shared>> -> memref<80x64xf32, #tpu.memory_space<vmem_shared>>
      %dma_start3A_216 = arith.constant 0 : i32
      %dma_start3A_217 = arith.constant 0 : i32
      %dma_start3A_218 = tpu.memref_slice %arg7[%run_scoped3A, %dma_start3A_216, %dma_start3A_217] : memref<5x80x64xf32, #tpu.memory_space<vmem>> -> memref<1x80x64xf32, #tpu.memory_space<vmem>>
      %dma_start3A_219 = tpu.memref_squeeze %dma_start3A_218 : memref<1x80x64xf32, #tpu.memory_space<vmem>> -> memref<80x64xf32, #tpu.memory_space<vmem>>
      tpu.enqueue_dma source(%dma_start3A_219 : memref<80x64xf32, #tpu.memory_space<vmem>>) target(%dma_start3A_215 : memref<80x64xf32, #tpu.memory_space<vmem_shared>>) target_semaphore(%run_scoped3A_207 : memref<!tpu.dma_semaphore, #tpu.memory_space<semaphore_mem>>)
      %dma_wait3A_220 = arith.constant 0 : i32
      %dma_wait3A_221 = arith.constant 0 : i32
      %dma_wait3A_222 = tpu.memref_slice %arg7[%run_scoped3A, %dma_wait3A_220, %dma_wait3A_221] : memref<5x80x64xf32, #tpu.memory_space<vmem>> -> memref<1x80x64xf32, #tpu.memory_space<vmem>>
      %dma_wait3A_223 = tpu.memref_squeeze %dma_wait3A_222 : memref<1x80x64xf32, #tpu.memory_space<vmem>> -> memref<80x64xf32, #tpu.memory_space<vmem>>
      %dma_wait3A_224 = arith.constant 0 : i32
      %dma_wait3A_225 = tpu.memref_slice %arg8[%add3A_6, %dma_wait3A_224] : memref<10000x64xf32, #tpu.memory_space<vmem_shared>> -> memref<80x64xf32, #tpu.memory_space<vmem_shared>>
      %dma_wait3A_226 = arith.constant 0 : i32
      %dma_wait3A_227 = tpu.memref_slice %arg8[%add3A_6, %dma_wait3A_226] : memref<10000x64xf32, #tpu.memory_space<vmem_shared>> -> memref<80x64xf32, #tpu.memory_space<vmem_shared>>
      %dma_wait3A_228 = arith.constant 0 : i32
      %dma_wait3A_229 = arith.constant 0 : i32
      %dma_wait3A_230 = tpu.memref_slice %arg7[%run_scoped3A, %dma_wait3A_228, %dma_wait3A_229] : memref<5x80x64xf32, #tpu.memory_space<vmem>> -> memref<1x80x64xf32, #tpu.memory_space<vmem>>
      %dma_wait3A_231 = tpu.memref_squeeze %dma_wait3A_230 : memref<1x80x64xf32, #tpu.memory_space<vmem>> -> memref<80x64xf32, #tpu.memory_space<vmem>>
      tpu.wait_dma2 semaphore(%run_scoped3A_207 : memref<!tpu.dma_semaphore, #tpu.memory_space<semaphore_mem>>) src(%dma_wait3A_231 : memref<80x64xf32, #tpu.memory_space<vmem>>) dst(%dma_wait3A_227 : memref<80x64xf32, #tpu.memory_space<vmem_shared>>)
      tpu.yield
    }) : () -> ()
    %mul3A_7 = arith.constant 625 : i32
    %mul3A_8 = arith.muli %arg1, %mul3A_7 : i32
    %add3A_9 = arith.constant 80 : i32
    %add3A_10 = arith.addi %mul3A_8, %add3A_9 : i32
    %run_scoped3A_11 = arith.constant 0 : i32
    "tpu.region"() ({
      %run_scoped3A_207 = tpu.sem_alloc : memref<!tpu.dma_semaphore, #tpu.memory_space<semaphore_mem>>
      %dma_start3A_208 = arith.constant 0 : i32
      %dma_start3A_209 = arith.constant 0 : i32
      %dma_start3A_210 = tpu.memref_slice %arg7[%run_scoped3A_11, %dma_start3A_208, %dma_start3A_209] : memref<5x80x64xf32, #tpu.memory_space<vmem>> -> memref<1x80x64xf32, #tpu.memory_space<vmem>>
      %dma_start3A_211 = tpu.memref_squeeze %dma_start3A_210 : memref<1x80x64xf32, #tpu.memory_space<vmem>> -> memref<80x64xf32, #tpu.memory_space<vmem>>
      %dma_start3A_212 = arith.constant 0 : i32
      %dma_start3A_213 = tpu.memref_slice %arg8[%add3A_10, %dma_start3A_212] : memref<10000x64xf32, #tpu.memory_space<vmem_shared>> -> memref<80x64xf32, #tpu.memory_space<vmem_shared>>
      %dma_start3A_214 = arith.constant 0 : i32
      %dma_start3A_215 = tpu.memref_slice %arg8[%add3A_10, %dma_start3A_214] : memref<10000x64xf32, #tpu.memory_space<vmem_shared>> -> memref<80x64xf32, #tpu.memory_space<vmem_shared>>
      %dma_start3A_216 = arith.constant 0 : i32
      %dma_start3A_217 = arith.constant 0 : i32
      %dma_start3A_218 = tpu.memref_slice %arg7[%run_scoped3A_11, %dma_start3A_216, %dma_start3A_217] : memref<5x80x64xf32, #tpu.memory_space<vmem>> -> memref<1x80x64xf32, #tpu.memory_space<vmem>>
      %dma_start3A_219 = tpu.memref_squeeze %dma_start3A_218 : memref<1x80x64xf32, #tpu.memory_space<vmem>> -> memref<80x64xf32, #tpu.memory_space<vmem>>
      tpu.enqueue_dma source(%dma_start3A_219 : memref<80x64xf32, #tpu.memory_space<vmem>>) target(%dma_start3A_215 : memref<80x64xf32, #tpu.memory_space<vmem_shared>>) target_semaphore(%run_scoped3A_207 : memref<!tpu.dma_semaphore, #tpu.memory_space<semaphore_mem>>)
      %dma_wait3A_220 = arith.constant 0 : i32
      %dma_wait3A_221 = arith.constant 0 : i32
      %dma_wait3A_222 = tpu.memref_slice %arg7[%run_scoped3A_11, %dma_wait3A_220, %dma_wait3A_221] : memref<5x80x64xf32, #tpu.memory_space<vmem>> -> memref<1x80x64xf32, #tpu.memory_space<vmem>>
      %dma_wait3A_223 = tpu.memref_squeeze %dma_wait3A_222 : memref<1x80x64xf32, #tpu.memory_space<vmem>> -> memref<80x64xf32, #tpu.memory_space<vmem>>
      %dma_wait3A_224 = arith.constant 0 : i32
      %dma_wait3A_225 = tpu.memref_slice %arg8[%add3A_10, %dma_wait3A_224] : memref<10000x64xf32, #tpu.memory_space<vmem_shared>> -> memref<80x64xf32, #tpu.memory_space<vmem_shared>>
      %dma_wait3A_226 = arith.constant 0 : i32
      %dma_wait3A_227 = tpu.memref_slice %arg8[%add3A_10, %dma_wait3A_226] : memref<10000x64xf32, #tpu.memory_space<vmem_shared>> -> memref<80x64xf32, #tpu.memory_space<vmem_shared>>
      %dma_wait3A_228 = arith.constant 0 : i32
      %dma_wait3A_229 = arith.constant 0 : i32
      %dma_wait3A_230 = tpu.memref_slice %arg7[%run_scoped3A_11, %dma_wait3A_228, %dma_wait3A_229] : memref<5x80x64xf32, #tpu.memory_space<vmem>> -> memref<1x80x64xf32, #tpu.memory_space<vmem>>
      %dma_wait3A_231 = tpu.memref_squeeze %dma_wait3A_230 : memref<1x80x64xf32, #tpu.memory_space<vmem>> -> memref<80x64xf32, #tpu.memory_space<vmem>>
      tpu.wait_dma2 semaphore(%run_scoped3A_207 : memref<!tpu.dma_semaphore, #tpu.memory_space<semaphore_mem>>) src(%dma_wait3A_231 : memref<80x64xf32, #tpu.memory_space<vmem>>) dst(%dma_wait3A_227 : memref<80x64xf32, #tpu.memory_space<vmem_shared>>)
      tpu.yield
    }) : () -> ()
    %mul3A_12 = arith.constant 625 : i32
    %mul3A_13 = arith.muli %arg1, %mul3A_12 : i32
    %add3A_14 = arith.constant 160 : i32
    %add3A_15 = arith.addi %mul3A_13, %add3A_14 : i32
    %run_scoped3A_16 = arith.constant 0 : i32
    "tpu.region"() ({
      %run_scoped3A_207 = tpu.sem_alloc : memref<!tpu.dma_semaphore, #tpu.memory_space<semaphore_mem>>
      %dma_start3A_208 = arith.constant 0 : i32
      %dma_start3A_209 = arith.constant 0 : i32
      %dma_start3A_210 = tpu.memref_slice %arg7[%run_scoped3A_16, %dma_start3A_208, %dma_start3A_209] : memref<5x80x64xf32, #tpu.memory_space<vmem>> -> memref<1x80x64xf32, #tpu.memory_space<vmem>>
      %dma_start3A_211 = tpu.memref_squeeze %dma_start3A_210 : memref<1x80x64xf32, #tpu.memory_space<vmem>> -> memref<80x64xf32, #tpu.memory_space<vmem>>
      %dma_start3A_212 = arith.constant 0 : i32
      %dma_start3A_213 = tpu.memref_slice %arg8[%add3A_15, %dma_start3A_212] : memref<10000x64xf32, #tpu.memory_space<vmem_shared>> -> memref<80x64xf32, #tpu.memory_space<vmem_shared>>
      %dma_start3A_214 = arith.constant 0 : i32
      %dma_start3A_215 = tpu.memref_slice %arg8[%add3A_15, %dma_start3A_214] : memref<10000x64xf32, #tpu.memory_space<vmem_shared>> -> memref<80x64xf32, #tpu.memory_space<vmem_shared>>
      %dma_start3A_216 = arith.constant 0 : i32
      %dma_start3A_217 = arith.constant 0 : i32
      %dma_start3A_218 = tpu.memref_slice %arg7[%run_scoped3A_16, %dma_start3A_216, %dma_start3A_217] : memref<5x80x64xf32, #tpu.memory_space<vmem>> -> memref<1x80x64xf32, #tpu.memory_space<vmem>>
      %dma_start3A_219 = tpu.memref_squeeze %dma_start3A_218 : memref<1x80x64xf32, #tpu.memory_space<vmem>> -> memref<80x64xf32, #tpu.memory_space<vmem>>
      tpu.enqueue_dma source(%dma_start3A_219 : memref<80x64xf32, #tpu.memory_space<vmem>>) target(%dma_start3A_215 : memref<80x64xf32, #tpu.memory_space<vmem_shared>>) target_semaphore(%run_scoped3A_207 : memref<!tpu.dma_semaphore, #tpu.memory_space<semaphore_mem>>)
      %dma_wait3A_220 = arith.constant 0 : i32
      %dma_wait3A_221 = arith.constant 0 : i32
      %dma_wait3A_222 = tpu.memref_slice %arg7[%run_scoped3A_16, %dma_wait3A_220, %dma_wait3A_221] : memref<5x80x64xf32, #tpu.memory_space<vmem>> -> memref<1x80x64xf32, #tpu.memory_space<vmem>>
      %dma_wait3A_223 = tpu.memref_squeeze %dma_wait3A_222 : memref<1x80x64xf32, #tpu.memory_space<vmem>> -> memref<80x64xf32, #tpu.memory_space<vmem>>
      %dma_wait3A_224 = arith.constant 0 : i32
      %dma_wait3A_225 = tpu.memref_slice %arg8[%add3A_15, %dma_wait3A_224] : memref<10000x64xf32, #tpu.memory_space<vmem_shared>> -> memref<80x64xf32, #tpu.memory_space<vmem_shared>>
      %dma_wait3A_226 = arith.constant 0 : i32
      %dma_wait3A_227 = tpu.memref_slice %arg8[%add3A_15, %dma_wait3A_226] : memref<10000x64xf32, #tpu.memory_space<vmem_shared>> -> memref<80x64xf32, #tpu.memory_space<vmem_shared>>
      %dma_wait3A_228 = arith.constant 0 : i32
      %dma_wait3A_229 = arith.constant 0 : i32
      %dma_wait3A_230 = tpu.memref_slice %arg7[%run_scoped3A_16, %dma_wait3A_228, %dma_wait3A_229] : memref<5x80x64xf32, #tpu.memory_space<vmem>> -> memref<1x80x64xf32, #tpu.memory_space<vmem>>
      %dma_wait3A_231 = tpu.memref_squeeze %dma_wait3A_230 : memref<1x80x64xf32, #tpu.memory_space<vmem>> -> memref<80x64xf32, #tpu.memory_space<vmem>>
      tpu.wait_dma2 semaphore(%run_scoped3A_207 : memref<!tpu.dma_semaphore, #tpu.memory_space<semaphore_mem>>) src(%dma_wait3A_231 : memref<80x64xf32, #tpu.memory_space<vmem>>) dst(%dma_wait3A_227 : memref<80x64xf32, #tpu.memory_space<vmem_shared>>)
      tpu.yield
    }) : () -> ()
    %mul3A_17 = arith.constant 625 : i32
    %mul3A_18 = arith.muli %arg1, %mul3A_17 : i32
    %add3A_19 = arith.constant 240 : i32
    %add3A_20 = arith.addi %mul3A_18, %add3A_19 : i32
    %run_scoped3A_21 = arith.constant 0 : i32
    "tpu.region"() ({
      %run_scoped3A_207 = tpu.sem_alloc : memref<!tpu.dma_semaphore, #tpu.memory_space<semaphore_mem>>
      %dma_start3A_208 = arith.constant 0 : i32
      %dma_start3A_209 = arith.constant 0 : i32
      %dma_start3A_210 = tpu.memref_slice %arg7[%run_scoped3A_21, %dma_start3A_208, %dma_start3A_209] : memref<5x80x64xf32, #tpu.memory_space<vmem>> -> memref<1x80x64xf32, #tpu.memory_space<vmem>>
      %dma_start3A_211 = tpu.memref_squeeze %dma_start3A_210 : memref<1x80x64xf32, #tpu.memory_space<vmem>> -> memref<80x64xf32, #tpu.memory_space<vmem>>
      %dma_start3A_212 = arith.constant 0 : i32
      %dma_start3A_213 = tpu.memref_slice %arg8[%add3A_20, %dma_start3A_212] : memref<10000x64xf32, #tpu.memory_space<vmem_shared>> -> memref<80x64xf32, #tpu.memory_space<vmem_shared>>
      %dma_start3A_214 = arith.constant 0 : i32
      %dma_start3A_215 = tpu.memref_slice %arg8[%add3A_20, %dma_start3A_214] : memref<10000x64xf32, #tpu.memory_space<vmem_shared>> -> memref<80x64xf32, #tpu.memory_space<vmem_shared>>
      %dma_start3A_216 = arith.constant 0 : i32
      %dma_start3A_217 = arith.constant 0 : i32
      %dma_start3A_218 = tpu.memref_slice %arg7[%run_scoped3A_21, %dma_start3A_216, %dma_start3A_217] : memref<5x80x64xf32, #tpu.memory_space<vmem>> -> memref<1x80x64xf32, #tpu.memory_space<vmem>>
      %dma_start3A_219 = tpu.memref_squeeze %dma_start3A_218 : memref<1x80x64xf32, #tpu.memory_space<vmem>> -> memref<80x64xf32, #tpu.memory_space<vmem>>
      tpu.enqueue_dma source(%dma_start3A_219 : memref<80x64xf32, #tpu.memory_space<vmem>>) target(%dma_start3A_215 : memref<80x64xf32, #tpu.memory_space<vmem_shared>>) target_semaphore(%run_scoped3A_207 : memref<!tpu.dma_semaphore, #tpu.memory_space<semaphore_mem>>)
      %dma_wait3A_220 = arith.constant 0 : i32
      %dma_wait3A_221 = arith.constant 0 : i32
      %dma_wait3A_222 = tpu.memref_slice %arg7[%run_scoped3A_21, %dma_wait3A_220, %dma_wait3A_221] : memref<5x80x64xf32, #tpu.memory_space<vmem>> -> memref<1x80x64xf32, #tpu.memory_space<vmem>>
      %dma_wait3A_223 = tpu.memref_squeeze %dma_wait3A_222 : memref<1x80x64xf32, #tpu.memory_space<vmem>> -> memref<80x64xf32, #tpu.memory_space<vmem>>
      %dma_wait3A_224 = arith.constant 0 : i32
      %dma_wait3A_225 = tpu.memref_slice %arg8[%add3A_20, %dma_wait3A_224] : memref<10000x64xf32, #tpu.memory_space<vmem_shared>> -> memref<80x64xf32, #tpu.memory_space<vmem_shared>>
      %dma_wait3A_226 = arith.constant 0 : i32
      %dma_wait3A_227 = tpu.memref_slice %arg8[%add3A_20, %dma_wait3A_226] : memref<10000x64xf32, #tpu.memory_space<vmem_shared>> -> memref<80x64xf32, #tpu.memory_space<vmem_shared>>
      %dma_wait3A_228 = arith.constant 0 : i32
      %dma_wait3A_229 = arith.constant 0 : i32
      %dma_wait3A_230 = tpu.memref_slice %arg7[%run_scoped3A_21, %dma_wait3A_228, %dma_wait3A_229] : memref<5x80x64xf32, #tpu.memory_space<vmem>> -> memref<1x80x64xf32, #tpu.memory_space<vmem>>
      %dma_wait3A_231 = tpu.memref_squeeze %dma_wait3A_230 : memref<1x80x64xf32, #tpu.memory_space<vmem>> -> memref<80x64xf32, #tpu.memory_space<vmem>>
      tpu.wait_dma2 semaphore(%run_scoped3A_207 : memref<!tpu.dma_semaphore, #tpu.memory_space<semaphore_mem>>) src(%dma_wait3A_231 : memref<80x64xf32, #tpu.memory_space<vmem>>) dst(%dma_wait3A_227 : memref<80x64xf32, #tpu.memory_space<vmem_shared>>)
      tpu.yield
    }) : () -> ()
    %mul3A_22 = arith.constant 625 : i32
    %mul3A_23 = arith.muli %arg1, %mul3A_22 : i32
    %add3A_24 = arith.constant 320 : i32
    %add3A_25 = arith.addi %mul3A_23, %add3A_24 : i32
    %run_scoped3A_26 = arith.constant 0 : i32
    "tpu.region"() ({
      %run_scoped3A_207 = tpu.sem_alloc : memref<!tpu.dma_semaphore, #tpu.memory_space<semaphore_mem>>
      %dma_start3A_208 = arith.constant 0 : i32
      %dma_start3A_209 = arith.constant 0 : i32
      %dma_start3A_210 = tpu.memref_slice %arg7[%run_scoped3A_26, %dma_start3A_208, %dma_start3A_209] : memref<5x80x64xf32, #tpu.memory_space<vmem>> -> memref<1x80x64xf32, #tpu.memory_space<vmem>>
      %dma_start3A_211 = tpu.memref_squeeze %dma_start3A_210 : memref<1x80x64xf32, #tpu.memory_space<vmem>> -> memref<80x64xf32, #tpu.memory_space<vmem>>
      %dma_start3A_212 = arith.constant 0 : i32
      %dma_start3A_213 = tpu.memref_slice %arg8[%add3A_25, %dma_start3A_212] : memref<10000x64xf32, #tpu.memory_space<vmem_shared>> -> memref<80x64xf32, #tpu.memory_space<vmem_shared>>
      %dma_start3A_214 = arith.constant 0 : i32
      %dma_start3A_215 = tpu.memref_slice %arg8[%add3A_25, %dma_start3A_214] : memref<10000x64xf32, #tpu.memory_space<vmem_shared>> -> memref<80x64xf32, #tpu.memory_space<vmem_shared>>
      %dma_start3A_216 = arith.constant 0 : i32
      %dma_start3A_217 = arith.constant 0 : i32
      %dma_start3A_218 = tpu.memref_slice %arg7[%run_scoped3A_26, %dma_start3A_216, %dma_start3A_217] : memref<5x80x64xf32, #tpu.memory_space<vmem>> -> memref<1x80x64xf32, #tpu.memory_space<vmem>>
      %dma_start3A_219 = tpu.memref_squeeze %dma_start3A_218 : memref<1x80x64xf32, #tpu.memory_space<vmem>> -> memref<80x64xf32, #tpu.memory_space<vmem>>
      tpu.enqueue_dma source(%dma_start3A_219 : memref<80x64xf32, #tpu.memory_space<vmem>>) target(%dma_start3A_215 : memref<80x64xf32, #tpu.memory_space<vmem_shared>>) target_semaphore(%run_scoped3A_207 : memref<!tpu.dma_semaphore, #tpu.memory_space<semaphore_mem>>)
      %dma_wait3A_220 = arith.constant 0 : i32
      %dma_wait3A_221 = arith.constant 0 : i32
      %dma_wait3A_222 = tpu.memref_slice %arg7[%run_scoped3A_26, %dma_wait3A_220, %dma_wait3A_221] : memref<5x80x64xf32, #tpu.memory_space<vmem>> -> memref<1x80x64xf32, #tpu.memory_space<vmem>>
      %dma_wait3A_223 = tpu.memref_squeeze %dma_wait3A_222 : memref<1x80x64xf32, #tpu.memory_space<vmem>> -> memref<80x64xf32, #tpu.memory_space<vmem>>
      %dma_wait3A_224 = arith.constant 0 : i32
      %dma_wait3A_225 = tpu.memref_slice %arg8[%add3A_25, %dma_wait3A_224] : memref<10000x64xf32, #tpu.memory_space<vmem_shared>> -> memref<80x64xf32, #tpu.memory_space<vmem_shared>>
      %dma_wait3A_226 = arith.constant 0 : i32
      %dma_wait3A_227 = tpu.memref_slice %arg8[%add3A_25, %dma_wait3A_226] : memref<10000x64xf32, #tpu.memory_space<vmem_shared>> -> memref<80x64xf32, #tpu.memory_space<vmem_shared>>
      %dma_wait3A_228 = arith.constant 0 : i32
      %dma_wait3A_229 = arith.constant 0 : i32
      %dma_wait3A_230 = tpu.memref_slice %arg7[%run_scoped3A_26, %dma_wait3A_228, %dma_wait3A_229] : memref<5x80x64xf32, #tpu.memory_space<vmem>> -> memref<1x80x64xf32, #tpu.memory_space<vmem>>
      %dma_wait3A_231 = tpu.memref_squeeze %dma_wait3A_230 : memref<1x80x64xf32, #tpu.memory_space<vmem>> -> memref<80x64xf32, #tpu.memory_space<vmem>>
      tpu.wait_dma2 semaphore(%run_scoped3A_207 : memref<!tpu.dma_semaphore, #tpu.memory_space<semaphore_mem>>) src(%dma_wait3A_231 : memref<80x64xf32, #tpu.memory_space<vmem>>) dst(%dma_wait3A_227 : memref<80x64xf32, #tpu.memory_space<vmem_shared>>)
      tpu.yield
    }) : () -> ()
    %mul3A_27 = arith.constant 625 : i32
    %mul3A_28 = arith.muli %arg1, %mul3A_27 : i32
    %add3A_29 = arith.constant 400 : i32
    %add3A_30 = arith.addi %mul3A_28, %add3A_29 : i32
    %run_scoped3A_31 = arith.constant 0 : i32
    "tpu.region"() ({
      %run_scoped3A_207 = tpu.sem_alloc : memref<!tpu.dma_semaphore, #tpu.memory_space<semaphore_mem>>
      %dma_start3A_208 = arith.constant 0 : i32
      %dma_start3A_209 = arith.constant 0 : i32
      %dma_start3A_210 = tpu.memref_slice %arg7[%run_scoped3A_31, %dma_start3A_208, %dma_start3A_209] : memref<5x80x64xf32, #tpu.memory_space<vmem>> -> memref<1x80x64xf32, #tpu.memory_space<vmem>>
      %dma_start3A_211 = tpu.memref_squeeze %dma_start3A_210 : memref<1x80x64xf32, #tpu.memory_space<vmem>> -> memref<80x64xf32, #tpu.memory_space<vmem>>
      %dma_start3A_212 = arith.constant 0 : i32
      %dma_start3A_213 = tpu.memref_slice %arg8[%add3A_30, %dma_start3A_212] : memref<10000x64xf32, #tpu.memory_space<vmem_shared>> -> memref<80x64xf32, #tpu.memory_space<vmem_shared>>
      %dma_start3A_214 = arith.constant 0 : i32
      %dma_start3A_215 = tpu.memref_slice %arg8[%add3A_30, %dma_start3A_214] : memref<10000x64xf32, #tpu.memory_space<vmem_shared>> -> memref<80x64xf32, #tpu.memory_space<vmem_shared>>
      %dma_start3A_216 = arith.constant 0 : i32
      %dma_start3A_217 = arith.constant 0 : i32
      %dma_start3A_218 = tpu.memref_slice %arg7[%run_scoped3A_31, %dma_start3A_216, %dma_start3A_217] : memref<5x80x64xf32, #tpu.memory_space<vmem>> -> memref<1x80x64xf32, #tpu.memory_space<vmem>>
      %dma_start3A_219 = tpu.memref_squeeze %dma_start3A_218 : memref<1x80x64xf32, #tpu.memory_space<vmem>> -> memref<80x64xf32, #tpu.memory_space<vmem>>
      tpu.enqueue_dma source(%dma_start3A_219 : memref<80x64xf32, #tpu.memory_space<vmem>>) target(%dma_start3A_215 : memref<80x64xf32, #tpu.memory_space<vmem_shared>>) target_semaphore(%run_scoped3A_207 : memref<!tpu.dma_semaphore, #tpu.memory_space<semaphore_mem>>)
      %dma_wait3A_220 = arith.constant 0 : i32
      %dma_wait3A_221 = arith.constant 0 : i32
      %dma_wait3A_222 = tpu.memref_slice %arg7[%run_scoped3A_31, %dma_wait3A_220, %dma_wait3A_221] : memref<5x80x64xf32, #tpu.memory_space<vmem>> -> memref<1x80x64xf32, #tpu.memory_space<vmem>>
      %dma_wait3A_223 = tpu.memref_squeeze %dma_wait3A_222 : memref<1x80x64xf32, #tpu.memory_space<vmem>> -> memref<80x64xf32, #tpu.memory_space<vmem>>
      %dma_wait3A_224 = arith.constant 0 : i32
      %dma_wait3A_225 = tpu.memref_slice %arg8[%add3A_30, %dma_wait3A_224] : memref<10000x64xf32, #tpu.memory_space<vmem_shared>> -> memref<80x64xf32, #tpu.memory_space<vmem_shared>>
      %dma_wait3A_226 = arith.constant 0 : i32
      %dma_wait3A_227 = tpu.memref_slice %arg8[%add3A_30, %dma_wait3A_226] : memref<10000x64xf32, #tpu.memory_space<vmem_shared>> -> memref<80x64xf32, #tpu.memory_space<vmem_shared>>
      %dma_wait3A_228 = arith.constant 0 : i32
      %dma_wait3A_229 = arith.constant 0 : i32
      %dma_wait3A_230 = tpu.memref_slice %arg7[%run_scoped3A_31, %dma_wait3A_228, %dma_wait3A_229] : memref<5x80x64xf32, #tpu.memory_space<vmem>> -> memref<1x80x64xf32, #tpu.memory_space<vmem>>
      %dma_wait3A_231 = tpu.memref_squeeze %dma_wait3A_230 : memref<1x80x64xf32, #tpu.memory_space<vmem>> -> memref<80x64xf32, #tpu.memory_space<vmem>>
      tpu.wait_dma2 semaphore(%run_scoped3A_207 : memref<!tpu.dma_semaphore, #tpu.memory_space<semaphore_mem>>) src(%dma_wait3A_231 : memref<80x64xf32, #tpu.memory_space<vmem>>) dst(%dma_wait3A_227 : memref<80x64xf32, #tpu.memory_space<vmem_shared>>)
      tpu.yield
    }) : () -> ()
    %mul3A_32 = arith.constant 625 : i32
    %mul3A_33 = arith.muli %arg1, %mul3A_32 : i32
    %add3A_34 = arith.constant 480 : i32
    %add3A_35 = arith.addi %mul3A_33, %add3A_34 : i32
    %run_scoped3A_36 = arith.constant 0 : i32
    "tpu.region"() ({
      %run_scoped3A_207 = tpu.sem_alloc : memref<!tpu.dma_semaphore, #tpu.memory_space<semaphore_mem>>
      %dma_start3A_208 = arith.constant 0 : i32
      %dma_start3A_209 = arith.constant 0 : i32
      %dma_start3A_210 = tpu.memref_slice %arg7[%run_scoped3A_36, %dma_start3A_208, %dma_start3A_209] : memref<5x80x64xf32, #tpu.memory_space<vmem>> -> memref<1x80x64xf32, #tpu.memory_space<vmem>>
      %dma_start3A_211 = tpu.memref_squeeze %dma_start3A_210 : memref<1x80x64xf32, #tpu.memory_space<vmem>> -> memref<80x64xf32, #tpu.memory_space<vmem>>
      %dma_start3A_212 = arith.constant 0 : i32
      %dma_start3A_213 = tpu.memref_slice %arg8[%add3A_35, %dma_start3A_212] : memref<10000x64xf32, #tpu.memory_space<vmem_shared>> -> memref<80x64xf32, #tpu.memory_space<vmem_shared>>
      %dma_start3A_214 = arith.constant 0 : i32
      %dma_start3A_215 = tpu.memref_slice %arg8[%add3A_35, %dma_start3A_214] : memref<10000x64xf32, #tpu.memory_space<vmem_shared>> -> memref<80x64xf32, #tpu.memory_space<vmem_shared>>
      %dma_start3A_216 = arith.constant 0 : i32
      %dma_start3A_217 = arith.constant 0 : i32
      %dma_start3A_218 = tpu.memref_slice %arg7[%run_scoped3A_36, %dma_start3A_216, %dma_start3A_217] : memref<5x80x64xf32, #tpu.memory_space<vmem>> -> memref<1x80x64xf32, #tpu.memory_space<vmem>>
      %dma_start3A_219 = tpu.memref_squeeze %dma_start3A_218 : memref<1x80x64xf32, #tpu.memory_space<vmem>> -> memref<80x64xf32, #tpu.memory_space<vmem>>
      tpu.enqueue_dma source(%dma_start3A_219 : memref<80x64xf32, #tpu.memory_space<vmem>>) target(%dma_start3A_215 : memref<80x64xf32, #tpu.memory_space<vmem_shared>>) target_semaphore(%run_scoped3A_207 : memref<!tpu.dma_semaphore, #tpu.memory_space<semaphore_mem>>)
      %dma_wait3A_220 = arith.constant 0 : i32
      %dma_wait3A_221 = arith.constant 0 : i32
      %dma_wait3A_222 = tpu.memref_slice %arg7[%run_scoped3A_36, %dma_wait3A_220, %dma_wait3A_221] : memref<5x80x64xf32, #tpu.memory_space<vmem>> -> memref<1x80x64xf32, #tpu.memory_space<vmem>>
      %dma_wait3A_223 = tpu.memref_squeeze %dma_wait3A_222 : memref<1x80x64xf32, #tpu.memory_space<vmem>> -> memref<80x64xf32, #tpu.memory_space<vmem>>
      %dma_wait3A_224 = arith.constant 0 : i32
      %dma_wait3A_225 = tpu.memref_slice %arg8[%add3A_35, %dma_wait3A_224] : memref<10000x64xf32, #tpu.memory_space<vmem_shared>> -> memref<80x64xf32, #tpu.memory_space<vmem_shared>>
      %dma_wait3A_226 = arith.constant 0 : i32
      %dma_wait3A_227 = tpu.memref_slice %arg8[%add3A_35, %dma_wait3A_226] : memref<10000x64xf32, #tpu.memory_space<vmem_shared>> -> memref<80x64xf32, #tpu.memory_space<vmem_shared>>
      %dma_wait3A_228 = arith.constant 0 : i32
      %dma_wait3A_229 = arith.constant 0 : i32
      %dma_wait3A_230 = tpu.memref_slice %arg7[%run_scoped3A_36, %dma_wait3A_228, %dma_wait3A_229] : memref<5x80x64xf32, #tpu.memory_space<vmem>> -> memref<1x80x64xf32, #tpu.memory_space<vmem>>
      %dma_wait3A_231 = tpu.memref_squeeze %dma_wait3A_230 : memref<1x80x64xf32, #tpu.memory_space<vmem>> -> memref<80x64xf32, #tpu.memory_space<vmem>>
      tpu.wait_dma2 semaphore(%run_scoped3A_207 : memref<!tpu.dma_semaphore, #tpu.memory_space<semaphore_mem>>) src(%dma_wait3A_231 : memref<80x64xf32, #tpu.memory_space<vmem>>) dst(%dma_wait3A_227 : memref<80x64xf32, #tpu.memory_space<vmem_shared>>)
      tpu.yield
    }) : () -> ()
    %mul3A_37 = arith.constant 625 : i32
    %mul3A_38 = arith.muli %arg1, %mul3A_37 : i32
    %add3A_39 = arith.constant 560 : i32
    %add3A_40 = arith.addi %mul3A_38, %add3A_39 : i32
    %run_scoped3A_41 = arith.constant 0 : i32
    "tpu.region"() ({
      %run_scoped3A_207 = tpu.sem_alloc : memref<!tpu.dma_semaphore, #tpu.memory_space<semaphore_mem>>
      %dma_start3A_208 = arith.constant 0 : i32
      %dma_start3A_209 = arith.constant 0 : i32
      %dma_start3A_210 = tpu.memref_slice %arg7[%run_scoped3A_41, %dma_start3A_208, %dma_start3A_209] : memref<5x80x64xf32, #tpu.memory_space<vmem>> -> memref<1x80x64xf32, #tpu.memory_space<vmem>>
      %dma_start3A_211 = tpu.memref_squeeze %dma_start3A_210 : memref<1x80x64xf32, #tpu.memory_space<vmem>> -> memref<80x64xf32, #tpu.memory_space<vmem>>
      %dma_start3A_212 = arith.constant 0 : i32
      %dma_start3A_213 = arith.constant 0 : i32
      %dma_start3A_214 = tpu.memref_slice %dma_start3A_211[%dma_start3A_212, %dma_start3A_213] : memref<80x64xf32, #tpu.memory_space<vmem>> -> memref<65x64xf32, #tpu.memory_space<vmem>>
      %dma_start3A_215 = arith.constant 0 : i32
      %dma_start3A_216 = tpu.memref_slice %arg8[%add3A_40, %dma_start3A_215] : memref<10000x64xf32, #tpu.memory_space<vmem_shared>> -> memref<65x64xf32, #tpu.memory_space<vmem_shared>>
      %dma_start3A_217 = arith.constant 0 : i32
      %dma_start3A_218 = tpu.memref_slice %arg8[%add3A_40, %dma_start3A_217] : memref<10000x64xf32, #tpu.memory_space<vmem_shared>> -> memref<65x64xf32, #tpu.memory_space<vmem_shared>>
      %dma_start3A_219 = arith.constant 0 : i32
      %dma_start3A_220 = arith.constant 0 : i32
      %dma_start3A_221 = tpu.memref_slice %arg7[%run_scoped3A_41, %dma_start3A_219, %dma_start3A_220] : memref<5x80x64xf32, #tpu.memory_space<vmem>> -> memref<1x80x64xf32, #tpu.memory_space<vmem>>
      %dma_start3A_222 = tpu.memref_squeeze %dma_start3A_221 : memref<1x80x64xf32, #tpu.memory_space<vmem>> -> memref<80x64xf32, #tpu.memory_space<vmem>>
      %dma_start3A_223 = arith.constant 0 : i32
      %dma_start3A_224 = arith.constant 0 : i32
      %dma_start3A_225 = tpu.memref_slice %dma_start3A_222[%dma_start3A_223, %dma_start3A_224] : memref<80x64xf32, #tpu.memory_space<vmem>> -> memref<65x64xf32, #tpu.memory_space<vmem>>
      tpu.enqueue_dma source(%dma_start3A_225 : memref<65x64xf32, #tpu.memory_space<vmem>>) target(%dma_start3A_218 : memref<65x64xf32, #tpu.memory_space<vmem_shared>>) target_semaphore(%run_scoped3A_207 : memref<!tpu.dma_semaphore, #tpu.memory_space<semaphore_mem>>)
      %dma_wait3A_226 = arith.constant 0 : i32
      %dma_wait3A_227 = arith.constant 0 : i32
      %dma_wait3A_228 = tpu.memref_slice %arg7[%run_scoped3A_41, %dma_wait3A_226, %dma_wait3A_227] : memref<5x80x64xf32, #tpu.memory_space<vmem>> -> memref<1x80x64xf32, #tpu.memory_space<vmem>>
      %dma_wait3A_229 = tpu.memref_squeeze %dma_wait3A_228 : memref<1x80x64xf32, #tpu.memory_space<vmem>> -> memref<80x64xf32, #tpu.memory_space<vmem>>
      %dma_wait3A_230 = arith.constant 0 : i32
      %dma_wait3A_231 = arith.constant 0 : i32
      %dma_wait3A_232 = tpu.memref_slice %dma_wait3A_229[%dma_wait3A_230, %dma_wait3A_231] : memref<80x64xf32, #tpu.memory_space<vmem>> -> memref<65x64xf32, #tpu.memory_space<vmem>>
      %dma_wait3A_233 = arith.constant 0 : i32
      %dma_wait3A_234 = tpu.memref_slice %arg8[%add3A_40, %dma_wait3A_233] : memref<10000x64xf32, #tpu.memory_space<vmem_shared>> -> memref<65x64xf32, #tpu.memory_space<vmem_shared>>
      %dma_wait3A_235 = arith.constant 0 : i32
      %dma_wait3A_236 = tpu.memref_slice %arg8[%add3A_40, %dma_wait3A_235] : memref<10000x64xf32, #tpu.memory_space<vmem_shared>> -> memref<65x64xf32, #tpu.memory_space<vmem_shared>>
      %dma_wait3A_237 = arith.constant 0 : i32
      %dma_wait3A_238 = arith.constant 0 : i32
      %dma_wait3A_239 = tpu.memref_slice %arg7[%run_scoped3A_41, %dma_wait3A_237, %dma_wait3A_238] : memref<5x80x64xf32, #tpu.memory_space<vmem>> -> memref<1x80x64xf32, #tpu.memory_space<vmem>>
      %dma_wait3A_240 = tpu.memref_squeeze %dma_wait3A_239 : memref<1x80x64xf32, #tpu.memory_space<vmem>> -> memref<80x64xf32, #tpu.memory_space<vmem>>
      %dma_wait3A_241 = arith.constant 0 : i32
      %dma_wait3A_242 = arith.constant 0 : i32
      %dma_wait3A_243 = tpu.memref_slice %dma_wait3A_240[%dma_wait3A_241, %dma_wait3A_242] : memref<80x64xf32, #tpu.memory_space<vmem>> -> memref<65x64xf32, #tpu.memory_space<vmem>>
      tpu.wait_dma2 semaphore(%run_scoped3A_207 : memref<!tpu.dma_semaphore, #tpu.memory_space<semaphore_mem>>) src(%dma_wait3A_243 : memref<65x64xf32, #tpu.memory_space<vmem>>) dst(%dma_wait3A_236 : memref<65x64xf32, #tpu.memory_space<vmem_shared>>)
      tpu.yield
    }) : () -> ()
    %mul3A_42 = arith.constant 125 : i32
    %mul3A_43 = arith.muli %arg0, %mul3A_42 : i32
    %run_scoped3A_44 = arith.constant 0 : i32
    "tpu.region"() ({
      %run_scoped3A_207 = tpu.sem_alloc : memref<!tpu.dma_semaphore, #tpu.memory_space<semaphore_mem>>
      %dma_start3A_208 = arith.constant 0 : i32
      %dma_start3A_209 = arith.constant 0 : i32
      %dma_start3A_210 = arith.constant 0 : i32
      %dma_start3A_211 = tpu.memref_slice %arg3[%run_scoped3A_44, %dma_start3A_208, %dma_start3A_209, %dma_start3A_210] : memref<2x16x250x80xi32, #tpu.memory_space<hbm>> -> memref<1x16x250x80xi32, #tpu.memory_space<hbm>>
      %dma_start3A_212 = tpu.memref_squeeze %dma_start3A_211 : memref<1x16x250x80xi32, #tpu.memory_space<hbm>> -> memref<16x250x80xi32, #tpu.memory_space<hbm>>
      %dma_start3A_213 = arith.constant 0 : i32
      %dma_start3A_214 = arith.constant 0 : i32
      %dma_start3A_215 = tpu.memref_slice %dma_start3A_212[%arg1, %dma_start3A_213, %dma_start3A_214] : memref<16x250x80xi32, #tpu.memory_space<hbm>> -> memref<1x250x80xi32, #tpu.memory_space<hbm>>
      %dma_start3A_216 = tpu.memref_squeeze %dma_start3A_215 : memref<1x250x80xi32, #tpu.memory_space<hbm>> -> memref<250x80xi32, #tpu.memory_space<hbm>>
      %dma_start3A_217 = arith.constant 0 : i32
      %dma_start3A_218 = tpu.memref_slice %dma_start3A_216[%mul3A_43, %dma_start3A_217] : memref<250x80xi32, #tpu.memory_space<hbm>> -> memref<125x80xi32, #tpu.memory_space<hbm>>
      %dma_start3A_219 = arith.constant 0 : i32
      %dma_start3A_220 = arith.constant 0 : i32
      %dma_start3A_221 = arith.constant 0 : i32
      %dma_start3A_222 = tpu.memref_slice %arg3[%run_scoped3A_44, %dma_start3A_219, %dma_start3A_220, %dma_start3A_221] : memref<2x16x250x80xi32, #tpu.memory_space<hbm>> -> memref<1x16x250x80xi32, #tpu.memory_space<hbm>>
      %dma_start3A_223 = tpu.memref_squeeze %dma_start3A_222 : memref<1x16x250x80xi32, #tpu.memory_space<hbm>> -> memref<16x250x80xi32, #tpu.memory_space<hbm>>
      %dma_start3A_224 = arith.constant 0 : i32
      %dma_start3A_225 = arith.constant 0 : i32
      %dma_start3A_226 = tpu.memref_slice %dma_start3A_223[%arg1, %dma_start3A_224, %dma_start3A_225] : memref<16x250x80xi32, #tpu.memory_space<hbm>> -> memref<1x250x80xi32, #tpu.memory_space<hbm>>
      %dma_start3A_227 = tpu.memref_squeeze %dma_start3A_226 : memref<1x250x80xi32, #tpu.memory_space<hbm>> -> memref<250x80xi32, #tpu.memory_space<hbm>>
      %dma_start3A_228 = arith.constant 0 : i32
      %dma_start3A_229 = tpu.memref_slice %dma_start3A_227[%mul3A_43, %dma_start3A_228] : memref<250x80xi32, #tpu.memory_space<hbm>> -> memref<125x80xi32, #tpu.memory_space<hbm>>
      tpu.enqueue_dma source(%dma_start3A_229 : memref<125x80xi32, #tpu.memory_space<hbm>>) target(%arg5 : memref<125x80xi32, #tpu.memory_space<vmem>>) target_semaphore(%run_scoped3A_207 : memref<!tpu.dma_semaphore, #tpu.memory_space<semaphore_mem>>)
      %dma_wait3A_230 = arith.constant 0 : i32
      %dma_wait3A_231 = arith.constant 0 : i32
      %dma_wait3A_232 = arith.constant 0 : i32
      %dma_wait3A_233 = tpu.memref_slice %arg3[%run_scoped3A_44, %dma_wait3A_230, %dma_wait3A_231, %dma_wait3A_232] : memref<2x16x250x80xi32, #tpu.memory_space<hbm>> -> memref<1x16x250x80xi32, #tpu.memory_space<hbm>>
      %dma_wait3A_234 = tpu.memref_squeeze %dma_wait3A_233 : memref<1x16x250x80xi32, #tpu.memory_space<hbm>> -> memref<16x250x80xi32, #tpu.memory_space<hbm>>
      %dma_wait3A_235 = arith.constant 0 : i32
      %dma_wait3A_236 = arith.constant 0 : i32
      %dma_wait3A_237 = tpu.memref_slice %dma_wait3A_234[%arg1, %dma_wait3A_235, %dma_wait3A_236] : memref<16x250x80xi32, #tpu.memory_space<hbm>> -> memref<1x250x80xi32, #tpu.memory_space<hbm>>
      %dma_wait3A_238 = tpu.memref_squeeze %dma_wait3A_237 : memref<1x250x80xi32, #tpu.memory_space<hbm>> -> memref<250x80xi32, #tpu.memory_space<hbm>>
      %dma_wait3A_239 = arith.constant 0 : i32
      %dma_wait3A_240 = tpu.memref_slice %dma_wait3A_238[%mul3A_43, %dma_wait3A_239] : memref<250x80xi32, #tpu.memory_space<hbm>> -> memref<125x80xi32, #tpu.memory_space<hbm>>
      %dma_wait3A_241 = arith.constant 0 : i32
      %dma_wait3A_242 = arith.constant 0 : i32
      %dma_wait3A_243 = arith.constant 0 : i32
      %dma_wait3A_244 = tpu.memref_slice %arg3[%run_scoped3A_44, %dma_wait3A_241, %dma_wait3A_242, %dma_wait3A_243] : memref<2x16x250x80xi32, #tpu.memory_space<hbm>> -> memref<1x16x250x80xi32, #tpu.memory_space<hbm>>
      %dma_wait3A_245 = tpu.memref_squeeze %dma_wait3A_244 : memref<1x16x250x80xi32, #tpu.memory_space<hbm>> -> memref<16x250x80xi32, #tpu.memory_space<hbm>>
      %dma_wait3A_246 = arith.constant 0 : i32
      %dma_wait3A_247 = arith.constant 0 : i32
      %dma_wait3A_248 = tpu.memref_slice %dma_wait3A_245[%arg1, %dma_wait3A_246, %dma_wait3A_247] : memref<16x250x80xi32, #tpu.memory_space<hbm>> -> memref<1x250x80xi32, #tpu.memory_space<hbm>>
      %dma_wait3A_249 = tpu.memref_squeeze %dma_wait3A_248 : memref<1x250x80xi32, #tpu.memory_space<hbm>> -> memref<250x80xi32, #tpu.memory_space<hbm>>
      %dma_wait3A_250 = arith.constant 0 : i32
      %dma_wait3A_251 = tpu.memref_slice %dma_wait3A_249[%mul3A_43, %dma_wait3A_250] : memref<250x80xi32, #tpu.memory_space<hbm>> -> memref<125x80xi32, #tpu.memory_space<hbm>>
      tpu.wait_dma2 semaphore(%run_scoped3A_207 : memref<!tpu.dma_semaphore, #tpu.memory_space<semaphore_mem>>) src(%dma_wait3A_251 : memref<125x80xi32, #tpu.memory_space<hbm>>) dst(%arg5 : memref<125x80xi32, #tpu.memory_space<vmem>>)
      tpu.yield
    }) : () -> ()
    %mul3A_45 = arith.constant 125 : i32
    %mul3A_46 = arith.muli %arg0, %mul3A_45 : i32
    %run_scoped3A_47 = arith.constant 1 : i32
    "tpu.region"() ({
      %run_scoped3A_207 = tpu.sem_alloc : memref<!tpu.dma_semaphore, #tpu.memory_space<semaphore_mem>>
      %dma_start3A_208 = arith.constant 0 : i32
      %dma_start3A_209 = arith.constant 0 : i32
      %dma_start3A_210 = arith.constant 0 : i32
      %dma_start3A_211 = tpu.memref_slice %arg3[%run_scoped3A_47, %dma_start3A_208, %dma_start3A_209, %dma_start3A_210] : memref<2x16x250x80xi32, #tpu.memory_space<hbm>> -> memref<1x16x250x80xi32, #tpu.memory_space<hbm>>
      %dma_start3A_212 = tpu.memref_squeeze %dma_start3A_211 : memref<1x16x250x80xi32, #tpu.memory_space<hbm>> -> memref<16x250x80xi32, #tpu.memory_space<hbm>>
      %dma_start3A_213 = arith.constant 0 : i32
      %dma_start3A_214 = arith.constant 0 : i32
      %dma_start3A_215 = tpu.memref_slice %dma_start3A_212[%arg1, %dma_start3A_213, %dma_start3A_214] : memref<16x250x80xi32, #tpu.memory_space<hbm>> -> memref<1x250x80xi32, #tpu.memory_space<hbm>>
      %dma_start3A_216 = tpu.memref_squeeze %dma_start3A_215 : memref<1x250x80xi32, #tpu.memory_space<hbm>> -> memref<250x80xi32, #tpu.memory_space<hbm>>
      %dma_start3A_217 = arith.constant 0 : i32
      %dma_start3A_218 = tpu.memref_slice %dma_start3A_216[%mul3A_46, %dma_start3A_217] : memref<250x80xi32, #tpu.memory_space<hbm>> -> memref<125x80xi32, #tpu.memory_space<hbm>>
      %dma_start3A_219 = arith.constant 0 : i32
      %dma_start3A_220 = arith.constant 0 : i32
      %dma_start3A_221 = arith.constant 0 : i32
      %dma_start3A_222 = tpu.memref_slice %arg3[%run_scoped3A_47, %dma_start3A_219, %dma_start3A_220, %dma_start3A_221] : memref<2x16x250x80xi32, #tpu.memory_space<hbm>> -> memref<1x16x250x80xi32, #tpu.memory_space<hbm>>
      %dma_start3A_223 = tpu.memref_squeeze %dma_start3A_222 : memref<1x16x250x80xi32, #tpu.memory_space<hbm>> -> memref<16x250x80xi32, #tpu.memory_space<hbm>>
      %dma_start3A_224 = arith.constant 0 : i32
      %dma_start3A_225 = arith.constant 0 : i32
      %dma_start3A_226 = tpu.memref_slice %dma_start3A_223[%arg1, %dma_start3A_224, %dma_start3A_225] : memref<16x250x80xi32, #tpu.memory_space<hbm>> -> memref<1x250x80xi32, #tpu.memory_space<hbm>>
      %dma_start3A_227 = tpu.memref_squeeze %dma_start3A_226 : memref<1x250x80xi32, #tpu.memory_space<hbm>> -> memref<250x80xi32, #tpu.memory_space<hbm>>
      %dma_start3A_228 = arith.constant 0 : i32
      %dma_start3A_229 = tpu.memref_slice %dma_start3A_227[%mul3A_46, %dma_start3A_228] : memref<250x80xi32, #tpu.memory_space<hbm>> -> memref<125x80xi32, #tpu.memory_space<hbm>>
      tpu.enqueue_dma source(%dma_start3A_229 : memref<125x80xi32, #tpu.memory_space<hbm>>) target(%arg6 : memref<125x80xi32, #tpu.memory_space<vmem>>) target_semaphore(%run_scoped3A_207 : memref<!tpu.dma_semaphore, #tpu.memory_space<semaphore_mem>>)
      %dma_wait3A_230 = arith.constant 0 : i32
      %dma_wait3A_231 = arith.constant 0 : i32
      %dma_wait3A_232 = arith.constant 0 : i32
      %dma_wait3A_233 = tpu.memref_slice %arg3[%run_scoped3A_47, %dma_wait3A_230, %dma_wait3A_231, %dma_wait3A_232] : memref<2x16x250x80xi32, #tpu.memory_space<hbm>> -> memref<1x16x250x80xi32, #tpu.memory_space<hbm>>
      %dma_wait3A_234 = tpu.memref_squeeze %dma_wait3A_233 : memref<1x16x250x80xi32, #tpu.memory_space<hbm>> -> memref<16x250x80xi32, #tpu.memory_space<hbm>>
      %dma_wait3A_235 = arith.constant 0 : i32
      %dma_wait3A_236 = arith.constant 0 : i32
      %dma_wait3A_237 = tpu.memref_slice %dma_wait3A_234[%arg1, %dma_wait3A_235, %dma_wait3A_236] : memref<16x250x80xi32, #tpu.memory_space<hbm>> -> memref<1x250x80xi32, #tpu.memory_space<hbm>>
      %dma_wait3A_238 = tpu.memref_squeeze %dma_wait3A_237 : memref<1x250x80xi32, #tpu.memory_space<hbm>> -> memref<250x80xi32, #tpu.memory_space<hbm>>
      %dma_wait3A_239 = arith.constant 0 : i32
      %dma_wait3A_240 = tpu.memref_slice %dma_wait3A_238[%mul3A_46, %dma_wait3A_239] : memref<250x80xi32, #tpu.memory_space<hbm>> -> memref<125x80xi32, #tpu.memory_space<hbm>>
      %dma_wait3A_241 = arith.constant 0 : i32
      %dma_wait3A_242 = arith.constant 0 : i32
      %dma_wait3A_243 = arith.constant 0 : i32
      %dma_wait3A_244 = tpu.memref_slice %arg3[%run_scoped3A_47, %dma_wait3A_241, %dma_wait3A_242, %dma_wait3A_243] : memref<2x16x250x80xi32, #tpu.memory_space<hbm>> -> memref<1x16x250x80xi32, #tpu.memory_space<hbm>>
      %dma_wait3A_245 = tpu.memref_squeeze %dma_wait3A_244 : memref<1x16x250x80xi32, #tpu.memory_space<hbm>> -> memref<16x250x80xi32, #tpu.memory_space<hbm>>
      %dma_wait3A_246 = arith.constant 0 : i32
      %dma_wait3A_247 = arith.constant 0 : i32
      %dma_wait3A_248 = tpu.memref_slice %dma_wait3A_245[%arg1, %dma_wait3A_246, %dma_wait3A_247] : memref<16x250x80xi32, #tpu.memory_space<hbm>> -> memref<1x250x80xi32, #tpu.memory_space<hbm>>
      %dma_wait3A_249 = tpu.memref_squeeze %dma_wait3A_248 : memref<1x250x80xi32, #tpu.memory_space<hbm>> -> memref<250x80xi32, #tpu.memory_space<hbm>>
      %dma_wait3A_250 = arith.constant 0 : i32
      %dma_wait3A_251 = tpu.memref_slice %dma_wait3A_249[%mul3A_46, %dma_wait3A_250] : memref<250x80xi32, #tpu.memory_space<hbm>> -> memref<125x80xi32, #tpu.memory_space<hbm>>
      tpu.wait_dma2 semaphore(%run_scoped3A_207 : memref<!tpu.dma_semaphore, #tpu.memory_space<semaphore_mem>>) src(%dma_wait3A_251 : memref<125x80xi32, #tpu.memory_space<hbm>>) dst(%arg6 : memref<125x80xi32, #tpu.memory_space<vmem>>)
      tpu.yield
    }) : () -> ()
    %barrier3A = arith.constant 0 : index
    tpu.barrier barrier_id(%barrier3A)
    %dma_start3A = arith.constant 0 : i32
    %dma_start3A_48 = arith.constant 0 : i32
    %dma_start3A_49 = arith.constant 0 : i32
    %dma_start3A_50 = arith.constant 0 : i32
    %dma_start3A_51 = arith.constant 0 : i32
    %dma_start3A_52 = tpu.memref_slice %arg7[%dma_start3A_48, %dma_start3A_50, %dma_start3A_51] : memref<5x80x64xf32, #tpu.memory_space<vmem>> -> memref<1x80x64xf32, #tpu.memory_space<vmem>>
    %dma_start3A_53 = tpu.memref_squeeze %dma_start3A_52 : memref<1x80x64xf32, #tpu.memory_space<vmem>> -> memref<80x64xf32, #tpu.memory_space<vmem>>
    %dma_start3A_54 = arith.constant 0 : i32
    %dma_start3A_55 = tpu.memref_slice %arg5[%dma_start3A, %dma_start3A_54] : memref<125x80xi32, #tpu.memory_space<vmem>> -> memref<1x80xi32, #tpu.memory_space<vmem>>
    %dma_start3A_56 = tpu.memref_squeeze %dma_start3A_55 : memref<1x80xi32, #tpu.memory_space<vmem>> -> memref<80xi32, #tpu.memory_space<vmem>>
    %dma_start3A_57 = arith.constant 0 : i32
    %dma_start3A_58 = arith.constant 0 : i32
    %dma_start3A_59 = tpu.memref_slice %arg2[%dma_start3A_57, %dma_start3A_58] : memref<10000x64xf32, #tpu.memory_space<hbm>> -> memref<10000x64xf32, #tpu.memory_space<hbm>>
    %dma_start3A_60 = tpu.memref_slice %arg9[%dma_start3A_49] : memref<5x!tpu.dma_semaphore, #tpu.memory_space<semaphore_mem>> -> memref<1x!tpu.dma_semaphore, #tpu.memory_space<semaphore_mem>>
    %dma_start3A_61 = tpu.memref_squeeze %dma_start3A_60 : memref<1x!tpu.dma_semaphore, #tpu.memory_space<semaphore_mem>> -> memref<!tpu.dma_semaphore, #tpu.memory_space<semaphore_mem>>
    tpu.enqueue_indirect_dma source(%dma_start3A_59 : memref<10000x64xf32, #tpu.memory_space<hbm>>) target(%dma_start3A_53 : memref<80x64xf32, #tpu.memory_space<vmem>>) offsets(%dma_start3A_56 : memref<80xi32, #tpu.memory_space<vmem>>) semaphore(%dma_start3A_61 : memref<!tpu.dma_semaphore, #tpu.memory_space<semaphore_mem>>)
    %dma_start3A_62 = arith.constant 1 : i32
    %dma_start3A_63 = arith.constant 1 : i32
    %dma_start3A_64 = arith.constant 1 : i32
    %dma_start3A_65 = arith.constant 0 : i32
    %dma_start3A_66 = arith.constant 0 : i32
    %dma_start3A_67 = tpu.memref_slice %arg7[%dma_start3A_63, %dma_start3A_65, %dma_start3A_66] : memref<5x80x64xf32, #tpu.memory_space<vmem>> -> memref<1x80x64xf32, #tpu.memory_space<vmem>>
    %dma_start3A_68 = tpu.memref_squeeze %dma_start3A_67 : memref<1x80x64xf32, #tpu.memory_space<vmem>> -> memref<80x64xf32, #tpu.memory_space<vmem>>
    %dma_start3A_69 = arith.constant 0 : i32
    %dma_start3A_70 = tpu.memref_slice %arg5[%dma_start3A_62, %dma_start3A_69] : memref<125x80xi32, #tpu.memory_space<vmem>> -> memref<1x80xi32, #tpu.memory_space<vmem>>
    %dma_start3A_71 = tpu.memref_squeeze %dma_start3A_70 : memref<1x80xi32, #tpu.memory_space<vmem>> -> memref<80xi32, #tpu.memory_space<vmem>>
    %dma_start3A_72 = arith.constant 0 : i32
    %dma_start3A_73 = arith.constant 0 : i32
    %dma_start3A_74 = tpu.memref_slice %arg2[%dma_start3A_72, %dma_start3A_73] : memref<10000x64xf32, #tpu.memory_space<hbm>> -> memref<10000x64xf32, #tpu.memory_space<hbm>>
    %dma_start3A_75 = tpu.memref_slice %arg9[%dma_start3A_64] : memref<5x!tpu.dma_semaphore, #tpu.memory_space<semaphore_mem>> -> memref<1x!tpu.dma_semaphore, #tpu.memory_space<semaphore_mem>>
    %dma_start3A_76 = tpu.memref_squeeze %dma_start3A_75 : memref<1x!tpu.dma_semaphore, #tpu.memory_space<semaphore_mem>> -> memref<!tpu.dma_semaphore, #tpu.memory_space<semaphore_mem>>
    tpu.enqueue_indirect_dma source(%dma_start3A_74 : memref<10000x64xf32, #tpu.memory_space<hbm>>) target(%dma_start3A_68 : memref<80x64xf32, #tpu.memory_space<vmem>>) offsets(%dma_start3A_71 : memref<80xi32, #tpu.memory_space<vmem>>) semaphore(%dma_start3A_76 : memref<!tpu.dma_semaphore, #tpu.memory_space<semaphore_mem>>)
    %dma_start3A_77 = arith.constant 2 : i32
    %dma_start3A_78 = arith.constant 2 : i32
    %dma_start3A_79 = arith.constant 2 : i32
    %dma_start3A_80 = arith.constant 0 : i32
    %dma_start3A_81 = arith.constant 0 : i32
    %dma_start3A_82 = tpu.memref_slice %arg7[%dma_start3A_78, %dma_start3A_80, %dma_start3A_81] : memref<5x80x64xf32, #tpu.memory_space<vmem>> -> memref<1x80x64xf32, #tpu.memory_space<vmem>>
    %dma_start3A_83 = tpu.memref_squeeze %dma_start3A_82 : memref<1x80x64xf32, #tpu.memory_space<vmem>> -> memref<80x64xf32, #tpu.memory_space<vmem>>
    %dma_start3A_84 = arith.constant 0 : i32
    %dma_start3A_85 = tpu.memref_slice %arg5[%dma_start3A_77, %dma_start3A_84] : memref<125x80xi32, #tpu.memory_space<vmem>> -> memref<1x80xi32, #tpu.memory_space<vmem>>
    %dma_start3A_86 = tpu.memref_squeeze %dma_start3A_85 : memref<1x80xi32, #tpu.memory_space<vmem>> -> memref<80xi32, #tpu.memory_space<vmem>>
    %dma_start3A_87 = arith.constant 0 : i32
    %dma_start3A_88 = arith.constant 0 : i32
    %dma_start3A_89 = tpu.memref_slice %arg2[%dma_start3A_87, %dma_start3A_88] : memref<10000x64xf32, #tpu.memory_space<hbm>> -> memref<10000x64xf32, #tpu.memory_space<hbm>>
    %dma_start3A_90 = tpu.memref_slice %arg9[%dma_start3A_79] : memref<5x!tpu.dma_semaphore, #tpu.memory_space<semaphore_mem>> -> memref<1x!tpu.dma_semaphore, #tpu.memory_space<semaphore_mem>>
    %dma_start3A_91 = tpu.memref_squeeze %dma_start3A_90 : memref<1x!tpu.dma_semaphore, #tpu.memory_space<semaphore_mem>> -> memref<!tpu.dma_semaphore, #tpu.memory_space<semaphore_mem>>
    tpu.enqueue_indirect_dma source(%dma_start3A_89 : memref<10000x64xf32, #tpu.memory_space<hbm>>) target(%dma_start3A_83 : memref<80x64xf32, #tpu.memory_space<vmem>>) offsets(%dma_start3A_86 : memref<80xi32, #tpu.memory_space<vmem>>) semaphore(%dma_start3A_91 : memref<!tpu.dma_semaphore, #tpu.memory_space<semaphore_mem>>)
    %dma_start3A_92 = arith.constant 3 : i32
    %dma_start3A_93 = arith.constant 3 : i32
    %dma_start3A_94 = arith.constant 3 : i32
    %dma_start3A_95 = arith.constant 0 : i32
    %dma_start3A_96 = arith.constant 0 : i32
    %dma_start3A_97 = tpu.memref_slice %arg7[%dma_start3A_93, %dma_start3A_95, %dma_start3A_96] : memref<5x80x64xf32, #tpu.memory_space<vmem>> -> memref<1x80x64xf32, #tpu.memory_space<vmem>>
    %dma_start3A_98 = tpu.memref_squeeze %dma_start3A_97 : memref<1x80x64xf32, #tpu.memory_space<vmem>> -> memref<80x64xf32, #tpu.memory_space<vmem>>
    %dma_start3A_99 = arith.constant 0 : i32
    %dma_start3A_100 = tpu.memref_slice %arg5[%dma_start3A_92, %dma_start3A_99] : memref<125x80xi32, #tpu.memory_space<vmem>> -> memref<1x80xi32, #tpu.memory_space<vmem>>
    %dma_start3A_101 = tpu.memref_squeeze %dma_start3A_100 : memref<1x80xi32, #tpu.memory_space<vmem>> -> memref<80xi32, #tpu.memory_space<vmem>>
    %dma_start3A_102 = arith.constant 0 : i32
    %dma_start3A_103 = arith.constant 0 : i32
    %dma_start3A_104 = tpu.memref_slice %arg2[%dma_start3A_102, %dma_start3A_103] : memref<10000x64xf32, #tpu.memory_space<hbm>> -> memref<10000x64xf32, #tpu.memory_space<hbm>>
    %dma_start3A_105 = tpu.memref_slice %arg9[%dma_start3A_94] : memref<5x!tpu.dma_semaphore, #tpu.memory_space<semaphore_mem>> -> memref<1x!tpu.dma_semaphore, #tpu.memory_space<semaphore_mem>>
    %dma_start3A_106 = tpu.memref_squeeze %dma_start3A_105 : memref<1x!tpu.dma_semaphore, #tpu.memory_space<semaphore_mem>> -> memref<!tpu.dma_semaphore, #tpu.memory_space<semaphore_mem>>
    tpu.enqueue_indirect_dma source(%dma_start3A_104 : memref<10000x64xf32, #tpu.memory_space<hbm>>) target(%dma_start3A_98 : memref<80x64xf32, #tpu.memory_space<vmem>>) offsets(%dma_start3A_101 : memref<80xi32, #tpu.memory_space<vmem>>) semaphore(%dma_start3A_106 : memref<!tpu.dma_semaphore, #tpu.memory_space<semaphore_mem>>)
    %dma_start3A_107 = arith.constant 4 : i32
    %dma_start3A_108 = arith.constant 4 : i32
    %dma_start3A_109 = arith.constant 4 : i32
    %dma_start3A_110 = arith.constant 0 : i32
    %dma_start3A_111 = arith.constant 0 : i32
    %dma_start3A_112 = tpu.memref_slice %arg7[%dma_start3A_108, %dma_start3A_110, %dma_start3A_111] : memref<5x80x64xf32, #tpu.memory_space<vmem>> -> memref<1x80x64xf32, #tpu.memory_space<vmem>>
    %dma_start3A_113 = tpu.memref_squeeze %dma_start3A_112 : memref<1x80x64xf32, #tpu.memory_space<vmem>> -> memref<80x64xf32, #tpu.memory_space<vmem>>
    %dma_start3A_114 = arith.constant 0 : i32
    %dma_start3A_115 = tpu.memref_slice %arg5[%dma_start3A_107, %dma_start3A_114] : memref<125x80xi32, #tpu.memory_space<vmem>> -> memref<1x80xi32, #tpu.memory_space<vmem>>
    %dma_start3A_116 = tpu.memref_squeeze %dma_start3A_115 : memref<1x80xi32, #tpu.memory_space<vmem>> -> memref<80xi32, #tpu.memory_space<vmem>>
    %dma_start3A_117 = arith.constant 0 : i32
    %dma_start3A_118 = arith.constant 0 : i32
    %dma_start3A_119 = tpu.memref_slice %arg2[%dma_start3A_117, %dma_start3A_118] : memref<10000x64xf32, #tpu.memory_space<hbm>> -> memref<10000x64xf32, #tpu.memory_space<hbm>>
    %dma_start3A_120 = tpu.memref_slice %arg9[%dma_start3A_109] : memref<5x!tpu.dma_semaphore, #tpu.memory_space<semaphore_mem>> -> memref<1x!tpu.dma_semaphore, #tpu.memory_space<semaphore_mem>>
    %dma_start3A_121 = tpu.memref_squeeze %dma_start3A_120 : memref<1x!tpu.dma_semaphore, #tpu.memory_space<semaphore_mem>> -> memref<!tpu.dma_semaphore, #tpu.memory_space<semaphore_mem>>
    tpu.enqueue_indirect_dma source(%dma_start3A_119 : memref<10000x64xf32, #tpu.memory_space<hbm>>) target(%dma_start3A_113 : memref<80x64xf32, #tpu.memory_space<vmem>>) offsets(%dma_start3A_116 : memref<80xi32, #tpu.memory_space<vmem>>) semaphore(%dma_start3A_121 : memref<!tpu.dma_semaphore, #tpu.memory_space<semaphore_mem>>)
    %scan3A_122 = arith.constant 0 : i32
    %scan3A_123 = arith.constant 0 : i32
    %scan3A_124 = arith.constant 25 : i32
    %scan3A_125 = arith.addi %scan3A_123, %scan3A_124 : i32
    %scan3A_126 = arith.constant 1 : i32
    scf.for %scan3A_207 = %scan3A_123 to %scan3A_125 step %scan3A_126  : i32 {
      %mul3A_208 = arith.constant 5 : i32
      %mul3A_209 = arith.muli %scan3A_207, %mul3A_208 : i32
      %add3A_210 = arith.constant 0 : i32
      %add3A_211 = arith.addi %mul3A_209, %add3A_210 : i32
      %dma_wait3A_212 = arith.constant 0 : i32
      %dma_wait3A_213 = arith.constant 0 : i32
      %dma_wait3A_214 = arith.constant 0 : i32
      %dma_wait3A_215 = arith.constant 0 : i32
      %dma_wait3A_216 = tpu.memref_slice %arg7[%dma_wait3A_212, %dma_wait3A_214, %dma_wait3A_215] : memref<5x80x64xf32, #tpu.memory_space<vmem>> -> memref<1x80x64xf32, #tpu.memory_space<vmem>>
      %dma_wait3A_217 = tpu.memref_squeeze %dma_wait3A_216 : memref<1x80x64xf32, #tpu.memory_space<vmem>> -> memref<80x64xf32, #tpu.memory_space<vmem>>
      %dma_wait3A_218 = arith.constant 0 : i32
      %dma_wait3A_219 = tpu.memref_slice %arg5[%add3A_211, %dma_wait3A_218] : memref<125x80xi32, #tpu.memory_space<vmem>> -> memref<1x80xi32, #tpu.memory_space<vmem>>
      %dma_wait3A_220 = tpu.memref_squeeze %dma_wait3A_219 : memref<1x80xi32, #tpu.memory_space<vmem>> -> memref<80xi32, #tpu.memory_space<vmem>>
      %dma_wait3A_221 = arith.constant 0 : i32
      %dma_wait3A_222 = arith.constant 0 : i32
      %dma_wait3A_223 = tpu.memref_slice %arg2[%dma_wait3A_221, %dma_wait3A_222] : memref<10000x64xf32, #tpu.memory_space<hbm>> -> memref<10000x64xf32, #tpu.memory_space<hbm>>
      %dma_wait3A_224 = tpu.memref_slice %arg9[%dma_wait3A_213] : memref<5x!tpu.dma_semaphore, #tpu.memory_space<semaphore_mem>> -> memref<1x!tpu.dma_semaphore, #tpu.memory_space<semaphore_mem>>
      %dma_wait3A_225 = tpu.memref_squeeze %dma_wait3A_224 : memref<1x!tpu.dma_semaphore, #tpu.memory_space<semaphore_mem>> -> memref<!tpu.dma_semaphore, #tpu.memory_space<semaphore_mem>>
      tpu.wait_indirect_dma semaphore(%dma_wait3A_225 : memref<!tpu.dma_semaphore, #tpu.memory_space<semaphore_mem>>) src(%dma_wait3A_223 : memref<10000x64xf32, #tpu.memory_space<hbm>>) dst(%dma_wait3A_217 : memref<80x64xf32, #tpu.memory_space<vmem>>)
      %dma_start3A_226 = arith.constant 0 : i32
      %dma_start3A_227 = arith.constant 0 : i32
      %dma_start3A_228 = arith.constant 0 : i32
      %dma_start3A_229 = arith.constant 0 : i32
      %dma_start3A_230 = tpu.memref_slice %arg7[%dma_start3A_226, %dma_start3A_228, %dma_start3A_229] : memref<5x80x64xf32, #tpu.memory_space<vmem>> -> memref<1x80x64xf32, #tpu.memory_space<vmem>>
      %dma_start3A_231 = tpu.memref_squeeze %dma_start3A_230 : memref<1x80x64xf32, #tpu.memory_space<vmem>> -> memref<80x64xf32, #tpu.memory_space<vmem>>
      %dma_start3A_232 = arith.constant 0 : i32
      %dma_start3A_233 = tpu.memref_slice %arg6[%add3A_211, %dma_start3A_232] : memref<125x80xi32, #tpu.memory_space<vmem>> -> memref<1x80xi32, #tpu.memory_space<vmem>>
      %dma_start3A_234 = tpu.memref_squeeze %dma_start3A_233 : memref<1x80xi32, #tpu.memory_space<vmem>> -> memref<80xi32, #tpu.memory_space<vmem>>
      %dma_start3A_235 = arith.constant 0 : i32
      %dma_start3A_236 = arith.constant 0 : i32
      %dma_start3A_237 = tpu.memref_slice %arg8[%dma_start3A_235, %dma_start3A_236] : memref<10000x64xf32, #tpu.memory_space<vmem_shared>> -> memref<10000x64xf32, #tpu.memory_space<vmem_shared>>
      %dma_start3A_238 = tpu.memref_slice %arg10[%dma_start3A_227] : memref<5x!tpu.dma_semaphore, #tpu.memory_space<semaphore_mem>> -> memref<1x!tpu.dma_semaphore, #tpu.memory_space<semaphore_mem>>
      %dma_start3A_239 = tpu.memref_squeeze %dma_start3A_238 : memref<1x!tpu.dma_semaphore, #tpu.memory_space<semaphore_mem>> -> memref<!tpu.dma_semaphore, #tpu.memory_space<semaphore_mem>>
      tpu.enqueue_indirect_dma source(%dma_start3A_231 : memref<80x64xf32, #tpu.memory_space<vmem>>) target(%dma_start3A_237 : memref<10000x64xf32, #tpu.memory_space<vmem_shared>>) offsets(%dma_start3A_234 : memref<80xi32, #tpu.memory_space<vmem>>) semaphore(%dma_start3A_239 : memref<!tpu.dma_semaphore, #tpu.memory_space<semaphore_mem>>) {add = true}
      %add3A_240 = arith.constant 5 : i32
      %add3A_241 = arith.addi %add3A_211, %add3A_240 : i32
      %sub3A = arith.constant 2 : i32
      %sub3A_242 = arith.subi %add3A_241, %sub3A : i32
      %ge3A = arith.constant 5 : i32
      %ge3A_243 = arith.cmpi sge, %sub3A_242, %ge3A : i32
      %lt3A = arith.constant 125 : i32
      %lt3A_244 = arith.cmpi slt, %sub3A_242, %lt3A : i32
      %and3A = arith.andi %ge3A_243, %lt3A_244 : i1
      %convert_element_type3A = arith.extui %and3A : i1 to i32
      %cond3A = arith.constant 0 : i32
      %cond3A_245 = arith.cmpi ne, %convert_element_type3A, %cond3A : i32
      scf.if %cond3A_245 {
        %sub3A_422 = arith.constant 5 : i32
        %sub3A_423 = arith.subi %sub3A_242, %sub3A_422 : i32
        %dma_wait3A_424 = arith.constant 3 : i32
        %dma_wait3A_425 = arith.constant 3 : i32
        %dma_wait3A_426 = arith.constant 0 : i32
        %dma_wait3A_427 = arith.constant 0 : i32
        %dma_wait3A_428 = tpu.memref_slice %arg7[%dma_wait3A_424, %dma_wait3A_426, %dma_wait3A_427] : memref<5x80x64xf32, #tpu.memory_space<vmem>> -> memref<1x80x64xf32, #tpu.memory_space<vmem>>
        %dma_wait3A_429 = tpu.memref_squeeze %dma_wait3A_428 : memref<1x80x64xf32, #tpu.memory_space<vmem>> -> memref<80x64xf32, #tpu.memory_space<vmem>>
        %dma_wait3A_430 = arith.constant 0 : i32
        %dma_wait3A_431 = tpu.memref_slice %arg6[%sub3A_423, %dma_wait3A_430] : memref<125x80xi32, #tpu.memory_space<vmem>> -> memref<1x80xi32, #tpu.memory_space<vmem>>
        %dma_wait3A_432 = tpu.memref_squeeze %dma_wait3A_431 : memref<1x80xi32, #tpu.memory_space<vmem>> -> memref<80xi32, #tpu.memory_space<vmem>>
        %dma_wait3A_433 = arith.constant 0 : i32
        %dma_wait3A_434 = arith.constant 0 : i32
        %dma_wait3A_435 = tpu.memref_slice %arg8[%dma_wait3A_433, %dma_wait3A_434] : memref<10000x64xf32, #tpu.memory_space<vmem_shared>> -> memref<10000x64xf32, #tpu.memory_space<vmem_shared>>
        %dma_wait3A_436 = tpu.memref_slice %arg10[%dma_wait3A_425] : memref<5x!tpu.dma_semaphore, #tpu.memory_space<semaphore_mem>> -> memref<1x!tpu.dma_semaphore, #tpu.memory_space<semaphore_mem>>
        %dma_wait3A_437 = tpu.memref_squeeze %dma_wait3A_436 : memref<1x!tpu.dma_semaphore, #tpu.memory_space<semaphore_mem>> -> memref<!tpu.dma_semaphore, #tpu.memory_space<semaphore_mem>>
        tpu.wait_indirect_dma semaphore(%dma_wait3A_437 : memref<!tpu.dma_semaphore, #tpu.memory_space<semaphore_mem>>) src(%dma_wait3A_429 : memref<80x64xf32, #tpu.memory_space<vmem>>) dst(%dma_wait3A_435 : memref<10000x64xf32, #tpu.memory_space<vmem_shared>>)
        %dma_start3A_438 = arith.constant 3 : i32
        %dma_start3A_439 = arith.constant 3 : i32
        %dma_start3A_440 = arith.constant 0 : i32
        %dma_start3A_441 = arith.constant 0 : i32
        %dma_start3A_442 = tpu.memref_slice %arg7[%dma_start3A_438, %dma_start3A_440, %dma_start3A_441] : memref<5x80x64xf32, #tpu.memory_space<vmem>> -> memref<1x80x64xf32, #tpu.memory_space<vmem>>
        %dma_start3A_443 = tpu.memref_squeeze %dma_start3A_442 : memref<1x80x64xf32, #tpu.memory_space<vmem>> -> memref<80x64xf32, #tpu.memory_space<vmem>>
        %dma_start3A_444 = arith.constant 0 : i32
        %dma_start3A_445 = tpu.memref_slice %arg5[%sub3A_242, %dma_start3A_444] : memref<125x80xi32, #tpu.memory_space<vmem>> -> memref<1x80xi32, #tpu.memory_space<vmem>>
        %dma_start3A_446 = tpu.memref_squeeze %dma_start3A_445 : memref<1x80xi32, #tpu.memory_space<vmem>> -> memref<80xi32, #tpu.memory_space<vmem>>
        %dma_start3A_447 = arith.constant 0 : i32
        %dma_start3A_448 = arith.constant 0 : i32
        %dma_start3A_449 = tpu.memref_slice %arg2[%dma_start3A_447, %dma_start3A_448] : memref<10000x64xf32, #tpu.memory_space<hbm>> -> memref<10000x64xf32, #tpu.memory_space<hbm>>
        %dma_start3A_450 = tpu.memref_slice %arg9[%dma_start3A_439] : memref<5x!tpu.dma_semaphore, #tpu.memory_space<semaphore_mem>> -> memref<1x!tpu.dma_semaphore, #tpu.memory_space<semaphore_mem>>
        %dma_start3A_451 = tpu.memref_squeeze %dma_start3A_450 : memref<1x!tpu.dma_semaphore, #tpu.memory_space<semaphore_mem>> -> memref<!tpu.dma_semaphore, #tpu.memory_space<semaphore_mem>>
        tpu.enqueue_indirect_dma source(%dma_start3A_449 : memref<10000x64xf32, #tpu.memory_space<hbm>>) target(%dma_start3A_443 : memref<80x64xf32, #tpu.memory_space<vmem>>) offsets(%dma_start3A_446 : memref<80xi32, #tpu.memory_space<vmem>>) semaphore(%dma_start3A_451 : memref<!tpu.dma_semaphore, #tpu.memory_space<semaphore_mem>>)
      } else {
      }
      %mul3A_246 = arith.constant 5 : i32
      %mul3A_247 = arith.muli %scan3A_207, %mul3A_246 : i32
      %add3A_248 = arith.constant 1 : i32
      %add3A_249 = arith.addi %mul3A_247, %add3A_248 : i32
      %dma_wait3A_250 = arith.constant 1 : i32
      %dma_wait3A_251 = arith.constant 1 : i32
      %dma_wait3A_252 = arith.constant 0 : i32
      %dma_wait3A_253 = arith.constant 0 : i32
      %dma_wait3A_254 = tpu.memref_slice %arg7[%dma_wait3A_250, %dma_wait3A_252, %dma_wait3A_253] : memref<5x80x64xf32, #tpu.memory_space<vmem>> -> memref<1x80x64xf32, #tpu.memory_space<vmem>>
      %dma_wait3A_255 = tpu.memref_squeeze %dma_wait3A_254 : memref<1x80x64xf32, #tpu.memory_space<vmem>> -> memref<80x64xf32, #tpu.memory_space<vmem>>
      %dma_wait3A_256 = arith.constant 0 : i32
      %dma_wait3A_257 = tpu.memref_slice %arg5[%add3A_249, %dma_wait3A_256] : memref<125x80xi32, #tpu.memory_space<vmem>> -> memref<1x80xi32, #tpu.memory_space<vmem>>
      %dma_wait3A_258 = tpu.memref_squeeze %dma_wait3A_257 : memref<1x80xi32, #tpu.memory_space<vmem>> -> memref<80xi32, #tpu.memory_space<vmem>>
      %dma_wait3A_259 = arith.constant 0 : i32
      %dma_wait3A_260 = arith.constant 0 : i32
      %dma_wait3A_261 = tpu.memref_slice %arg2[%dma_wait3A_259, %dma_wait3A_260] : memref<10000x64xf32, #tpu.memory_space<hbm>> -> memref<10000x64xf32, #tpu.memory_space<hbm>>
      %dma_wait3A_262 = tpu.memref_slice %arg9[%dma_wait3A_251] : memref<5x!tpu.dma_semaphore, #tpu.memory_space<semaphore_mem>> -> memref<1x!tpu.dma_semaphore, #tpu.memory_space<semaphore_mem>>
      %dma_wait3A_263 = tpu.memref_squeeze %dma_wait3A_262 : memref<1x!tpu.dma_semaphore, #tpu.memory_space<semaphore_mem>> -> memref<!tpu.dma_semaphore, #tpu.memory_space<semaphore_mem>>
      tpu.wait_indirect_dma semaphore(%dma_wait3A_263 : memref<!tpu.dma_semaphore, #tpu.memory_space<semaphore_mem>>) src(%dma_wait3A_261 : memref<10000x64xf32, #tpu.memory_space<hbm>>) dst(%dma_wait3A_255 : memref<80x64xf32, #tpu.memory_space<vmem>>)
      %dma_start3A_264 = arith.constant 1 : i32
      %dma_start3A_265 = arith.constant 1 : i32
      %dma_start3A_266 = arith.constant 0 : i32
      %dma_start3A_267 = arith.constant 0 : i32
      %dma_start3A_268 = tpu.memref_slice %arg7[%dma_start3A_264, %dma_start3A_266, %dma_start3A_267] : memref<5x80x64xf32, #tpu.memory_space<vmem>> -> memref<1x80x64xf32, #tpu.memory_space<vmem>>
      %dma_start3A_269 = tpu.memref_squeeze %dma_start3A_268 : memref<1x80x64xf32, #tpu.memory_space<vmem>> -> memref<80x64xf32, #tpu.memory_space<vmem>>
      %dma_start3A_270 = arith.constant 0 : i32
      %dma_start3A_271 = tpu.memref_slice %arg6[%add3A_249, %dma_start3A_270] : memref<125x80xi32, #tpu.memory_space<vmem>> -> memref<1x80xi32, #tpu.memory_space<vmem>>
      %dma_start3A_272 = tpu.memref_squeeze %dma_start3A_271 : memref<1x80xi32, #tpu.memory_space<vmem>> -> memref<80xi32, #tpu.memory_space<vmem>>
      %dma_start3A_273 = arith.constant 0 : i32
      %dma_start3A_274 = arith.constant 0 : i32
      %dma_start3A_275 = tpu.memref_slice %arg8[%dma_start3A_273, %dma_start3A_274] : memref<10000x64xf32, #tpu.memory_space<vmem_shared>> -> memref<10000x64xf32, #tpu.memory_space<vmem_shared>>
      %dma_start3A_276 = tpu.memref_slice %arg10[%dma_start3A_265] : memref<5x!tpu.dma_semaphore, #tpu.memory_space<semaphore_mem>> -> memref<1x!tpu.dma_semaphore, #tpu.memory_space<semaphore_mem>>
      %dma_start3A_277 = tpu.memref_squeeze %dma_start3A_276 : memref<1x!tpu.dma_semaphore, #tpu.memory_space<semaphore_mem>> -> memref<!tpu.dma_semaphore, #tpu.memory_space<semaphore_mem>>
      tpu.enqueue_indirect_dma source(%dma_start3A_269 : memref<80x64xf32, #tpu.memory_space<vmem>>) target(%dma_start3A_275 : memref<10000x64xf32, #tpu.memory_space<vmem_shared>>) offsets(%dma_start3A_272 : memref<80xi32, #tpu.memory_space<vmem>>) semaphore(%dma_start3A_277 : memref<!tpu.dma_semaphore, #tpu.memory_space<semaphore_mem>>) {add = true}
      %add3A_278 = arith.constant 5 : i32
      %add3A_279 = arith.addi %add3A_249, %add3A_278 : i32
      %sub3A_280 = arith.constant 2 : i32
      %sub3A_281 = arith.subi %add3A_279, %sub3A_280 : i32
      %ge3A_282 = arith.constant 5 : i32
      %ge3A_283 = arith.cmpi sge, %sub3A_281, %ge3A_282 : i32
      %lt3A_284 = arith.constant 125 : i32
      %lt3A_285 = arith.cmpi slt, %sub3A_281, %lt3A_284 : i32
      %and3A_286 = arith.andi %ge3A_283, %lt3A_285 : i1
      %convert_element_type3A_287 = arith.extui %and3A_286 : i1 to i32
      %cond3A_288 = arith.constant 0 : i32
      %cond3A_289 = arith.cmpi ne, %convert_element_type3A_287, %cond3A_288 : i32
      scf.if %cond3A_289 {
        %sub3A_422 = arith.constant 5 : i32
        %sub3A_423 = arith.subi %sub3A_281, %sub3A_422 : i32
        %dma_wait3A_424 = arith.constant 4 : i32
        %dma_wait3A_425 = arith.constant 4 : i32
        %dma_wait3A_426 = arith.constant 0 : i32
        %dma_wait3A_427 = arith.constant 0 : i32
        %dma_wait3A_428 = tpu.memref_slice %arg7[%dma_wait3A_424, %dma_wait3A_426, %dma_wait3A_427] : memref<5x80x64xf32, #tpu.memory_space<vmem>> -> memref<1x80x64xf32, #tpu.memory_space<vmem>>
        %dma_wait3A_429 = tpu.memref_squeeze %dma_wait3A_428 : memref<1x80x64xf32, #tpu.memory_space<vmem>> -> memref<80x64xf32, #tpu.memory_space<vmem>>
        %dma_wait3A_430 = arith.constant 0 : i32
        %dma_wait3A_431 = tpu.memref_slice %arg6[%sub3A_423, %dma_wait3A_430] : memref<125x80xi32, #tpu.memory_space<vmem>> -> memref<1x80xi32, #tpu.memory_space<vmem>>
        %dma_wait3A_432 = tpu.memref_squeeze %dma_wait3A_431 : memref<1x80xi32, #tpu.memory_space<vmem>> -> memref<80xi32, #tpu.memory_space<vmem>>
        %dma_wait3A_433 = arith.constant 0 : i32
        %dma_wait3A_434 = arith.constant 0 : i32
        %dma_wait3A_435 = tpu.memref_slice %arg8[%dma_wait3A_433, %dma_wait3A_434] : memref<10000x64xf32, #tpu.memory_space<vmem_shared>> -> memref<10000x64xf32, #tpu.memory_space<vmem_shared>>
        %dma_wait3A_436 = tpu.memref_slice %arg10[%dma_wait3A_425] : memref<5x!tpu.dma_semaphore, #tpu.memory_space<semaphore_mem>> -> memref<1x!tpu.dma_semaphore, #tpu.memory_space<semaphore_mem>>
        %dma_wait3A_437 = tpu.memref_squeeze %dma_wait3A_436 : memref<1x!tpu.dma_semaphore, #tpu.memory_space<semaphore_mem>> -> memref<!tpu.dma_semaphore, #tpu.memory_space<semaphore_mem>>
        tpu.wait_indirect_dma semaphore(%dma_wait3A_437 : memref<!tpu.dma_semaphore, #tpu.memory_space<semaphore_mem>>) src(%dma_wait3A_429 : memref<80x64xf32, #tpu.memory_space<vmem>>) dst(%dma_wait3A_435 : memref<10000x64xf32, #tpu.memory_space<vmem_shared>>)
        %dma_start3A_438 = arith.constant 4 : i32
        %dma_start3A_439 = arith.constant 4 : i32
        %dma_start3A_440 = arith.constant 0 : i32
        %dma_start3A_441 = arith.constant 0 : i32
        %dma_start3A_442 = tpu.memref_slice %arg7[%dma_start3A_438, %dma_start3A_440, %dma_start3A_441] : memref<5x80x64xf32, #tpu.memory_space<vmem>> -> memref<1x80x64xf32, #tpu.memory_space<vmem>>
        %dma_start3A_443 = tpu.memref_squeeze %dma_start3A_442 : memref<1x80x64xf32, #tpu.memory_space<vmem>> -> memref<80x64xf32, #tpu.memory_space<vmem>>
        %dma_start3A_444 = arith.constant 0 : i32
        %dma_start3A_445 = tpu.memref_slice %arg5[%sub3A_281, %dma_start3A_444] : memref<125x80xi32, #tpu.memory_space<vmem>> -> memref<1x80xi32, #tpu.memory_space<vmem>>
        %dma_start3A_446 = tpu.memref_squeeze %dma_start3A_445 : memref<1x80xi32, #tpu.memory_space<vmem>> -> memref<80xi32, #tpu.memory_space<vmem>>
        %dma_start3A_447 = arith.constant 0 : i32
        %dma_start3A_448 = arith.constant 0 : i32
        %dma_start3A_449 = tpu.memref_slice %arg2[%dma_start3A_447, %dma_start3A_448] : memref<10000x64xf32, #tpu.memory_space<hbm>> -> memref<10000x64xf32, #tpu.memory_space<hbm>>
        %dma_start3A_450 = tpu.memref_slice %arg9[%dma_start3A_439] : memref<5x!tpu.dma_semaphore, #tpu.memory_space<semaphore_mem>> -> memref<1x!tpu.dma_semaphore, #tpu.memory_space<semaphore_mem>>
        %dma_start3A_451 = tpu.memref_squeeze %dma_start3A_450 : memref<1x!tpu.dma_semaphore, #tpu.memory_space<semaphore_mem>> -> memref<!tpu.dma_semaphore, #tpu.memory_space<semaphore_mem>>
        tpu.enqueue_indirect_dma source(%dma_start3A_449 : memref<10000x64xf32, #tpu.memory_space<hbm>>) target(%dma_start3A_443 : memref<80x64xf32, #tpu.memory_space<vmem>>) offsets(%dma_start3A_446 : memref<80xi32, #tpu.memory_space<vmem>>) semaphore(%dma_start3A_451 : memref<!tpu.dma_semaphore, #tpu.memory_space<semaphore_mem>>)
      } else {
      }
      %mul3A_290 = arith.constant 5 : i32
      %mul3A_291 = arith.muli %scan3A_207, %mul3A_290 : i32
      %add3A_292 = arith.constant 2 : i32
      %add3A_293 = arith.addi %mul3A_291, %add3A_292 : i32
      %dma_wait3A_294 = arith.constant 2 : i32
      %dma_wait3A_295 = arith.constant 2 : i32
      %dma_wait3A_296 = arith.constant 0 : i32
      %dma_wait3A_297 = arith.constant 0 : i32
      %dma_wait3A_298 = tpu.memref_slice %arg7[%dma_wait3A_294, %dma_wait3A_296, %dma_wait3A_297] : memref<5x80x64xf32, #tpu.memory_space<vmem>> -> memref<1x80x64xf32, #tpu.memory_space<vmem>>
      %dma_wait3A_299 = tpu.memref_squeeze %dma_wait3A_298 : memref<1x80x64xf32, #tpu.memory_space<vmem>> -> memref<80x64xf32, #tpu.memory_space<vmem>>
      %dma_wait3A_300 = arith.constant 0 : i32
      %dma_wait3A_301 = tpu.memref_slice %arg5[%add3A_293, %dma_wait3A_300] : memref<125x80xi32, #tpu.memory_space<vmem>> -> memref<1x80xi32, #tpu.memory_space<vmem>>
      %dma_wait3A_302 = tpu.memref_squeeze %dma_wait3A_301 : memref<1x80xi32, #tpu.memory_space<vmem>> -> memref<80xi32, #tpu.memory_space<vmem>>
      %dma_wait3A_303 = arith.constant 0 : i32
      %dma_wait3A_304 = arith.constant 0 : i32
      %dma_wait3A_305 = tpu.memref_slice %arg2[%dma_wait3A_303, %dma_wait3A_304] : memref<10000x64xf32, #tpu.memory_space<hbm>> -> memref<10000x64xf32, #tpu.memory_space<hbm>>
      %dma_wait3A_306 = tpu.memref_slice %arg9[%dma_wait3A_295] : memref<5x!tpu.dma_semaphore, #tpu.memory_space<semaphore_mem>> -> memref<1x!tpu.dma_semaphore, #tpu.memory_space<semaphore_mem>>
      %dma_wait3A_307 = tpu.memref_squeeze %dma_wait3A_306 : memref<1x!tpu.dma_semaphore, #tpu.memory_space<semaphore_mem>> -> memref<!tpu.dma_semaphore, #tpu.memory_space<semaphore_mem>>
      tpu.wait_indirect_dma semaphore(%dma_wait3A_307 : memref<!tpu.dma_semaphore, #tpu.memory_space<semaphore_mem>>) src(%dma_wait3A_305 : memref<10000x64xf32, #tpu.memory_space<hbm>>) dst(%dma_wait3A_299 : memref<80x64xf32, #tpu.memory_space<vmem>>)
      %dma_start3A_308 = arith.constant 2 : i32
      %dma_start3A_309 = arith.constant 2 : i32
      %dma_start3A_310 = arith.constant 0 : i32
      %dma_start3A_311 = arith.constant 0 : i32
      %dma_start3A_312 = tpu.memref_slice %arg7[%dma_start3A_308, %dma_start3A_310, %dma_start3A_311] : memref<5x80x64xf32, #tpu.memory_space<vmem>> -> memref<1x80x64xf32, #tpu.memory_space<vmem>>
      %dma_start3A_313 = tpu.memref_squeeze %dma_start3A_312 : memref<1x80x64xf32, #tpu.memory_space<vmem>> -> memref<80x64xf32, #tpu.memory_space<vmem>>
      %dma_start3A_314 = arith.constant 0 : i32
      %dma_start3A_315 = tpu.memref_slice %arg6[%add3A_293, %dma_start3A_314] : memref<125x80xi32, #tpu.memory_space<vmem>> -> memref<1x80xi32, #tpu.memory_space<vmem>>
      %dma_start3A_316 = tpu.memref_squeeze %dma_start3A_315 : memref<1x80xi32, #tpu.memory_space<vmem>> -> memref<80xi32, #tpu.memory_space<vmem>>
      %dma_start3A_317 = arith.constant 0 : i32
      %dma_start3A_318 = arith.constant 0 : i32
      %dma_start3A_319 = tpu.memref_slice %arg8[%dma_start3A_317, %dma_start3A_318] : memref<10000x64xf32, #tpu.memory_space<vmem_shared>> -> memref<10000x64xf32, #tpu.memory_space<vmem_shared>>
      %dma_start3A_320 = tpu.memref_slice %arg10[%dma_start3A_309] : memref<5x!tpu.dma_semaphore, #tpu.memory_space<semaphore_mem>> -> memref<1x!tpu.dma_semaphore, #tpu.memory_space<semaphore_mem>>
      %dma_start3A_321 = tpu.memref_squeeze %dma_start3A_320 : memref<1x!tpu.dma_semaphore, #tpu.memory_space<semaphore_mem>> -> memref<!tpu.dma_semaphore, #tpu.memory_space<semaphore_mem>>
      tpu.enqueue_indirect_dma source(%dma_start3A_313 : memref<80x64xf32, #tpu.memory_space<vmem>>) target(%dma_start3A_319 : memref<10000x64xf32, #tpu.memory_space<vmem_shared>>) offsets(%dma_start3A_316 : memref<80xi32, #tpu.memory_space<vmem>>) semaphore(%dma_start3A_321 : memref<!tpu.dma_semaphore, #tpu.memory_space<semaphore_mem>>) {add = true}
      %add3A_322 = arith.constant 5 : i32
      %add3A_323 = arith.addi %add3A_293, %add3A_322 : i32
      %sub3A_324 = arith.constant 2 : i32
      %sub3A_325 = arith.subi %add3A_323, %sub3A_324 : i32
      %ge3A_326 = arith.constant 5 : i32
      %ge3A_327 = arith.cmpi sge, %sub3A_325, %ge3A_326 : i32
      %lt3A_328 = arith.constant 125 : i32
      %lt3A_329 = arith.cmpi slt, %sub3A_325, %lt3A_328 : i32
      %and3A_330 = arith.andi %ge3A_327, %lt3A_329 : i1
      %convert_element_type3A_331 = arith.extui %and3A_330 : i1 to i32
      %cond3A_332 = arith.constant 0 : i32
      %cond3A_333 = arith.cmpi ne, %convert_element_type3A_331, %cond3A_332 : i32
      scf.if %cond3A_333 {
        %sub3A_422 = arith.constant 5 : i32
        %sub3A_423 = arith.subi %sub3A_325, %sub3A_422 : i32
        %dma_wait3A_424 = arith.constant 0 : i32
        %dma_wait3A_425 = arith.constant 0 : i32
        %dma_wait3A_426 = arith.constant 0 : i32
        %dma_wait3A_427 = arith.constant 0 : i32
        %dma_wait3A_428 = tpu.memref_slice %arg7[%dma_wait3A_424, %dma_wait3A_426, %dma_wait3A_427] : memref<5x80x64xf32, #tpu.memory_space<vmem>> -> memref<1x80x64xf32, #tpu.memory_space<vmem>>
        %dma_wait3A_429 = tpu.memref_squeeze %dma_wait3A_428 : memref<1x80x64xf32, #tpu.memory_space<vmem>> -> memref<80x64xf32, #tpu.memory_space<vmem>>
        %dma_wait3A_430 = arith.constant 0 : i32
        %dma_wait3A_431 = tpu.memref_slice %arg6[%sub3A_423, %dma_wait3A_430] : memref<125x80xi32, #tpu.memory_space<vmem>> -> memref<1x80xi32, #tpu.memory_space<vmem>>
        %dma_wait3A_432 = tpu.memref_squeeze %dma_wait3A_431 : memref<1x80xi32, #tpu.memory_space<vmem>> -> memref<80xi32, #tpu.memory_space<vmem>>
        %dma_wait3A_433 = arith.constant 0 : i32
        %dma_wait3A_434 = arith.constant 0 : i32
        %dma_wait3A_435 = tpu.memref_slice %arg8[%dma_wait3A_433, %dma_wait3A_434] : memref<10000x64xf32, #tpu.memory_space<vmem_shared>> -> memref<10000x64xf32, #tpu.memory_space<vmem_shared>>
        %dma_wait3A_436 = tpu.memref_slice %arg10[%dma_wait3A_425] : memref<5x!tpu.dma_semaphore, #tpu.memory_space<semaphore_mem>> -> memref<1x!tpu.dma_semaphore, #tpu.memory_space<semaphore_mem>>
        %dma_wait3A_437 = tpu.memref_squeeze %dma_wait3A_436 : memref<1x!tpu.dma_semaphore, #tpu.memory_space<semaphore_mem>> -> memref<!tpu.dma_semaphore, #tpu.memory_space<semaphore_mem>>
        tpu.wait_indirect_dma semaphore(%dma_wait3A_437 : memref<!tpu.dma_semaphore, #tpu.memory_space<semaphore_mem>>) src(%dma_wait3A_429 : memref<80x64xf32, #tpu.memory_space<vmem>>) dst(%dma_wait3A_435 : memref<10000x64xf32, #tpu.memory_space<vmem_shared>>)
        %dma_start3A_438 = arith.constant 0 : i32
        %dma_start3A_439 = arith.constant 0 : i32
        %dma_start3A_440 = arith.constant 0 : i32
        %dma_start3A_441 = arith.constant 0 : i32
        %dma_start3A_442 = tpu.memref_slice %arg7[%dma_start3A_438, %dma_start3A_440, %dma_start3A_441] : memref<5x80x64xf32, #tpu.memory_space<vmem>> -> memref<1x80x64xf32, #tpu.memory_space<vmem>>
        %dma_start3A_443 = tpu.memref_squeeze %dma_start3A_442 : memref<1x80x64xf32, #tpu.memory_space<vmem>> -> memref<80x64xf32, #tpu.memory_space<vmem>>
        %dma_start3A_444 = arith.constant 0 : i32
        %dma_start3A_445 = tpu.memref_slice %arg5[%sub3A_325, %dma_start3A_444] : memref<125x80xi32, #tpu.memory_space<vmem>> -> memref<1x80xi32, #tpu.memory_space<vmem>>
        %dma_start3A_446 = tpu.memref_squeeze %dma_start3A_445 : memref<1x80xi32, #tpu.memory_space<vmem>> -> memref<80xi32, #tpu.memory_space<vmem>>
        %dma_start3A_447 = arith.constant 0 : i32
        %dma_start3A_448 = arith.constant 0 : i32
        %dma_start3A_449 = tpu.memref_slice %arg2[%dma_start3A_447, %dma_start3A_448] : memref<10000x64xf32, #tpu.memory_space<hbm>> -> memref<10000x64xf32, #tpu.memory_space<hbm>>
        %dma_start3A_450 = tpu.memref_slice %arg9[%dma_start3A_439] : memref<5x!tpu.dma_semaphore, #tpu.memory_space<semaphore_mem>> -> memref<1x!tpu.dma_semaphore, #tpu.memory_space<semaphore_mem>>
        %dma_start3A_451 = tpu.memref_squeeze %dma_start3A_450 : memref<1x!tpu.dma_semaphore, #tpu.memory_space<semaphore_mem>> -> memref<!tpu.dma_semaphore, #tpu.memory_space<semaphore_mem>>
        tpu.enqueue_indirect_dma source(%dma_start3A_449 : memref<10000x64xf32, #tpu.memory_space<hbm>>) target(%dma_start3A_443 : memref<80x64xf32, #tpu.memory_space<vmem>>) offsets(%dma_start3A_446 : memref<80xi32, #tpu.memory_space<vmem>>) semaphore(%dma_start3A_451 : memref<!tpu.dma_semaphore, #tpu.memory_space<semaphore_mem>>)
      } else {
      }
      %mul3A_334 = arith.constant 5 : i32
      %mul3A_335 = arith.muli %scan3A_207, %mul3A_334 : i32
      %add3A_336 = arith.constant 3 : i32
      %add3A_337 = arith.addi %mul3A_335, %add3A_336 : i32
      %dma_wait3A_338 = arith.constant 3 : i32
      %dma_wait3A_339 = arith.constant 3 : i32
      %dma_wait3A_340 = arith.constant 0 : i32
      %dma_wait3A_341 = arith.constant 0 : i32
      %dma_wait3A_342 = tpu.memref_slice %arg7[%dma_wait3A_338, %dma_wait3A_340, %dma_wait3A_341] : memref<5x80x64xf32, #tpu.memory_space<vmem>> -> memref<1x80x64xf32, #tpu.memory_space<vmem>>
      %dma_wait3A_343 = tpu.memref_squeeze %dma_wait3A_342 : memref<1x80x64xf32, #tpu.memory_space<vmem>> -> memref<80x64xf32, #tpu.memory_space<vmem>>
      %dma_wait3A_344 = arith.constant 0 : i32
      %dma_wait3A_345 = tpu.memref_slice %arg5[%add3A_337, %dma_wait3A_344] : memref<125x80xi32, #tpu.memory_space<vmem>> -> memref<1x80xi32, #tpu.memory_space<vmem>>
      %dma_wait3A_346 = tpu.memref_squeeze %dma_wait3A_345 : memref<1x80xi32, #tpu.memory_space<vmem>> -> memref<80xi32, #tpu.memory_space<vmem>>
      %dma_wait3A_347 = arith.constant 0 : i32
      %dma_wait3A_348 = arith.constant 0 : i32
      %dma_wait3A_349 = tpu.memref_slice %arg2[%dma_wait3A_347, %dma_wait3A_348] : memref<10000x64xf32, #tpu.memory_space<hbm>> -> memref<10000x64xf32, #tpu.memory_space<hbm>>
      %dma_wait3A_350 = tpu.memref_slice %arg9[%dma_wait3A_339] : memref<5x!tpu.dma_semaphore, #tpu.memory_space<semaphore_mem>> -> memref<1x!tpu.dma_semaphore, #tpu.memory_space<semaphore_mem>>
      %dma_wait3A_351 = tpu.memref_squeeze %dma_wait3A_350 : memref<1x!tpu.dma_semaphore, #tpu.memory_space<semaphore_mem>> -> memref<!tpu.dma_semaphore, #tpu.memory_space<semaphore_mem>>
      tpu.wait_indirect_dma semaphore(%dma_wait3A_351 : memref<!tpu.dma_semaphore, #tpu.memory_space<semaphore_mem>>) src(%dma_wait3A_349 : memref<10000x64xf32, #tpu.memory_space<hbm>>) dst(%dma_wait3A_343 : memref<80x64xf32, #tpu.memory_space<vmem>>)
      %dma_start3A_352 = arith.constant 3 : i32
      %dma_start3A_353 = arith.constant 3 : i32
      %dma_start3A_354 = arith.constant 0 : i32
      %dma_start3A_355 = arith.constant 0 : i32
      %dma_start3A_356 = tpu.memref_slice %arg7[%dma_start3A_352, %dma_start3A_354, %dma_start3A_355] : memref<5x80x64xf32, #tpu.memory_space<vmem>> -> memref<1x80x64xf32, #tpu.memory_space<vmem>>
      %dma_start3A_357 = tpu.memref_squeeze %dma_start3A_356 : memref<1x80x64xf32, #tpu.memory_space<vmem>> -> memref<80x64xf32, #tpu.memory_space<vmem>>
      %dma_start3A_358 = arith.constant 0 : i32
      %dma_start3A_359 = tpu.memref_slice %arg6[%add3A_337, %dma_start3A_358] : memref<125x80xi32, #tpu.memory_space<vmem>> -> memref<1x80xi32, #tpu.memory_space<vmem>>
      %dma_start3A_360 = tpu.memref_squeeze %dma_start3A_359 : memref<1x80xi32, #tpu.memory_space<vmem>> -> memref<80xi32, #tpu.memory_space<vmem>>
      %dma_start3A_361 = arith.constant 0 : i32
      %dma_start3A_362 = arith.constant 0 : i32
      %dma_start3A_363 = tpu.memref_slice %arg8[%dma_start3A_361, %dma_start3A_362] : memref<10000x64xf32, #tpu.memory_space<vmem_shared>> -> memref<10000x64xf32, #tpu.memory_space<vmem_shared>>
      %dma_start3A_364 = tpu.memref_slice %arg10[%dma_start3A_353] : memref<5x!tpu.dma_semaphore, #tpu.memory_space<semaphore_mem>> -> memref<1x!tpu.dma_semaphore, #tpu.memory_space<semaphore_mem>>
      %dma_start3A_365 = tpu.memref_squeeze %dma_start3A_364 : memref<1x!tpu.dma_semaphore, #tpu.memory_space<semaphore_mem>> -> memref<!tpu.dma_semaphore, #tpu.memory_space<semaphore_mem>>
      tpu.enqueue_indirect_dma source(%dma_start3A_357 : memref<80x64xf32, #tpu.memory_space<vmem>>) target(%dma_start3A_363 : memref<10000x64xf32, #tpu.memory_space<vmem_shared>>) offsets(%dma_start3A_360 : memref<80xi32, #tpu.memory_space<vmem>>) semaphore(%dma_start3A_365 : memref<!tpu.dma_semaphore, #tpu.memory_space<semaphore_mem>>) {add = true}
      %add3A_366 = arith.constant 5 : i32
      %add3A_367 = arith.addi %add3A_337, %add3A_366 : i32
      %sub3A_368 = arith.constant 2 : i32
      %sub3A_369 = arith.subi %add3A_367, %sub3A_368 : i32
      %ge3A_370 = arith.constant 5 : i32
      %ge3A_371 = arith.cmpi sge, %sub3A_369, %ge3A_370 : i32
      %lt3A_372 = arith.constant 125 : i32
      %lt3A_373 = arith.cmpi slt, %sub3A_369, %lt3A_372 : i32
      %and3A_374 = arith.andi %ge3A_371, %lt3A_373 : i1
      %convert_element_type3A_375 = arith.extui %and3A_374 : i1 to i32
      %cond3A_376 = arith.constant 0 : i32
      %cond3A_377 = arith.cmpi ne, %convert_element_type3A_375, %cond3A_376 : i32
      scf.if %cond3A_377 {
        %sub3A_422 = arith.constant 5 : i32
        %sub3A_423 = arith.subi %sub3A_369, %sub3A_422 : i32
        %dma_wait3A_424 = arith.constant 1 : i32
        %dma_wait3A_425 = arith.constant 1 : i32
        %dma_wait3A_426 = arith.constant 0 : i32
        %dma_wait3A_427 = arith.constant 0 : i32
        %dma_wait3A_428 = tpu.memref_slice %arg7[%dma_wait3A_424, %dma_wait3A_426, %dma_wait3A_427] : memref<5x80x64xf32, #tpu.memory_space<vmem>> -> memref<1x80x64xf32, #tpu.memory_space<vmem>>
        %dma_wait3A_429 = tpu.memref_squeeze %dma_wait3A_428 : memref<1x80x64xf32, #tpu.memory_space<vmem>> -> memref<80x64xf32, #tpu.memory_space<vmem>>
        %dma_wait3A_430 = arith.constant 0 : i32
        %dma_wait3A_431 = tpu.memref_slice %arg6[%sub3A_423, %dma_wait3A_430] : memref<125x80xi32, #tpu.memory_space<vmem>> -> memref<1x80xi32, #tpu.memory_space<vmem>>
        %dma_wait3A_432 = tpu.memref_squeeze %dma_wait3A_431 : memref<1x80xi32, #tpu.memory_space<vmem>> -> memref<80xi32, #tpu.memory_space<vmem>>
        %dma_wait3A_433 = arith.constant 0 : i32
        %dma_wait3A_434 = arith.constant 0 : i32
        %dma_wait3A_435 = tpu.memref_slice %arg8[%dma_wait3A_433, %dma_wait3A_434] : memref<10000x64xf32, #tpu.memory_space<vmem_shared>> -> memref<10000x64xf32, #tpu.memory_space<vmem_shared>>
        %dma_wait3A_436 = tpu.memref_slice %arg10[%dma_wait3A_425] : memref<5x!tpu.dma_semaphore, #tpu.memory_space<semaphore_mem>> -> memref<1x!tpu.dma_semaphore, #tpu.memory_space<semaphore_mem>>
        %dma_wait3A_437 = tpu.memref_squeeze %dma_wait3A_436 : memref<1x!tpu.dma_semaphore, #tpu.memory_space<semaphore_mem>> -> memref<!tpu.dma_semaphore, #tpu.memory_space<semaphore_mem>>
        tpu.wait_indirect_dma semaphore(%dma_wait3A_437 : memref<!tpu.dma_semaphore, #tpu.memory_space<semaphore_mem>>) src(%dma_wait3A_429 : memref<80x64xf32, #tpu.memory_space<vmem>>) dst(%dma_wait3A_435 : memref<10000x64xf32, #tpu.memory_space<vmem_shared>>)
        %dma_start3A_438 = arith.constant 1 : i32
        %dma_start3A_439 = arith.constant 1 : i32
        %dma_start3A_440 = arith.constant 0 : i32
        %dma_start3A_441 = arith.constant 0 : i32
        %dma_start3A_442 = tpu.memref_slice %arg7[%dma_start3A_438, %dma_start3A_440, %dma_start3A_441] : memref<5x80x64xf32, #tpu.memory_space<vmem>> -> memref<1x80x64xf32, #tpu.memory_space<vmem>>
        %dma_start3A_443 = tpu.memref_squeeze %dma_start3A_442 : memref<1x80x64xf32, #tpu.memory_space<vmem>> -> memref<80x64xf32, #tpu.memory_space<vmem>>
        %dma_start3A_444 = arith.constant 0 : i32
        %dma_start3A_445 = tpu.memref_slice %arg5[%sub3A_369, %dma_start3A_444] : memref<125x80xi32, #tpu.memory_space<vmem>> -> memref<1x80xi32, #tpu.memory_space<vmem>>
        %dma_start3A_446 = tpu.memref_squeeze %dma_start3A_445 : memref<1x80xi32, #tpu.memory_space<vmem>> -> memref<80xi32, #tpu.memory_space<vmem>>
        %dma_start3A_447 = arith.constant 0 : i32
        %dma_start3A_448 = arith.constant 0 : i32
        %dma_start3A_449 = tpu.memref_slice %arg2[%dma_start3A_447, %dma_start3A_448] : memref<10000x64xf32, #tpu.memory_space<hbm>> -> memref<10000x64xf32, #tpu.memory_space<hbm>>
        %dma_start3A_450 = tpu.memref_slice %arg9[%dma_start3A_439] : memref<5x!tpu.dma_semaphore, #tpu.memory_space<semaphore_mem>> -> memref<1x!tpu.dma_semaphore, #tpu.memory_space<semaphore_mem>>
        %dma_start3A_451 = tpu.memref_squeeze %dma_start3A_450 : memref<1x!tpu.dma_semaphore, #tpu.memory_space<semaphore_mem>> -> memref<!tpu.dma_semaphore, #tpu.memory_space<semaphore_mem>>
        tpu.enqueue_indirect_dma source(%dma_start3A_449 : memref<10000x64xf32, #tpu.memory_space<hbm>>) target(%dma_start3A_443 : memref<80x64xf32, #tpu.memory_space<vmem>>) offsets(%dma_start3A_446 : memref<80xi32, #tpu.memory_space<vmem>>) semaphore(%dma_start3A_451 : memref<!tpu.dma_semaphore, #tpu.memory_space<semaphore_mem>>)
      } else {
      }
      %mul3A_378 = arith.constant 5 : i32
      %mul3A_379 = arith.muli %scan3A_207, %mul3A_378 : i32
      %add3A_380 = arith.constant 4 : i32
      %add3A_381 = arith.addi %mul3A_379, %add3A_380 : i32
      %dma_wait3A_382 = arith.constant 4 : i32
      %dma_wait3A_383 = arith.constant 4 : i32
      %dma_wait3A_384 = arith.constant 0 : i32
      %dma_wait3A_385 = arith.constant 0 : i32
      %dma_wait3A_386 = tpu.memref_slice %arg7[%dma_wait3A_382, %dma_wait3A_384, %dma_wait3A_385] : memref<5x80x64xf32, #tpu.memory_space<vmem>> -> memref<1x80x64xf32, #tpu.memory_space<vmem>>
      %dma_wait3A_387 = tpu.memref_squeeze %dma_wait3A_386 : memref<1x80x64xf32, #tpu.memory_space<vmem>> -> memref<80x64xf32, #tpu.memory_space<vmem>>
      %dma_wait3A_388 = arith.constant 0 : i32
      %dma_wait3A_389 = tpu.memref_slice %arg5[%add3A_381, %dma_wait3A_388] : memref<125x80xi32, #tpu.memory_space<vmem>> -> memref<1x80xi32, #tpu.memory_space<vmem>>
      %dma_wait3A_390 = tpu.memref_squeeze %dma_wait3A_389 : memref<1x80xi32, #tpu.memory_space<vmem>> -> memref<80xi32, #tpu.memory_space<vmem>>
      %dma_wait3A_391 = arith.constant 0 : i32
      %dma_wait3A_392 = arith.constant 0 : i32
      %dma_wait3A_393 = tpu.memref_slice %arg2[%dma_wait3A_391, %dma_wait3A_392] : memref<10000x64xf32, #tpu.memory_space<hbm>> -> memref<10000x64xf32, #tpu.memory_space<hbm>>
      %dma_wait3A_394 = tpu.memref_slice %arg9[%dma_wait3A_383] : memref<5x!tpu.dma_semaphore, #tpu.memory_space<semaphore_mem>> -> memref<1x!tpu.dma_semaphore, #tpu.memory_space<semaphore_mem>>
      %dma_wait3A_395 = tpu.memref_squeeze %dma_wait3A_394 : memref<1x!tpu.dma_semaphore, #tpu.memory_space<semaphore_mem>> -> memref<!tpu.dma_semaphore, #tpu.memory_space<semaphore_mem>>
      tpu.wait_indirect_dma semaphore(%dma_wait3A_395 : memref<!tpu.dma_semaphore, #tpu.memory_space<semaphore_mem>>) src(%dma_wait3A_393 : memref<10000x64xf32, #tpu.memory_space<hbm>>) dst(%dma_wait3A_387 : memref<80x64xf32, #tpu.memory_space<vmem>>)
      %dma_start3A_396 = arith.constant 4 : i32
      %dma_start3A_397 = arith.constant 4 : i32
      %dma_start3A_398 = arith.constant 0 : i32
      %dma_start3A_399 = arith.constant 0 : i32
      %dma_start3A_400 = tpu.memref_slice %arg7[%dma_start3A_396, %dma_start3A_398, %dma_start3A_399] : memref<5x80x64xf32, #tpu.memory_space<vmem>> -> memref<1x80x64xf32, #tpu.memory_space<vmem>>
      %dma_start3A_401 = tpu.memref_squeeze %dma_start3A_400 : memref<1x80x64xf32, #tpu.memory_space<vmem>> -> memref<80x64xf32, #tpu.memory_space<vmem>>
      %dma_start3A_402 = arith.constant 0 : i32
      %dma_start3A_403 = tpu.memref_slice %arg6[%add3A_381, %dma_start3A_402] : memref<125x80xi32, #tpu.memory_space<vmem>> -> memref<1x80xi32, #tpu.memory_space<vmem>>
      %dma_start3A_404 = tpu.memref_squeeze %dma_start3A_403 : memref<1x80xi32, #tpu.memory_space<vmem>> -> memref<80xi32, #tpu.memory_space<vmem>>
      %dma_start3A_405 = arith.constant 0 : i32
      %dma_start3A_406 = arith.constant 0 : i32
      %dma_start3A_407 = tpu.memref_slice %arg8[%dma_start3A_405, %dma_start3A_406] : memref<10000x64xf32, #tpu.memory_space<vmem_shared>> -> memref<10000x64xf32, #tpu.memory_space<vmem_shared>>
      %dma_start3A_408 = tpu.memref_slice %arg10[%dma_start3A_397] : memref<5x!tpu.dma_semaphore, #tpu.memory_space<semaphore_mem>> -> memref<1x!tpu.dma_semaphore, #tpu.memory_space<semaphore_mem>>
      %dma_start3A_409 = tpu.memref_squeeze %dma_start3A_408 : memref<1x!tpu.dma_semaphore, #tpu.memory_space<semaphore_mem>> -> memref<!tpu.dma_semaphore, #tpu.memory_space<semaphore_mem>>
      tpu.enqueue_indirect_dma source(%dma_start3A_401 : memref<80x64xf32, #tpu.memory_space<vmem>>) target(%dma_start3A_407 : memref<10000x64xf32, #tpu.memory_space<vmem_shared>>) offsets(%dma_start3A_404 : memref<80xi32, #tpu.memory_space<vmem>>) semaphore(%dma_start3A_409 : memref<!tpu.dma_semaphore, #tpu.memory_space<semaphore_mem>>) {add = true}
      %add3A_410 = arith.constant 5 : i32
      %add3A_411 = arith.addi %add3A_381, %add3A_410 : i32
      %sub3A_412 = arith.constant 2 : i32
      %sub3A_413 = arith.subi %add3A_411, %sub3A_412 : i32
      %ge3A_414 = arith.constant 5 : i32
      %ge3A_415 = arith.cmpi sge, %sub3A_413, %ge3A_414 : i32
      %lt3A_416 = arith.constant 125 : i32
      %lt3A_417 = arith.cmpi slt, %sub3A_413, %lt3A_416 : i32
      %and3A_418 = arith.andi %ge3A_415, %lt3A_417 : i1
      %convert_element_type3A_419 = arith.extui %and3A_418 : i1 to i32
      %cond3A_420 = arith.constant 0 : i32
      %cond3A_421 = arith.cmpi ne, %convert_element_type3A_419, %cond3A_420 : i32
      scf.if %cond3A_421 {
        %sub3A_422 = arith.constant 5 : i32
        %sub3A_423 = arith.subi %sub3A_413, %sub3A_422 : i32
        %dma_wait3A_424 = arith.constant 2 : i32
        %dma_wait3A_425 = arith.constant 2 : i32
        %dma_wait3A_426 = arith.constant 0 : i32
        %dma_wait3A_427 = arith.constant 0 : i32
        %dma_wait3A_428 = tpu.memref_slice %arg7[%dma_wait3A_424, %dma_wait3A_426, %dma_wait3A_427] : memref<5x80x64xf32, #tpu.memory_space<vmem>> -> memref<1x80x64xf32, #tpu.memory_space<vmem>>
        %dma_wait3A_429 = tpu.memref_squeeze %dma_wait3A_428 : memref<1x80x64xf32, #tpu.memory_space<vmem>> -> memref<80x64xf32, #tpu.memory_space<vmem>>
        %dma_wait3A_430 = arith.constant 0 : i32
        %dma_wait3A_431 = tpu.memref_slice %arg6[%sub3A_423, %dma_wait3A_430] : memref<125x80xi32, #tpu.memory_space<vmem>> -> memref<1x80xi32, #tpu.memory_space<vmem>>
        %dma_wait3A_432 = tpu.memref_squeeze %dma_wait3A_431 : memref<1x80xi32, #tpu.memory_space<vmem>> -> memref<80xi32, #tpu.memory_space<vmem>>
        %dma_wait3A_433 = arith.constant 0 : i32
        %dma_wait3A_434 = arith.constant 0 : i32
        %dma_wait3A_435 = tpu.memref_slice %arg8[%dma_wait3A_433, %dma_wait3A_434] : memref<10000x64xf32, #tpu.memory_space<vmem_shared>> -> memref<10000x64xf32, #tpu.memory_space<vmem_shared>>
        %dma_wait3A_436 = tpu.memref_slice %arg10[%dma_wait3A_425] : memref<5x!tpu.dma_semaphore, #tpu.memory_space<semaphore_mem>> -> memref<1x!tpu.dma_semaphore, #tpu.memory_space<semaphore_mem>>
        %dma_wait3A_437 = tpu.memref_squeeze %dma_wait3A_436 : memref<1x!tpu.dma_semaphore, #tpu.memory_space<semaphore_mem>> -> memref<!tpu.dma_semaphore, #tpu.memory_space<semaphore_mem>>
        tpu.wait_indirect_dma semaphore(%dma_wait3A_437 : memref<!tpu.dma_semaphore, #tpu.memory_space<semaphore_mem>>) src(%dma_wait3A_429 : memref<80x64xf32, #tpu.memory_space<vmem>>) dst(%dma_wait3A_435 : memref<10000x64xf32, #tpu.memory_space<vmem_shared>>)
        %dma_start3A_438 = arith.constant 2 : i32
        %dma_start3A_439 = arith.constant 2 : i32
        %dma_start3A_440 = arith.constant 0 : i32
        %dma_start3A_441 = arith.constant 0 : i32
        %dma_start3A_442 = tpu.memref_slice %arg7[%dma_start3A_438, %dma_start3A_440, %dma_start3A_441] : memref<5x80x64xf32, #tpu.memory_space<vmem>> -> memref<1x80x64xf32, #tpu.memory_space<vmem>>
        %dma_start3A_443 = tpu.memref_squeeze %dma_start3A_442 : memref<1x80x64xf32, #tpu.memory_space<vmem>> -> memref<80x64xf32, #tpu.memory_space<vmem>>
        %dma_start3A_444 = arith.constant 0 : i32
        %dma_start3A_445 = tpu.memref_slice %arg5[%sub3A_413, %dma_start3A_444] : memref<125x80xi32, #tpu.memory_space<vmem>> -> memref<1x80xi32, #tpu.memory_space<vmem>>
        %dma_start3A_446 = tpu.memref_squeeze %dma_start3A_445 : memref<1x80xi32, #tpu.memory_space<vmem>> -> memref<80xi32, #tpu.memory_space<vmem>>
        %dma_start3A_447 = arith.constant 0 : i32
        %dma_start3A_448 = arith.constant 0 : i32
        %dma_start3A_449 = tpu.memref_slice %arg2[%dma_start3A_447, %dma_start3A_448] : memref<10000x64xf32, #tpu.memory_space<hbm>> -> memref<10000x64xf32, #tpu.memory_space<hbm>>
        %dma_start3A_450 = tpu.memref_slice %arg9[%dma_start3A_439] : memref<5x!tpu.dma_semaphore, #tpu.memory_space<semaphore_mem>> -> memref<1x!tpu.dma_semaphore, #tpu.memory_space<semaphore_mem>>
        %dma_start3A_451 = tpu.memref_squeeze %dma_start3A_450 : memref<1x!tpu.dma_semaphore, #tpu.memory_space<semaphore_mem>> -> memref<!tpu.dma_semaphore, #tpu.memory_space<semaphore_mem>>
        tpu.enqueue_indirect_dma source(%dma_start3A_449 : memref<10000x64xf32, #tpu.memory_space<hbm>>) target(%dma_start3A_443 : memref<80x64xf32, #tpu.memory_space<vmem>>) offsets(%dma_start3A_446 : memref<80xi32, #tpu.memory_space<vmem>>) semaphore(%dma_start3A_451 : memref<!tpu.dma_semaphore, #tpu.memory_space<semaphore_mem>>)
      } else {
      }
    }
    %scan3A_127 = arith.constant 25 : i32
    %dma_wait3A = arith.constant 0 : i32
    %dma_wait3A_128 = arith.constant 120 : i32
    %dma_wait3A_129 = arith.constant 0 : i32
    %dma_wait3A_130 = arith.constant 0 : i32
    %dma_wait3A_131 = arith.constant 0 : i32
    %dma_wait3A_132 = tpu.memref_slice %arg7[%dma_wait3A, %dma_wait3A_130, %dma_wait3A_131] : memref<5x80x64xf32, #tpu.memory_space<vmem>> -> memref<1x80x64xf32, #tpu.memory_space<vmem>>
    %dma_wait3A_133 = tpu.memref_squeeze %dma_wait3A_132 : memref<1x80x64xf32, #tpu.memory_space<vmem>> -> memref<80x64xf32, #tpu.memory_space<vmem>>
    %dma_wait3A_134 = arith.constant 0 : i32
    %dma_wait3A_135 = tpu.memref_slice %arg6[%dma_wait3A_128, %dma_wait3A_134] : memref<125x80xi32, #tpu.memory_space<vmem>> -> memref<1x80xi32, #tpu.memory_space<vmem>>
    %dma_wait3A_136 = tpu.memref_squeeze %dma_wait3A_135 : memref<1x80xi32, #tpu.memory_space<vmem>> -> memref<80xi32, #tpu.memory_space<vmem>>
    %dma_wait3A_137 = arith.constant 0 : i32
    %dma_wait3A_138 = arith.constant 0 : i32
    %dma_wait3A_139 = tpu.memref_slice %arg8[%dma_wait3A_137, %dma_wait3A_138] : memref<10000x64xf32, #tpu.memory_space<vmem_shared>> -> memref<10000x64xf32, #tpu.memory_space<vmem_shared>>
    %dma_wait3A_140 = tpu.memref_slice %arg10[%dma_wait3A_129] : memref<5x!tpu.dma_semaphore, #tpu.memory_space<semaphore_mem>> -> memref<1x!tpu.dma_semaphore, #tpu.memory_space<semaphore_mem>>
    %dma_wait3A_141 = tpu.memref_squeeze %dma_wait3A_140 : memref<1x!tpu.dma_semaphore, #tpu.memory_space<semaphore_mem>> -> memref<!tpu.dma_semaphore, #tpu.memory_space<semaphore_mem>>
    tpu.wait_indirect_dma semaphore(%dma_wait3A_141 : memref<!tpu.dma_semaphore, #tpu.memory_space<semaphore_mem>>) src(%dma_wait3A_133 : memref<80x64xf32, #tpu.memory_space<vmem>>) dst(%dma_wait3A_139 : memref<10000x64xf32, #tpu.memory_space<vmem_shared>>)
    %dma_wait3A_142 = arith.constant 1 : i32
    %dma_wait3A_143 = arith.constant 121 : i32
    %dma_wait3A_144 = arith.constant 1 : i32
    %dma_wait3A_145 = arith.constant 0 : i32
    %dma_wait3A_146 = arith.constant 0 : i32
    %dma_wait3A_147 = tpu.memref_slice %arg7[%dma_wait3A_142, %dma_wait3A_145, %dma_wait3A_146] : memref<5x80x64xf32, #tpu.memory_space<vmem>> -> memref<1x80x64xf32, #tpu.memory_space<vmem>>
    %dma_wait3A_148 = tpu.memref_squeeze %dma_wait3A_147 : memref<1x80x64xf32, #tpu.memory_space<vmem>> -> memref<80x64xf32, #tpu.memory_space<vmem>>
    %dma_wait3A_149 = arith.constant 0 : i32
    %dma_wait3A_150 = tpu.memref_slice %arg6[%dma_wait3A_143, %dma_wait3A_149] : memref<125x80xi32, #tpu.memory_space<vmem>> -> memref<1x80xi32, #tpu.memory_space<vmem>>
    %dma_wait3A_151 = tpu.memref_squeeze %dma_wait3A_150 : memref<1x80xi32, #tpu.memory_space<vmem>> -> memref<80xi32, #tpu.memory_space<vmem>>
    %dma_wait3A_152 = arith.constant 0 : i32
    %dma_wait3A_153 = arith.constant 0 : i32
    %dma_wait3A_154 = tpu.memref_slice %arg8[%dma_wait3A_152, %dma_wait3A_153] : memref<10000x64xf32, #tpu.memory_space<vmem_shared>> -> memref<10000x64xf32, #tpu.memory_space<vmem_shared>>
    %dma_wait3A_155 = tpu.memref_slice %arg10[%dma_wait3A_144] : memref<5x!tpu.dma_semaphore, #tpu.memory_space<semaphore_mem>> -> memref<1x!tpu.dma_semaphore, #tpu.memory_space<semaphore_mem>>
    %dma_wait3A_156 = tpu.memref_squeeze %dma_wait3A_155 : memref<1x!tpu.dma_semaphore, #tpu.memory_space<semaphore_mem>> -> memref<!tpu.dma_semaphore, #tpu.memory_space<semaphore_mem>>
    tpu.wait_indirect_dma semaphore(%dma_wait3A_156 : memref<!tpu.dma_semaphore, #tpu.memory_space<semaphore_mem>>) src(%dma_wait3A_148 : memref<80x64xf32, #tpu.memory_space<vmem>>) dst(%dma_wait3A_154 : memref<10000x64xf32, #tpu.memory_space<vmem_shared>>)
    %dma_wait3A_157 = arith.constant 2 : i32
    %dma_wait3A_158 = arith.constant 122 : i32
    %dma_wait3A_159 = arith.constant 2 : i32
    %dma_wait3A_160 = arith.constant 0 : i32
    %dma_wait3A_161 = arith.constant 0 : i32
    %dma_wait3A_162 = tpu.memref_slice %arg7[%dma_wait3A_157, %dma_wait3A_160, %dma_wait3A_161] : memref<5x80x64xf32, #tpu.memory_space<vmem>> -> memref<1x80x64xf32, #tpu.memory_space<vmem>>
    %dma_wait3A_163 = tpu.memref_squeeze %dma_wait3A_162 : memref<1x80x64xf32, #tpu.memory_space<vmem>> -> memref<80x64xf32, #tpu.memory_space<vmem>>
    %dma_wait3A_164 = arith.constant 0 : i32
    %dma_wait3A_165 = tpu.memref_slice %arg6[%dma_wait3A_158, %dma_wait3A_164] : memref<125x80xi32, #tpu.memory_space<vmem>> -> memref<1x80xi32, #tpu.memory_space<vmem>>
    %dma_wait3A_166 = tpu.memref_squeeze %dma_wait3A_165 : memref<1x80xi32, #tpu.memory_space<vmem>> -> memref<80xi32, #tpu.memory_space<vmem>>
    %dma_wait3A_167 = arith.constant 0 : i32
    %dma_wait3A_168 = arith.constant 0 : i32
    %dma_wait3A_169 = tpu.memref_slice %arg8[%dma_wait3A_167, %dma_wait3A_168] : memref<10000x64xf32, #tpu.memory_space<vmem_shared>> -> memref<10000x64xf32, #tpu.memory_space<vmem_shared>>
    %dma_wait3A_170 = tpu.memref_slice %arg10[%dma_wait3A_159] : memref<5x!tpu.dma_semaphore, #tpu.memory_space<semaphore_mem>> -> memref<1x!tpu.dma_semaphore, #tpu.memory_space<semaphore_mem>>
    %dma_wait3A_171 = tpu.memref_squeeze %dma_wait3A_170 : memref<1x!tpu.dma_semaphore, #tpu.memory_space<semaphore_mem>> -> memref<!tpu.dma_semaphore, #tpu.memory_space<semaphore_mem>>
    tpu.wait_indirect_dma semaphore(%dma_wait3A_171 : memref<!tpu.dma_semaphore, #tpu.memory_space<semaphore_mem>>) src(%dma_wait3A_163 : memref<80x64xf32, #tpu.memory_space<vmem>>) dst(%dma_wait3A_169 : memref<10000x64xf32, #tpu.memory_space<vmem_shared>>)
    %dma_wait3A_172 = arith.constant 3 : i32
    %dma_wait3A_173 = arith.constant 123 : i32
    %dma_wait3A_174 = arith.constant 3 : i32
    %dma_wait3A_175 = arith.constant 0 : i32
    %dma_wait3A_176 = arith.constant 0 : i32
    %dma_wait3A_177 = tpu.memref_slice %arg7[%dma_wait3A_172, %dma_wait3A_175, %dma_wait3A_176] : memref<5x80x64xf32, #tpu.memory_space<vmem>> -> memref<1x80x64xf32, #tpu.memory_space<vmem>>
    %dma_wait3A_178 = tpu.memref_squeeze %dma_wait3A_177 : memref<1x80x64xf32, #tpu.memory_space<vmem>> -> memref<80x64xf32, #tpu.memory_space<vmem>>
    %dma_wait3A_179 = arith.constant 0 : i32
    %dma_wait3A_180 = tpu.memref_slice %arg6[%dma_wait3A_173, %dma_wait3A_179] : memref<125x80xi32, #tpu.memory_space<vmem>> -> memref<1x80xi32, #tpu.memory_space<vmem>>
    %dma_wait3A_181 = tpu.memref_squeeze %dma_wait3A_180 : memref<1x80xi32, #tpu.memory_space<vmem>> -> memref<80xi32, #tpu.memory_space<vmem>>
    %dma_wait3A_182 = arith.constant 0 : i32
    %dma_wait3A_183 = arith.constant 0 : i32
    %dma_wait3A_184 = tpu.memref_slice %arg8[%dma_wait3A_182, %dma_wait3A_183] : memref<10000x64xf32, #tpu.memory_space<vmem_shared>> -> memref<10000x64xf32, #tpu.memory_space<vmem_shared>>
    %dma_wait3A_185 = tpu.memref_slice %arg10[%dma_wait3A_174] : memref<5x!tpu.dma_semaphore, #tpu.memory_space<semaphore_mem>> -> memref<1x!tpu.dma_semaphore, #tpu.memory_space<semaphore_mem>>
    %dma_wait3A_186 = tpu.memref_squeeze %dma_wait3A_185 : memref<1x!tpu.dma_semaphore, #tpu.memory_space<semaphore_mem>> -> memref<!tpu.dma_semaphore, #tpu.memory_space<semaphore_mem>>
    tpu.wait_indirect_dma semaphore(%dma_wait3A_186 : memref<!tpu.dma_semaphore, #tpu.memory_space<semaphore_mem>>) src(%dma_wait3A_178 : memref<80x64xf32, #tpu.memory_space<vmem>>) dst(%dma_wait3A_184 : memref<10000x64xf32, #tpu.memory_space<vmem_shared>>)
    %dma_wait3A_187 = arith.constant 4 : i32
    %dma_wait3A_188 = arith.constant 124 : i32
    %dma_wait3A_189 = arith.constant 4 : i32
    %dma_wait3A_190 = arith.constant 0 : i32
    %dma_wait3A_191 = arith.constant 0 : i32
    %dma_wait3A_192 = tpu.memref_slice %arg7[%dma_wait3A_187, %dma_wait3A_190, %dma_wait3A_191] : memref<5x80x64xf32, #tpu.memory_space<vmem>> -> memref<1x80x64xf32, #tpu.memory_space<vmem>>
    %dma_wait3A_193 = tpu.memref_squeeze %dma_wait3A_192 : memref<1x80x64xf32, #tpu.memory_space<vmem>> -> memref<80x64xf32, #tpu.memory_space<vmem>>
    %dma_wait3A_194 = arith.constant 0 : i32
    %dma_wait3A_195 = tpu.memref_slice %arg6[%dma_wait3A_188, %dma_wait3A_194] : memref<125x80xi32, #tpu.memory_space<vmem>> -> memref<1x80xi32, #tpu.memory_space<vmem>>
    %dma_wait3A_196 = tpu.memref_squeeze %dma_wait3A_195 : memref<1x80xi32, #tpu.memory_space<vmem>> -> memref<80xi32, #tpu.memory_space<vmem>>
    %dma_wait3A_197 = arith.constant 0 : i32
    %dma_wait3A_198 = arith.constant 0 : i32
    %dma_wait3A_199 = tpu.memref_slice %arg8[%dma_wait3A_197, %dma_wait3A_198] : memref<10000x64xf32, #tpu.memory_space<vmem_shared>> -> memref<10000x64xf32, #tpu.memory_space<vmem_shared>>
    %dma_wait3A_200 = tpu.memref_slice %arg10[%dma_wait3A_189] : memref<5x!tpu.dma_semaphore, #tpu.memory_space<semaphore_mem>> -> memref<1x!tpu.dma_semaphore, #tpu.memory_space<semaphore_mem>>
    %dma_wait3A_201 = tpu.memref_squeeze %dma_wait3A_200 : memref<1x!tpu.dma_semaphore, #tpu.memory_space<semaphore_mem>> -> memref<!tpu.dma_semaphore, #tpu.memory_space<semaphore_mem>>
    tpu.wait_indirect_dma semaphore(%dma_wait3A_201 : memref<!tpu.dma_semaphore, #tpu.memory_space<semaphore_mem>>) src(%dma_wait3A_193 : memref<80x64xf32, #tpu.memory_space<vmem>>) dst(%dma_wait3A_199 : memref<10000x64xf32, #tpu.memory_space<vmem_shared>>)
    %barrier3A_202 = arith.constant 0 : index
    tpu.barrier barrier_id(%barrier3A_202)
    %mul3A_203 = arith.constant 625 : i32
    %mul3A_204 = arith.muli %arg1, %mul3A_203 : i32
    %mul3A_205 = arith.constant 625 : i32
    %mul3A_206 = arith.muli %arg1, %mul3A_205 : i32
    "tpu.region"() ({
      %run_scoped3A_207 = tpu.sem_alloc : memref<!tpu.dma_semaphore, #tpu.memory_space<semaphore_mem>>
      %dma_start3A_208 = arith.constant 0 : i32
      %dma_start3A_209 = arith.constant 0 : i32
      %dma_start3A_210 = tpu.memref_slice %arg4[%arg0, %dma_start3A_208, %dma_start3A_209] : memref<2x10000x64xf32, #tpu.memory_space<hbm>> -> memref<1x10000x64xf32, #tpu.memory_space<hbm>>
      %dma_start3A_211 = tpu.memref_squeeze %dma_start3A_210 : memref<1x10000x64xf32, #tpu.memory_space<hbm>> -> memref<10000x64xf32, #tpu.memory_space<hbm>>
      %dma_start3A_212 = arith.constant 0 : i32
      %dma_start3A_213 = tpu.memref_slice %dma_start3A_211[%mul3A_206, %dma_start3A_212] : memref<10000x64xf32, #tpu.memory_space<hbm>> -> memref<625x64xf32, #tpu.memory_space<hbm>>
      %dma_start3A_214 = arith.constant 0 : i32
      %dma_start3A_215 = tpu.memref_slice %arg8[%mul3A_204, %dma_start3A_214] : memref<10000x64xf32, #tpu.memory_space<vmem_shared>> -> memref<625x64xf32, #tpu.memory_space<vmem_shared>>
      tpu.enqueue_dma source(%dma_start3A_215 : memref<625x64xf32, #tpu.memory_space<vmem_shared>>) target(%dma_start3A_213 : memref<625x64xf32, #tpu.memory_space<hbm>>) target_semaphore(%run_scoped3A_207 : memref<!tpu.dma_semaphore, #tpu.memory_space<semaphore_mem>>)
      %dma_wait3A_216 = arith.constant 0 : i32
      %dma_wait3A_217 = arith.constant 0 : i32
      %dma_wait3A_218 = tpu.memref_slice %arg4[%arg0, %dma_wait3A_216, %dma_wait3A_217] : memref<2x10000x64xf32, #tpu.memory_space<hbm>> -> memref<1x10000x64xf32, #tpu.memory_space<hbm>>
      %dma_wait3A_219 = tpu.memref_squeeze %dma_wait3A_218 : memref<1x10000x64xf32, #tpu.memory_space<hbm>> -> memref<10000x64xf32, #tpu.memory_space<hbm>>
      %dma_wait3A_220 = arith.constant 0 : i32
      %dma_wait3A_221 = tpu.memref_slice %dma_wait3A_219[%mul3A_206, %dma_wait3A_220] : memref<10000x64xf32, #tpu.memory_space<hbm>> -> memref<625x64xf32, #tpu.memory_space<hbm>>
      %dma_wait3A_222 = arith.constant 0 : i32
      %dma_wait3A_223 = tpu.memref_slice %arg8[%mul3A_204, %dma_wait3A_222] : memref<10000x64xf32, #tpu.memory_space<vmem_shared>> -> memref<625x64xf32, #tpu.memory_space<vmem_shared>>
      tpu.wait_dma2 semaphore(%run_scoped3A_207 : memref<!tpu.dma_semaphore, #tpu.memory_space<semaphore_mem>>) src(%dma_wait3A_223 : memref<625x64xf32, #tpu.memory_space<vmem_shared>>) dst(%dma_wait3A_221 : memref<625x64xf32, #tpu.memory_space<hbm>>)
      tpu.yield
    }) : () -> ()
    return
  }
}

#map = affine_map<(d0, d1) -> (0, 0)>
#map1 = affine_map<(d0, d1) -> (0, 0, 0, 0)>
#map2 = affine_map<(d0, d1) -> (0, 0, 0)>
module attributes {stable_mosaic.version = 14 : i64} {
  func.func @_agg_kernel(%arg0: i32, %arg1: i32, %arg2: memref<10000x64xf32, #tpu.memory_space<hbm>>, %arg3: memref<2x16x250x80xi32, #tpu.memory_space<hbm>>, %arg4: memref<2x10000x64xf32, #tpu.memory_space<hbm>>, %arg5: memref<125x80xi32, #tpu.memory_space<vmem>>, %arg6: memref<125x80xi32, #tpu.memory_space<vmem>>, %arg7: memref<5x80x64xf32, #tpu.memory_space<vmem>>, %arg8: memref<10000x64xf32, #tpu.memory_space<vmem_shared>>, %arg9: memref<5x!tpu.dma_semaphore, #tpu.memory_space<semaphore_mem>>, %arg10: memref<5x!tpu.dma_semaphore, #tpu.memory_space<semaphore_mem>>) attributes {dimension_semantics = [#tpu.dimension_semantics<core_parallel>, #tpu.dimension_semantics<subcore_parallel>], iteration_bounds = array<i64: 2, 16>, scalar_prefetch = 0 : i64, scratch_operands = 6 : i64, tpu.core_type = #tpu.core_type<sc_vector_subcore>, window_params = [{transform_indices = #map}, {transform_indices = #map1}, {transform_indices = #map2}]} {
    %scan3A = arith.constant 0 : i32
    %scan3A_0 = arith.constant 0 : i32
    %scan3A_1 = arith.constant 80 : i32
    %scan3A_2 = arith.addi %scan3A_0, %scan3A_1 : i32
    %scan3A_3 = arith.constant 1 : i32
    scf.for %scan3A_207 = %scan3A_0 to %scan3A_2 step %scan3A_3  : i32 {
      %broadcast_in_dim3A = arith.constant 0.000000e+00 : f32
      %broadcast_in_dim3A_208 = vector.broadcast %broadcast_in_dim3A : f32 to vector<16xf32>
      %swap3A = arith.constant 0 : i32
      %swap3A_209 = arith.index_cast %swap3A : i32 to index
      %swap3A_210 = arith.index_cast %scan3A_207 : i32 to index
      %swap3A_211 = arith.constant 0 : index
      %swap3A_212 = tpu.vector_load %arg7[%swap3A_209, %swap3A_210, %swap3A_211] {strides = array<i32>} : memref<5x80x64xf32, #tpu.memory_space<vmem>>, vector<1x1x16xf32>,
      %swap3A_213 = vector.shape_cast %swap3A_212 : vector<1x1x16xf32> to vector<16xf32>
      %swap3A_214 = vector.shape_cast %broadcast_in_dim3A_208 : vector<16xf32> to vector<1x1x16xf32>
      tpu.vector_store %arg7[%swap3A_209, %swap3A_210, %swap3A_211], %swap3A_214 {strides = array<i32>} : memref<5x80x64xf32, #tpu.memory_space<vmem>>, vector<1x1x16xf32>,
      %broadcast_in_dim3A_215 = arith.constant 0.000000e+00 : f32
      %broadcast_in_dim3A_216 = vector.broadcast %broadcast_in_dim3A_215 : f32 to vector<16xf32>
      %swap3A_217 = arith.constant 0 : i32
      %swap3A_218 = arith.index_cast %swap3A_217 : i32 to index
      %swap3A_219 = arith.index_cast %scan3A_207 : i32 to index
      %swap3A_220 = arith.constant 16 : index
      %swap3A_221 = tpu.vector_load %arg7[%swap3A_218, %swap3A_219, %swap3A_220] {strides = array<i32>} : memref<5x80x64xf32, #tpu.memory_space<vmem>>, vector<1x1x16xf32>,
      %swap3A_222 = vector.shape_cast %swap3A_221 : vector<1x1x16xf32> to vector<16xf32>
      %swap3A_223 = vector.shape_cast %broadcast_in_dim3A_216 : vector<16xf32> to vector<1x1x16xf32>
      tpu.vector_store %arg7[%swap3A_218, %swap3A_219, %swap3A_220], %swap3A_223 {strides = array<i32>} : memref<5x80x64xf32, #tpu.memory_space<vmem>>, vector<1x1x16xf32>,
      %broadcast_in_dim3A_224 = arith.constant 0.000000e+00 : f32
      %broadcast_in_dim3A_225 = vector.broadcast %broadcast_in_dim3A_224 : f32 to vector<16xf32>
      %swap3A_226 = arith.constant 0 : i32
      %swap3A_227 = arith.index_cast %swap3A_226 : i32 to index
      %swap3A_228 = arith.index_cast %scan3A_207 : i32 to index
      %swap3A_229 = arith.constant 32 : index
      %swap3A_230 = tpu.vector_load %arg7[%swap3A_227, %swap3A_228, %swap3A_229] {strides = array<i32>} : memref<5x80x64xf32, #tpu.memory_space<vmem>>, vector<1x1x16xf32>,
      %swap3A_231 = vector.shape_cast %swap3A_230 : vector<1x1x16xf32> to vector<16xf32>
      %swap3A_232 = vector.shape_cast %broadcast_in_dim3A_225 : vector<16xf32> to vector<1x1x16xf32>
      tpu.vector_store %arg7[%swap3A_227, %swap3A_228, %swap3A_229], %swap3A_232 {strides = array<i32>} : memref<5x80x64xf32, #tpu.memory_space<vmem>>, vector<1x1x16xf32>,
      %broadcast_in_dim3A_233 = arith.constant 0.000000e+00 : f32
      %broadcast_in_dim3A_234 = vector.broadcast %broadcast_in_dim3A_233 : f32 to vector<16xf32>
      %swap3A_235 = arith.constant 0 : i32
      %swap3A_236 = arith.index_cast %swap3A_235 : i32 to index
      %swap3A_237 = arith.index_cast %scan3A_207 : i32 to index
      %swap3A_238 = arith.constant 48 : index
      %swap3A_239 = tpu.vector_load %arg7[%swap3A_236, %swap3A_237, %swap3A_238] {strides = array<i32>} : memref<5x80x64xf32, #tpu.memory_space<vmem>>, vector<1x1x16xf32>,
      %swap3A_240 = vector.shape_cast %swap3A_239 : vector<1x1x16xf32> to vector<16xf32>
      %swap3A_241 = vector.shape_cast %broadcast_in_dim3A_234 : vector<16xf32> to vector<1x1x16xf32>
      tpu.vector_store %arg7[%swap3A_236, %swap3A_237, %swap3A_238], %swap3A_241 {strides = array<i32>} : memref<5x80x64xf32, #tpu.memory_space<vmem>>, vector<1x1x16xf32>,
    }
    %scan3A_4 = arith.constant 80 : i32
    %mul3A = arith.constant 625 : i32
    %mul3A_5 = arith.muli %arg1, %mul3A : i32
    %add3A = arith.constant 0 : i32
    %add3A_6 = arith.addi %mul3A_5, %add3A : i32
    %run_scoped3A = arith.constant 0 : i32
    "tpu.region"() ({
      %run_scoped3A_207 = tpu.sem_alloc : memref<!tpu.dma_semaphore, #tpu.memory_space<semaphore_mem>>
      %dma_start3A_208 = arith.constant 0 : i32
      %dma_start3A_209 = arith.constant 0 : i32
      %dma_start3A_210 = tpu.memref_slice %arg7[%run_scoped3A, %dma_start3A_208, %dma_start3A_209] : memref<5x80x64xf32, #tpu.memory_space<vmem>> -> memref<1x80x64xf32, #tpu.memory_space<vmem>>
      %dma_start3A_211 = tpu.memref_squeeze %dma_start3A_210 : memref<1x80x64xf32, #tpu.memory_space<vmem>> -> memref<80x64xf32, #tpu.memory_space<vmem>>
      %dma_start3A_212 = arith.constant 0 : i32
      %dma_start3A_213 = tpu.memref_slice %arg8[%add3A_6, %dma_start3A_212] : memref<10000x64xf32, #tpu.memory_space<vmem_shared>> -> memref<80x64xf32, #tpu.memory_space<vmem_shared>>
      %dma_start3A_214 = arith.constant 0 : i32
      %dma_start3A_215 = tpu.memref_slice %arg8[%add3A_6, %dma_start3A_214] : memref<10000x64xf32, #tpu.memory_space<vmem_shared>> -> memref<80x64xf32, #tpu.memory_space<vmem_shared>>
      %dma_start3A_216 = arith.constant 0 : i32
      %dma_start3A_217 = arith.constant 0 : i32
      %dma_start3A_218 = tpu.memref_slice %arg7[%run_scoped3A, %dma_start3A_216, %dma_start3A_217] : memref<5x80x64xf32, #tpu.memory_space<vmem>> -> memref<1x80x64xf32, #tpu.memory_space<vmem>>
      %dma_start3A_219 = tpu.memref_squeeze %dma_start3A_218 : memref<1x80x64xf32, #tpu.memory_space<vmem>> -> memref<80x64xf32, #tpu.memory_space<vmem>>
      tpu.enqueue_dma source(%dma_start3A_219 : memref<80x64xf32, #tpu.memory_space<vmem>>) target(%dma_start3A_215 : memref<80x64xf32, #tpu.memory_space<vmem_shared>>) target_semaphore(%run_scoped3A_207 : memref<!tpu.dma_semaphore, #tpu.memory_space<semaphore_mem>>)
      %dma_wait3A_220 = arith.constant 0 : i32
      %dma_wait3A_221 = arith.constant 0 : i32
      %dma_wait3A_222 = tpu.memref_slice %arg7[%run_scoped3A, %dma_wait3A_220, %dma_wait3A_221] : memref<5x80x64xf32, #tpu.memory_space<vmem>> -> memref<1x80x64xf32, #tpu.memory_space<vmem>>
      %dma_wait3A_223 = tpu.memref_squeeze %dma_wait3A_222 : memref<1x80x64xf32, #tpu.memory_space<vmem>> -> memref<80x64xf32, #tpu.memory_space<vmem>>
      %dma_wait3A_224 = arith.constant 0 : i32
      %dma_wait3A_225 = tpu.memref_slice %arg8[%add3A_6, %dma_wait3A_224] : memref<10000x64xf32, #tpu.memory_space<vmem_shared>> -> memref<80x64xf32, #tpu.memory_space<vmem_shared>>
      %dma_wait3A_226 = arith.constant 0 : i32
      %dma_wait3A_227 = tpu.memref_slice %arg8[%add3A_6, %dma_wait3A_226] : memref<10000x64xf32, #tpu.memory_space<vmem_shared>> -> memref<80x64xf32, #tpu.memory_space<vmem_shared>>
      %dma_wait3A_228 = arith.constant 0 : i32
      %dma_wait3A_229 = arith.constant 0 : i32
      %dma_wait3A_230 = tpu.memref_slice %arg7[%run_scoped3A, %dma_wait3A_228, %dma_wait3A_229] : memref<5x80x64xf32, #tpu.memory_space<vmem>> -> memref<1x80x64xf32, #tpu.memory_space<vmem>>
      %dma_wait3A_231 = tpu.memref_squeeze %dma_wait3A_230 : memref<1x80x64xf32, #tpu.memory_space<vmem>> -> memref<80x64xf32, #tpu.memory_space<vmem>>
      tpu.wait_dma2 semaphore(%run_scoped3A_207 : memref<!tpu.dma_semaphore, #tpu.memory_space<semaphore_mem>>) src(%dma_wait3A_231 : memref<80x64xf32, #tpu.memory_space<vmem>>) dst(%dma_wait3A_227 : memref<80x64xf32, #tpu.memory_space<vmem_shared>>)
      tpu.yield
    }) : () -> ()
    %mul3A_7 = arith.constant 625 : i32
    %mul3A_8 = arith.muli %arg1, %mul3A_7 : i32
    %add3A_9 = arith.constant 80 : i32
    %add3A_10 = arith.addi %mul3A_8, %add3A_9 : i32
    %run_scoped3A_11 = arith.constant 0 : i32
    "tpu.region"() ({
      %run_scoped3A_207 = tpu.sem_alloc : memref<!tpu.dma_semaphore, #tpu.memory_space<semaphore_mem>>
      %dma_start3A_208 = arith.constant 0 : i32
      %dma_start3A_209 = arith.constant 0 : i32
      %dma_start3A_210 = tpu.memref_slice %arg7[%run_scoped3A_11, %dma_start3A_208, %dma_start3A_209] : memref<5x80x64xf32, #tpu.memory_space<vmem>> -> memref<1x80x64xf32, #tpu.memory_space<vmem>>
      %dma_start3A_211 = tpu.memref_squeeze %dma_start3A_210 : memref<1x80x64xf32, #tpu.memory_space<vmem>> -> memref<80x64xf32, #tpu.memory_space<vmem>>
      %dma_start3A_212 = arith.constant 0 : i32
      %dma_start3A_213 = tpu.memref_slice %arg8[%add3A_10, %dma_start3A_212] : memref<10000x64xf32, #tpu.memory_space<vmem_shared>> -> memref<80x64xf32, #tpu.memory_space<vmem_shared>>
      %dma_start3A_214 = arith.constant 0 : i32
      %dma_start3A_215 = tpu.memref_slice %arg8[%add3A_10, %dma_start3A_214] : memref<10000x64xf32, #tpu.memory_space<vmem_shared>> -> memref<80x64xf32, #tpu.memory_space<vmem_shared>>
      %dma_start3A_216 = arith.constant 0 : i32
      %dma_start3A_217 = arith.constant 0 : i32
      %dma_start3A_218 = tpu.memref_slice %arg7[%run_scoped3A_11, %dma_start3A_216, %dma_start3A_217] : memref<5x80x64xf32, #tpu.memory_space<vmem>> -> memref<1x80x64xf32, #tpu.memory_space<vmem>>
      %dma_start3A_219 = tpu.memref_squeeze %dma_start3A_218 : memref<1x80x64xf32, #tpu.memory_space<vmem>> -> memref<80x64xf32, #tpu.memory_space<vmem>>
      tpu.enqueue_dma source(%dma_start3A_219 : memref<80x64xf32, #tpu.memory_space<vmem>>) target(%dma_start3A_215 : memref<80x64xf32, #tpu.memory_space<vmem_shared>>) target_semaphore(%run_scoped3A_207 : memref<!tpu.dma_semaphore, #tpu.memory_space<semaphore_mem>>)
      %dma_wait3A_220 = arith.constant 0 : i32
      %dma_wait3A_221 = arith.constant 0 : i32
      %dma_wait3A_222 = tpu.memref_slice %arg7[%run_scoped3A_11, %dma_wait3A_220, %dma_wait3A_221] : memref<5x80x64xf32, #tpu.memory_space<vmem>> -> memref<1x80x64xf32, #tpu.memory_space<vmem>>
      %dma_wait3A_223 = tpu.memref_squeeze %dma_wait3A_222 : memref<1x80x64xf32, #tpu.memory_space<vmem>> -> memref<80x64xf32, #tpu.memory_space<vmem>>
      %dma_wait3A_224 = arith.constant 0 : i32
      %dma_wait3A_225 = tpu.memref_slice %arg8[%add3A_10, %dma_wait3A_224] : memref<10000x64xf32, #tpu.memory_space<vmem_shared>> -> memref<80x64xf32, #tpu.memory_space<vmem_shared>>
      %dma_wait3A_226 = arith.constant 0 : i32
      %dma_wait3A_227 = tpu.memref_slice %arg8[%add3A_10, %dma_wait3A_226] : memref<10000x64xf32, #tpu.memory_space<vmem_shared>> -> memref<80x64xf32, #tpu.memory_space<vmem_shared>>
      %dma_wait3A_228 = arith.constant 0 : i32
      %dma_wait3A_229 = arith.constant 0 : i32
      %dma_wait3A_230 = tpu.memref_slice %arg7[%run_scoped3A_11, %dma_wait3A_228, %dma_wait3A_229] : memref<5x80x64xf32, #tpu.memory_space<vmem>> -> memref<1x80x64xf32, #tpu.memory_space<vmem>>
      %dma_wait3A_231 = tpu.memref_squeeze %dma_wait3A_230 : memref<1x80x64xf32, #tpu.memory_space<vmem>> -> memref<80x64xf32, #tpu.memory_space<vmem>>
      tpu.wait_dma2 semaphore(%run_scoped3A_207 : memref<!tpu.dma_semaphore, #tpu.memory_space<semaphore_mem>>) src(%dma_wait3A_231 : memref<80x64xf32, #tpu.memory_space<vmem>>) dst(%dma_wait3A_227 : memref<80x64xf32, #tpu.memory_space<vmem_shared>>)
      tpu.yield
    }) : () -> ()
    %mul3A_12 = arith.constant 625 : i32
    %mul3A_13 = arith.muli %arg1, %mul3A_12 : i32
    %add3A_14 = arith.constant 160 : i32
    %add3A_15 = arith.addi %mul3A_13, %add3A_14 : i32
    %run_scoped3A_16 = arith.constant 0 : i32
    "tpu.region"() ({
      %run_scoped3A_207 = tpu.sem_alloc : memref<!tpu.dma_semaphore, #tpu.memory_space<semaphore_mem>>
      %dma_start3A_208 = arith.constant 0 : i32
      %dma_start3A_209 = arith.constant 0 : i32
      %dma_start3A_210 = tpu.memref_slice %arg7[%run_scoped3A_16, %dma_start3A_208, %dma_start3A_209] : memref<5x80x64xf32, #tpu.memory_space<vmem>> -> memref<1x80x64xf32, #tpu.memory_space<vmem>>
      %dma_start3A_211 = tpu.memref_squeeze %dma_start3A_210 : memref<1x80x64xf32, #tpu.memory_space<vmem>> -> memref<80x64xf32, #tpu.memory_space<vmem>>
      %dma_start3A_212 = arith.constant 0 : i32
      %dma_start3A_213 = tpu.memref_slice %arg8[%add3A_15, %dma_start3A_212] : memref<10000x64xf32, #tpu.memory_space<vmem_shared>> -> memref<80x64xf32, #tpu.memory_space<vmem_shared>>
      %dma_start3A_214 = arith.constant 0 : i32
      %dma_start3A_215 = tpu.memref_slice %arg8[%add3A_15, %dma_start3A_214] : memref<10000x64xf32, #tpu.memory_space<vmem_shared>> -> memref<80x64xf32, #tpu.memory_space<vmem_shared>>
      %dma_start3A_216 = arith.constant 0 : i32
      %dma_start3A_217 = arith.constant 0 : i32
      %dma_start3A_218 = tpu.memref_slice %arg7[%run_scoped3A_16, %dma_start3A_216, %dma_start3A_217] : memref<5x80x64xf32, #tpu.memory_space<vmem>> -> memref<1x80x64xf32, #tpu.memory_space<vmem>>
      %dma_start3A_219 = tpu.memref_squeeze %dma_start3A_218 : memref<1x80x64xf32, #tpu.memory_space<vmem>> -> memref<80x64xf32, #tpu.memory_space<vmem>>
      tpu.enqueue_dma source(%dma_start3A_219 : memref<80x64xf32, #tpu.memory_space<vmem>>) target(%dma_start3A_215 : memref<80x64xf32, #tpu.memory_space<vmem_shared>>) target_semaphore(%run_scoped3A_207 : memref<!tpu.dma_semaphore, #tpu.memory_space<semaphore_mem>>)
      %dma_wait3A_220 = arith.constant 0 : i32
      %dma_wait3A_221 = arith.constant 0 : i32
      %dma_wait3A_222 = tpu.memref_slice %arg7[%run_scoped3A_16, %dma_wait3A_220, %dma_wait3A_221] : memref<5x80x64xf32, #tpu.memory_space<vmem>> -> memref<1x80x64xf32, #tpu.memory_space<vmem>>
      %dma_wait3A_223 = tpu.memref_squeeze %dma_wait3A_222 : memref<1x80x64xf32, #tpu.memory_space<vmem>> -> memref<80x64xf32, #tpu.memory_space<vmem>>
      %dma_wait3A_224 = arith.constant 0 : i32
      %dma_wait3A_225 = tpu.memref_slice %arg8[%add3A_15, %dma_wait3A_224] : memref<10000x64xf32, #tpu.memory_space<vmem_shared>> -> memref<80x64xf32, #tpu.memory_space<vmem_shared>>
      %dma_wait3A_226 = arith.constant 0 : i32
      %dma_wait3A_227 = tpu.memref_slice %arg8[%add3A_15, %dma_wait3A_226] : memref<10000x64xf32, #tpu.memory_space<vmem_shared>> -> memref<80x64xf32, #tpu.memory_space<vmem_shared>>
      %dma_wait3A_228 = arith.constant 0 : i32
      %dma_wait3A_229 = arith.constant 0 : i32
      %dma_wait3A_230 = tpu.memref_slice %arg7[%run_scoped3A_16, %dma_wait3A_228, %dma_wait3A_229] : memref<5x80x64xf32, #tpu.memory_space<vmem>> -> memref<1x80x64xf32, #tpu.memory_space<vmem>>
      %dma_wait3A_231 = tpu.memref_squeeze %dma_wait3A_230 : memref<1x80x64xf32, #tpu.memory_space<vmem>> -> memref<80x64xf32, #tpu.memory_space<vmem>>
      tpu.wait_dma2 semaphore(%run_scoped3A_207 : memref<!tpu.dma_semaphore, #tpu.memory_space<semaphore_mem>>) src(%dma_wait3A_231 : memref<80x64xf32, #tpu.memory_space<vmem>>) dst(%dma_wait3A_227 : memref<80x64xf32, #tpu.memory_space<vmem_shared>>)
      tpu.yield
    }) : () -> ()
    %mul3A_17 = arith.constant 625 : i32
    %mul3A_18 = arith.muli %arg1, %mul3A_17 : i32
    %add3A_19 = arith.constant 240 : i32
    %add3A_20 = arith.addi %mul3A_18, %add3A_19 : i32
    %run_scoped3A_21 = arith.constant 0 : i32
    "tpu.region"() ({
      %run_scoped3A_207 = tpu.sem_alloc : memref<!tpu.dma_semaphore, #tpu.memory_space<semaphore_mem>>
      %dma_start3A_208 = arith.constant 0 : i32
      %dma_start3A_209 = arith.constant 0 : i32
      %dma_start3A_210 = tpu.memref_slice %arg7[%run_scoped3A_21, %dma_start3A_208, %dma_start3A_209] : memref<5x80x64xf32, #tpu.memory_space<vmem>> -> memref<1x80x64xf32, #tpu.memory_space<vmem>>
      %dma_start3A_211 = tpu.memref_squeeze %dma_start3A_210 : memref<1x80x64xf32, #tpu.memory_space<vmem>> -> memref<80x64xf32, #tpu.memory_space<vmem>>
      %dma_start3A_212 = arith.constant 0 : i32
      %dma_start3A_213 = tpu.memref_slice %arg8[%add3A_20, %dma_start3A_212] : memref<10000x64xf32, #tpu.memory_space<vmem_shared>> -> memref<80x64xf32, #tpu.memory_space<vmem_shared>>
      %dma_start3A_214 = arith.constant 0 : i32
      %dma_start3A_215 = tpu.memref_slice %arg8[%add3A_20, %dma_start3A_214] : memref<10000x64xf32, #tpu.memory_space<vmem_shared>> -> memref<80x64xf32, #tpu.memory_space<vmem_shared>>
      %dma_start3A_216 = arith.constant 0 : i32
      %dma_start3A_217 = arith.constant 0 : i32
      %dma_start3A_218 = tpu.memref_slice %arg7[%run_scoped3A_21, %dma_start3A_216, %dma_start3A_217] : memref<5x80x64xf32, #tpu.memory_space<vmem>> -> memref<1x80x64xf32, #tpu.memory_space<vmem>>
      %dma_start3A_219 = tpu.memref_squeeze %dma_start3A_218 : memref<1x80x64xf32, #tpu.memory_space<vmem>> -> memref<80x64xf32, #tpu.memory_space<vmem>>
      tpu.enqueue_dma source(%dma_start3A_219 : memref<80x64xf32, #tpu.memory_space<vmem>>) target(%dma_start3A_215 : memref<80x64xf32, #tpu.memory_space<vmem_shared>>) target_semaphore(%run_scoped3A_207 : memref<!tpu.dma_semaphore, #tpu.memory_space<semaphore_mem>>)
      %dma_wait3A_220 = arith.constant 0 : i32
      %dma_wait3A_221 = arith.constant 0 : i32
      %dma_wait3A_222 = tpu.memref_slice %arg7[%run_scoped3A_21, %dma_wait3A_220, %dma_wait3A_221] : memref<5x80x64xf32, #tpu.memory_space<vmem>> -> memref<1x80x64xf32, #tpu.memory_space<vmem>>
      %dma_wait3A_223 = tpu.memref_squeeze %dma_wait3A_222 : memref<1x80x64xf32, #tpu.memory_space<vmem>> -> memref<80x64xf32, #tpu.memory_space<vmem>>
      %dma_wait3A_224 = arith.constant 0 : i32
      %dma_wait3A_225 = tpu.memref_slice %arg8[%add3A_20, %dma_wait3A_224] : memref<10000x64xf32, #tpu.memory_space<vmem_shared>> -> memref<80x64xf32, #tpu.memory_space<vmem_shared>>
      %dma_wait3A_226 = arith.constant 0 : i32
      %dma_wait3A_227 = tpu.memref_slice %arg8[%add3A_20, %dma_wait3A_226] : memref<10000x64xf32, #tpu.memory_space<vmem_shared>> -> memref<80x64xf32, #tpu.memory_space<vmem_shared>>
      %dma_wait3A_228 = arith.constant 0 : i32
      %dma_wait3A_229 = arith.constant 0 : i32
      %dma_wait3A_230 = tpu.memref_slice %arg7[%run_scoped3A_21, %dma_wait3A_228, %dma_wait3A_229] : memref<5x80x64xf32, #tpu.memory_space<vmem>> -> memref<1x80x64xf32, #tpu.memory_space<vmem>>
      %dma_wait3A_231 = tpu.memref_squeeze %dma_wait3A_230 : memref<1x80x64xf32, #tpu.memory_space<vmem>> -> memref<80x64xf32, #tpu.memory_space<vmem>>
      tpu.wait_dma2 semaphore(%run_scoped3A_207 : memref<!tpu.dma_semaphore, #tpu.memory_space<semaphore_mem>>) src(%dma_wait3A_231 : memref<80x64xf32, #tpu.memory_space<vmem>>) dst(%dma_wait3A_227 : memref<80x64xf32, #tpu.memory_space<vmem_shared>>)
      tpu.yield
    }) : () -> ()
    %mul3A_22 = arith.constant 625 : i32
    %mul3A_23 = arith.muli %arg1, %mul3A_22 : i32
    %add3A_24 = arith.constant 320 : i32
    %add3A_25 = arith.addi %mul3A_23, %add3A_24 : i32
    %run_scoped3A_26 = arith.constant 0 : i32
    "tpu.region"() ({
      %run_scoped3A_207 = tpu.sem_alloc : memref<!tpu.dma_semaphore, #tpu.memory_space<semaphore_mem>>
      %dma_start3A_208 = arith.constant 0 : i32
      %dma_start3A_209 = arith.constant 0 : i32
      %dma_start3A_210 = tpu.memref_slice %arg7[%run_scoped3A_26, %dma_start3A_208, %dma_start3A_209] : memref<5x80x64xf32, #tpu.memory_space<vmem>> -> memref<1x80x64xf32, #tpu.memory_space<vmem>>
      %dma_start3A_211 = tpu.memref_squeeze %dma_start3A_210 : memref<1x80x64xf32, #tpu.memory_space<vmem>> -> memref<80x64xf32, #tpu.memory_space<vmem>>
      %dma_start3A_212 = arith.constant 0 : i32
      %dma_start3A_213 = tpu.memref_slice %arg8[%add3A_25, %dma_start3A_212] : memref<10000x64xf32, #tpu.memory_space<vmem_shared>> -> memref<80x64xf32, #tpu.memory_space<vmem_shared>>
      %dma_start3A_214 = arith.constant 0 : i32
      %dma_start3A_215 = tpu.memref_slice %arg8[%add3A_25, %dma_start3A_214] : memref<10000x64xf32, #tpu.memory_space<vmem_shared>> -> memref<80x64xf32, #tpu.memory_space<vmem_shared>>
      %dma_start3A_216 = arith.constant 0 : i32
      %dma_start3A_217 = arith.constant 0 : i32
      %dma_start3A_218 = tpu.memref_slice %arg7[%run_scoped3A_26, %dma_start3A_216, %dma_start3A_217] : memref<5x80x64xf32, #tpu.memory_space<vmem>> -> memref<1x80x64xf32, #tpu.memory_space<vmem>>
      %dma_start3A_219 = tpu.memref_squeeze %dma_start3A_218 : memref<1x80x64xf32, #tpu.memory_space<vmem>> -> memref<80x64xf32, #tpu.memory_space<vmem>>
      tpu.enqueue_dma source(%dma_start3A_219 : memref<80x64xf32, #tpu.memory_space<vmem>>) target(%dma_start3A_215 : memref<80x64xf32, #tpu.memory_space<vmem_shared>>) target_semaphore(%run_scoped3A_207 : memref<!tpu.dma_semaphore, #tpu.memory_space<semaphore_mem>>)
      %dma_wait3A_220 = arith.constant 0 : i32
      %dma_wait3A_221 = arith.constant 0 : i32
      %dma_wait3A_222 = tpu.memref_slice %arg7[%run_scoped3A_26, %dma_wait3A_220, %dma_wait3A_221] : memref<5x80x64xf32, #tpu.memory_space<vmem>> -> memref<1x80x64xf32, #tpu.memory_space<vmem>>
      %dma_wait3A_223 = tpu.memref_squeeze %dma_wait3A_222 : memref<1x80x64xf32, #tpu.memory_space<vmem>> -> memref<80x64xf32, #tpu.memory_space<vmem>>
      %dma_wait3A_224 = arith.constant 0 : i32
      %dma_wait3A_225 = tpu.memref_slice %arg8[%add3A_25, %dma_wait3A_224] : memref<10000x64xf32, #tpu.memory_space<vmem_shared>> -> memref<80x64xf32, #tpu.memory_space<vmem_shared>>
      %dma_wait3A_226 = arith.constant 0 : i32
      %dma_wait3A_227 = tpu.memref_slice %arg8[%add3A_25, %dma_wait3A_226] : memref<10000x64xf32, #tpu.memory_space<vmem_shared>> -> memref<80x64xf32, #tpu.memory_space<vmem_shared>>
      %dma_wait3A_228 = arith.constant 0 : i32
      %dma_wait3A_229 = arith.constant 0 : i32
      %dma_wait3A_230 = tpu.memref_slice %arg7[%run_scoped3A_26, %dma_wait3A_228, %dma_wait3A_229] : memref<5x80x64xf32, #tpu.memory_space<vmem>> -> memref<1x80x64xf32, #tpu.memory_space<vmem>>
      %dma_wait3A_231 = tpu.memref_squeeze %dma_wait3A_230 : memref<1x80x64xf32, #tpu.memory_space<vmem>> -> memref<80x64xf32, #tpu.memory_space<vmem>>
      tpu.wait_dma2 semaphore(%run_scoped3A_207 : memref<!tpu.dma_semaphore, #tpu.memory_space<semaphore_mem>>) src(%dma_wait3A_231 : memref<80x64xf32, #tpu.memory_space<vmem>>) dst(%dma_wait3A_227 : memref<80x64xf32, #tpu.memory_space<vmem_shared>>)
      tpu.yield
    }) : () -> ()
    %mul3A_27 = arith.constant 625 : i32
    %mul3A_28 = arith.muli %arg1, %mul3A_27 : i32
    %add3A_29 = arith.constant 400 : i32
    %add3A_30 = arith.addi %mul3A_28, %add3A_29 : i32
    %run_scoped3A_31 = arith.constant 0 : i32
    "tpu.region"() ({
      %run_scoped3A_207 = tpu.sem_alloc : memref<!tpu.dma_semaphore, #tpu.memory_space<semaphore_mem>>
      %dma_start3A_208 = arith.constant 0 : i32
      %dma_start3A_209 = arith.constant 0 : i32
      %dma_start3A_210 = tpu.memref_slice %arg7[%run_scoped3A_31, %dma_start3A_208, %dma_start3A_209] : memref<5x80x64xf32, #tpu.memory_space<vmem>> -> memref<1x80x64xf32, #tpu.memory_space<vmem>>
      %dma_start3A_211 = tpu.memref_squeeze %dma_start3A_210 : memref<1x80x64xf32, #tpu.memory_space<vmem>> -> memref<80x64xf32, #tpu.memory_space<vmem>>
      %dma_start3A_212 = arith.constant 0 : i32
      %dma_start3A_213 = tpu.memref_slice %arg8[%add3A_30, %dma_start3A_212] : memref<10000x64xf32, #tpu.memory_space<vmem_shared>> -> memref<80x64xf32, #tpu.memory_space<vmem_shared>>
      %dma_start3A_214 = arith.constant 0 : i32
      %dma_start3A_215 = tpu.memref_slice %arg8[%add3A_30, %dma_start3A_214] : memref<10000x64xf32, #tpu.memory_space<vmem_shared>> -> memref<80x64xf32, #tpu.memory_space<vmem_shared>>
      %dma_start3A_216 = arith.constant 0 : i32
      %dma_start3A_217 = arith.constant 0 : i32
      %dma_start3A_218 = tpu.memref_slice %arg7[%run_scoped3A_31, %dma_start3A_216, %dma_start3A_217] : memref<5x80x64xf32, #tpu.memory_space<vmem>> -> memref<1x80x64xf32, #tpu.memory_space<vmem>>
      %dma_start3A_219 = tpu.memref_squeeze %dma_start3A_218 : memref<1x80x64xf32, #tpu.memory_space<vmem>> -> memref<80x64xf32, #tpu.memory_space<vmem>>
      tpu.enqueue_dma source(%dma_start3A_219 : memref<80x64xf32, #tpu.memory_space<vmem>>) target(%dma_start3A_215 : memref<80x64xf32, #tpu.memory_space<vmem_shared>>) target_semaphore(%run_scoped3A_207 : memref<!tpu.dma_semaphore, #tpu.memory_space<semaphore_mem>>)
      %dma_wait3A_220 = arith.constant 0 : i32
      %dma_wait3A_221 = arith.constant 0 : i32
      %dma_wait3A_222 = tpu.memref_slice %arg7[%run_scoped3A_31, %dma_wait3A_220, %dma_wait3A_221] : memref<5x80x64xf32, #tpu.memory_space<vmem>> -> memref<1x80x64xf32, #tpu.memory_space<vmem>>
      %dma_wait3A_223 = tpu.memref_squeeze %dma_wait3A_222 : memref<1x80x64xf32, #tpu.memory_space<vmem>> -> memref<80x64xf32, #tpu.memory_space<vmem>>
      %dma_wait3A_224 = arith.constant 0 : i32
      %dma_wait3A_225 = tpu.memref_slice %arg8[%add3A_30, %dma_wait3A_224] : memref<10000x64xf32, #tpu.memory_space<vmem_shared>> -> memref<80x64xf32, #tpu.memory_space<vmem_shared>>
      %dma_wait3A_226 = arith.constant 0 : i32
      %dma_wait3A_227 = tpu.memref_slice %arg8[%add3A_30, %dma_wait3A_226] : memref<10000x64xf32, #tpu.memory_space<vmem_shared>> -> memref<80x64xf32, #tpu.memory_space<vmem_shared>>
      %dma_wait3A_228 = arith.constant 0 : i32
      %dma_wait3A_229 = arith.constant 0 : i32
      %dma_wait3A_230 = tpu.memref_slice %arg7[%run_scoped3A_31, %dma_wait3A_228, %dma_wait3A_229] : memref<5x80x64xf32, #tpu.memory_space<vmem>> -> memref<1x80x64xf32, #tpu.memory_space<vmem>>
      %dma_wait3A_231 = tpu.memref_squeeze %dma_wait3A_230 : memref<1x80x64xf32, #tpu.memory_space<vmem>> -> memref<80x64xf32, #tpu.memory_space<vmem>>
      tpu.wait_dma2 semaphore(%run_scoped3A_207 : memref<!tpu.dma_semaphore, #tpu.memory_space<semaphore_mem>>) src(%dma_wait3A_231 : memref<80x64xf32, #tpu.memory_space<vmem>>) dst(%dma_wait3A_227 : memref<80x64xf32, #tpu.memory_space<vmem_shared>>)
      tpu.yield
    }) : () -> ()
    %mul3A_32 = arith.constant 625 : i32
    %mul3A_33 = arith.muli %arg1, %mul3A_32 : i32
    %add3A_34 = arith.constant 480 : i32
    %add3A_35 = arith.addi %mul3A_33, %add3A_34 : i32
    %run_scoped3A_36 = arith.constant 0 : i32
    "tpu.region"() ({
      %run_scoped3A_207 = tpu.sem_alloc : memref<!tpu.dma_semaphore, #tpu.memory_space<semaphore_mem>>
      %dma_start3A_208 = arith.constant 0 : i32
      %dma_start3A_209 = arith.constant 0 : i32
      %dma_start3A_210 = tpu.memref_slice %arg7[%run_scoped3A_36, %dma_start3A_208, %dma_start3A_209] : memref<5x80x64xf32, #tpu.memory_space<vmem>> -> memref<1x80x64xf32, #tpu.memory_space<vmem>>
      %dma_start3A_211 = tpu.memref_squeeze %dma_start3A_210 : memref<1x80x64xf32, #tpu.memory_space<vmem>> -> memref<80x64xf32, #tpu.memory_space<vmem>>
      %dma_start3A_212 = arith.constant 0 : i32
      %dma_start3A_213 = tpu.memref_slice %arg8[%add3A_35, %dma_start3A_212] : memref<10000x64xf32, #tpu.memory_space<vmem_shared>> -> memref<80x64xf32, #tpu.memory_space<vmem_shared>>
      %dma_start3A_214 = arith.constant 0 : i32
      %dma_start3A_215 = tpu.memref_slice %arg8[%add3A_35, %dma_start3A_214] : memref<10000x64xf32, #tpu.memory_space<vmem_shared>> -> memref<80x64xf32, #tpu.memory_space<vmem_shared>>
      %dma_start3A_216 = arith.constant 0 : i32
      %dma_start3A_217 = arith.constant 0 : i32
      %dma_start3A_218 = tpu.memref_slice %arg7[%run_scoped3A_36, %dma_start3A_216, %dma_start3A_217] : memref<5x80x64xf32, #tpu.memory_space<vmem>> -> memref<1x80x64xf32, #tpu.memory_space<vmem>>
      %dma_start3A_219 = tpu.memref_squeeze %dma_start3A_218 : memref<1x80x64xf32, #tpu.memory_space<vmem>> -> memref<80x64xf32, #tpu.memory_space<vmem>>
      tpu.enqueue_dma source(%dma_start3A_219 : memref<80x64xf32, #tpu.memory_space<vmem>>) target(%dma_start3A_215 : memref<80x64xf32, #tpu.memory_space<vmem_shared>>) target_semaphore(%run_scoped3A_207 : memref<!tpu.dma_semaphore, #tpu.memory_space<semaphore_mem>>)
      %dma_wait3A_220 = arith.constant 0 : i32
      %dma_wait3A_221 = arith.constant 0 : i32
      %dma_wait3A_222 = tpu.memref_slice %arg7[%run_scoped3A_36, %dma_wait3A_220, %dma_wait3A_221] : memref<5x80x64xf32, #tpu.memory_space<vmem>> -> memref<1x80x64xf32, #tpu.memory_space<vmem>>
      %dma_wait3A_223 = tpu.memref_squeeze %dma_wait3A_222 : memref<1x80x64xf32, #tpu.memory_space<vmem>> -> memref<80x64xf32, #tpu.memory_space<vmem>>
      %dma_wait3A_224 = arith.constant 0 : i32
      %dma_wait3A_225 = tpu.memref_slice %arg8[%add3A_35, %dma_wait3A_224] : memref<10000x64xf32, #tpu.memory_space<vmem_shared>> -> memref<80x64xf32, #tpu.memory_space<vmem_shared>>
      %dma_wait3A_226 = arith.constant 0 : i32
      %dma_wait3A_227 = tpu.memref_slice %arg8[%add3A_35, %dma_wait3A_226] : memref<10000x64xf32, #tpu.memory_space<vmem_shared>> -> memref<80x64xf32, #tpu.memory_space<vmem_shared>>
      %dma_wait3A_228 = arith.constant 0 : i32
      %dma_wait3A_229 = arith.constant 0 : i32
      %dma_wait3A_230 = tpu.memref_slice %arg7[%run_scoped3A_36, %dma_wait3A_228, %dma_wait3A_229] : memref<5x80x64xf32, #tpu.memory_space<vmem>> -> memref<1x80x64xf32, #tpu.memory_space<vmem>>
      %dma_wait3A_231 = tpu.memref_squeeze %dma_wait3A_230 : memref<1x80x64xf32, #tpu.memory_space<vmem>> -> memref<80x64xf32, #tpu.memory_space<vmem>>
      tpu.wait_dma2 semaphore(%run_scoped3A_207 : memref<!tpu.dma_semaphore, #tpu.memory_space<semaphore_mem>>) src(%dma_wait3A_231 : memref<80x64xf32, #tpu.memory_space<vmem>>) dst(%dma_wait3A_227 : memref<80x64xf32, #tpu.memory_space<vmem_shared>>)
      tpu.yield
    }) : () -> ()
    %mul3A_37 = arith.constant 625 : i32
    %mul3A_38 = arith.muli %arg1, %mul3A_37 : i32
    %add3A_39 = arith.constant 560 : i32
    %add3A_40 = arith.addi %mul3A_38, %add3A_39 : i32
    %run_scoped3A_41 = arith.constant 0 : i32
    "tpu.region"() ({
      %run_scoped3A_207 = tpu.sem_alloc : memref<!tpu.dma_semaphore, #tpu.memory_space<semaphore_mem>>
      %dma_start3A_208 = arith.constant 0 : i32
      %dma_start3A_209 = arith.constant 0 : i32
      %dma_start3A_210 = tpu.memref_slice %arg7[%run_scoped3A_41, %dma_start3A_208, %dma_start3A_209] : memref<5x80x64xf32, #tpu.memory_space<vmem>> -> memref<1x80x64xf32, #tpu.memory_space<vmem>>
      %dma_start3A_211 = tpu.memref_squeeze %dma_start3A_210 : memref<1x80x64xf32, #tpu.memory_space<vmem>> -> memref<80x64xf32, #tpu.memory_space<vmem>>
      %dma_start3A_212 = arith.constant 0 : i32
      %dma_start3A_213 = arith.constant 0 : i32
      %dma_start3A_214 = tpu.memref_slice %dma_start3A_211[%dma_start3A_212, %dma_start3A_213] : memref<80x64xf32, #tpu.memory_space<vmem>> -> memref<65x64xf32, #tpu.memory_space<vmem>>
      %dma_start3A_215 = arith.constant 0 : i32
      %dma_start3A_216 = tpu.memref_slice %arg8[%add3A_40, %dma_start3A_215] : memref<10000x64xf32, #tpu.memory_space<vmem_shared>> -> memref<65x64xf32, #tpu.memory_space<vmem_shared>>
      %dma_start3A_217 = arith.constant 0 : i32
      %dma_start3A_218 = tpu.memref_slice %arg8[%add3A_40, %dma_start3A_217] : memref<10000x64xf32, #tpu.memory_space<vmem_shared>> -> memref<65x64xf32, #tpu.memory_space<vmem_shared>>
      %dma_start3A_219 = arith.constant 0 : i32
      %dma_start3A_220 = arith.constant 0 : i32
      %dma_start3A_221 = tpu.memref_slice %arg7[%run_scoped3A_41, %dma_start3A_219, %dma_start3A_220] : memref<5x80x64xf32, #tpu.memory_space<vmem>> -> memref<1x80x64xf32, #tpu.memory_space<vmem>>
      %dma_start3A_222 = tpu.memref_squeeze %dma_start3A_221 : memref<1x80x64xf32, #tpu.memory_space<vmem>> -> memref<80x64xf32, #tpu.memory_space<vmem>>
      %dma_start3A_223 = arith.constant 0 : i32
      %dma_start3A_224 = arith.constant 0 : i32
      %dma_start3A_225 = tpu.memref_slice %dma_start3A_222[%dma_start3A_223, %dma_start3A_224] : memref<80x64xf32, #tpu.memory_space<vmem>> -> memref<65x64xf32, #tpu.memory_space<vmem>>
      tpu.enqueue_dma source(%dma_start3A_225 : memref<65x64xf32, #tpu.memory_space<vmem>>) target(%dma_start3A_218 : memref<65x64xf32, #tpu.memory_space<vmem_shared>>) target_semaphore(%run_scoped3A_207 : memref<!tpu.dma_semaphore, #tpu.memory_space<semaphore_mem>>)
      %dma_wait3A_226 = arith.constant 0 : i32
      %dma_wait3A_227 = arith.constant 0 : i32
      %dma_wait3A_228 = tpu.memref_slice %arg7[%run_scoped3A_41, %dma_wait3A_226, %dma_wait3A_227] : memref<5x80x64xf32, #tpu.memory_space<vmem>> -> memref<1x80x64xf32, #tpu.memory_space<vmem>>
      %dma_wait3A_229 = tpu.memref_squeeze %dma_wait3A_228 : memref<1x80x64xf32, #tpu.memory_space<vmem>> -> memref<80x64xf32, #tpu.memory_space<vmem>>
      %dma_wait3A_230 = arith.constant 0 : i32
      %dma_wait3A_231 = arith.constant 0 : i32
      %dma_wait3A_232 = tpu.memref_slice %dma_wait3A_229[%dma_wait3A_230, %dma_wait3A_231] : memref<80x64xf32, #tpu.memory_space<vmem>> -> memref<65x64xf32, #tpu.memory_space<vmem>>
      %dma_wait3A_233 = arith.constant 0 : i32
      %dma_wait3A_234 = tpu.memref_slice %arg8[%add3A_40, %dma_wait3A_233] : memref<10000x64xf32, #tpu.memory_space<vmem_shared>> -> memref<65x64xf32, #tpu.memory_space<vmem_shared>>
      %dma_wait3A_235 = arith.constant 0 : i32
      %dma_wait3A_236 = tpu.memref_slice %arg8[%add3A_40, %dma_wait3A_235] : memref<10000x64xf32, #tpu.memory_space<vmem_shared>> -> memref<65x64xf32, #tpu.memory_space<vmem_shared>>
      %dma_wait3A_237 = arith.constant 0 : i32
      %dma_wait3A_238 = arith.constant 0 : i32
      %dma_wait3A_239 = tpu.memref_slice %arg7[%run_scoped3A_41, %dma_wait3A_237, %dma_wait3A_238] : memref<5x80x64xf32, #tpu.memory_space<vmem>> -> memref<1x80x64xf32, #tpu.memory_space<vmem>>
      %dma_wait3A_240 = tpu.memref_squeeze %dma_wait3A_239 : memref<1x80x64xf32, #tpu.memory_space<vmem>> -> memref<80x64xf32, #tpu.memory_space<vmem>>
      %dma_wait3A_241 = arith.constant 0 : i32
      %dma_wait3A_242 = arith.constant 0 : i32
      %dma_wait3A_243 = tpu.memref_slice %dma_wait3A_240[%dma_wait3A_241, %dma_wait3A_242] : memref<80x64xf32, #tpu.memory_space<vmem>> -> memref<65x64xf32, #tpu.memory_space<vmem>>
      tpu.wait_dma2 semaphore(%run_scoped3A_207 : memref<!tpu.dma_semaphore, #tpu.memory_space<semaphore_mem>>) src(%dma_wait3A_243 : memref<65x64xf32, #tpu.memory_space<vmem>>) dst(%dma_wait3A_236 : memref<65x64xf32, #tpu.memory_space<vmem_shared>>)
      tpu.yield
    }) : () -> ()
    %mul3A_42 = arith.constant 125 : i32
    %mul3A_43 = arith.muli %arg0, %mul3A_42 : i32
    %run_scoped3A_44 = arith.constant 0 : i32
    "tpu.region"() ({
      %run_scoped3A_207 = tpu.sem_alloc : memref<!tpu.dma_semaphore, #tpu.memory_space<semaphore_mem>>
      %dma_start3A_208 = arith.constant 0 : i32
      %dma_start3A_209 = arith.constant 0 : i32
      %dma_start3A_210 = arith.constant 0 : i32
      %dma_start3A_211 = tpu.memref_slice %arg3[%run_scoped3A_44, %dma_start3A_208, %dma_start3A_209, %dma_start3A_210] : memref<2x16x250x80xi32, #tpu.memory_space<hbm>> -> memref<1x16x250x80xi32, #tpu.memory_space<hbm>>
      %dma_start3A_212 = tpu.memref_squeeze %dma_start3A_211 : memref<1x16x250x80xi32, #tpu.memory_space<hbm>> -> memref<16x250x80xi32, #tpu.memory_space<hbm>>
      %dma_start3A_213 = arith.constant 0 : i32
      %dma_start3A_214 = arith.constant 0 : i32
      %dma_start3A_215 = tpu.memref_slice %dma_start3A_212[%arg1, %dma_start3A_213, %dma_start3A_214] : memref<16x250x80xi32, #tpu.memory_space<hbm>> -> memref<1x250x80xi32, #tpu.memory_space<hbm>>
      %dma_start3A_216 = tpu.memref_squeeze %dma_start3A_215 : memref<1x250x80xi32, #tpu.memory_space<hbm>> -> memref<250x80xi32, #tpu.memory_space<hbm>>
      %dma_start3A_217 = arith.constant 0 : i32
      %dma_start3A_218 = tpu.memref_slice %dma_start3A_216[%mul3A_43, %dma_start3A_217] : memref<250x80xi32, #tpu.memory_space<hbm>> -> memref<125x80xi32, #tpu.memory_space<hbm>>
      %dma_start3A_219 = arith.constant 0 : i32
      %dma_start3A_220 = arith.constant 0 : i32
      %dma_start3A_221 = arith.constant 0 : i32
      %dma_start3A_222 = tpu.memref_slice %arg3[%run_scoped3A_44, %dma_start3A_219, %dma_start3A_220, %dma_start3A_221] : memref<2x16x250x80xi32, #tpu.memory_space<hbm>> -> memref<1x16x250x80xi32, #tpu.memory_space<hbm>>
      %dma_start3A_223 = tpu.memref_squeeze %dma_start3A_222 : memref<1x16x250x80xi32, #tpu.memory_space<hbm>> -> memref<16x250x80xi32, #tpu.memory_space<hbm>>
      %dma_start3A_224 = arith.constant 0 : i32
      %dma_start3A_225 = arith.constant 0 : i32
      %dma_start3A_226 = tpu.memref_slice %dma_start3A_223[%arg1, %dma_start3A_224, %dma_start3A_225] : memref<16x250x80xi32, #tpu.memory_space<hbm>> -> memref<1x250x80xi32, #tpu.memory_space<hbm>>
      %dma_start3A_227 = tpu.memref_squeeze %dma_start3A_226 : memref<1x250x80xi32, #tpu.memory_space<hbm>> -> memref<250x80xi32, #tpu.memory_space<hbm>>
      %dma_start3A_228 = arith.constant 0 : i32
      %dma_start3A_229 = tpu.memref_slice %dma_start3A_227[%mul3A_43, %dma_start3A_228] : memref<250x80xi32, #tpu.memory_space<hbm>> -> memref<125x80xi32, #tpu.memory_space<hbm>>
      tpu.enqueue_dma source(%dma_start3A_229 : memref<125x80xi32, #tpu.memory_space<hbm>>) target(%arg5 : memref<125x80xi32, #tpu.memory_space<vmem>>) target_semaphore(%run_scoped3A_207 : memref<!tpu.dma_semaphore, #tpu.memory_space<semaphore_mem>>)
      %dma_wait3A_230 = arith.constant 0 : i32
      %dma_wait3A_231 = arith.constant 0 : i32
      %dma_wait3A_232 = arith.constant 0 : i32
      %dma_wait3A_233 = tpu.memref_slice %arg3[%run_scoped3A_44, %dma_wait3A_230, %dma_wait3A_231, %dma_wait3A_232] : memref<2x16x250x80xi32, #tpu.memory_space<hbm>> -> memref<1x16x250x80xi32, #tpu.memory_space<hbm>>
      %dma_wait3A_234 = tpu.memref_squeeze %dma_wait3A_233 : memref<1x16x250x80xi32, #tpu.memory_space<hbm>> -> memref<16x250x80xi32, #tpu.memory_space<hbm>>
      %dma_wait3A_235 = arith.constant 0 : i32
      %dma_wait3A_236 = arith.constant 0 : i32
      %dma_wait3A_237 = tpu.memref_slice %dma_wait3A_234[%arg1, %dma_wait3A_235, %dma_wait3A_236] : memref<16x250x80xi32, #tpu.memory_space<hbm>> -> memref<1x250x80xi32, #tpu.memory_space<hbm>>
      %dma_wait3A_238 = tpu.memref_squeeze %dma_wait3A_237 : memref<1x250x80xi32, #tpu.memory_space<hbm>> -> memref<250x80xi32, #tpu.memory_space<hbm>>
      %dma_wait3A_239 = arith.constant 0 : i32
      %dma_wait3A_240 = tpu.memref_slice %dma_wait3A_238[%mul3A_43, %dma_wait3A_239] : memref<250x80xi32, #tpu.memory_space<hbm>> -> memref<125x80xi32, #tpu.memory_space<hbm>>
      %dma_wait3A_241 = arith.constant 0 : i32
      %dma_wait3A_242 = arith.constant 0 : i32
      %dma_wait3A_243 = arith.constant 0 : i32
      %dma_wait3A_244 = tpu.memref_slice %arg3[%run_scoped3A_44, %dma_wait3A_241, %dma_wait3A_242, %dma_wait3A_243] : memref<2x16x250x80xi32, #tpu.memory_space<hbm>> -> memref<1x16x250x80xi32, #tpu.memory_space<hbm>>
      %dma_wait3A_245 = tpu.memref_squeeze %dma_wait3A_244 : memref<1x16x250x80xi32, #tpu.memory_space<hbm>> -> memref<16x250x80xi32, #tpu.memory_space<hbm>>
      %dma_wait3A_246 = arith.constant 0 : i32
      %dma_wait3A_247 = arith.constant 0 : i32
      %dma_wait3A_248 = tpu.memref_slice %dma_wait3A_245[%arg1, %dma_wait3A_246, %dma_wait3A_247] : memref<16x250x80xi32, #tpu.memory_space<hbm>> -> memref<1x250x80xi32, #tpu.memory_space<hbm>>
      %dma_wait3A_249 = tpu.memref_squeeze %dma_wait3A_248 : memref<1x250x80xi32, #tpu.memory_space<hbm>> -> memref<250x80xi32, #tpu.memory_space<hbm>>
      %dma_wait3A_250 = arith.constant 0 : i32
      %dma_wait3A_251 = tpu.memref_slice %dma_wait3A_249[%mul3A_43, %dma_wait3A_250] : memref<250x80xi32, #tpu.memory_space<hbm>> -> memref<125x80xi32, #tpu.memory_space<hbm>>
      tpu.wait_dma2 semaphore(%run_scoped3A_207 : memref<!tpu.dma_semaphore, #tpu.memory_space<semaphore_mem>>) src(%dma_wait3A_251 : memref<125x80xi32, #tpu.memory_space<hbm>>) dst(%arg5 : memref<125x80xi32, #tpu.memory_space<vmem>>)
      tpu.yield
    }) : () -> ()
    %mul3A_45 = arith.constant 125 : i32
    %mul3A_46 = arith.muli %arg0, %mul3A_45 : i32
    %run_scoped3A_47 = arith.constant 1 : i32
    "tpu.region"() ({
      %run_scoped3A_207 = tpu.sem_alloc : memref<!tpu.dma_semaphore, #tpu.memory_space<semaphore_mem>>
      %dma_start3A_208 = arith.constant 0 : i32
      %dma_start3A_209 = arith.constant 0 : i32
      %dma_start3A_210 = arith.constant 0 : i32
      %dma_start3A_211 = tpu.memref_slice %arg3[%run_scoped3A_47, %dma_start3A_208, %dma_start3A_209, %dma_start3A_210] : memref<2x16x250x80xi32, #tpu.memory_space<hbm>> -> memref<1x16x250x80xi32, #tpu.memory_space<hbm>>
      %dma_start3A_212 = tpu.memref_squeeze %dma_start3A_211 : memref<1x16x250x80xi32, #tpu.memory_space<hbm>> -> memref<16x250x80xi32, #tpu.memory_space<hbm>>
      %dma_start3A_213 = arith.constant 0 : i32
      %dma_start3A_214 = arith.constant 0 : i32
      %dma_start3A_215 = tpu.memref_slice %dma_start3A_212[%arg1, %dma_start3A_213, %dma_start3A_214] : memref<16x250x80xi32, #tpu.memory_space<hbm>> -> memref<1x250x80xi32, #tpu.memory_space<hbm>>
      %dma_start3A_216 = tpu.memref_squeeze %dma_start3A_215 : memref<1x250x80xi32, #tpu.memory_space<hbm>> -> memref<250x80xi32, #tpu.memory_space<hbm>>
      %dma_start3A_217 = arith.constant 0 : i32
      %dma_start3A_218 = tpu.memref_slice %dma_start3A_216[%mul3A_46, %dma_start3A_217] : memref<250x80xi32, #tpu.memory_space<hbm>> -> memref<125x80xi32, #tpu.memory_space<hbm>>
      %dma_start3A_219 = arith.constant 0 : i32
      %dma_start3A_220 = arith.constant 0 : i32
      %dma_start3A_221 = arith.constant 0 : i32
      %dma_start3A_222 = tpu.memref_slice %arg3[%run_scoped3A_47, %dma_start3A_219, %dma_start3A_220, %dma_start3A_221] : memref<2x16x250x80xi32, #tpu.memory_space<hbm>> -> memref<1x16x250x80xi32, #tpu.memory_space<hbm>>
      %dma_start3A_223 = tpu.memref_squeeze %dma_start3A_222 : memref<1x16x250x80xi32, #tpu.memory_space<hbm>> -> memref<16x250x80xi32, #tpu.memory_space<hbm>>
      %dma_start3A_224 = arith.constant 0 : i32
      %dma_start3A_225 = arith.constant 0 : i32
      %dma_start3A_226 = tpu.memref_slice %dma_start3A_223[%arg1, %dma_start3A_224, %dma_start3A_225] : memref<16x250x80xi32, #tpu.memory_space<hbm>> -> memref<1x250x80xi32, #tpu.memory_space<hbm>>
      %dma_start3A_227 = tpu.memref_squeeze %dma_start3A_226 : memref<1x250x80xi32, #tpu.memory_space<hbm>> -> memref<250x80xi32, #tpu.memory_space<hbm>>
      %dma_start3A_228 = arith.constant 0 : i32
      %dma_start3A_229 = tpu.memref_slice %dma_start3A_227[%mul3A_46, %dma_start3A_228] : memref<250x80xi32, #tpu.memory_space<hbm>> -> memref<125x80xi32, #tpu.memory_space<hbm>>
      tpu.enqueue_dma source(%dma_start3A_229 : memref<125x80xi32, #tpu.memory_space<hbm>>) target(%arg6 : memref<125x80xi32, #tpu.memory_space<vmem>>) target_semaphore(%run_scoped3A_207 : memref<!tpu.dma_semaphore, #tpu.memory_space<semaphore_mem>>)
      %dma_wait3A_230 = arith.constant 0 : i32
      %dma_wait3A_231 = arith.constant 0 : i32
      %dma_wait3A_232 = arith.constant 0 : i32
      %dma_wait3A_233 = tpu.memref_slice %arg3[%run_scoped3A_47, %dma_wait3A_230, %dma_wait3A_231, %dma_wait3A_232] : memref<2x16x250x80xi32, #tpu.memory_space<hbm>> -> memref<1x16x250x80xi32, #tpu.memory_space<hbm>>
      %dma_wait3A_234 = tpu.memref_squeeze %dma_wait3A_233 : memref<1x16x250x80xi32, #tpu.memory_space<hbm>> -> memref<16x250x80xi32, #tpu.memory_space<hbm>>
      %dma_wait3A_235 = arith.constant 0 : i32
      %dma_wait3A_236 = arith.constant 0 : i32
      %dma_wait3A_237 = tpu.memref_slice %dma_wait3A_234[%arg1, %dma_wait3A_235, %dma_wait3A_236] : memref<16x250x80xi32, #tpu.memory_space<hbm>> -> memref<1x250x80xi32, #tpu.memory_space<hbm>>
      %dma_wait3A_238 = tpu.memref_squeeze %dma_wait3A_237 : memref<1x250x80xi32, #tpu.memory_space<hbm>> -> memref<250x80xi32, #tpu.memory_space<hbm>>
      %dma_wait3A_239 = arith.constant 0 : i32
      %dma_wait3A_240 = tpu.memref_slice %dma_wait3A_238[%mul3A_46, %dma_wait3A_239] : memref<250x80xi32, #tpu.memory_space<hbm>> -> memref<125x80xi32, #tpu.memory_space<hbm>>
      %dma_wait3A_241 = arith.constant 0 : i32
      %dma_wait3A_242 = arith.constant 0 : i32
      %dma_wait3A_243 = arith.constant 0 : i32
      %dma_wait3A_244 = tpu.memref_slice %arg3[%run_scoped3A_47, %dma_wait3A_241, %dma_wait3A_242, %dma_wait3A_243] : memref<2x16x250x80xi32, #tpu.memory_space<hbm>> -> memref<1x16x250x80xi32, #tpu.memory_space<hbm>>
      %dma_wait3A_245 = tpu.memref_squeeze %dma_wait3A_244 : memref<1x16x250x80xi32, #tpu.memory_space<hbm>> -> memref<16x250x80xi32, #tpu.memory_space<hbm>>
      %dma_wait3A_246 = arith.constant 0 : i32
      %dma_wait3A_247 = arith.constant 0 : i32
      %dma_wait3A_248 = tpu.memref_slice %dma_wait3A_245[%arg1, %dma_wait3A_246, %dma_wait3A_247] : memref<16x250x80xi32, #tpu.memory_space<hbm>> -> memref<1x250x80xi32, #tpu.memory_space<hbm>>
      %dma_wait3A_249 = tpu.memref_squeeze %dma_wait3A_248 : memref<1x250x80xi32, #tpu.memory_space<hbm>> -> memref<250x80xi32, #tpu.memory_space<hbm>>
      %dma_wait3A_250 = arith.constant 0 : i32
      %dma_wait3A_251 = tpu.memref_slice %dma_wait3A_249[%mul3A_46, %dma_wait3A_250] : memref<250x80xi32, #tpu.memory_space<hbm>> -> memref<125x80xi32, #tpu.memory_space<hbm>>
      tpu.wait_dma2 semaphore(%run_scoped3A_207 : memref<!tpu.dma_semaphore, #tpu.memory_space<semaphore_mem>>) src(%dma_wait3A_251 : memref<125x80xi32, #tpu.memory_space<hbm>>) dst(%arg6 : memref<125x80xi32, #tpu.memory_space<vmem>>)
      tpu.yield
    }) : () -> ()
    %barrier3A = arith.constant 0 : index
    tpu.barrier barrier_id(%barrier3A)
    %dma_start3A = arith.constant 0 : i32
    %dma_start3A_48 = arith.constant 0 : i32
    %dma_start3A_49 = arith.constant 0 : i32
    %dma_start3A_50 = arith.constant 0 : i32
    %dma_start3A_51 = arith.constant 0 : i32
    %dma_start3A_52 = tpu.memref_slice %arg7[%dma_start3A_48, %dma_start3A_50, %dma_start3A_51] : memref<5x80x64xf32, #tpu.memory_space<vmem>> -> memref<1x80x64xf32, #tpu.memory_space<vmem>>
    %dma_start3A_53 = tpu.memref_squeeze %dma_start3A_52 : memref<1x80x64xf32, #tpu.memory_space<vmem>> -> memref<80x64xf32, #tpu.memory_space<vmem>>
    %dma_start3A_54 = arith.constant 0 : i32
    %dma_start3A_55 = tpu.memref_slice %arg5[%dma_start3A, %dma_start3A_54] : memref<125x80xi32, #tpu.memory_space<vmem>> -> memref<1x80xi32, #tpu.memory_space<vmem>>
    %dma_start3A_56 = tpu.memref_squeeze %dma_start3A_55 : memref<1x80xi32, #tpu.memory_space<vmem>> -> memref<80xi32, #tpu.memory_space<vmem>>
    %dma_start3A_57 = arith.constant 0 : i32
    %dma_start3A_58 = arith.constant 0 : i32
    %dma_start3A_59 = tpu.memref_slice %arg2[%dma_start3A_57, %dma_start3A_58] : memref<10000x64xf32, #tpu.memory_space<hbm>> -> memref<10000x64xf32, #tpu.memory_space<hbm>>
    %dma_start3A_60 = tpu.memref_slice %arg9[%dma_start3A_49] : memref<5x!tpu.dma_semaphore, #tpu.memory_space<semaphore_mem>> -> memref<1x!tpu.dma_semaphore, #tpu.memory_space<semaphore_mem>>
    %dma_start3A_61 = tpu.memref_squeeze %dma_start3A_60 : memref<1x!tpu.dma_semaphore, #tpu.memory_space<semaphore_mem>> -> memref<!tpu.dma_semaphore, #tpu.memory_space<semaphore_mem>>
    tpu.enqueue_indirect_dma source(%dma_start3A_59 : memref<10000x64xf32, #tpu.memory_space<hbm>>) target(%dma_start3A_53 : memref<80x64xf32, #tpu.memory_space<vmem>>) offsets(%dma_start3A_56 : memref<80xi32, #tpu.memory_space<vmem>>) semaphore(%dma_start3A_61 : memref<!tpu.dma_semaphore, #tpu.memory_space<semaphore_mem>>)
    %dma_start3A_62 = arith.constant 1 : i32
    %dma_start3A_63 = arith.constant 1 : i32
    %dma_start3A_64 = arith.constant 1 : i32
    %dma_start3A_65 = arith.constant 0 : i32
    %dma_start3A_66 = arith.constant 0 : i32
    %dma_start3A_67 = tpu.memref_slice %arg7[%dma_start3A_63, %dma_start3A_65, %dma_start3A_66] : memref<5x80x64xf32, #tpu.memory_space<vmem>> -> memref<1x80x64xf32, #tpu.memory_space<vmem>>
    %dma_start3A_68 = tpu.memref_squeeze %dma_start3A_67 : memref<1x80x64xf32, #tpu.memory_space<vmem>> -> memref<80x64xf32, #tpu.memory_space<vmem>>
    %dma_start3A_69 = arith.constant 0 : i32
    %dma_start3A_70 = tpu.memref_slice %arg5[%dma_start3A_62, %dma_start3A_69] : memref<125x80xi32, #tpu.memory_space<vmem>> -> memref<1x80xi32, #tpu.memory_space<vmem>>
    %dma_start3A_71 = tpu.memref_squeeze %dma_start3A_70 : memref<1x80xi32, #tpu.memory_space<vmem>> -> memref<80xi32, #tpu.memory_space<vmem>>
    %dma_start3A_72 = arith.constant 0 : i32
    %dma_start3A_73 = arith.constant 0 : i32
    %dma_start3A_74 = tpu.memref_slice %arg2[%dma_start3A_72, %dma_start3A_73] : memref<10000x64xf32, #tpu.memory_space<hbm>> -> memref<10000x64xf32, #tpu.memory_space<hbm>>
    %dma_start3A_75 = tpu.memref_slice %arg9[%dma_start3A_64] : memref<5x!tpu.dma_semaphore, #tpu.memory_space<semaphore_mem>> -> memref<1x!tpu.dma_semaphore, #tpu.memory_space<semaphore_mem>>
    %dma_start3A_76 = tpu.memref_squeeze %dma_start3A_75 : memref<1x!tpu.dma_semaphore, #tpu.memory_space<semaphore_mem>> -> memref<!tpu.dma_semaphore, #tpu.memory_space<semaphore_mem>>
    tpu.enqueue_indirect_dma source(%dma_start3A_74 : memref<10000x64xf32, #tpu.memory_space<hbm>>) target(%dma_start3A_68 : memref<80x64xf32, #tpu.memory_space<vmem>>) offsets(%dma_start3A_71 : memref<80xi32, #tpu.memory_space<vmem>>) semaphore(%dma_start3A_76 : memref<!tpu.dma_semaphore, #tpu.memory_space<semaphore_mem>>)
    %dma_start3A_77 = arith.constant 2 : i32
    %dma_start3A_78 = arith.constant 2 : i32
    %dma_start3A_79 = arith.constant 2 : i32
    %dma_start3A_80 = arith.constant 0 : i32
    %dma_start3A_81 = arith.constant 0 : i32
    %dma_start3A_82 = tpu.memref_slice %arg7[%dma_start3A_78, %dma_start3A_80, %dma_start3A_81] : memref<5x80x64xf32, #tpu.memory_space<vmem>> -> memref<1x80x64xf32, #tpu.memory_space<vmem>>
    %dma_start3A_83 = tpu.memref_squeeze %dma_start3A_82 : memref<1x80x64xf32, #tpu.memory_space<vmem>> -> memref<80x64xf32, #tpu.memory_space<vmem>>
    %dma_start3A_84 = arith.constant 0 : i32
    %dma_start3A_85 = tpu.memref_slice %arg5[%dma_start3A_77, %dma_start3A_84] : memref<125x80xi32, #tpu.memory_space<vmem>> -> memref<1x80xi32, #tpu.memory_space<vmem>>
    %dma_start3A_86 = tpu.memref_squeeze %dma_start3A_85 : memref<1x80xi32, #tpu.memory_space<vmem>> -> memref<80xi32, #tpu.memory_space<vmem>>
    %dma_start3A_87 = arith.constant 0 : i32
    %dma_start3A_88 = arith.constant 0 : i32
    %dma_start3A_89 = tpu.memref_slice %arg2[%dma_start3A_87, %dma_start3A_88] : memref<10000x64xf32, #tpu.memory_space<hbm>> -> memref<10000x64xf32, #tpu.memory_space<hbm>>
    %dma_start3A_90 = tpu.memref_slice %arg9[%dma_start3A_79] : memref<5x!tpu.dma_semaphore, #tpu.memory_space<semaphore_mem>> -> memref<1x!tpu.dma_semaphore, #tpu.memory_space<semaphore_mem>>
    %dma_start3A_91 = tpu.memref_squeeze %dma_start3A_90 : memref<1x!tpu.dma_semaphore, #tpu.memory_space<semaphore_mem>> -> memref<!tpu.dma_semaphore, #tpu.memory_space<semaphore_mem>>
    tpu.enqueue_indirect_dma source(%dma_start3A_89 : memref<10000x64xf32, #tpu.memory_space<hbm>>) target(%dma_start3A_83 : memref<80x64xf32, #tpu.memory_space<vmem>>) offsets(%dma_start3A_86 : memref<80xi32, #tpu.memory_space<vmem>>) semaphore(%dma_start3A_91 : memref<!tpu.dma_semaphore, #tpu.memory_space<semaphore_mem>>)
    %dma_start3A_92 = arith.constant 3 : i32
    %dma_start3A_93 = arith.constant 3 : i32
    %dma_start3A_94 = arith.constant 3 : i32
    %dma_start3A_95 = arith.constant 0 : i32
    %dma_start3A_96 = arith.constant 0 : i32
    %dma_start3A_97 = tpu.memref_slice %arg7[%dma_start3A_93, %dma_start3A_95, %dma_start3A_96] : memref<5x80x64xf32, #tpu.memory_space<vmem>> -> memref<1x80x64xf32, #tpu.memory_space<vmem>>
    %dma_start3A_98 = tpu.memref_squeeze %dma_start3A_97 : memref<1x80x64xf32, #tpu.memory_space<vmem>> -> memref<80x64xf32, #tpu.memory_space<vmem>>
    %dma_start3A_99 = arith.constant 0 : i32
    %dma_start3A_100 = tpu.memref_slice %arg5[%dma_start3A_92, %dma_start3A_99] : memref<125x80xi32, #tpu.memory_space<vmem>> -> memref<1x80xi32, #tpu.memory_space<vmem>>
    %dma_start3A_101 = tpu.memref_squeeze %dma_start3A_100 : memref<1x80xi32, #tpu.memory_space<vmem>> -> memref<80xi32, #tpu.memory_space<vmem>>
    %dma_start3A_102 = arith.constant 0 : i32
    %dma_start3A_103 = arith.constant 0 : i32
    %dma_start3A_104 = tpu.memref_slice %arg2[%dma_start3A_102, %dma_start3A_103] : memref<10000x64xf32, #tpu.memory_space<hbm>> -> memref<10000x64xf32, #tpu.memory_space<hbm>>
    %dma_start3A_105 = tpu.memref_slice %arg9[%dma_start3A_94] : memref<5x!tpu.dma_semaphore, #tpu.memory_space<semaphore_mem>> -> memref<1x!tpu.dma_semaphore, #tpu.memory_space<semaphore_mem>>
    %dma_start3A_106 = tpu.memref_squeeze %dma_start3A_105 : memref<1x!tpu.dma_semaphore, #tpu.memory_space<semaphore_mem>> -> memref<!tpu.dma_semaphore, #tpu.memory_space<semaphore_mem>>
    tpu.enqueue_indirect_dma source(%dma_start3A_104 : memref<10000x64xf32, #tpu.memory_space<hbm>>) target(%dma_start3A_98 : memref<80x64xf32, #tpu.memory_space<vmem>>) offsets(%dma_start3A_101 : memref<80xi32, #tpu.memory_space<vmem>>) semaphore(%dma_start3A_106 : memref<!tpu.dma_semaphore, #tpu.memory_space<semaphore_mem>>)
    %dma_start3A_107 = arith.constant 4 : i32
    %dma_start3A_108 = arith.constant 4 : i32
    %dma_start3A_109 = arith.constant 4 : i32
    %dma_start3A_110 = arith.constant 0 : i32
    %dma_start3A_111 = arith.constant 0 : i32
    %dma_start3A_112 = tpu.memref_slice %arg7[%dma_start3A_108, %dma_start3A_110, %dma_start3A_111] : memref<5x80x64xf32, #tpu.memory_space<vmem>> -> memref<1x80x64xf32, #tpu.memory_space<vmem>>
    %dma_start3A_113 = tpu.memref_squeeze %dma_start3A_112 : memref<1x80x64xf32, #tpu.memory_space<vmem>> -> memref<80x64xf32, #tpu.memory_space<vmem>>
    %dma_start3A_114 = arith.constant 0 : i32
    %dma_start3A_115 = tpu.memref_slice %arg5[%dma_start3A_107, %dma_start3A_114] : memref<125x80xi32, #tpu.memory_space<vmem>> -> memref<1x80xi32, #tpu.memory_space<vmem>>
    %dma_start3A_116 = tpu.memref_squeeze %dma_start3A_115 : memref<1x80xi32, #tpu.memory_space<vmem>> -> memref<80xi32, #tpu.memory_space<vmem>>
    %dma_start3A_117 = arith.constant 0 : i32
    %dma_start3A_118 = arith.constant 0 : i32
    %dma_start3A_119 = tpu.memref_slice %arg2[%dma_start3A_117, %dma_start3A_118] : memref<10000x64xf32, #tpu.memory_space<hbm>> -> memref<10000x64xf32, #tpu.memory_space<hbm>>
    %dma_start3A_120 = tpu.memref_slice %arg9[%dma_start3A_109] : memref<5x!tpu.dma_semaphore, #tpu.memory_space<semaphore_mem>> -> memref<1x!tpu.dma_semaphore, #tpu.memory_space<semaphore_mem>>
    %dma_start3A_121 = tpu.memref_squeeze %dma_start3A_120 : memref<1x!tpu.dma_semaphore, #tpu.memory_space<semaphore_mem>> -> memref<!tpu.dma_semaphore, #tpu.memory_space<semaphore_mem>>
    tpu.enqueue_indirect_dma source(%dma_start3A_119 : memref<10000x64xf32, #tpu.memory_space<hbm>>) target(%dma_start3A_113 : memref<80x64xf32, #tpu.memory_space<vmem>>) offsets(%dma_start3A_116 : memref<80xi32, #tpu.memory_space<vmem>>) semaphore(%dma_start3A_121 : memref<!tpu.dma_semaphore, #tpu.memory_space<semaphore_mem>>)
    %scan3A_122 = arith.constant 0 : i32
    %scan3A_123 = arith.constant 0 : i32
    %scan3A_124 = arith.constant 25 : i32
    %scan3A_125 = arith.addi %scan3A_123, %scan3A_124 : i32
    %scan3A_126 = arith.constant 1 : i32
    scf.for %scan3A_207 = %scan3A_123 to %scan3A_125 step %scan3A_126  : i32 {
      %mul3A_208 = arith.constant 5 : i32
      %mul3A_209 = arith.muli %scan3A_207, %mul3A_208 : i32
      %add3A_210 = arith.constant 0 : i32
      %add3A_211 = arith.addi %mul3A_209, %add3A_210 : i32
      %dma_wait3A_212 = arith.constant 0 : i32
      %dma_wait3A_213 = arith.constant 0 : i32
      %dma_wait3A_214 = arith.constant 0 : i32
      %dma_wait3A_215 = arith.constant 0 : i32
      %dma_wait3A_216 = tpu.memref_slice %arg7[%dma_wait3A_212, %dma_wait3A_214, %dma_wait3A_215] : memref<5x80x64xf32, #tpu.memory_space<vmem>> -> memref<1x80x64xf32, #tpu.memory_space<vmem>>
      %dma_wait3A_217 = tpu.memref_squeeze %dma_wait3A_216 : memref<1x80x64xf32, #tpu.memory_space<vmem>> -> memref<80x64xf32, #tpu.memory_space<vmem>>
      %dma_wait3A_218 = arith.constant 0 : i32
      %dma_wait3A_219 = tpu.memref_slice %arg5[%add3A_211, %dma_wait3A_218] : memref<125x80xi32, #tpu.memory_space<vmem>> -> memref<1x80xi32, #tpu.memory_space<vmem>>
      %dma_wait3A_220 = tpu.memref_squeeze %dma_wait3A_219 : memref<1x80xi32, #tpu.memory_space<vmem>> -> memref<80xi32, #tpu.memory_space<vmem>>
      %dma_wait3A_221 = arith.constant 0 : i32
      %dma_wait3A_222 = arith.constant 0 : i32
      %dma_wait3A_223 = tpu.memref_slice %arg2[%dma_wait3A_221, %dma_wait3A_222] : memref<10000x64xf32, #tpu.memory_space<hbm>> -> memref<10000x64xf32, #tpu.memory_space<hbm>>
      %dma_wait3A_224 = tpu.memref_slice %arg9[%dma_wait3A_213] : memref<5x!tpu.dma_semaphore, #tpu.memory_space<semaphore_mem>> -> memref<1x!tpu.dma_semaphore, #tpu.memory_space<semaphore_mem>>
      %dma_wait3A_225 = tpu.memref_squeeze %dma_wait3A_224 : memref<1x!tpu.dma_semaphore, #tpu.memory_space<semaphore_mem>> -> memref<!tpu.dma_semaphore, #tpu.memory_space<semaphore_mem>>
      tpu.wait_indirect_dma semaphore(%dma_wait3A_225 : memref<!tpu.dma_semaphore, #tpu.memory_space<semaphore_mem>>) src(%dma_wait3A_223 : memref<10000x64xf32, #tpu.memory_space<hbm>>) dst(%dma_wait3A_217 : memref<80x64xf32, #tpu.memory_space<vmem>>)
      %dma_start3A_226 = arith.constant 0 : i32
      %dma_start3A_227 = arith.constant 0 : i32
      %dma_start3A_228 = arith.constant 0 : i32
      %dma_start3A_229 = arith.constant 0 : i32
      %dma_start3A_230 = tpu.memref_slice %arg7[%dma_start3A_226, %dma_start3A_228, %dma_start3A_229] : memref<5x80x64xf32, #tpu.memory_space<vmem>> -> memref<1x80x64xf32, #tpu.memory_space<vmem>>
      %dma_start3A_231 = tpu.memref_squeeze %dma_start3A_230 : memref<1x80x64xf32, #tpu.memory_space<vmem>> -> memref<80x64xf32, #tpu.memory_space<vmem>>
      %dma_start3A_232 = arith.constant 0 : i32
      %dma_start3A_233 = tpu.memref_slice %arg6[%add3A_211, %dma_start3A_232] : memref<125x80xi32, #tpu.memory_space<vmem>> -> memref<1x80xi32, #tpu.memory_space<vmem>>
      %dma_start3A_234 = tpu.memref_squeeze %dma_start3A_233 : memref<1x80xi32, #tpu.memory_space<vmem>> -> memref<80xi32, #tpu.memory_space<vmem>>
      %dma_start3A_235 = arith.constant 0 : i32
      %dma_start3A_236 = arith.constant 0 : i32
      %dma_start3A_237 = tpu.memref_slice %arg8[%dma_start3A_235, %dma_start3A_236] : memref<10000x64xf32, #tpu.memory_space<vmem_shared>> -> memref<10000x64xf32, #tpu.memory_space<vmem_shared>>
      %dma_start3A_238 = tpu.memref_slice %arg10[%dma_start3A_227] : memref<5x!tpu.dma_semaphore, #tpu.memory_space<semaphore_mem>> -> memref<1x!tpu.dma_semaphore, #tpu.memory_space<semaphore_mem>>
      %dma_start3A_239 = tpu.memref_squeeze %dma_start3A_238 : memref<1x!tpu.dma_semaphore, #tpu.memory_space<semaphore_mem>> -> memref<!tpu.dma_semaphore, #tpu.memory_space<semaphore_mem>>
      tpu.enqueue_indirect_dma source(%dma_start3A_231 : memref<80x64xf32, #tpu.memory_space<vmem>>) target(%dma_start3A_237 : memref<10000x64xf32, #tpu.memory_space<vmem_shared>>) offsets(%dma_start3A_234 : memref<80xi32, #tpu.memory_space<vmem>>) semaphore(%dma_start3A_239 : memref<!tpu.dma_semaphore, #tpu.memory_space<semaphore_mem>>) {add = true}
      %add3A_240 = arith.constant 5 : i32
      %add3A_241 = arith.addi %add3A_211, %add3A_240 : i32
      %sub3A = arith.constant 2 : i32
      %sub3A_242 = arith.subi %add3A_241, %sub3A : i32
      %ge3A = arith.constant 5 : i32
      %ge3A_243 = arith.cmpi sge, %sub3A_242, %ge3A : i32
      %lt3A = arith.constant 125 : i32
      %lt3A_244 = arith.cmpi slt, %sub3A_242, %lt3A : i32
      %and3A = arith.andi %ge3A_243, %lt3A_244 : i1
      %convert_element_type3A = arith.extui %and3A : i1 to i32
      %cond3A = arith.constant 0 : i32
      %cond3A_245 = arith.cmpi ne, %convert_element_type3A, %cond3A : i32
      scf.if %cond3A_245 {
        %sub3A_422 = arith.constant 5 : i32
        %sub3A_423 = arith.subi %sub3A_242, %sub3A_422 : i32
        %dma_wait3A_424 = arith.constant 3 : i32
        %dma_wait3A_425 = arith.constant 3 : i32
        %dma_wait3A_426 = arith.constant 0 : i32
        %dma_wait3A_427 = arith.constant 0 : i32
        %dma_wait3A_428 = tpu.memref_slice %arg7[%dma_wait3A_424, %dma_wait3A_426, %dma_wait3A_427] : memref<5x80x64xf32, #tpu.memory_space<vmem>> -> memref<1x80x64xf32, #tpu.memory_space<vmem>>
        %dma_wait3A_429 = tpu.memref_squeeze %dma_wait3A_428 : memref<1x80x64xf32, #tpu.memory_space<vmem>> -> memref<80x64xf32, #tpu.memory_space<vmem>>
        %dma_wait3A_430 = arith.constant 0 : i32
        %dma_wait3A_431 = tpu.memref_slice %arg6[%sub3A_423, %dma_wait3A_430] : memref<125x80xi32, #tpu.memory_space<vmem>> -> memref<1x80xi32, #tpu.memory_space<vmem>>
        %dma_wait3A_432 = tpu.memref_squeeze %dma_wait3A_431 : memref<1x80xi32, #tpu.memory_space<vmem>> -> memref<80xi32, #tpu.memory_space<vmem>>
        %dma_wait3A_433 = arith.constant 0 : i32
        %dma_wait3A_434 = arith.constant 0 : i32
        %dma_wait3A_435 = tpu.memref_slice %arg8[%dma_wait3A_433, %dma_wait3A_434] : memref<10000x64xf32, #tpu.memory_space<vmem_shared>> -> memref<10000x64xf32, #tpu.memory_space<vmem_shared>>
        %dma_wait3A_436 = tpu.memref_slice %arg10[%dma_wait3A_425] : memref<5x!tpu.dma_semaphore, #tpu.memory_space<semaphore_mem>> -> memref<1x!tpu.dma_semaphore, #tpu.memory_space<semaphore_mem>>
        %dma_wait3A_437 = tpu.memref_squeeze %dma_wait3A_436 : memref<1x!tpu.dma_semaphore, #tpu.memory_space<semaphore_mem>> -> memref<!tpu.dma_semaphore, #tpu.memory_space<semaphore_mem>>
        tpu.wait_indirect_dma semaphore(%dma_wait3A_437 : memref<!tpu.dma_semaphore, #tpu.memory_space<semaphore_mem>>) src(%dma_wait3A_429 : memref<80x64xf32, #tpu.memory_space<vmem>>) dst(%dma_wait3A_435 : memref<10000x64xf32, #tpu.memory_space<vmem_shared>>)
        %dma_start3A_438 = arith.constant 3 : i32
        %dma_start3A_439 = arith.constant 3 : i32
        %dma_start3A_440 = arith.constant 0 : i32
        %dma_start3A_441 = arith.constant 0 : i32
        %dma_start3A_442 = tpu.memref_slice %arg7[%dma_start3A_438, %dma_start3A_440, %dma_start3A_441] : memref<5x80x64xf32, #tpu.memory_space<vmem>> -> memref<1x80x64xf32, #tpu.memory_space<vmem>>
        %dma_start3A_443 = tpu.memref_squeeze %dma_start3A_442 : memref<1x80x64xf32, #tpu.memory_space<vmem>> -> memref<80x64xf32, #tpu.memory_space<vmem>>
        %dma_start3A_444 = arith.constant 0 : i32
        %dma_start3A_445 = tpu.memref_slice %arg5[%sub3A_242, %dma_start3A_444] : memref<125x80xi32, #tpu.memory_space<vmem>> -> memref<1x80xi32, #tpu.memory_space<vmem>>
        %dma_start3A_446 = tpu.memref_squeeze %dma_start3A_445 : memref<1x80xi32, #tpu.memory_space<vmem>> -> memref<80xi32, #tpu.memory_space<vmem>>
        %dma_start3A_447 = arith.constant 0 : i32
        %dma_start3A_448 = arith.constant 0 : i32
        %dma_start3A_449 = tpu.memref_slice %arg2[%dma_start3A_447, %dma_start3A_448] : memref<10000x64xf32, #tpu.memory_space<hbm>> -> memref<10000x64xf32, #tpu.memory_space<hbm>>
        %dma_start3A_450 = tpu.memref_slice %arg9[%dma_start3A_439] : memref<5x!tpu.dma_semaphore, #tpu.memory_space<semaphore_mem>> -> memref<1x!tpu.dma_semaphore, #tpu.memory_space<semaphore_mem>>
        %dma_start3A_451 = tpu.memref_squeeze %dma_start3A_450 : memref<1x!tpu.dma_semaphore, #tpu.memory_space<semaphore_mem>> -> memref<!tpu.dma_semaphore, #tpu.memory_space<semaphore_mem>>
        tpu.enqueue_indirect_dma source(%dma_start3A_449 : memref<10000x64xf32, #tpu.memory_space<hbm>>) target(%dma_start3A_443 : memref<80x64xf32, #tpu.memory_space<vmem>>) offsets(%dma_start3A_446 : memref<80xi32, #tpu.memory_space<vmem>>) semaphore(%dma_start3A_451 : memref<!tpu.dma_semaphore, #tpu.memory_space<semaphore_mem>>)
      } else {
      }
      %mul3A_246 = arith.constant 5 : i32
      %mul3A_247 = arith.muli %scan3A_207, %mul3A_246 : i32
      %add3A_248 = arith.constant 1 : i32
      %add3A_249 = arith.addi %mul3A_247, %add3A_248 : i32
      %dma_wait3A_250 = arith.constant 1 : i32
      %dma_wait3A_251 = arith.constant 1 : i32
      %dma_wait3A_252 = arith.constant 0 : i32
      %dma_wait3A_253 = arith.constant 0 : i32
      %dma_wait3A_254 = tpu.memref_slice %arg7[%dma_wait3A_250, %dma_wait3A_252, %dma_wait3A_253] : memref<5x80x64xf32, #tpu.memory_space<vmem>> -> memref<1x80x64xf32, #tpu.memory_space<vmem>>
      %dma_wait3A_255 = tpu.memref_squeeze %dma_wait3A_254 : memref<1x80x64xf32, #tpu.memory_space<vmem>> -> memref<80x64xf32, #tpu.memory_space<vmem>>
      %dma_wait3A_256 = arith.constant 0 : i32
      %dma_wait3A_257 = tpu.memref_slice %arg5[%add3A_249, %dma_wait3A_256] : memref<125x80xi32, #tpu.memory_space<vmem>> -> memref<1x80xi32, #tpu.memory_space<vmem>>
      %dma_wait3A_258 = tpu.memref_squeeze %dma_wait3A_257 : memref<1x80xi32, #tpu.memory_space<vmem>> -> memref<80xi32, #tpu.memory_space<vmem>>
      %dma_wait3A_259 = arith.constant 0 : i32
      %dma_wait3A_260 = arith.constant 0 : i32
      %dma_wait3A_261 = tpu.memref_slice %arg2[%dma_wait3A_259, %dma_wait3A_260] : memref<10000x64xf32, #tpu.memory_space<hbm>> -> memref<10000x64xf32, #tpu.memory_space<hbm>>
      %dma_wait3A_262 = tpu.memref_slice %arg9[%dma_wait3A_251] : memref<5x!tpu.dma_semaphore, #tpu.memory_space<semaphore_mem>> -> memref<1x!tpu.dma_semaphore, #tpu.memory_space<semaphore_mem>>
      %dma_wait3A_263 = tpu.memref_squeeze %dma_wait3A_262 : memref<1x!tpu.dma_semaphore, #tpu.memory_space<semaphore_mem>> -> memref<!tpu.dma_semaphore, #tpu.memory_space<semaphore_mem>>
      tpu.wait_indirect_dma semaphore(%dma_wait3A_263 : memref<!tpu.dma_semaphore, #tpu.memory_space<semaphore_mem>>) src(%dma_wait3A_261 : memref<10000x64xf32, #tpu.memory_space<hbm>>) dst(%dma_wait3A_255 : memref<80x64xf32, #tpu.memory_space<vmem>>)
      %dma_start3A_264 = arith.constant 1 : i32
      %dma_start3A_265 = arith.constant 1 : i32
      %dma_start3A_266 = arith.constant 0 : i32
      %dma_start3A_267 = arith.constant 0 : i32
      %dma_start3A_268 = tpu.memref_slice %arg7[%dma_start3A_264, %dma_start3A_266, %dma_start3A_267] : memref<5x80x64xf32, #tpu.memory_space<vmem>> -> memref<1x80x64xf32, #tpu.memory_space<vmem>>
      %dma_start3A_269 = tpu.memref_squeeze %dma_start3A_268 : memref<1x80x64xf32, #tpu.memory_space<vmem>> -> memref<80x64xf32, #tpu.memory_space<vmem>>
      %dma_start3A_270 = arith.constant 0 : i32
      %dma_start3A_271 = tpu.memref_slice %arg6[%add3A_249, %dma_start3A_270] : memref<125x80xi32, #tpu.memory_space<vmem>> -> memref<1x80xi32, #tpu.memory_space<vmem>>
      %dma_start3A_272 = tpu.memref_squeeze %dma_start3A_271 : memref<1x80xi32, #tpu.memory_space<vmem>> -> memref<80xi32, #tpu.memory_space<vmem>>
      %dma_start3A_273 = arith.constant 0 : i32
      %dma_start3A_274 = arith.constant 0 : i32
      %dma_start3A_275 = tpu.memref_slice %arg8[%dma_start3A_273, %dma_start3A_274] : memref<10000x64xf32, #tpu.memory_space<vmem_shared>> -> memref<10000x64xf32, #tpu.memory_space<vmem_shared>>
      %dma_start3A_276 = tpu.memref_slice %arg10[%dma_start3A_265] : memref<5x!tpu.dma_semaphore, #tpu.memory_space<semaphore_mem>> -> memref<1x!tpu.dma_semaphore, #tpu.memory_space<semaphore_mem>>
      %dma_start3A_277 = tpu.memref_squeeze %dma_start3A_276 : memref<1x!tpu.dma_semaphore, #tpu.memory_space<semaphore_mem>> -> memref<!tpu.dma_semaphore, #tpu.memory_space<semaphore_mem>>
      tpu.enqueue_indirect_dma source(%dma_start3A_269 : memref<80x64xf32, #tpu.memory_space<vmem>>) target(%dma_start3A_275 : memref<10000x64xf32, #tpu.memory_space<vmem_shared>>) offsets(%dma_start3A_272 : memref<80xi32, #tpu.memory_space<vmem>>) semaphore(%dma_start3A_277 : memref<!tpu.dma_semaphore, #tpu.memory_space<semaphore_mem>>) {add = true}
      %add3A_278 = arith.constant 5 : i32
      %add3A_279 = arith.addi %add3A_249, %add3A_278 : i32
      %sub3A_280 = arith.constant 2 : i32
      %sub3A_281 = arith.subi %add3A_279, %sub3A_280 : i32
      %ge3A_282 = arith.constant 5 : i32
      %ge3A_283 = arith.cmpi sge, %sub3A_281, %ge3A_282 : i32
      %lt3A_284 = arith.constant 125 : i32
      %lt3A_285 = arith.cmpi slt, %sub3A_281, %lt3A_284 : i32
      %and3A_286 = arith.andi %ge3A_283, %lt3A_285 : i1
      %convert_element_type3A_287 = arith.extui %and3A_286 : i1 to i32
      %cond3A_288 = arith.constant 0 : i32
      %cond3A_289 = arith.cmpi ne, %convert_element_type3A_287, %cond3A_288 : i32
      scf.if %cond3A_289 {
        %sub3A_422 = arith.constant 5 : i32
        %sub3A_423 = arith.subi %sub3A_281, %sub3A_422 : i32
        %dma_wait3A_424 = arith.constant 4 : i32
        %dma_wait3A_425 = arith.constant 4 : i32
        %dma_wait3A_426 = arith.constant 0 : i32
        %dma_wait3A_427 = arith.constant 0 : i32
        %dma_wait3A_428 = tpu.memref_slice %arg7[%dma_wait3A_424, %dma_wait3A_426, %dma_wait3A_427] : memref<5x80x64xf32, #tpu.memory_space<vmem>> -> memref<1x80x64xf32, #tpu.memory_space<vmem>>
        %dma_wait3A_429 = tpu.memref_squeeze %dma_wait3A_428 : memref<1x80x64xf32, #tpu.memory_space<vmem>> -> memref<80x64xf32, #tpu.memory_space<vmem>>
        %dma_wait3A_430 = arith.constant 0 : i32
        %dma_wait3A_431 = tpu.memref_slice %arg6[%sub3A_423, %dma_wait3A_430] : memref<125x80xi32, #tpu.memory_space<vmem>> -> memref<1x80xi32, #tpu.memory_space<vmem>>
        %dma_wait3A_432 = tpu.memref_squeeze %dma_wait3A_431 : memref<1x80xi32, #tpu.memory_space<vmem>> -> memref<80xi32, #tpu.memory_space<vmem>>
        %dma_wait3A_433 = arith.constant 0 : i32
        %dma_wait3A_434 = arith.constant 0 : i32
        %dma_wait3A_435 = tpu.memref_slice %arg8[%dma_wait3A_433, %dma_wait3A_434] : memref<10000x64xf32, #tpu.memory_space<vmem_shared>> -> memref<10000x64xf32, #tpu.memory_space<vmem_shared>>
        %dma_wait3A_436 = tpu.memref_slice %arg10[%dma_wait3A_425] : memref<5x!tpu.dma_semaphore, #tpu.memory_space<semaphore_mem>> -> memref<1x!tpu.dma_semaphore, #tpu.memory_space<semaphore_mem>>
        %dma_wait3A_437 = tpu.memref_squeeze %dma_wait3A_436 : memref<1x!tpu.dma_semaphore, #tpu.memory_space<semaphore_mem>> -> memref<!tpu.dma_semaphore, #tpu.memory_space<semaphore_mem>>
        tpu.wait_indirect_dma semaphore(%dma_wait3A_437 : memref<!tpu.dma_semaphore, #tpu.memory_space<semaphore_mem>>) src(%dma_wait3A_429 : memref<80x64xf32, #tpu.memory_space<vmem>>) dst(%dma_wait3A_435 : memref<10000x64xf32, #tpu.memory_space<vmem_shared>>)
        %dma_start3A_438 = arith.constant 4 : i32
        %dma_start3A_439 = arith.constant 4 : i32
        %dma_start3A_440 = arith.constant 0 : i32
        %dma_start3A_441 = arith.constant 0 : i32
        %dma_start3A_442 = tpu.memref_slice %arg7[%dma_start3A_438, %dma_start3A_440, %dma_start3A_441] : memref<5x80x64xf32, #tpu.memory_space<vmem>> -> memref<1x80x64xf32, #tpu.memory_space<vmem>>
        %dma_start3A_443 = tpu.memref_squeeze %dma_start3A_442 : memref<1x80x64xf32, #tpu.memory_space<vmem>> -> memref<80x64xf32, #tpu.memory_space<vmem>>
        %dma_start3A_444 = arith.constant 0 : i32
        %dma_start3A_445 = tpu.memref_slice %arg5[%sub3A_281, %dma_start3A_444] : memref<125x80xi32, #tpu.memory_space<vmem>> -> memref<1x80xi32, #tpu.memory_space<vmem>>
        %dma_start3A_446 = tpu.memref_squeeze %dma_start3A_445 : memref<1x80xi32, #tpu.memory_space<vmem>> -> memref<80xi32, #tpu.memory_space<vmem>>
        %dma_start3A_447 = arith.constant 0 : i32
        %dma_start3A_448 = arith.constant 0 : i32
        %dma_start3A_449 = tpu.memref_slice %arg2[%dma_start3A_447, %dma_start3A_448] : memref<10000x64xf32, #tpu.memory_space<hbm>> -> memref<10000x64xf32, #tpu.memory_space<hbm>>
        %dma_start3A_450 = tpu.memref_slice %arg9[%dma_start3A_439] : memref<5x!tpu.dma_semaphore, #tpu.memory_space<semaphore_mem>> -> memref<1x!tpu.dma_semaphore, #tpu.memory_space<semaphore_mem>>
        %dma_start3A_451 = tpu.memref_squeeze %dma_start3A_450 : memref<1x!tpu.dma_semaphore, #tpu.memory_space<semaphore_mem>> -> memref<!tpu.dma_semaphore, #tpu.memory_space<semaphore_mem>>
        tpu.enqueue_indirect_dma source(%dma_start3A_449 : memref<10000x64xf32, #tpu.memory_space<hbm>>) target(%dma_start3A_443 : memref<80x64xf32, #tpu.memory_space<vmem>>) offsets(%dma_start3A_446 : memref<80xi32, #tpu.memory_space<vmem>>) semaphore(%dma_start3A_451 : memref<!tpu.dma_semaphore, #tpu.memory_space<semaphore_mem>>)
      } else {
      }
      %mul3A_290 = arith.constant 5 : i32
      %mul3A_291 = arith.muli %scan3A_207, %mul3A_290 : i32
      %add3A_292 = arith.constant 2 : i32
      %add3A_293 = arith.addi %mul3A_291, %add3A_292 : i32
      %dma_wait3A_294 = arith.constant 2 : i32
      %dma_wait3A_295 = arith.constant 2 : i32
      %dma_wait3A_296 = arith.constant 0 : i32
      %dma_wait3A_297 = arith.constant 0 : i32
      %dma_wait3A_298 = tpu.memref_slice %arg7[%dma_wait3A_294, %dma_wait3A_296, %dma_wait3A_297] : memref<5x80x64xf32, #tpu.memory_space<vmem>> -> memref<1x80x64xf32, #tpu.memory_space<vmem>>
      %dma_wait3A_299 = tpu.memref_squeeze %dma_wait3A_298 : memref<1x80x64xf32, #tpu.memory_space<vmem>> -> memref<80x64xf32, #tpu.memory_space<vmem>>
      %dma_wait3A_300 = arith.constant 0 : i32
      %dma_wait3A_301 = tpu.memref_slice %arg5[%add3A_293, %dma_wait3A_300] : memref<125x80xi32, #tpu.memory_space<vmem>> -> memref<1x80xi32, #tpu.memory_space<vmem>>
      %dma_wait3A_302 = tpu.memref_squeeze %dma_wait3A_301 : memref<1x80xi32, #tpu.memory_space<vmem>> -> memref<80xi32, #tpu.memory_space<vmem>>
      %dma_wait3A_303 = arith.constant 0 : i32
      %dma_wait3A_304 = arith.constant 0 : i32
      %dma_wait3A_305 = tpu.memref_slice %arg2[%dma_wait3A_303, %dma_wait3A_304] : memref<10000x64xf32, #tpu.memory_space<hbm>> -> memref<10000x64xf32, #tpu.memory_space<hbm>>
      %dma_wait3A_306 = tpu.memref_slice %arg9[%dma_wait3A_295] : memref<5x!tpu.dma_semaphore, #tpu.memory_space<semaphore_mem>> -> memref<1x!tpu.dma_semaphore, #tpu.memory_space<semaphore_mem>>
      %dma_wait3A_307 = tpu.memref_squeeze %dma_wait3A_306 : memref<1x!tpu.dma_semaphore, #tpu.memory_space<semaphore_mem>> -> memref<!tpu.dma_semaphore, #tpu.memory_space<semaphore_mem>>
      tpu.wait_indirect_dma semaphore(%dma_wait3A_307 : memref<!tpu.dma_semaphore, #tpu.memory_space<semaphore_mem>>) src(%dma_wait3A_305 : memref<10000x64xf32, #tpu.memory_space<hbm>>) dst(%dma_wait3A_299 : memref<80x64xf32, #tpu.memory_space<vmem>>)
      %dma_start3A_308 = arith.constant 2 : i32
      %dma_start3A_309 = arith.constant 2 : i32
      %dma_start3A_310 = arith.constant 0 : i32
      %dma_start3A_311 = arith.constant 0 : i32
      %dma_start3A_312 = tpu.memref_slice %arg7[%dma_start3A_308, %dma_start3A_310, %dma_start3A_311] : memref<5x80x64xf32, #tpu.memory_space<vmem>> -> memref<1x80x64xf32, #tpu.memory_space<vmem>>
      %dma_start3A_313 = tpu.memref_squeeze %dma_start3A_312 : memref<1x80x64xf32, #tpu.memory_space<vmem>> -> memref<80x64xf32, #tpu.memory_space<vmem>>
      %dma_start3A_314 = arith.constant 0 : i32
      %dma_start3A_315 = tpu.memref_slice %arg6[%add3A_293, %dma_start3A_314] : memref<125x80xi32, #tpu.memory_space<vmem>> -> memref<1x80xi32, #tpu.memory_space<vmem>>
      %dma_start3A_316 = tpu.memref_squeeze %dma_start3A_315 : memref<1x80xi32, #tpu.memory_space<vmem>> -> memref<80xi32, #tpu.memory_space<vmem>>
      %dma_start3A_317 = arith.constant 0 : i32
      %dma_start3A_318 = arith.constant 0 : i32
      %dma_start3A_319 = tpu.memref_slice %arg8[%dma_start3A_317, %dma_start3A_318] : memref<10000x64xf32, #tpu.memory_space<vmem_shared>> -> memref<10000x64xf32, #tpu.memory_space<vmem_shared>>
      %dma_start3A_320 = tpu.memref_slice %arg10[%dma_start3A_309] : memref<5x!tpu.dma_semaphore, #tpu.memory_space<semaphore_mem>> -> memref<1x!tpu.dma_semaphore, #tpu.memory_space<semaphore_mem>>
      %dma_start3A_321 = tpu.memref_squeeze %dma_start3A_320 : memref<1x!tpu.dma_semaphore, #tpu.memory_space<semaphore_mem>> -> memref<!tpu.dma_semaphore, #tpu.memory_space<semaphore_mem>>
      tpu.enqueue_indirect_dma source(%dma_start3A_313 : memref<80x64xf32, #tpu.memory_space<vmem>>) target(%dma_start3A_319 : memref<10000x64xf32, #tpu.memory_space<vmem_shared>>) offsets(%dma_start3A_316 : memref<80xi32, #tpu.memory_space<vmem>>) semaphore(%dma_start3A_321 : memref<!tpu.dma_semaphore, #tpu.memory_space<semaphore_mem>>) {add = true}
      %add3A_322 = arith.constant 5 : i32
      %add3A_323 = arith.addi %add3A_293, %add3A_322 : i32
      %sub3A_324 = arith.constant 2 : i32
      %sub3A_325 = arith.subi %add3A_323, %sub3A_324 : i32
      %ge3A_326 = arith.constant 5 : i32
      %ge3A_327 = arith.cmpi sge, %sub3A_325, %ge3A_326 : i32
      %lt3A_328 = arith.constant 125 : i32
      %lt3A_329 = arith.cmpi slt, %sub3A_325, %lt3A_328 : i32
      %and3A_330 = arith.andi %ge3A_327, %lt3A_329 : i1
      %convert_element_type3A_331 = arith.extui %and3A_330 : i1 to i32
      %cond3A_332 = arith.constant 0 : i32
      %cond3A_333 = arith.cmpi ne, %convert_element_type3A_331, %cond3A_332 : i32
      scf.if %cond3A_333 {
        %sub3A_422 = arith.constant 5 : i32
        %sub3A_423 = arith.subi %sub3A_325, %sub3A_422 : i32
        %dma_wait3A_424 = arith.constant 0 : i32
        %dma_wait3A_425 = arith.constant 0 : i32
        %dma_wait3A_426 = arith.constant 0 : i32
        %dma_wait3A_427 = arith.constant 0 : i32
        %dma_wait3A_428 = tpu.memref_slice %arg7[%dma_wait3A_424, %dma_wait3A_426, %dma_wait3A_427] : memref<5x80x64xf32, #tpu.memory_space<vmem>> -> memref<1x80x64xf32, #tpu.memory_space<vmem>>
        %dma_wait3A_429 = tpu.memref_squeeze %dma_wait3A_428 : memref<1x80x64xf32, #tpu.memory_space<vmem>> -> memref<80x64xf32, #tpu.memory_space<vmem>>
        %dma_wait3A_430 = arith.constant 0 : i32
        %dma_wait3A_431 = tpu.memref_slice %arg6[%sub3A_423, %dma_wait3A_430] : memref<125x80xi32, #tpu.memory_space<vmem>> -> memref<1x80xi32, #tpu.memory_space<vmem>>
        %dma_wait3A_432 = tpu.memref_squeeze %dma_wait3A_431 : memref<1x80xi32, #tpu.memory_space<vmem>> -> memref<80xi32, #tpu.memory_space<vmem>>
        %dma_wait3A_433 = arith.constant 0 : i32
        %dma_wait3A_434 = arith.constant 0 : i32
        %dma_wait3A_435 = tpu.memref_slice %arg8[%dma_wait3A_433, %dma_wait3A_434] : memref<10000x64xf32, #tpu.memory_space<vmem_shared>> -> memref<10000x64xf32, #tpu.memory_space<vmem_shared>>
        %dma_wait3A_436 = tpu.memref_slice %arg10[%dma_wait3A_425] : memref<5x!tpu.dma_semaphore, #tpu.memory_space<semaphore_mem>> -> memref<1x!tpu.dma_semaphore, #tpu.memory_space<semaphore_mem>>
        %dma_wait3A_437 = tpu.memref_squeeze %dma_wait3A_436 : memref<1x!tpu.dma_semaphore, #tpu.memory_space<semaphore_mem>> -> memref<!tpu.dma_semaphore, #tpu.memory_space<semaphore_mem>>
        tpu.wait_indirect_dma semaphore(%dma_wait3A_437 : memref<!tpu.dma_semaphore, #tpu.memory_space<semaphore_mem>>) src(%dma_wait3A_429 : memref<80x64xf32, #tpu.memory_space<vmem>>) dst(%dma_wait3A_435 : memref<10000x64xf32, #tpu.memory_space<vmem_shared>>)
        %dma_start3A_438 = arith.constant 0 : i32
        %dma_start3A_439 = arith.constant 0 : i32
        %dma_start3A_440 = arith.constant 0 : i32
        %dma_start3A_441 = arith.constant 0 : i32
        %dma_start3A_442 = tpu.memref_slice %arg7[%dma_start3A_438, %dma_start3A_440, %dma_start3A_441] : memref<5x80x64xf32, #tpu.memory_space<vmem>> -> memref<1x80x64xf32, #tpu.memory_space<vmem>>
        %dma_start3A_443 = tpu.memref_squeeze %dma_start3A_442 : memref<1x80x64xf32, #tpu.memory_space<vmem>> -> memref<80x64xf32, #tpu.memory_space<vmem>>
        %dma_start3A_444 = arith.constant 0 : i32
        %dma_start3A_445 = tpu.memref_slice %arg5[%sub3A_325, %dma_start3A_444] : memref<125x80xi32, #tpu.memory_space<vmem>> -> memref<1x80xi32, #tpu.memory_space<vmem>>
        %dma_start3A_446 = tpu.memref_squeeze %dma_start3A_445 : memref<1x80xi32, #tpu.memory_space<vmem>> -> memref<80xi32, #tpu.memory_space<vmem>>
        %dma_start3A_447 = arith.constant 0 : i32
        %dma_start3A_448 = arith.constant 0 : i32
        %dma_start3A_449 = tpu.memref_slice %arg2[%dma_start3A_447, %dma_start3A_448] : memref<10000x64xf32, #tpu.memory_space<hbm>> -> memref<10000x64xf32, #tpu.memory_space<hbm>>
        %dma_start3A_450 = tpu.memref_slice %arg9[%dma_start3A_439] : memref<5x!tpu.dma_semaphore, #tpu.memory_space<semaphore_mem>> -> memref<1x!tpu.dma_semaphore, #tpu.memory_space<semaphore_mem>>
        %dma_start3A_451 = tpu.memref_squeeze %dma_start3A_450 : memref<1x!tpu.dma_semaphore, #tpu.memory_space<semaphore_mem>> -> memref<!tpu.dma_semaphore, #tpu.memory_space<semaphore_mem>>
        tpu.enqueue_indirect_dma source(%dma_start3A_449 : memref<10000x64xf32, #tpu.memory_space<hbm>>) target(%dma_start3A_443 : memref<80x64xf32, #tpu.memory_space<vmem>>) offsets(%dma_start3A_446 : memref<80xi32, #tpu.memory_space<vmem>>) semaphore(%dma_start3A_451 : memref<!tpu.dma_semaphore, #tpu.memory_space<semaphore_mem>>)
      } else {
      }
      %mul3A_334 = arith.constant 5 : i32
      %mul3A_335 = arith.muli %scan3A_207, %mul3A_334 : i32
      %add3A_336 = arith.constant 3 : i32
      %add3A_337 = arith.addi %mul3A_335, %add3A_336 : i32
      %dma_wait3A_338 = arith.constant 3 : i32
      %dma_wait3A_339 = arith.constant 3 : i32
      %dma_wait3A_340 = arith.constant 0 : i32
      %dma_wait3A_341 = arith.constant 0 : i32
      %dma_wait3A_342 = tpu.memref_slice %arg7[%dma_wait3A_338, %dma_wait3A_340, %dma_wait3A_341] : memref<5x80x64xf32, #tpu.memory_space<vmem>> -> memref<1x80x64xf32, #tpu.memory_space<vmem>>
      %dma_wait3A_343 = tpu.memref_squeeze %dma_wait3A_342 : memref<1x80x64xf32, #tpu.memory_space<vmem>> -> memref<80x64xf32, #tpu.memory_space<vmem>>
      %dma_wait3A_344 = arith.constant 0 : i32
      %dma_wait3A_345 = tpu.memref_slice %arg5[%add3A_337, %dma_wait3A_344] : memref<125x80xi32, #tpu.memory_space<vmem>> -> memref<1x80xi32, #tpu.memory_space<vmem>>
      %dma_wait3A_346 = tpu.memref_squeeze %dma_wait3A_345 : memref<1x80xi32, #tpu.memory_space<vmem>> -> memref<80xi32, #tpu.memory_space<vmem>>
      %dma_wait3A_347 = arith.constant 0 : i32
      %dma_wait3A_348 = arith.constant 0 : i32
      %dma_wait3A_349 = tpu.memref_slice %arg2[%dma_wait3A_347, %dma_wait3A_348] : memref<10000x64xf32, #tpu.memory_space<hbm>> -> memref<10000x64xf32, #tpu.memory_space<hbm>>
      %dma_wait3A_350 = tpu.memref_slice %arg9[%dma_wait3A_339] : memref<5x!tpu.dma_semaphore, #tpu.memory_space<semaphore_mem>> -> memref<1x!tpu.dma_semaphore, #tpu.memory_space<semaphore_mem>>
      %dma_wait3A_351 = tpu.memref_squeeze %dma_wait3A_350 : memref<1x!tpu.dma_semaphore, #tpu.memory_space<semaphore_mem>> -> memref<!tpu.dma_semaphore, #tpu.memory_space<semaphore_mem>>
      tpu.wait_indirect_dma semaphore(%dma_wait3A_351 : memref<!tpu.dma_semaphore, #tpu.memory_space<semaphore_mem>>) src(%dma_wait3A_349 : memref<10000x64xf32, #tpu.memory_space<hbm>>) dst(%dma_wait3A_343 : memref<80x64xf32, #tpu.memory_space<vmem>>)
      %dma_start3A_352 = arith.constant 3 : i32
      %dma_start3A_353 = arith.constant 3 : i32
      %dma_start3A_354 = arith.constant 0 : i32
      %dma_start3A_355 = arith.constant 0 : i32
      %dma_start3A_356 = tpu.memref_slice %arg7[%dma_start3A_352, %dma_start3A_354, %dma_start3A_355] : memref<5x80x64xf32, #tpu.memory_space<vmem>> -> memref<1x80x64xf32, #tpu.memory_space<vmem>>
      %dma_start3A_357 = tpu.memref_squeeze %dma_start3A_356 : memref<1x80x64xf32, #tpu.memory_space<vmem>> -> memref<80x64xf32, #tpu.memory_space<vmem>>
      %dma_start3A_358 = arith.constant 0 : i32
      %dma_start3A_359 = tpu.memref_slice %arg6[%add3A_337, %dma_start3A_358] : memref<125x80xi32, #tpu.memory_space<vmem>> -> memref<1x80xi32, #tpu.memory_space<vmem>>
      %dma_start3A_360 = tpu.memref_squeeze %dma_start3A_359 : memref<1x80xi32, #tpu.memory_space<vmem>> -> memref<80xi32, #tpu.memory_space<vmem>>
      %dma_start3A_361 = arith.constant 0 : i32
      %dma_start3A_362 = arith.constant 0 : i32
      %dma_start3A_363 = tpu.memref_slice %arg8[%dma_start3A_361, %dma_start3A_362] : memref<10000x64xf32, #tpu.memory_space<vmem_shared>> -> memref<10000x64xf32, #tpu.memory_space<vmem_shared>>
      %dma_start3A_364 = tpu.memref_slice %arg10[%dma_start3A_353] : memref<5x!tpu.dma_semaphore, #tpu.memory_space<semaphore_mem>> -> memref<1x!tpu.dma_semaphore, #tpu.memory_space<semaphore_mem>>
      %dma_start3A_365 = tpu.memref_squeeze %dma_start3A_364 : memref<1x!tpu.dma_semaphore, #tpu.memory_space<semaphore_mem>> -> memref<!tpu.dma_semaphore, #tpu.memory_space<semaphore_mem>>
      tpu.enqueue_indirect_dma source(%dma_start3A_357 : memref<80x64xf32, #tpu.memory_space<vmem>>) target(%dma_start3A_363 : memref<10000x64xf32, #tpu.memory_space<vmem_shared>>) offsets(%dma_start3A_360 : memref<80xi32, #tpu.memory_space<vmem>>) semaphore(%dma_start3A_365 : memref<!tpu.dma_semaphore, #tpu.memory_space<semaphore_mem>>) {add = true}
      %add3A_366 = arith.constant 5 : i32
      %add3A_367 = arith.addi %add3A_337, %add3A_366 : i32
      %sub3A_368 = arith.constant 2 : i32
      %sub3A_369 = arith.subi %add3A_367, %sub3A_368 : i32
      %ge3A_370 = arith.constant 5 : i32
      %ge3A_371 = arith.cmpi sge, %sub3A_369, %ge3A_370 : i32
      %lt3A_372 = arith.constant 125 : i32
      %lt3A_373 = arith.cmpi slt, %sub3A_369, %lt3A_372 : i32
      %and3A_374 = arith.andi %ge3A_371, %lt3A_373 : i1
      %convert_element_type3A_375 = arith.extui %and3A_374 : i1 to i32
      %cond3A_376 = arith.constant 0 : i32
      %cond3A_377 = arith.cmpi ne, %convert_element_type3A_375, %cond3A_376 : i32
      scf.if %cond3A_377 {
        %sub3A_422 = arith.constant 5 : i32
        %sub3A_423 = arith.subi %sub3A_369, %sub3A_422 : i32
        %dma_wait3A_424 = arith.constant 1 : i32
        %dma_wait3A_425 = arith.constant 1 : i32
        %dma_wait3A_426 = arith.constant 0 : i32
        %dma_wait3A_427 = arith.constant 0 : i32
        %dma_wait3A_428 = tpu.memref_slice %arg7[%dma_wait3A_424, %dma_wait3A_426, %dma_wait3A_427] : memref<5x80x64xf32, #tpu.memory_space<vmem>> -> memref<1x80x64xf32, #tpu.memory_space<vmem>>
        %dma_wait3A_429 = tpu.memref_squeeze %dma_wait3A_428 : memref<1x80x64xf32, #tpu.memory_space<vmem>> -> memref<80x64xf32, #tpu.memory_space<vmem>>
        %dma_wait3A_430 = arith.constant 0 : i32
        %dma_wait3A_431 = tpu.memref_slice %arg6[%sub3A_423, %dma_wait3A_430] : memref<125x80xi32, #tpu.memory_space<vmem>> -> memref<1x80xi32, #tpu.memory_space<vmem>>
        %dma_wait3A_432 = tpu.memref_squeeze %dma_wait3A_431 : memref<1x80xi32, #tpu.memory_space<vmem>> -> memref<80xi32, #tpu.memory_space<vmem>>
        %dma_wait3A_433 = arith.constant 0 : i32
        %dma_wait3A_434 = arith.constant 0 : i32
        %dma_wait3A_435 = tpu.memref_slice %arg8[%dma_wait3A_433, %dma_wait3A_434] : memref<10000x64xf32, #tpu.memory_space<vmem_shared>> -> memref<10000x64xf32, #tpu.memory_space<vmem_shared>>
        %dma_wait3A_436 = tpu.memref_slice %arg10[%dma_wait3A_425] : memref<5x!tpu.dma_semaphore, #tpu.memory_space<semaphore_mem>> -> memref<1x!tpu.dma_semaphore, #tpu.memory_space<semaphore_mem>>
        %dma_wait3A_437 = tpu.memref_squeeze %dma_wait3A_436 : memref<1x!tpu.dma_semaphore, #tpu.memory_space<semaphore_mem>> -> memref<!tpu.dma_semaphore, #tpu.memory_space<semaphore_mem>>
        tpu.wait_indirect_dma semaphore(%dma_wait3A_437 : memref<!tpu.dma_semaphore, #tpu.memory_space<semaphore_mem>>) src(%dma_wait3A_429 : memref<80x64xf32, #tpu.memory_space<vmem>>) dst(%dma_wait3A_435 : memref<10000x64xf32, #tpu.memory_space<vmem_shared>>)
        %dma_start3A_438 = arith.constant 1 : i32
        %dma_start3A_439 = arith.constant 1 : i32
        %dma_start3A_440 = arith.constant 0 : i32
        %dma_start3A_441 = arith.constant 0 : i32
        %dma_start3A_442 = tpu.memref_slice %arg7[%dma_start3A_438, %dma_start3A_440, %dma_start3A_441] : memref<5x80x64xf32, #tpu.memory_space<vmem>> -> memref<1x80x64xf32, #tpu.memory_space<vmem>>
        %dma_start3A_443 = tpu.memref_squeeze %dma_start3A_442 : memref<1x80x64xf32, #tpu.memory_space<vmem>> -> memref<80x64xf32, #tpu.memory_space<vmem>>
        %dma_start3A_444 = arith.constant 0 : i32
        %dma_start3A_445 = tpu.memref_slice %arg5[%sub3A_369, %dma_start3A_444] : memref<125x80xi32, #tpu.memory_space<vmem>> -> memref<1x80xi32, #tpu.memory_space<vmem>>
        %dma_start3A_446 = tpu.memref_squeeze %dma_start3A_445 : memref<1x80xi32, #tpu.memory_space<vmem>> -> memref<80xi32, #tpu.memory_space<vmem>>
        %dma_start3A_447 = arith.constant 0 : i32
        %dma_start3A_448 = arith.constant 0 : i32
        %dma_start3A_449 = tpu.memref_slice %arg2[%dma_start3A_447, %dma_start3A_448] : memref<10000x64xf32, #tpu.memory_space<hbm>> -> memref<10000x64xf32, #tpu.memory_space<hbm>>
        %dma_start3A_450 = tpu.memref_slice %arg9[%dma_start3A_439] : memref<5x!tpu.dma_semaphore, #tpu.memory_space<semaphore_mem>> -> memref<1x!tpu.dma_semaphore, #tpu.memory_space<semaphore_mem>>
        %dma_start3A_451 = tpu.memref_squeeze %dma_start3A_450 : memref<1x!tpu.dma_semaphore, #tpu.memory_space<semaphore_mem>> -> memref<!tpu.dma_semaphore, #tpu.memory_space<semaphore_mem>>
        tpu.enqueue_indirect_dma source(%dma_start3A_449 : memref<10000x64xf32, #tpu.memory_space<hbm>>) target(%dma_start3A_443 : memref<80x64xf32, #tpu.memory_space<vmem>>) offsets(%dma_start3A_446 : memref<80xi32, #tpu.memory_space<vmem>>) semaphore(%dma_start3A_451 : memref<!tpu.dma_semaphore, #tpu.memory_space<semaphore_mem>>)
      } else {
      }
      %mul3A_378 = arith.constant 5 : i32
      %mul3A_379 = arith.muli %scan3A_207, %mul3A_378 : i32
      %add3A_380 = arith.constant 4 : i32
      %add3A_381 = arith.addi %mul3A_379, %add3A_380 : i32
      %dma_wait3A_382 = arith.constant 4 : i32
      %dma_wait3A_383 = arith.constant 4 : i32
      %dma_wait3A_384 = arith.constant 0 : i32
      %dma_wait3A_385 = arith.constant 0 : i32
      %dma_wait3A_386 = tpu.memref_slice %arg7[%dma_wait3A_382, %dma_wait3A_384, %dma_wait3A_385] : memref<5x80x64xf32, #tpu.memory_space<vmem>> -> memref<1x80x64xf32, #tpu.memory_space<vmem>>
      %dma_wait3A_387 = tpu.memref_squeeze %dma_wait3A_386 : memref<1x80x64xf32, #tpu.memory_space<vmem>> -> memref<80x64xf32, #tpu.memory_space<vmem>>
      %dma_wait3A_388 = arith.constant 0 : i32
      %dma_wait3A_389 = tpu.memref_slice %arg5[%add3A_381, %dma_wait3A_388] : memref<125x80xi32, #tpu.memory_space<vmem>> -> memref<1x80xi32, #tpu.memory_space<vmem>>
      %dma_wait3A_390 = tpu.memref_squeeze %dma_wait3A_389 : memref<1x80xi32, #tpu.memory_space<vmem>> -> memref<80xi32, #tpu.memory_space<vmem>>
      %dma_wait3A_391 = arith.constant 0 : i32
      %dma_wait3A_392 = arith.constant 0 : i32
      %dma_wait3A_393 = tpu.memref_slice %arg2[%dma_wait3A_391, %dma_wait3A_392] : memref<10000x64xf32, #tpu.memory_space<hbm>> -> memref<10000x64xf32, #tpu.memory_space<hbm>>
      %dma_wait3A_394 = tpu.memref_slice %arg9[%dma_wait3A_383] : memref<5x!tpu.dma_semaphore, #tpu.memory_space<semaphore_mem>> -> memref<1x!tpu.dma_semaphore, #tpu.memory_space<semaphore_mem>>
      %dma_wait3A_395 = tpu.memref_squeeze %dma_wait3A_394 : memref<1x!tpu.dma_semaphore, #tpu.memory_space<semaphore_mem>> -> memref<!tpu.dma_semaphore, #tpu.memory_space<semaphore_mem>>
      tpu.wait_indirect_dma semaphore(%dma_wait3A_395 : memref<!tpu.dma_semaphore, #tpu.memory_space<semaphore_mem>>) src(%dma_wait3A_393 : memref<10000x64xf32, #tpu.memory_space<hbm>>) dst(%dma_wait3A_387 : memref<80x64xf32, #tpu.memory_space<vmem>>)
      %dma_start3A_396 = arith.constant 4 : i32
      %dma_start3A_397 = arith.constant 4 : i32
      %dma_start3A_398 = arith.constant 0 : i32
      %dma_start3A_399 = arith.constant 0 : i32
      %dma_start3A_400 = tpu.memref_slice %arg7[%dma_start3A_396, %dma_start3A_398, %dma_start3A_399] : memref<5x80x64xf32, #tpu.memory_space<vmem>> -> memref<1x80x64xf32, #tpu.memory_space<vmem>>
      %dma_start3A_401 = tpu.memref_squeeze %dma_start3A_400 : memref<1x80x64xf32, #tpu.memory_space<vmem>> -> memref<80x64xf32, #tpu.memory_space<vmem>>
      %dma_start3A_402 = arith.constant 0 : i32
      %dma_start3A_403 = tpu.memref_slice %arg6[%add3A_381, %dma_start3A_402] : memref<125x80xi32, #tpu.memory_space<vmem>> -> memref<1x80xi32, #tpu.memory_space<vmem>>
      %dma_start3A_404 = tpu.memref_squeeze %dma_start3A_403 : memref<1x80xi32, #tpu.memory_space<vmem>> -> memref<80xi32, #tpu.memory_space<vmem>>
      %dma_start3A_405 = arith.constant 0 : i32
      %dma_start3A_406 = arith.constant 0 : i32
      %dma_start3A_407 = tpu.memref_slice %arg8[%dma_start3A_405, %dma_start3A_406] : memref<10000x64xf32, #tpu.memory_space<vmem_shared>> -> memref<10000x64xf32, #tpu.memory_space<vmem_shared>>
      %dma_start3A_408 = tpu.memref_slice %arg10[%dma_start3A_397] : memref<5x!tpu.dma_semaphore, #tpu.memory_space<semaphore_mem>> -> memref<1x!tpu.dma_semaphore, #tpu.memory_space<semaphore_mem>>
      %dma_start3A_409 = tpu.memref_squeeze %dma_start3A_408 : memref<1x!tpu.dma_semaphore, #tpu.memory_space<semaphore_mem>> -> memref<!tpu.dma_semaphore, #tpu.memory_space<semaphore_mem>>
      tpu.enqueue_indirect_dma source(%dma_start3A_401 : memref<80x64xf32, #tpu.memory_space<vmem>>) target(%dma_start3A_407 : memref<10000x64xf32, #tpu.memory_space<vmem_shared>>) offsets(%dma_start3A_404 : memref<80xi32, #tpu.memory_space<vmem>>) semaphore(%dma_start3A_409 : memref<!tpu.dma_semaphore, #tpu.memory_space<semaphore_mem>>) {add = true}
      %add3A_410 = arith.constant 5 : i32
      %add3A_411 = arith.addi %add3A_381, %add3A_410 : i32
      %sub3A_412 = arith.constant 2 : i32
      %sub3A_413 = arith.subi %add3A_411, %sub3A_412 : i32
      %ge3A_414 = arith.constant 5 : i32
      %ge3A_415 = arith.cmpi sge, %sub3A_413, %ge3A_414 : i32
      %lt3A_416 = arith.constant 125 : i32
      %lt3A_417 = arith.cmpi slt, %sub3A_413, %lt3A_416 : i32
      %and3A_418 = arith.andi %ge3A_415, %lt3A_417 : i1
      %convert_element_type3A_419 = arith.extui %and3A_418 : i1 to i32
      %cond3A_420 = arith.constant 0 : i32
      %cond3A_421 = arith.cmpi ne, %convert_element_type3A_419, %cond3A_420 : i32
      scf.if %cond3A_421 {
        %sub3A_422 = arith.constant 5 : i32
        %sub3A_423 = arith.subi %sub3A_413, %sub3A_422 : i32
        %dma_wait3A_424 = arith.constant 2 : i32
        %dma_wait3A_425 = arith.constant 2 : i32
        %dma_wait3A_426 = arith.constant 0 : i32
        %dma_wait3A_427 = arith.constant 0 : i32
        %dma_wait3A_428 = tpu.memref_slice %arg7[%dma_wait3A_424, %dma_wait3A_426, %dma_wait3A_427] : memref<5x80x64xf32, #tpu.memory_space<vmem>> -> memref<1x80x64xf32, #tpu.memory_space<vmem>>
        %dma_wait3A_429 = tpu.memref_squeeze %dma_wait3A_428 : memref<1x80x64xf32, #tpu.memory_space<vmem>> -> memref<80x64xf32, #tpu.memory_space<vmem>>
        %dma_wait3A_430 = arith.constant 0 : i32
        %dma_wait3A_431 = tpu.memref_slice %arg6[%sub3A_423, %dma_wait3A_430] : memref<125x80xi32, #tpu.memory_space<vmem>> -> memref<1x80xi32, #tpu.memory_space<vmem>>
        %dma_wait3A_432 = tpu.memref_squeeze %dma_wait3A_431 : memref<1x80xi32, #tpu.memory_space<vmem>> -> memref<80xi32, #tpu.memory_space<vmem>>
        %dma_wait3A_433 = arith.constant 0 : i32
        %dma_wait3A_434 = arith.constant 0 : i32
        %dma_wait3A_435 = tpu.memref_slice %arg8[%dma_wait3A_433, %dma_wait3A_434] : memref<10000x64xf32, #tpu.memory_space<vmem_shared>> -> memref<10000x64xf32, #tpu.memory_space<vmem_shared>>
        %dma_wait3A_436 = tpu.memref_slice %arg10[%dma_wait3A_425] : memref<5x!tpu.dma_semaphore, #tpu.memory_space<semaphore_mem>> -> memref<1x!tpu.dma_semaphore, #tpu.memory_space<semaphore_mem>>
        %dma_wait3A_437 = tpu.memref_squeeze %dma_wait3A_436 : memref<1x!tpu.dma_semaphore, #tpu.memory_space<semaphore_mem>> -> memref<!tpu.dma_semaphore, #tpu.memory_space<semaphore_mem>>
        tpu.wait_indirect_dma semaphore(%dma_wait3A_437 : memref<!tpu.dma_semaphore, #tpu.memory_space<semaphore_mem>>) src(%dma_wait3A_429 : memref<80x64xf32, #tpu.memory_space<vmem>>) dst(%dma_wait3A_435 : memref<10000x64xf32, #tpu.memory_space<vmem_shared>>)
        %dma_start3A_438 = arith.constant 2 : i32
        %dma_start3A_439 = arith.constant 2 : i32
        %dma_start3A_440 = arith.constant 0 : i32
        %dma_start3A_441 = arith.constant 0 : i32
        %dma_start3A_442 = tpu.memref_slice %arg7[%dma_start3A_438, %dma_start3A_440, %dma_start3A_441] : memref<5x80x64xf32, #tpu.memory_space<vmem>> -> memref<1x80x64xf32, #tpu.memory_space<vmem>>
        %dma_start3A_443 = tpu.memref_squeeze %dma_start3A_442 : memref<1x80x64xf32, #tpu.memory_space<vmem>> -> memref<80x64xf32, #tpu.memory_space<vmem>>
        %dma_start3A_444 = arith.constant 0 : i32
        %dma_start3A_445 = tpu.memref_slice %arg5[%sub3A_413, %dma_start3A_444] : memref<125x80xi32, #tpu.memory_space<vmem>> -> memref<1x80xi32, #tpu.memory_space<vmem>>
        %dma_start3A_446 = tpu.memref_squeeze %dma_start3A_445 : memref<1x80xi32, #tpu.memory_space<vmem>> -> memref<80xi32, #tpu.memory_space<vmem>>
        %dma_start3A_447 = arith.constant 0 : i32
        %dma_start3A_448 = arith.constant 0 : i32
        %dma_start3A_449 = tpu.memref_slice %arg2[%dma_start3A_447, %dma_start3A_448] : memref<10000x64xf32, #tpu.memory_space<hbm>> -> memref<10000x64xf32, #tpu.memory_space<hbm>>
        %dma_start3A_450 = tpu.memref_slice %arg9[%dma_start3A_439] : memref<5x!tpu.dma_semaphore, #tpu.memory_space<semaphore_mem>> -> memref<1x!tpu.dma_semaphore, #tpu.memory_space<semaphore_mem>>
        %dma_start3A_451 = tpu.memref_squeeze %dma_start3A_450 : memref<1x!tpu.dma_semaphore, #tpu.memory_space<semaphore_mem>> -> memref<!tpu.dma_semaphore, #tpu.memory_space<semaphore_mem>>
        tpu.enqueue_indirect_dma source(%dma_start3A_449 : memref<10000x64xf32, #tpu.memory_space<hbm>>) target(%dma_start3A_443 : memref<80x64xf32, #tpu.memory_space<vmem>>) offsets(%dma_start3A_446 : memref<80xi32, #tpu.memory_space<vmem>>) semaphore(%dma_start3A_451 : memref<!tpu.dma_semaphore, #tpu.memory_space<semaphore_mem>>)
      } else {
      }
    }
    %scan3A_127 = arith.constant 25 : i32
    %dma_wait3A = arith.constant 0 : i32
    %dma_wait3A_128 = arith.constant 120 : i32
    %dma_wait3A_129 = arith.constant 0 : i32
    %dma_wait3A_130 = arith.constant 0 : i32
    %dma_wait3A_131 = arith.constant 0 : i32
    %dma_wait3A_132 = tpu.memref_slice %arg7[%dma_wait3A, %dma_wait3A_130, %dma_wait3A_131] : memref<5x80x64xf32, #tpu.memory_space<vmem>> -> memref<1x80x64xf32, #tpu.memory_space<vmem>>
    %dma_wait3A_133 = tpu.memref_squeeze %dma_wait3A_132 : memref<1x80x64xf32, #tpu.memory_space<vmem>> -> memref<80x64xf32, #tpu.memory_space<vmem>>
    %dma_wait3A_134 = arith.constant 0 : i32
    %dma_wait3A_135 = tpu.memref_slice %arg6[%dma_wait3A_128, %dma_wait3A_134] : memref<125x80xi32, #tpu.memory_space<vmem>> -> memref<1x80xi32, #tpu.memory_space<vmem>>
    %dma_wait3A_136 = tpu.memref_squeeze %dma_wait3A_135 : memref<1x80xi32, #tpu.memory_space<vmem>> -> memref<80xi32, #tpu.memory_space<vmem>>
    %dma_wait3A_137 = arith.constant 0 : i32
    %dma_wait3A_138 = arith.constant 0 : i32
    %dma_wait3A_139 = tpu.memref_slice %arg8[%dma_wait3A_137, %dma_wait3A_138] : memref<10000x64xf32, #tpu.memory_space<vmem_shared>> -> memref<10000x64xf32, #tpu.memory_space<vmem_shared>>
    %dma_wait3A_140 = tpu.memref_slice %arg10[%dma_wait3A_129] : memref<5x!tpu.dma_semaphore, #tpu.memory_space<semaphore_mem>> -> memref<1x!tpu.dma_semaphore, #tpu.memory_space<semaphore_mem>>
    %dma_wait3A_141 = tpu.memref_squeeze %dma_wait3A_140 : memref<1x!tpu.dma_semaphore, #tpu.memory_space<semaphore_mem>> -> memref<!tpu.dma_semaphore, #tpu.memory_space<semaphore_mem>>
    tpu.wait_indirect_dma semaphore(%dma_wait3A_141 : memref<!tpu.dma_semaphore, #tpu.memory_space<semaphore_mem>>) src(%dma_wait3A_133 : memref<80x64xf32, #tpu.memory_space<vmem>>) dst(%dma_wait3A_139 : memref<10000x64xf32, #tpu.memory_space<vmem_shared>>)
    %dma_wait3A_142 = arith.constant 1 : i32
    %dma_wait3A_143 = arith.constant 121 : i32
    %dma_wait3A_144 = arith.constant 1 : i32
    %dma_wait3A_145 = arith.constant 0 : i32
    %dma_wait3A_146 = arith.constant 0 : i32
    %dma_wait3A_147 = tpu.memref_slice %arg7[%dma_wait3A_142, %dma_wait3A_145, %dma_wait3A_146] : memref<5x80x64xf32, #tpu.memory_space<vmem>> -> memref<1x80x64xf32, #tpu.memory_space<vmem>>
    %dma_wait3A_148 = tpu.memref_squeeze %dma_wait3A_147 : memref<1x80x64xf32, #tpu.memory_space<vmem>> -> memref<80x64xf32, #tpu.memory_space<vmem>>
    %dma_wait3A_149 = arith.constant 0 : i32
    %dma_wait3A_150 = tpu.memref_slice %arg6[%dma_wait3A_143, %dma_wait3A_149] : memref<125x80xi32, #tpu.memory_space<vmem>> -> memref<1x80xi32, #tpu.memory_space<vmem>>
    %dma_wait3A_151 = tpu.memref_squeeze %dma_wait3A_150 : memref<1x80xi32, #tpu.memory_space<vmem>> -> memref<80xi32, #tpu.memory_space<vmem>>
    %dma_wait3A_152 = arith.constant 0 : i32
    %dma_wait3A_153 = arith.constant 0 : i32
    %dma_wait3A_154 = tpu.memref_slice %arg8[%dma_wait3A_152, %dma_wait3A_153] : memref<10000x64xf32, #tpu.memory_space<vmem_shared>> -> memref<10000x64xf32, #tpu.memory_space<vmem_shared>>
    %dma_wait3A_155 = tpu.memref_slice %arg10[%dma_wait3A_144] : memref<5x!tpu.dma_semaphore, #tpu.memory_space<semaphore_mem>> -> memref<1x!tpu.dma_semaphore, #tpu.memory_space<semaphore_mem>>
    %dma_wait3A_156 = tpu.memref_squeeze %dma_wait3A_155 : memref<1x!tpu.dma_semaphore, #tpu.memory_space<semaphore_mem>> -> memref<!tpu.dma_semaphore, #tpu.memory_space<semaphore_mem>>
    tpu.wait_indirect_dma semaphore(%dma_wait3A_156 : memref<!tpu.dma_semaphore, #tpu.memory_space<semaphore_mem>>) src(%dma_wait3A_148 : memref<80x64xf32, #tpu.memory_space<vmem>>) dst(%dma_wait3A_154 : memref<10000x64xf32, #tpu.memory_space<vmem_shared>>)
    %dma_wait3A_157 = arith.constant 2 : i32
    %dma_wait3A_158 = arith.constant 122 : i32
    %dma_wait3A_159 = arith.constant 2 : i32
    %dma_wait3A_160 = arith.constant 0 : i32
    %dma_wait3A_161 = arith.constant 0 : i32
    %dma_wait3A_162 = tpu.memref_slice %arg7[%dma_wait3A_157, %dma_wait3A_160, %dma_wait3A_161] : memref<5x80x64xf32, #tpu.memory_space<vmem>> -> memref<1x80x64xf32, #tpu.memory_space<vmem>>
    %dma_wait3A_163 = tpu.memref_squeeze %dma_wait3A_162 : memref<1x80x64xf32, #tpu.memory_space<vmem>> -> memref<80x64xf32, #tpu.memory_space<vmem>>
    %dma_wait3A_164 = arith.constant 0 : i32
    %dma_wait3A_165 = tpu.memref_slice %arg6[%dma_wait3A_158, %dma_wait3A_164] : memref<125x80xi32, #tpu.memory_space<vmem>> -> memref<1x80xi32, #tpu.memory_space<vmem>>
    %dma_wait3A_166 = tpu.memref_squeeze %dma_wait3A_165 : memref<1x80xi32, #tpu.memory_space<vmem>> -> memref<80xi32, #tpu.memory_space<vmem>>
    %dma_wait3A_167 = arith.constant 0 : i32
    %dma_wait3A_168 = arith.constant 0 : i32
    %dma_wait3A_169 = tpu.memref_slice %arg8[%dma_wait3A_167, %dma_wait3A_168] : memref<10000x64xf32, #tpu.memory_space<vmem_shared>> -> memref<10000x64xf32, #tpu.memory_space<vmem_shared>>
    %dma_wait3A_170 = tpu.memref_slice %arg10[%dma_wait3A_159] : memref<5x!tpu.dma_semaphore, #tpu.memory_space<semaphore_mem>> -> memref<1x!tpu.dma_semaphore, #tpu.memory_space<semaphore_mem>>
    %dma_wait3A_171 = tpu.memref_squeeze %dma_wait3A_170 : memref<1x!tpu.dma_semaphore, #tpu.memory_space<semaphore_mem>> -> memref<!tpu.dma_semaphore, #tpu.memory_space<semaphore_mem>>
    tpu.wait_indirect_dma semaphore(%dma_wait3A_171 : memref<!tpu.dma_semaphore, #tpu.memory_space<semaphore_mem>>) src(%dma_wait3A_163 : memref<80x64xf32, #tpu.memory_space<vmem>>) dst(%dma_wait3A_169 : memref<10000x64xf32, #tpu.memory_space<vmem_shared>>)
    %dma_wait3A_172 = arith.constant 3 : i32
    %dma_wait3A_173 = arith.constant 123 : i32
    %dma_wait3A_174 = arith.constant 3 : i32
    %dma_wait3A_175 = arith.constant 0 : i32
    %dma_wait3A_176 = arith.constant 0 : i32
    %dma_wait3A_177 = tpu.memref_slice %arg7[%dma_wait3A_172, %dma_wait3A_175, %dma_wait3A_176] : memref<5x80x64xf32, #tpu.memory_space<vmem>> -> memref<1x80x64xf32, #tpu.memory_space<vmem>>
    %dma_wait3A_178 = tpu.memref_squeeze %dma_wait3A_177 : memref<1x80x64xf32, #tpu.memory_space<vmem>> -> memref<80x64xf32, #tpu.memory_space<vmem>>
    %dma_wait3A_179 = arith.constant 0 : i32
    %dma_wait3A_180 = tpu.memref_slice %arg6[%dma_wait3A_173, %dma_wait3A_179] : memref<125x80xi32, #tpu.memory_space<vmem>> -> memref<1x80xi32, #tpu.memory_space<vmem>>
    %dma_wait3A_181 = tpu.memref_squeeze %dma_wait3A_180 : memref<1x80xi32, #tpu.memory_space<vmem>> -> memref<80xi32, #tpu.memory_space<vmem>>
    %dma_wait3A_182 = arith.constant 0 : i32
    %dma_wait3A_183 = arith.constant 0 : i32
    %dma_wait3A_184 = tpu.memref_slice %arg8[%dma_wait3A_182, %dma_wait3A_183] : memref<10000x64xf32, #tpu.memory_space<vmem_shared>> -> memref<10000x64xf32, #tpu.memory_space<vmem_shared>>
    %dma_wait3A_185 = tpu.memref_slice %arg10[%dma_wait3A_174] : memref<5x!tpu.dma_semaphore, #tpu.memory_space<semaphore_mem>> -> memref<1x!tpu.dma_semaphore, #tpu.memory_space<semaphore_mem>>
    %dma_wait3A_186 = tpu.memref_squeeze %dma_wait3A_185 : memref<1x!tpu.dma_semaphore, #tpu.memory_space<semaphore_mem>> -> memref<!tpu.dma_semaphore, #tpu.memory_space<semaphore_mem>>
    tpu.wait_indirect_dma semaphore(%dma_wait3A_186 : memref<!tpu.dma_semaphore, #tpu.memory_space<semaphore_mem>>) src(%dma_wait3A_178 : memref<80x64xf32, #tpu.memory_space<vmem>>) dst(%dma_wait3A_184 : memref<10000x64xf32, #tpu.memory_space<vmem_shared>>)
    %dma_wait3A_187 = arith.constant 4 : i32
    %dma_wait3A_188 = arith.constant 124 : i32
    %dma_wait3A_189 = arith.constant 4 : i32
    %dma_wait3A_190 = arith.constant 0 : i32
    %dma_wait3A_191 = arith.constant 0 : i32
    %dma_wait3A_192 = tpu.memref_slice %arg7[%dma_wait3A_187, %dma_wait3A_190, %dma_wait3A_191] : memref<5x80x64xf32, #tpu.memory_space<vmem>> -> memref<1x80x64xf32, #tpu.memory_space<vmem>>
    %dma_wait3A_193 = tpu.memref_squeeze %dma_wait3A_192 : memref<1x80x64xf32, #tpu.memory_space<vmem>> -> memref<80x64xf32, #tpu.memory_space<vmem>>
    %dma_wait3A_194 = arith.constant 0 : i32
    %dma_wait3A_195 = tpu.memref_slice %arg6[%dma_wait3A_188, %dma_wait3A_194] : memref<125x80xi32, #tpu.memory_space<vmem>> -> memref<1x80xi32, #tpu.memory_space<vmem>>
    %dma_wait3A_196 = tpu.memref_squeeze %dma_wait3A_195 : memref<1x80xi32, #tpu.memory_space<vmem>> -> memref<80xi32, #tpu.memory_space<vmem>>
    %dma_wait3A_197 = arith.constant 0 : i32
    %dma_wait3A_198 = arith.constant 0 : i32
    %dma_wait3A_199 = tpu.memref_slice %arg8[%dma_wait3A_197, %dma_wait3A_198] : memref<10000x64xf32, #tpu.memory_space<vmem_shared>> -> memref<10000x64xf32, #tpu.memory_space<vmem_shared>>
    %dma_wait3A_200 = tpu.memref_slice %arg10[%dma_wait3A_189] : memref<5x!tpu.dma_semaphore, #tpu.memory_space<semaphore_mem>> -> memref<1x!tpu.dma_semaphore, #tpu.memory_space<semaphore_mem>>
    %dma_wait3A_201 = tpu.memref_squeeze %dma_wait3A_200 : memref<1x!tpu.dma_semaphore, #tpu.memory_space<semaphore_mem>> -> memref<!tpu.dma_semaphore, #tpu.memory_space<semaphore_mem>>
    tpu.wait_indirect_dma semaphore(%dma_wait3A_201 : memref<!tpu.dma_semaphore, #tpu.memory_space<semaphore_mem>>) src(%dma_wait3A_193 : memref<80x64xf32, #tpu.memory_space<vmem>>) dst(%dma_wait3A_199 : memref<10000x64xf32, #tpu.memory_space<vmem_shared>>)
    %barrier3A_202 = arith.constant 0 : index
    tpu.barrier barrier_id(%barrier3A_202)
    %mul3A_203 = arith.constant 625 : i32
    %mul3A_204 = arith.muli %arg1, %mul3A_203 : i32
    %mul3A_205 = arith.constant 625 : i32
    %mul3A_206 = arith.muli %arg1, %mul3A_205 : i32
    "tpu.region"() ({
      %run_scoped3A_207 = tpu.sem_alloc : memref<!tpu.dma_semaphore, #tpu.memory_space<semaphore_mem>>
      %dma_start3A_208 = arith.constant 0 : i32
      %dma_start3A_209 = arith.constant 0 : i32
      %dma_start3A_210 = tpu.memref_slice %arg4[%arg0, %dma_start3A_208, %dma_start3A_209] : memref<2x10000x64xf32, #tpu.memory_space<hbm>> -> memref<1x10000x64xf32, #tpu.memory_space<hbm>>
      %dma_start3A_211 = tpu.memref_squeeze %dma_start3A_210 : memref<1x10000x64xf32, #tpu.memory_space<hbm>> -> memref<10000x64xf32, #tpu.memory_space<hbm>>
      %dma_start3A_212 = arith.constant 0 : i32
      %dma_start3A_213 = tpu.memref_slice %dma_start3A_211[%mul3A_206, %dma_start3A_212] : memref<10000x64xf32, #tpu.memory_space<hbm>> -> memref<625x64xf32, #tpu.memory_space<hbm>>
      %dma_start3A_214 = arith.constant 0 : i32
      %dma_start3A_215 = tpu.memref_slice %arg8[%mul3A_204, %dma_start3A_214] : memref<10000x64xf32, #tpu.memory_space<vmem_shared>> -> memref<625x64xf32, #tpu.memory_space<vmem_shared>>
      tpu.enqueue_dma source(%dma_start3A_215 : memref<625x64xf32, #tpu.memory_space<vmem_shared>>) target(%dma_start3A_213 : memref<625x64xf32, #tpu.memory_space<hbm>>) target_semaphore(%run_scoped3A_207 : memref<!tpu.dma_semaphore, #tpu.memory_space<semaphore_mem>>)
      %dma_wait3A_216 = arith.constant 0 : i32
      %dma_wait3A_217 = arith.constant 0 : i32
      %dma_wait3A_218 = tpu.memref_slice %arg4[%arg0, %dma_wait3A_216, %dma_wait3A_217] : memref<2x10000x64xf32, #tpu.memory_space<hbm>> -> memref<1x10000x64xf32, #tpu.memory_space<hbm>>
      %dma_wait3A_219 = tpu.memref_squeeze %dma_wait3A_218 : memref<1x10000x64xf32, #tpu.memory_space<hbm>> -> memref<10000x64xf32, #tpu.memory_space<hbm>>
      %dma_wait3A_220 = arith.constant 0 : i32
      %dma_wait3A_221 = tpu.memref_slice %dma_wait3A_219[%mul3A_206, %dma_wait3A_220] : memref<10000x64xf32, #tpu.memory_space<hbm>> -> memref<625x64xf32, #tpu.memory_space<hbm>>
      %dma_wait3A_222 = arith.constant 0 : i32
      %dma_wait3A_223 = tpu.memref_slice %arg8[%mul3A_204, %dma_wait3A_222] : memref<10000x64xf32, #tpu.memory_space<vmem_shared>> -> memref<625x64xf32, #tpu.memory_space<vmem_shared>>
      tpu.wait_dma2 semaphore(%run_scoped3A_207 : memref<!tpu.dma_semaphore, #tpu.memory_space<semaphore_mem>>) src(%dma_wait3A_223 : memref<625x64xf32, #tpu.memory_space<vmem_shared>>) dst(%dma_wait3A_221 : memref<625x64xf32, #tpu.memory_space<hbm>>)
      tpu.yield
    }) : () -> ()
    return
  }
}

module attributes {stable_mosaic.version = 14 : i64} {
  func.func @_k0_body(%arg0: memref<10000x128xf32, #tpu.memory_space<vmem>>, %arg1: memref<128x64xf32, #tpu.memory_space<vmem>>, %arg2: memref<10000x64xf32, #tpu.memory_space<vmem>>) attributes {dimension_semantics = [], scalar_prefetch = 0 : i64, scratch_operands = 0 : i64, tpu.core_type = #tpu.core_type<tc>} {
    %get3A = arith.constant 0 : index
    %get3A_0 = arith.constant 0 : index
    %get3A_1 = vector.load %arg0[%get3A, %get3A_0] : memref<10000x128xf32, #tpu.memory_space<vmem>>, vector<10000x128xf32>
    %get3A_2 = arith.constant 0 : index
    %get3A_3 = arith.constant 0 : index
    %get3A_4 = vector.load %arg1[%get3A_2, %get3A_3] : memref<128x64xf32, #tpu.memory_space<vmem>>, vector<128x64xf32>
    %dot_general3A = arith.constant dense<0.000000e+00> : vector<10000x64xf32>
    %dot_general3A_5 = tpu.matmul %get3A_1, %get3A_4, %dot_general3A {dimension_numbers = #tpu.dot_dimension_numbers<[1], [0], [0], [1], [0, 0, 1, 1], [], []>, transpose_lhs_hint = false} : vector<10000x128xf32>, vector<128x64xf32>, vector<10000x64xf32> -> vector<10000x64xf32>
    %swap3A = arith.constant 0 : index
    %swap3A_6 = arith.constant 0 : index
    %swap3A_7 = vector.load %arg2[%swap3A, %swap3A_6] : memref<10000x64xf32, #tpu.memory_space<vmem>>, vector<10000x64xf32>
    tpu.vector_store %arg2[%swap3A, %swap3A_6], %dot_general3A_5 {strides = array<i32>} : memref<10000x64xf32, #tpu.memory_space<vmem>>, vector<10000x64xf32>,
    return
  }
}

module attributes {stable_mosaic.version = 14 : i64} {
  func.func @_k1_body(%arg0: memref<10000x64xf32, #tpu.memory_space<vmem>>, %arg1: memref<2x10000x16xf32, #tpu.memory_space<vmem>>, %arg2: memref<10000x64xf32, #tpu.memory_space<vmem>>, %arg3: memref<10000x1xf32, #tpu.memory_space<vmem>>) attributes {dimension_semantics = [], scalar_prefetch = 0 : i64, scratch_operands = 0 : i64, tpu.core_type = #tpu.core_type<tc>} {
    %get3A = arith.constant 0 : index
    %get3A_0 = arith.constant 0 : index
    %get3A_1 = arith.constant 0 : index
    %get3A_2 = vector.load %arg1[%get3A, %get3A_0, %get3A_1] : memref<2x10000x16xf32, #tpu.memory_space<vmem>>, vector<1x10000x1xf32>
    %get3A_3 = vector.shape_cast %get3A_2 : vector<1x10000x1xf32> to vector<10000x1xf32>
    %get3A_4 = arith.constant 1 : index
    %get3A_5 = arith.constant 0 : index
    %get3A_6 = arith.constant 0 : index
    %get3A_7 = vector.load %arg1[%get3A_4, %get3A_5, %get3A_6] : memref<2x10000x16xf32, #tpu.memory_space<vmem>>, vector<1x10000x1xf32>
    %get3A_8 = vector.shape_cast %get3A_7 : vector<1x10000x1xf32> to vector<10000x1xf32>
    %add3A = arith.addf %get3A_3, %get3A_8 : vector<10000x1xf32>
    %add3A_9 = arith.constant 1.000000e+00 : f32
    %add3A_10 = vector.broadcast %add3A_9 : f32 to vector<10000x1xf32>
    %add3A_11 = arith.addf %add3A, %add3A_10 : vector<10000x1xf32>
    %rsqrt3A = math.rsqrt %add3A_11 : vector<10000x1xf32>
    %get3A_12 = arith.constant 0 : index
    %get3A_13 = arith.constant 0 : index
    %get3A_14 = vector.load %arg0[%get3A_12, %get3A_13] : memref<10000x64xf32, #tpu.memory_space<vmem>>, vector<10000x64xf32>
    %mul3A = vector.broadcast %rsqrt3A : vector<10000x1xf32> to vector<10000x64xf32>
    %mul3A_15 = arith.mulf %get3A_14, %mul3A : vector<10000x64xf32>
    %swap3A = arith.constant 0 : index
    %swap3A_16 = arith.constant 0 : index
    %swap3A_17 = vector.load %arg2[%swap3A, %swap3A_16] : memref<10000x64xf32, #tpu.memory_space<vmem>>, vector<10000x64xf32>
    tpu.vector_store %arg2[%swap3A, %swap3A_16], %mul3A_15 {strides = array<i32>} : memref<10000x64xf32, #tpu.memory_space<vmem>>, vector<10000x64xf32>,
    %swap3A_18 = arith.constant 0 : index
    %swap3A_19 = arith.constant 0 : index
    %swap3A_20 = vector.load %arg3[%swap3A_18, %swap3A_19] : memref<10000x1xf32, #tpu.memory_space<vmem>>, vector<10000x1xf32>
    tpu.vector_store %arg3[%swap3A_18, %swap3A_19], %rsqrt3A {strides = array<i32>} : memref<10000x1xf32, #tpu.memory_space<vmem>>, vector<10000x1xf32>,
    return
  }
}

module attributes {stable_mosaic.version = 14 : i64} {
  func.func @_k3_body(%arg0: memref<2x10000x64xf32, #tpu.memory_space<vmem>>, %arg1: memref<10000x64xf32, #tpu.memory_space<vmem>>, %arg2: memref<10000x1xf32, #tpu.memory_space<vmem>>, %arg3: memref<1x64xf32, #tpu.memory_space<vmem>>, %arg4: memref<10000x64xf32, #tpu.memory_space<vmem>>) attributes {dimension_semantics = [], scalar_prefetch = 0 : i64, scratch_operands = 0 : i64, tpu.core_type = #tpu.core_type<tc>} {
    %get3A = arith.constant 0 : index
    %get3A_0 = arith.constant 0 : index
    %get3A_1 = vector.load %arg2[%get3A, %get3A_0] : memref<10000x1xf32, #tpu.memory_space<vmem>>, vector<10000x1xf32>
    %get3A_2 = arith.constant 0 : index
    %get3A_3 = arith.constant 0 : index
    %get3A_4 = arith.constant 0 : index
    %get3A_5 = vector.load %arg0[%get3A_2, %get3A_3, %get3A_4] : memref<2x10000x64xf32, #tpu.memory_space<vmem>>, vector<1x10000x64xf32>
    %get3A_6 = vector.shape_cast %get3A_5 : vector<1x10000x64xf32> to vector<10000x64xf32>
    %get3A_7 = arith.constant 1 : index
    %get3A_8 = arith.constant 0 : index
    %get3A_9 = arith.constant 0 : index
    %get3A_10 = vector.load %arg0[%get3A_7, %get3A_8, %get3A_9] : memref<2x10000x64xf32, #tpu.memory_space<vmem>>, vector<1x10000x64xf32>
    %get3A_11 = vector.shape_cast %get3A_10 : vector<1x10000x64xf32> to vector<10000x64xf32>
    %add3A = arith.addf %get3A_6, %get3A_11 : vector<10000x64xf32>
    %get3A_12 = arith.constant 0 : index
    %get3A_13 = arith.constant 0 : index
    %get3A_14 = vector.load %arg1[%get3A_12, %get3A_13] : memref<10000x64xf32, #tpu.memory_space<vmem>>, vector<10000x64xf32>
    %add3A_15 = arith.addf %add3A, %get3A_14 : vector<10000x64xf32>
    %mul3A = vector.broadcast %get3A_1 : vector<10000x1xf32> to vector<10000x64xf32>
    %mul3A_16 = arith.mulf %add3A_15, %mul3A : vector<10000x64xf32>
    %get3A_17 = arith.constant 0 : index
    %get3A_18 = arith.constant 0 : index
    %get3A_19 = vector.load %arg3[%get3A_17, %get3A_18] : memref<1x64xf32, #tpu.memory_space<vmem>>, vector<1x64xf32>
    %add3A_20 = vector.broadcast %get3A_19 : vector<1x64xf32> to vector<10000x64xf32>
    %add3A_21 = arith.addf %mul3A_16, %add3A_20 : vector<10000x64xf32>
    %max3A = arith.constant 0.000000e+00 : f32
    %max3A_22 = vector.broadcast %max3A : f32 to vector<10000x64xf32>
    %max3A_23 = arith.maximumf %add3A_21, %max3A_22 : vector<10000x64xf32>
    %mul3A_24 = vector.broadcast %get3A_1 : vector<10000x1xf32> to vector<10000x64xf32>
    %mul3A_25 = arith.mulf %max3A_23, %mul3A_24 : vector<10000x64xf32>
    %swap3A = arith.constant 0 : index
    %swap3A_26 = arith.constant 0 : index
    %swap3A_27 = vector.load %arg4[%swap3A, %swap3A_26] : memref<10000x64xf32, #tpu.memory_space<vmem>>, vector<10000x64xf32>
    tpu.vector_store %arg4[%swap3A, %swap3A_26], %mul3A_25 {strides = array<i32>} : memref<10000x64xf32, #tpu.memory_space<vmem>>, vector<10000x64xf32>,
    return
  }
}

module attributes {stable_mosaic.version = 14 : i64} {
  func.func @_k5_body(%arg0: memref<2x10000x64xf32, #tpu.memory_space<vmem>>, %arg1: memref<10000x64xf32, #tpu.memory_space<vmem>>, %arg2: memref<10000x1xf32, #tpu.memory_space<vmem>>, %arg3: memref<64x64xf32, #tpu.memory_space<vmem>>, %arg4: memref<1x64xf32, #tpu.memory_space<vmem>>, %arg5: memref<64x64xf32, #tpu.memory_space<vmem>>, %arg6: memref<1x64xf32, #tpu.memory_space<vmem>>, %arg7: memref<10000x64xf32, #tpu.memory_space<vmem>>, %arg8: memref<10000x64xf32, #tpu.memory_space<vmem>>) attributes {dimension_semantics = [], scalar_prefetch = 0 : i64, scratch_operands = 0 : i64, tpu.core_type = #tpu.core_type<tc>} {
    %get3A = arith.constant 0 : index
    %get3A_0 = arith.constant 0 : index
    %get3A_1 = vector.load %arg2[%get3A, %get3A_0] : memref<10000x1xf32, #tpu.memory_space<vmem>>, vector<10000x1xf32>
    %get3A_2 = arith.constant 0 : index
    %get3A_3 = arith.constant 0 : index
    %get3A_4 = arith.constant 0 : index
    %get3A_5 = vector.load %arg0[%get3A_2, %get3A_3, %get3A_4] : memref<2x10000x64xf32, #tpu.memory_space<vmem>>, vector<1x10000x64xf32>
    %get3A_6 = vector.shape_cast %get3A_5 : vector<1x10000x64xf32> to vector<10000x64xf32>
    %get3A_7 = arith.constant 1 : index
    %get3A_8 = arith.constant 0 : index
    %get3A_9 = arith.constant 0 : index
    %get3A_10 = vector.load %arg0[%get3A_7, %get3A_8, %get3A_9] : memref<2x10000x64xf32, #tpu.memory_space<vmem>>, vector<1x10000x64xf32>
    %get3A_11 = vector.shape_cast %get3A_10 : vector<1x10000x64xf32> to vector<10000x64xf32>
    %add3A = arith.addf %get3A_6, %get3A_11 : vector<10000x64xf32>
    %get3A_12 = arith.constant 0 : index
    %get3A_13 = arith.constant 0 : index
    %get3A_14 = vector.load %arg1[%get3A_12, %get3A_13] : memref<10000x64xf32, #tpu.memory_space<vmem>>, vector<10000x64xf32>
    %add3A_15 = arith.addf %add3A, %get3A_14 : vector<10000x64xf32>
    %mul3A = vector.broadcast %get3A_1 : vector<10000x1xf32> to vector<10000x64xf32>
    %mul3A_16 = arith.mulf %add3A_15, %mul3A : vector<10000x64xf32>
    %get3A_17 = arith.constant 0 : index
    %get3A_18 = arith.constant 0 : index
    %get3A_19 = vector.load %arg3[%get3A_17, %get3A_18] : memref<64x64xf32, #tpu.memory_space<vmem>>, vector<64x64xf32>
    %dot_general3A = arith.constant dense<0.000000e+00> : vector<10000x64xf32>
    %dot_general3A_20 = tpu.matmul %mul3A_16, %get3A_19, %dot_general3A {dimension_numbers = #tpu.dot_dimension_numbers<[1], [0], [0], [1], [0, 0, 1, 1], [], []>, transpose_lhs_hint = false} : vector<10000x64xf32>, vector<64x64xf32>, vector<10000x64xf32> -> vector<10000x64xf32>
    %get3A_21 = arith.constant 0 : index
    %get3A_22 = arith.constant 0 : index
    %get3A_23 = vector.load %arg4[%get3A_21, %get3A_22] : memref<1x64xf32, #tpu.memory_space<vmem>>, vector<1x64xf32>
    %add3A_24 = vector.broadcast %get3A_23 : vector<1x64xf32> to vector<10000x64xf32>
    %add3A_25 = arith.addf %dot_general3A_20, %add3A_24 : vector<10000x64xf32>
    %swap3A = arith.constant 0 : index
    %swap3A_26 = arith.constant 0 : index
    %swap3A_27 = vector.load %arg7[%swap3A, %swap3A_26] : memref<10000x64xf32, #tpu.memory_space<vmem>>, vector<10000x64xf32>
    tpu.vector_store %arg7[%swap3A, %swap3A_26], %add3A_25 {strides = array<i32>} : memref<10000x64xf32, #tpu.memory_space<vmem>>, vector<10000x64xf32>,
    %get3A_28 = arith.constant 0 : index
    %get3A_29 = arith.constant 0 : index
    %get3A_30 = vector.load %arg5[%get3A_28, %get3A_29] : memref<64x64xf32, #tpu.memory_space<vmem>>, vector<64x64xf32>
    %dot_general3A_31 = arith.constant dense<0.000000e+00> : vector<10000x64xf32>
    %dot_general3A_32 = tpu.matmul %mul3A_16, %get3A_30, %dot_general3A_31 {dimension_numbers = #tpu.dot_dimension_numbers<[1], [0], [0], [1], [0, 0, 1, 1], [], []>, transpose_lhs_hint = false} : vector<10000x64xf32>, vector<64x64xf32>, vector<10000x64xf32> -> vector<10000x64xf32>
    %get3A_33 = arith.constant 0 : index
    %get3A_34 = arith.constant 0 : index
    %get3A_35 = vector.load %arg6[%get3A_33, %get3A_34] : memref<1x64xf32, #tpu.memory_space<vmem>>, vector<1x64xf32>
    %add3A_36 = vector.broadcast %get3A_35 : vector<1x64xf32> to vector<10000x64xf32>
    %add3A_37 = arith.addf %dot_general3A_32, %add3A_36 : vector<10000x64xf32>
    %swap3A_38 = arith.constant 0 : index
    %swap3A_39 = arith.constant 0 : index
    %swap3A_40 = vector.load %arg8[%swap3A_38, %swap3A_39] : memref<10000x64xf32, #tpu.memory_space<vmem>>, vector<10000x64xf32>
    tpu.vector_store %arg8[%swap3A_38, %swap3A_39], %add3A_37 {strides = array<i32>} : memref<10000x64xf32, #tpu.memory_space<vmem>>, vector<10000x64xf32>,
    return
  }
}

</mosaic_0001>

<sc_bundles>
// kernel: kernel.12.cloned.1.call-start
scs
__scs_entry_jumppad:
0x0: {  	(pc) =	sbr.rel $0x88, $3  }
0x1: {  	(tag) =	ssettag $0x0;
	lr =	simm.s32 $0x1  }
0x2: {  	[smem:$0x3F99] =	sst lr;
	_ =	strace $0xD0000000  }
0x3: {  	_ = 	snop  }
0x4: {  	_ = 	snop  }
0x5: {  	_ = 	snop  }
0x6: {  	_ = 	snop  }
0x7: {  	_ = 	snop  }
__scs_overlays_trampoline_lowered:
0x8: {  	[smem:$0x3FA8] =	sst s0  }
0x9: {  	[smem:$0x3FA9] =	sst s1  }
0xa: {  	[smem:$0x3FAA] =	sst s2  }
0xb: {  	[smem:$0x3FAB] =	sst s3  }
0xc: {  	[smem:$0x3FAC] =	sst s4  }
0xd: {  	[smem:$0x3FAD] =	sst s5  }
0xe: {  	[smem:$0x3FAE] =	sst s6  }
0xf: {  	[smem:$0x3FAF] =	sst s7  }
0x10: {  	[smem:$0x3FB0] =	sst s8  }
0x11: {  	[smem:$0x3FB1] =	sst s9;
	s0 =	simm.s32 @!p0 $0x0  }
0x12: {  	s1 =	sld [smem:$0x3F97];
	s0 =	simm.s32 @p0 $0x1  }
0x13: {  	[smem:$0x3FB2] =	sst s0;
	s0 =	simm.s32 @!p1 $0x0  }
0x14: {  	s2 =	sld [smem:$0x3F96];
	s0 =	simm.s32 @p1 $0x1  }
0x15: {  	[smem:$0x3FB3] =	sst s0;
	s0 =	simm.s32 @!p2 $0x0  }
0x16: {  	s3 =	sld [smem:$0x3FDB];
	s0 =	simm.s32 @p2 $0x1  }
0x17: {  	s4 =	simm.s32 $0x1BF5;
	[smem:$0x3FB5] =	sst s0  }
0x18: {  	s0 =	sld [smem:$0x3F98];
	_ =	swait.ge [sflag:s4], $0x0  }
0x19: {  	s7 =	sld [smem:$0x3F99]  }
0x1a: {  	s8 =	sadd.s32 $0xFFFFE003, lr  }
0x1b: {  	s9 =	sadd.s32 $0xFFFFFEF7, lr;
	s5 =	simm.s32 $0xFFFFFFFF;
	p2 =	slt.u32 s8, $0xFFFFF086  }
0x1c: {  	p1 =	slt.u32 s9, $0xF7A;
	s5 =	simm.s32 @!p2 $0x0  }
0x1d: {  	s5 =	simm.s32 @p1 $0x1;
	p0 =	seq.s32 s7, s2  }
0x1e: {  	s7 =	smul.u32 @!p0 $0xF7A, s2;
	p2 =	seq.s32 @!p0 s5, $0x0  }
0x1f: {  	s9 =	smul.u32 $0xF7A, s1;
	s8 =	simm.s32 @!p0 $0x1BF5;
	p2 =	por !p2, p0  }
0x20: {  	[sflag:s8] =	ssyncset.s32 @!p0 $0xFFFFF086;
	s6 =	sadd.s32 @!p0 s3, s7;
	s7 =	simm.s32 @!p0 $0x108  }
0x21: {  	s3 =	sadd.s32 s3, s9;
	s6 =	sadd.s32 @!p0 $0x88, s6;
	s7 =	simm.s32 @p2 $0x1082  }
0x22: {  	[simem:s7], [sflag:s8] =	dma.local @!p0 [hbm:s6], $0xF7A  }
0x23: {  	s9 =	sor.u32 $0xD0000000, s2;
	s6 =	simm.s32 $0x108;
	_ =	swait.ge @!p0 [sflag:s8], $0x0  }
0x24: {  	s3 =	sadd.s32 $0x88, s3;
	s6 =	simm.s32 @!p1 $0x1082;
	[sflag:s4] =	ssyncset.s32 $0xFFFFF086  }
0x25: {  	[simem:s6], [sflag:s4] =	dma.local [hbm:s3], $0xF7A  }
0x26: {  	[smem:$0x3F99] =	sst s1;
	(tag) =	ssettag s2;
	_ =	strace s9  }
0x27: {  	s1 =	sld [smem:$0x3FA9]  }
0x28: {  	s2 =	sld [smem:$0x3FAA]  }
0x29: {  	s4 =	sld [smem:$0x3FAC]  }
0x2a: {  	p0 =	seq.s32 s5, $0x0;
	s5 =	sld [smem:$0x3FAD]  }
0x2b: {  	s6 =	sld [smem:$0x3FAE]  }
0x2c: {  	s7 =	sld [smem:$0x3FAF]  }
0x2d: {  	s3 =	simm.s32 $0x108;
	s8 =	sld [smem:$0x3FB0]  }
0x2e: {  	s3 =	simm.s32 @!p0 $0x1082;
	s9 =	sld [smem:$0x3FB1]  }
0x2f: {  	lr =	sadd.s32 s0, s3;
	s0 =	sld [smem:$0x3FA8]  }
0x30: {  	s3 =	sld [smem:$0x3FAB]  }
0x31: {  	[smem:$0x3FB4] =	sst s10  }
0x32: {  	s10 =	sld [smem:$0x3FB2];
	_ =	sdelay $0x3  }
0x33: {  	p0 =	seq.s32 s10, $0x1;
	s10 =	sld [smem:$0x3FB4];
	_ =	sdelay $0x3  }
0x34: {  	[smem:$0x3FB4] =	sst s10  }
0x35: {  	s10 =	sld [smem:$0x3FB3];
	_ =	sdelay $0x3  }
0x36: {  	p1 =	seq.s32 s10, $0x1;
	s10 =	sld [smem:$0x3FB4];
	_ =	sdelay $0x3  }
0x37: {  	[smem:$0x3FB4] =	sst s10  }
0x38: {  	s10 =	sld [smem:$0x3FB5]  }
0x39: {  	_ = 	snop;
	(pc) =	sbr.ind lr, $3  }
0x3a: {  	_ = 	snop  }
0x3b: {  	_ = 	snop  }
0x3c: {  	p2 =	seq.s32 s10, $0x1;
	s10 =	sld [smem:$0x3FB4]  }
0x3d: {  	_ =	shalt  }
0x3e: {  	_ =	shalt  }
0x3f: {  	_ =	shalt  }
0x40: {  	_ =	shalt  }
0x41: {  	_ =	shalt  }
0x42: {  	_ =	shalt  }
0x43: {  	_ =	shalt  }
0x44: {  	_ =	shalt  }
0x45: {  	_ =	shalt  }
0x46: {  	_ =	shalt  }
0x47: {  	_ =	shalt  }
0x48: {  	_ =	shalt  }
0x49: {  	_ =	shalt  }
0x4a: {  	_ =	shalt  }
0x4b: {  	_ =	shalt  }
0x4c: {  	_ =	shalt  }
0x4d: {  	_ =	shalt  }
0x4e: {  	_ =	shalt  }
0x4f: {  	_ =	shalt  }
0x50: {  	_ =	shalt  }
0x51: {  	_ =	shalt  }
0x52: {  	_ =	shalt  }
0x53: {  	_ =	shalt  }
0x54: {  	_ =	shalt  }
0x55: {  	_ =	shalt  }
0x56: {  	_ =	shalt  }
0x57: {  	_ =	shalt  }
0x58: {  	_ =	shalt  }
0x59: {  	_ =	shalt  }
0x5a: {  	_ =	shalt  }
0x5b: {  	_ =	shalt  }
0x5c: {  	_ =	shalt  }
0x5d: {  	_ =	shalt  }
0x5e: {  	_ =	shalt  }
0x5f: {  	_ =	shalt  }
0x60: {  	_ =	shalt  }
0x61: {  	_ =	shalt  }
0x62: {  	_ =	shalt  }
0x63: {  	_ =	shalt  }
0x64: {  	_ =	shalt  }
0x65: {  	_ =	shalt  }
0x66: {  	_ =	shalt  }
0x67: {  	_ =	shalt  }
0x68: {  	_ =	shalt  }
0x69: {  	_ =	shalt  }
0x6a: {  	_ =	shalt  }
0x6b: {  	_ =	shalt  }
0x6c: {  	_ =	shalt  }
0x6d: {  	_ =	shalt  }
0x6e: {  	_ =	shalt  }
0x6f: {  	_ =	shalt  }
0x70: {  	_ =	shalt  }
0x71: {  	_ =	shalt  }
0x72: {  	_ =	shalt  }
0x73: {  	_ =	shalt  }
0x74: {  	_ =	shalt  }
0x75: {  	_ =	shalt  }
0x76: {  	_ =	shalt  }
0x77: {  	_ =	shalt  }
0x78: {  	_ =	shalt  }
0x79: {  	_ =	shalt  }
0x7a: {  	_ =	shalt  }
0x7b: {  	_ =	shalt  }
0x7c: {  	_ =	shalt  }
0x7d: {  	_ =	shalt  }
0x7e: {  	_ =	shalt  }
0x7f: {  	_ =	shalt  }
0x80: {  	_ =	shalt  }
0x81: {  	_ =	shalt  }
0x82: {  	_ =	shalt  }
0x83: {  	_ =	shalt  }
0x84: {  	_ =	shalt  }
0x85: {  	_ =	shalt  }
0x86: {  	_ =	shalt  }
0x87: {  	_ =	shalt  }
.Lfunc_end0:
.L_simem_size_0:
called_computation.1_lowered:
.L_overlay_start_0:
0x88: {  	s2 =	sld [smem:$0x3FD9]  }
0x89: {  	s3 =	sld [smem:$0x3FFE];
	_ =	sdelay $0x1  }
0x8a: {  	s1 =	srdreg.scid  }
0x8b: {  	s0 =	sand.u32 $0x1, s1  }
0x8c: {  	s14 =	sshll.u32 s0, $0xA;
	s2 =	sadd.s32 s3, s2  }
0x8d: {  	s2 =	sadd.s32 s2, s14  }
0x8e: {  	[smem:$0x3FC0] =	sst s2  }
0x8f: {  	_ = 	snop  }
0x90: {  	s2 =	sld [smem:$0x3FD0];
	_ =	sdelay $0x2  }
0x91: {  	s15 =	simm.s32 $0xA;
	s4 =	simm.s32 $0x10  }
0x92: {  	[smem:s4], [sflag:s15] =	dma.local [hbm:s2], $0x1  }
0x93: {  	_ =	swait.eq [sflag:s15], $0x1  }
0x94: {  	[sflag:s15] =	ssyncset.done $0x0  }
0x95: {  	s16 =	sld [smem:$0x10];
	[sflag:s15] =	ssyncadd.s32 $0xFFFFFFFF  }
0x96: {  	s17 =	sld [smem:$0x11];
	(tm) =	ssettm $0x1  }
0x97: {  	s18 =	sld [smem:$0x3FFB];
	_ =	sdelay $0x3  }
0x98: {  	_ =	strace s18  }
0x99: {  	s4 =	sld [smem:$0x3FFC];
	_ =	sdelay $0x3  }
0x9a: {  	_ =	strace s4  }
0x9b: {  	s4 =	sld [smem:$0x3FFD];
	_ =	sdelay $0x3  }
0x9c: {  	_ =	strace s4  }
0x9d: {  	_ =	strace $0x8FFFFFFF  }
0x9e: {  	s19 =	sld [smem:$0x3FDB];
	_ =	sdelay $0x1  }
0x9f: {  	s5 =	simm.s32 $_scs_section_size  }
0xa0: {  	s6 =	simm.s32 $_size__tile_overlayer_lowered;
	s7 =	simm.s32 $_tile_overlayer_lowered  }
0xa1: {  	s22 =	simm.s32 $0x1BFF;
	s21 =	sshll.u32 s7, $0x1;
	s4 =	sadd.s32 s5, s19  }
0xa2: {  	s8 =	simm.s32 $0x0;
	s20 =	sshll.u32 s6, $0x1;
	s6 =	sadd.s32 s21, s4  }
0xa3: {  	[timem:s8], [sflag:s22] =	dma.local [hbm:s6], s20  }
0xa4: {  	_ =	swait.ge [sflag:s22], s20  }
0xa5: {  	s5 =	ssub.s32 $0x0, s20;
	[sflag:s22] =	ssyncset.done $0x0  }
0xa6: {  	[sflag:s22] =	ssyncadd.s32 s5;
	_ =	sdelay $0x1  }
0xa7: {  	s23 =	simm.s32 $0x1B8B  }
0xa8: {  	_ =	swait.ge [sflag:s23], $0x1  }
0xa9: {  	[sflag:s23] =	ssyncset.done $0x0  }
0xaa: {  	s25 =	simm.s32 $0x1B8E;
	s24 =	sld [smem:$0x3FFE];
	[sflag:s23] =	ssyncadd.s32 $0xFFFFFFFF  }
0xab: {  	s26 =	simm.s32 $execute0_lowered;
	[smem:$0x3FD2] =	sst s25  }
0xac: {  	s6 =	sshll.u32 s26, $0x1;
	_ =	strace $0x80000049;
	[dreg:$0x1] =	wrdreg $0xFFFFFFFF  }
0xad: {  	s28 =	simm.s32 $_size_execute0_lowered;
	s4 =	sadd.s32 s4, s6;
	[dreg:$0x0] =	wrdreg $0x0  }
0xae: {  	s6 =	sshll.u32 s28, $0x1;
	[dreg:$0x2] =	wrdreg s4  }
0xaf: {  	[dreg:$0x3] =	wrdreg s6  }
0xb0: {  	[dreg:$0x4] =	wrdreg $0xC0  }
0xb1: {  	_ =	task [dreg:s8], $0x5FFFF  }
0xb2: {  	[dreg:$0x1] =	wrdreg $0xFFFFFFFF  }
0xb3: {  	[dreg:$0x0] =	wrdreg $0x60  }
0xb4: {  	[dreg:$0x2] =	wrdreg s16  }
0xb5: {  	[dreg:$0x3] =	wrdreg s17  }
0xb6: {  	[dreg:$0x4] =	wrdreg s24  }
0xb7: {  	[dreg:$0x5] =	wrdreg $0xB2200  }
0xb8: {  	[dreg:$0x6] =	wrdreg $0x9  }
0xb9: {  	_ =	task.clear_ibuf [dreg:s8], $0x7FFFF;
	_ =	strace $0x90000049  }
0xba: {  	s29 =	simm.s32 $0x9;
	_ =	strace $0x8000004B  }
0xbb: {  	_ =	swait.ge [sflag:s29], $0x1  }
0xbc: {  	[sflag:s29] =	ssyncadd.s32 $0xFFFFFFFF  }
0xbd: {  	_ =	strace $0x9000004B  }
0xbe: {  	_ =	sfence  }
0xbf: {  	s30 =	sld [smem:$0x0];
	_ =	sdelay $0x2  }
0xc0: {  	s31 =	sshll.u32 s1, $0xD;
	s1 =	sshrl.u32 s1, $0x2  }
0xc1: {  	s3 =	sand.u32 $0x4000, s31;
	s1 =	sadd.s32 s1, s30  }
0xc2: {  	s0 =	sor.u32 s3, s0;
	s1 =	sshll.u32 s1, $0x11  }
0xc3: {  	s0 =	sor.u32 s1, s0  }
0xc4: {  	s0 =	sadd.s32 $0x8F2B, s0  }
0xc5: {  	[sflag:s0] =	ssyncadd.remote.s32 $0x1  }
0xc6: {  	_ =	sfence.sel $0xFFFF  }
0xc7: {  	[dreg:$0x0] =	wrdreg $0xFFFFFFFF;
	(pc) =	sbr.abs _section_cstart, $3  }
0xc8: {  	[dreg:$0x1] =	wrdreg $0xFFFFFFFF  }
0xc9: {  	_ =	task.clear_ibuf [dreg:s8], $0x2FFFF;
	_ =	strace $0x9FFFFFFF  }
0xca: {  	(tm) =	ssettm $0x7FFFFFFF  }
0xcb: {  	_ =	shalt  }
tec
execute0_lowered:
.L_overlay_start_1:
0x0: {  	(tag) =	ssettag $0x1  }
0x1: {  	s1 =	rddreg [dreg:$0x0]  }
0x2: {  	s0 =	rddreg [dreg:$0x1]  }
0x3: {  	s2 =	rddreg [dreg:$0x2]  }
0x4: {  	s3 =	rddreg [dreg:$0x3]  }
0x5: {  	s4 =	simm.s32 $0x0;
	s5 =	srdreg.scid;
	s10 =	stileid.u32  }
0x6: {  	s14 =	simm.s32 $0x4E20;
	s15 =	simm.s32 $0xB;
	s16 =	smul.u32 $0x27100, s10  }
0x7: {  	s28 =	simm.s32 $0x9E20;
	s29 =	simm.s32 $0x1;
	s9 =	smul.u32 $0x9C40, s10  }
0x8: {  	s30 =	simm.s32 $0x2;
	s6 =	sand.u32 $0x1, s5;
	s21 =	smul.u32 $0x9C4, s10  }
0x9: {  	s31 =	simm.s32 $0x3;
	[smem:$0x7FF] =	sst s4;
	s7 =	smul.u32 $0x13880, s6  }
0xa: {  	_ =	strace $0x8000004A;
	s8 =	ssub.s32 $0x2, s6;
	s6 =	smul.u32 $0x4E2, s6  }
0xb: {  	s5 =	sshrl.u32 s16, $0x2;
	s17 =	sshrl.u32 s8, $0x1;
	s16 =	sadd.s32 s0, s21  }
0xc: {  	s0 =	sadd.s32 $0x9C40, s0;
	s2 =	sadd.s32 s7, s2;
	s12 =	sadd.s32 s5, s3  }
0xd: {  	s7 =	ssub.s32 s8, s17;
	s5 =	sadd.s32 s9, s3;
	s26 =	sadd.s32 s6, s16  }
0xe: {  	s9 =	sshrl.u32 s9, $0x3;
	s18 =	sadd.s32 $0x1400, s12;
	[dreg:$0xd] =	wrdreg s26  }
0xf: {  	s0 =	sadd.s32 s21, s0;
	s19 =	sadd.s32 $0x2800, s12;
	[dreg:$0x5] =	wrdreg s18  }
0x10: {  	s21 =	simm.s32 $0x7;
	s20 =	sadd.s32 $0x3C00, s12;
	[dreg:$0x6] =	wrdreg s19  }
0x11: {  	s22 =	sadd.s32 $0x5000, s12;
	s23 =	sadd.s32 $0x6400, s12;
	[dreg:$0x7] =	wrdreg s20  }
0x12: {  	s24 =	sadd.s32 $0x7800, s12;
	s25 =	sadd.s32 $0x8C00, s12;
	[dreg:$0x8] =	wrdreg s22  }
0x13: {  	s2 =	sadd.s32 $0x2400, s2;
	s7 =	smax.u32 s7, $0x1;
	[dreg:$0x9] =	wrdreg s23  }
0x14: {  	s17 =	sadd.s32 s6, s0;
	s0 =	simm.s32 $0x6;
	[dreg:$0xa] =	wrdreg s24  }
0x15: {  	s26 =	simm.s32 $0x9;
	s6 =	simm.s32 $0xA;
	[dreg:$0xb] =	wrdreg s25  }
0x16: {  	[dreg:$0xc] =	wrdreg s7;
	s19 =	simm.s32 $0x50;
	s20 =	simm.s32 $0x6220  }
0x17: {  	s22 =	simm.s32 $0x7620;
	s24 =	sadd.s32 s9, s2;
	s25 =	simm.s32 $0x8A20  }
0x18: {  	v0 =	vimm.f32 $0.0e+00;
	s18 =	simm.s32 $0x4;
	s2 =	simm.s32 $0x5;
	s23 =	simm.s32 $0x8  }
.LBB2_1:
0x19: {  	s8 =	simm.s32 $0x100;
	s7 =	simm.s32 $0x0  }
.LBB2_2:
0x1a: {  	p0 =	sne.s32 s8, $0x4F00;
	[tilespmem:s7+$0x4E50] =	vst v0;
	s9 =	smov.u32 s8;
	s8 =	sadd.s32 $0x100, s8  }
.Ltmp0:
0x1b: {  	[tilespmem:s7+$0x4E40] =	vst v0;
	(pc) =	sbr.rel @p0 .LBB2_2-.Ltmp0, $3  }
0x1c: {  	[tilespmem:s7+$0x4E20] =	vst v0  }
0x1d: {  	[tilespmem:s7+$0x4E30] =	vst v0;
	_ =	sdelay $0x1  }
0x1e: {  	s7 =	sshra.s32 s9, $0x2  }
0x1f: {  	[tilespmem:s7+$0x4E50] =	vst v0  }
0x20: {  	[tilespmem:s7+$0x4E40] =	vst v0  }
0x21: {  	[tilespmem:s7+$0x4E20] =	vst v0  }
0x22: {  	[tilespmem:s7+$0x4E30] =	vst v0  }
0x23: {  	[spmem:s5] =	stream.linear.scatter [tilespmem:s14], [sflag:$0xB], $0x1400, $0x38;
	[tilespmem:$0x14E60] =	vst v63  }
0x24: {  	_ =	swait.ge [sflag:s15], $0x1400  }
0x25: {  	[sflag:s15] =	ssyncset.done $0x0  }
0x26: {  	s9 =	rddreg [dreg:$0x5];
	[sflag:s15] =	ssyncadd.s32 $0xFFFFEC00  }
0x27: {  	[spmem:s9] =	stream.linear.scatter [tilespmem:s14], [sflag:$0xB], $0x1400, $0x38;
	[tilespmem:$0x14E60] =	vst v63  }
0x28: {  	_ =	swait.ge [sflag:s15], $0x1400  }
0x29: {  	[sflag:s15] =	ssyncset.done $0x0  }
0x2a: {  	s10 =	rddreg [dreg:$0x6];
	[sflag:s15] =	ssyncadd.s32 $0xFFFFEC00  }
0x2b: {  	[spmem:s10] =	stream.linear.scatter [tilespmem:s14], [sflag:$0xB], $0x1400, $0x38;
	[tilespmem:$0x14E60] =	vst v63  }
0x2c: {  	_ =	swait.ge [sflag:s15], $0x1400  }
0x2d: {  	[sflag:s15] =	ssyncset.done $0x0  }
0x2e: {  	s11 =	rddreg [dreg:$0x7];
	[sflag:s15] =	ssyncadd.s32 $0xFFFFEC00  }
0x2f: {  	[spmem:s11] =	stream.linear.scatter [tilespmem:s14], [sflag:$0xB], $0x1400, $0x38;
	[tilespmem:$0x14E60] =	vst v63  }
0x30: {  	_ =	swait.ge [sflag:s15], $0x1400  }
0x31: {  	[sflag:s15] =	ssyncset.done $0x0  }
0x32: {  	s12 =	rddreg [dreg:$0x8];
	[sflag:s15] =	ssyncadd.s32 $0xFFFFEC00  }
0x33: {  	[spmem:s12] =	stream.linear.scatter [tilespmem:s14], [sflag:$0xB], $0x1400, $0x38;
	[tilespmem:$0x14E60] =	vst v63  }
0x34: {  	_ =	swait.ge [sflag:s15], $0x1400  }
0x35: {  	[sflag:s15] =	ssyncset.done $0x0  }
0x36: {  	s13 =	rddreg [dreg:$0x9];
	[sflag:s15] =	ssyncadd.s32 $0xFFFFEC00  }
0x37: {  	[spmem:s13] =	stream.linear.scatter [tilespmem:s14], [sflag:$0xB], $0x1400, $0x38;
	[tilespmem:$0x14E60] =	vst v63  }
0x38: {  	_ =	swait.ge [sflag:s15], $0x1400  }
0x39: {  	[sflag:s15] =	ssyncset.done $0x0  }
0x3a: {  	s16 =	rddreg [dreg:$0xa];
	[sflag:s15] =	ssyncadd.s32 $0xFFFFEC00  }
0x3b: {  	[spmem:s16] =	stream.linear.scatter [tilespmem:s14], [sflag:$0xB], $0x1400, $0x38;
	[tilespmem:$0x14E60] =	vst v63  }
0x3c: {  	_ =	swait.ge [sflag:s15], $0x1400  }
0x3d: {  	[sflag:s15] =	ssyncset.done $0x0  }
0x3e: {  	s8 =	rddreg [dreg:$0xb];
	[sflag:s15] =	ssyncadd.s32 $0xFFFFEC00  }
0x3f: {  	[spmem:s8] =	stream.linear.scatter [tilespmem:s14], [sflag:$0xB], $0x1040, $0x38;
	[tilespmem:$0x14E60] =	vst v63  }
0x40: {  	_ =	swait.ge [sflag:s15], $0x1040  }
0x41: {  	[sflag:s15] =	ssyncset.done $0x0  }
0x42: {  	s9 =	simm.s32 $0x0;
	s8 =	rddreg [dreg:$0xd];
	[sflag:s15] =	ssyncadd.s32 $0xFFFFEFC0  }
0x43: {  	[tilespmem:s9], [sflag:$0xB] =	stream.linear.gather [hbm4b:s8+s9], $0x2710, $0x38;
	[tilespmem:$0x14E60] =	vst v63  }
0x44: {  	_ =	swait.ge [sflag:s15], $0x2710  }
0x45: {  	[sflag:s15] =	ssyncset.done $0x0  }
0x46: {  	s10 =	simm.s32 $0x2710;
	[sflag:s15] =	ssyncadd.s32 $0xFFFFD8F0  }
0x47: {  	[tilespmem:s10], [sflag:$0xB] =	stream.linear.gather [hbm4b:s17+s9], $0x2710, $0x38;
	[tilespmem:$0x14E60] =	vst v63  }
0x48: {  	_ =	swait.ge [sflag:s15], $0x2710  }
0x49: {  	[sflag:s15] =	ssyncset.done $0x0  }
0x4a: {  	[sflag:s15] =	ssyncadd.s32 $0xFFFFD8F0  }
0x4b: {  	[bflag:$0x0] =	sbarrier.arrive $0xFFFF  }
0x4c: {  	[tilespmem:s14], [sflag:$0x1] =	stream.indirect.gather [hbm4b:s1+s19], $0x40, s9, s19, $0xb8;
	[tilespmem:$0x14E60] =	vst v63  }
0x4d: {  	_ = 	snop  }
0x4e: {  	[tilespmem:s20], [sflag:$0x2] =	stream.indirect.gather [hbm4b:s1+s19], $0x40, s19, s19, $0xb8;
	[tilespmem:$0x14E60] =	vst v63  }
0x4f: {  	s11 =	simm.s32 $0xA0  }
0x50: {  	[tilespmem:s22], [sflag:$0x3] =	stream.indirect.gather [hbm4b:s1+s19], $0x40, s11, s19, $0xb8;
	[tilespmem:$0x14E60] =	vst v63  }
0x51: {  	s12 =	simm.s32 $0xF0  }
0x52: {  	[tilespmem:s25], [sflag:$0x4] =	stream.indirect.gather [hbm4b:s1+s19], $0x40, s12, s19, $0xb8;
	[tilespmem:$0x14E60] =	vst v63  }
0x53: {  	s13 =	simm.s32 $0x140  }
0x54: {  	[tilespmem:s28], [sflag:$0x5] =	stream.indirect.gather [hbm4b:s1+s19], $0x40, s13, s19, $0xb8;
	[tilespmem:$0x14E60] =	vst v63  }
0x55: {  	_ =	swait.ge [sflag:s29], $0x1400  }
0x56: {  	p0 =	por $0x1, $0x1;
	[sflag:s29] =	ssyncset.done $0x0  }
0x57: {  	s16 =	simm.s32 $0x2710;
	s8 =	simm.s32 @!p0 $0x9;
	[sflag:s29] =	ssyncadd.s32 $0xFFFFEC00  }
0x58: {  	[spmem:s3] =	stream.indirect.scatter.add.f32 [tilespmem:s14], [sflag:$0x6], $0x40, s16, s19, $0xb8;
	[tilespmem:$0x14E60] =	vst v63  }
0x59: {  	_ =	swait.ge @!p0 [sflag:s8], $0x1400  }
0x5a: {  	s7 =	simm.s32 @!p0 $0xF0;
	[sflag:s8] =	ssyncset.done @!p0 $0x0  }
0x5b: {  	s9 =	simm.s32 @!p0 $0x50;
	[sflag:s8] =	ssyncadd.s32 @!p0 $0xFFFFEC00;
	s8 =	simm.s32 @!p0 $0x8A20  }
0x5c: {  	[tilespmem:s8], [sflag:$0x4] =	stream.indirect.gather @!p0 [hbm4b:s1+s9], $0x40, s7, s9, $0xb8;
	[tilespmem:$0x14E60] =	vst v63  }
0x5d: {  	_ =	swait.ge [sflag:s30], $0x1400  }
0x5e: {  	p0 =	por $0x1, $0x1;
	[sflag:s30] =	ssyncset.done $0x0  }
0x5f: {  	s9 =	simm.s32 $0x2760;
	s8 =	simm.s32 @!p0 $0xA;
	[sflag:s30] =	ssyncadd.s32 $0xFFFFEC00  }
0x60: {  	[spmem:s3] =	stream.indirect.scatter.add.f32 [tilespmem:s20], [sflag:$0x7], $0x40, s9, s19, $0xb8;
	[tilespmem:$0x14E60] =	vst v63  }
0x61: {  	_ =	swait.ge @!p0 [sflag:s8], $0x1400  }
0x62: {  	s7 =	simm.s32 @!p0 $0x140;
	[sflag:s8] =	ssyncset.done @!p0 $0x0  }
0x63: {  	s9 =	simm.s32 @!p0 $0x50;
	[sflag:s8] =	ssyncadd.s32 @!p0 $0xFFFFEC00;
	s8 =	simm.s32 @!p0 $0x9E20  }
0x64: {  	[tilespmem:s8], [sflag:$0x5] =	stream.indirect.gather @!p0 [hbm4b:s1+s9], $0x40, s7, s9, $0xb8;
	[tilespmem:$0x14E60] =	vst v63  }
0x65: {  	_ =	swait.ge [sflag:s31], $0x1400  }
0x66: {  	[sflag:s31] =	ssyncset.done $0x0  }
0x67: {  	s10 =	simm.s32 $0x27B0;
	[sflag:s31] =	ssyncadd.s32 $0xFFFFEC00  }
0x68: {  	[spmem:s3] =	stream.indirect.scatter.add.f32 [tilespmem:s22], [sflag:$0x8], $0x40, s10, s19, $0xb8;
	[tilespmem:$0x14E60] =	vst v63  }
0x69: {  	_ =	swait.ge [sflag:s0], $0x1400  }
0x6a: {  	[sflag:s0] =	ssyncset.done $0x0  }
0x6b: {  	s11 =	simm.s32 $0x190;
	[sflag:s0] =	ssyncadd.s32 $0xFFFFEC00  }
0x6c: {  	[tilespmem:s14], [sflag:$0x1] =	stream.indirect.gather [hbm4b:s1+s19], $0x40, s11, s19, $0xb8;
	[tilespmem:$0x14E60] =	vst v63  }
0x6d: {  	_ =	swait.ge [sflag:s18], $0x1400  }
0x6e: {  	[sflag:s18] =	ssyncset.done $0x0  }
0x6f: {  	s12 =	simm.s32 $0x2800;
	[sflag:s18] =	ssyncadd.s32 $0xFFFFEC00  }
0x70: {  	[spmem:s3] =	stream.indirect.scatter.add.f32 [tilespmem:s25], [sflag:$0x9], $0x40, s12, s19, $0xb8;
	[tilespmem:$0x14E60] =	vst v63  }
0x71: {  	_ =	swait.ge [sflag:s21], $0x1400  }
0x72: {  	[sflag:s21] =	ssyncset.done $0x0  }
0x73: {  	s13 =	simm.s32 $0x1E0;
	[sflag:s21] =	ssyncadd.s32 $0xFFFFEC00  }
0x74: {  	[tilespmem:s20], [sflag:$0x2] =	stream.indirect.gather [hbm4b:s1+s19], $0x40, s13, s19, $0xb8;
	[tilespmem:$0x14E60] =	vst v63  }
0x75: {  	_ =	swait.ge [sflag:s2], $0x1400  }
0x76: {  	[sflag:s2] =	ssyncset.done $0x0  }
0x77: {  	s16 =	simm.s32 $0x2850;
	[sflag:s2] =	ssyncadd.s32 $0xFFFFEC00  }
0x78: {  	[spmem:s3] =	stream.indirect.scatter.add.f32 [tilespmem:s28], [sflag:$0xA], $0x40, s16, s19, $0xb8;
	[tilespmem:$0x14E60] =	vst v63  }
0x79: {  	s7 =	simm.s32 $0xFFFFFFFE;
	_ =	swait.ge [sflag:s23], $0x1400  }
0x7a: {  	s8 =	simm.s32 $0x640;
	s9 =	simm.s32 $0x230;
	[sflag:s23] =	ssyncset.done $0x0  }
.LBB2_4:
0x7b: {  	[sflag:s23] =	ssyncadd.s32 $0xFFFFEC00  }
0x7c: {  	s7 =	sadd.s32 $0x5, s7;
	s10 =	smov.u32 s8;
	s8 =	sadd.s32 $0x640, s8  }
0x7d: {  	[tilespmem:s22], [sflag:$0x3] =	stream.indirect.gather [hbm4b:s1+s19], $0x40, s9, s19, $0xb8;
	[tilespmem:$0x14E60] =	vst v63  }
0x7e: {  	s9 =	sshra.s32 s10, $0x2;
	p0 =	sne.s32 s8, $0x9600;
	_ =	swait.ge [sflag:s29], $0x1400  }
0x7f: {  	p1 =	sgt.u32 s7, $0x77;
	s11 =	sadd.s32 $0x2710, s9;
	[sflag:s29] =	ssyncset.done $0x0  }
0x80: {  	s12 =	simm.s32 @!p1 $0x9;
	s13 =	sshra.s32 @!p1 s10, $0x2;
	[sflag:s29] =	ssyncadd.s32 $0xFFFFEC00  }
0x81: {  	[spmem:s3] =	stream.indirect.scatter.add.f32 [tilespmem:s14], [sflag:$0x6], $0x40, s11, s19, $0xb8;
	[tilespmem:$0x14E60] =	vst v63  }
0x82: {  	s11 =	sadd.s32 @!p1 $0xF0, s13;
	_ =	swait.ge @!p1 [sflag:s12], $0x1400  }
0x83: {  	s16 =	simm.s32 @!p1 $0x8A20;
	s13 =	simm.s32 @!p1 $0x50;
	[sflag:s12] =	ssyncset.done @!p1 $0x0  }
0x84: {  	[sflag:s12] =	ssyncadd.s32 @!p1 $0xFFFFEC00  }
0x85: {  	[tilespmem:s16], [sflag:$0x4] =	stream.indirect.gather @!p1 [hbm4b:s1+s13], $0x40, s11, s13, $0xb8;
	[tilespmem:$0x14E60] =	vst v63  }
0x86: {  	s11 =	sadd.s32 $0x1, s7;
	_ =	swait.ge [sflag:s30], $0x1400  }
0x87: {  	s12 =	sadd.s32 $0x2760, s9;
	p1 =	sgt.u32 s11, $0x77;
	[sflag:s30] =	ssyncset.done $0x0  }
0x88: {  	s11 =	simm.s32 @!p1 $0xA;
	s10 =	sshra.s32 @!p1 s10, $0x2;
	[sflag:s30] =	ssyncadd.s32 $0xFFFFEC00  }
0x89: {  	[spmem:s3] =	stream.indirect.scatter.add.f32 [tilespmem:s20], [sflag:$0x7], $0x40, s12, s19, $0xb8;
	[tilespmem:$0x14E60] =	vst v63  }
0x8a: {  	s10 =	sadd.s32 @!p1 $0x140, s10;
	_ =	swait.ge @!p1 [sflag:s11], $0x1400  }
0x8b: {  	s13 =	simm.s32 @!p1 $0x9E20;
	s12 =	simm.s32 @!p1 $0x50;
	[sflag:s11] =	ssyncset.done @!p1 $0x0  }
0x8c: {  	[sflag:s11] =	ssyncadd.s32 @!p1 $0xFFFFEC00  }
0x8d: {  	[tilespmem:s13], [sflag:$0x5] =	stream.indirect.gather @!p1 [hbm4b:s1+s12], $0x40, s10, s12, $0xb8;
	[tilespmem:$0x14E60] =	vst v63  }
0x8e: {  	_ =	swait.ge [sflag:s31], $0x1400  }
0x8f: {  	s10 =	sadd.s32 $0x27B0, s9;
	[sflag:s31] =	ssyncset.done $0x0  }
0x90: {  	[sflag:s31] =	ssyncadd.s32 $0xFFFFEC00  }
0x91: {  	[spmem:s3] =	stream.indirect.scatter.add.f32 [tilespmem:s22], [sflag:$0x8], $0x40, s10, s19, $0xb8;
	[tilespmem:$0x14E60] =	vst v63  }
0x92: {  	_ =	swait.ge [sflag:s0], $0x1400  }
0x93: {  	s10 =	sadd.s32 $0x190, s9;
	[sflag:s0] =	ssyncset.done $0x0  }
0x94: {  	[sflag:s0] =	ssyncadd.s32 $0xFFFFEC00  }
0x95: {  	[tilespmem:s14], [sflag:$0x1] =	stream.indirect.gather [hbm4b:s1+s19], $0x40, s10, s19, $0xb8;
	[tilespmem:$0x14E60] =	vst v63  }
0x96: {  	_ =	swait.ge [sflag:s18], $0x1400  }
0x97: {  	s10 =	sadd.s32 $0x2800, s9;
	[sflag:s18] =	ssyncset.done $0x0  }
0x98: {  	[sflag:s18] =	ssyncadd.s32 $0xFFFFEC00  }
0x99: {  	[spmem:s3] =	stream.indirect.scatter.add.f32 [tilespmem:s25], [sflag:$0x9], $0x40, s10, s19, $0xb8;
	[tilespmem:$0x14E60] =	vst v63  }
0x9a: {  	_ =	swait.ge [sflag:s21], $0x1400  }
0x9b: {  	s10 =	sadd.s32 $0x1E0, s9;
	[sflag:s21] =	ssyncset.done $0x0  }
0x9c: {  	[sflag:s21] =	ssyncadd.s32 $0xFFFFEC00  }
0x9d: {  	[tilespmem:s20], [sflag:$0x2] =	stream.indirect.gather [hbm4b:s1+s19], $0x40, s10, s19, $0xb8;
	[tilespmem:$0x14E60] =	vst v63  }
0x9e: {  	_ =	swait.ge [sflag:s2], $0x1400  }
.Ltmp1:
0x9f: {  	s10 =	sadd.s32 $0x2850, s9;
	[sflag:s2] =	ssyncset.done $0x0;
	(pc) =	sbr.rel @p0 .LBB2_4-.Ltmp1, $4  }
0xa0: {  	[sflag:s2] =	ssyncadd.s32 $0xFFFFEC00  }
0xa1: {  	[spmem:s3] =	stream.indirect.scatter.add.f32 [tilespmem:s28], [sflag:$0xA], $0x40, s10, s19, $0xb8;
	[tilespmem:$0x14E60] =	vst v63  }
0xa2: {  	_ =	swait.ge [sflag:s23], $0x1400  }
0xa3: {  	s9 =	sadd.s32 $0x230, s9;
	[sflag:s23] =	ssyncset.done $0x0  }
0xa4: {  	[sflag:s23] =	ssyncadd.s32 $0xFFFFEC00  }
0xa5: {  	[tilespmem:s22], [sflag:$0x3] =	stream.indirect.gather [hbm4b:s1+s19], $0x40, s9, s19, $0xb8;
	[tilespmem:$0x14E60] =	vst v63  }
0xa6: {  	_ =	swait.ge [sflag:s29], $0x1400  }
0xa7: {  	[sflag:s29] =	ssyncset.done $0x0  }
0xa8: {  	s7 =	simm.s32 $0x4C90;
	[sflag:s29] =	ssyncadd.s32 $0xFFFFEC00  }
0xa9: {  	[spmem:s3] =	stream.indirect.scatter.add.f32 [tilespmem:s14], [sflag:$0x6], $0x40, s7, s19, $0xb8;
	[tilespmem:$0x14E60] =	vst v63  }
0xaa: {  	_ =	swait.ge [sflag:s26], $0x1400  }
0xab: {  	[sflag:s26] =	ssyncset.done $0x0  }
0xac: {  	s16 =	simm.s32 $0x2670;
	[sflag:s26] =	ssyncadd.s32 $0xFFFFEC00  }
0xad: {  	[tilespmem:s25], [sflag:$0x4] =	stream.indirect.gather [hbm4b:s1+s19], $0x40, s16, s19, $0xb8;
	[tilespmem:$0x14E60] =	vst v63  }
0xae: {  	_ =	swait.ge [sflag:s30], $0x1400  }
0xaf: {  	[sflag:s30] =	ssyncset.done $0x0  }
0xb0: {  	s8 =	simm.s32 $0x4CE0;
	[sflag:s30] =	ssyncadd.s32 $0xFFFFEC00  }
0xb1: {  	[spmem:s3] =	stream.indirect.scatter.add.f32 [tilespmem:s20], [sflag:$0x7], $0x40, s8, s19, $0xb8;
	[tilespmem:$0x14E60] =	vst v63  }
0xb2: {  	_ =	swait.ge [sflag:s6], $0x1400  }
0xb3: {  	[sflag:s6] =	ssyncset.done $0x0  }
0xb4: {  	s9 =	simm.s32 $0x26C0;
	[sflag:s6] =	ssyncadd.s32 $0xFFFFEC00  }
0xb5: {  	[tilespmem:s28], [sflag:$0x5] =	stream.indirect.gather [hbm4b:s1+s19], $0x40, s9, s19, $0xb8;
	[tilespmem:$0x14E60] =	vst v63  }
0xb6: {  	_ =	swait.ge [sflag:s31], $0x1400  }
0xb7: {  	[sflag:s31] =	ssyncset.done $0x0  }
0xb8: {  	s10 =	simm.s32 $0x4D30;
	[sflag:s31] =	ssyncadd.s32 $0xFFFFEC00  }
0xb9: {  	[spmem:s3] =	stream.indirect.scatter.add.f32 [tilespmem:s22], [sflag:$0x8], $0x40, s10, s19, $0xb8;
	[tilespmem:$0x14E60] =	vst v63  }
0xba: {  	_ =	swait.ge [sflag:s18], $0x1400  }
0xbb: {  	[sflag:s18] =	ssyncset.done $0x0  }
0xbc: {  	s11 =	simm.s32 $0x4D80;
	[sflag:s18] =	ssyncadd.s32 $0xFFFFEC00  }
0xbd: {  	[spmem:s3] =	stream.indirect.scatter.add.f32 [tilespmem:s25], [sflag:$0x9], $0x40, s11, s19, $0xb8;
	[tilespmem:$0x14E60] =	vst v63  }
0xbe: {  	_ =	swait.ge [sflag:s2], $0x1400  }
0xbf: {  	[sflag:s2] =	ssyncset.done $0x0  }
0xc0: {  	s12 =	simm.s32 $0x4DD0;
	[sflag:s2] =	ssyncadd.s32 $0xFFFFEC00  }
0xc1: {  	[spmem:s3] =	stream.indirect.scatter.add.f32 [tilespmem:s28], [sflag:$0xA], $0x40, s12, s19, $0xb8;
	[tilespmem:$0x14E60] =	vst v63  }
0xc2: {  	_ =	swait.ge [sflag:s0], $0x1400  }
0xc3: {  	[sflag:s0] =	ssyncset.done $0x0  }
0xc4: {  	[sflag:s0] =	ssyncadd.s32 $0xFFFFEC00  }
0xc5: {  	_ =	swait.ge [sflag:s21], $0x1400  }
0xc6: {  	[sflag:s21] =	ssyncset.done $0x0  }
0xc7: {  	[sflag:s21] =	ssyncadd.s32 $0xFFFFEC00  }
0xc8: {  	_ =	swait.ge [sflag:s23], $0x1400  }
0xc9: {  	[sflag:s23] =	ssyncset.done $0x0  }
0xca: {  	[sflag:s23] =	ssyncadd.s32 $0xFFFFEC00  }
0xcb: {  	_ =	swait.ge [sflag:s26], $0x1400  }
0xcc: {  	[sflag:s26] =	ssyncset.done $0x0  }
0xcd: {  	[sflag:s26] =	ssyncadd.s32 $0xFFFFEC00  }
0xce: {  	_ =	swait.ge [sflag:s6], $0x1400  }
0xcf: {  	s13 =	stileid.u32;
	[sflag:s6] =	ssyncset.done $0x0  }
0xd0: {  	s7 =	sshll.u32 s13, $0x6;
	[sflag:s6] =	ssyncadd.s32 $0xFFFFEC00  }
0xd1: {  	s7 =	sor.u32 $0x1C0B, s7;
	s8 =	sshrl.u32 s5, $0x3;
	[bflag:$0x0] =	sbarrier.arrive $0xFFFF  }
0xd2: {  	[hbm:s24], [sflag:s7] =	dma.local [spmem:s8], $0x1388  }
0xd3: {  	_ =	swait.ge [sflag:s15], $0x1388  }
0xd4: {  	s4 =	sadd.s32 $0x1, s4;
	s16 =	rddreg [dreg:$0xc]  }
0xd5: {  	p0 =	sne.s32 s4, s16  }
.Ltmp2:
0xd6: {  	_ = 	snop;
	(pc) =	sbr.rel @p0 .LBB2_1-.Ltmp2, $3  }
0xd7: {  	_ =	sdelay $0x1  }
0xd8: {  	[sflag:s15] =	ssyncset.done $0x0  }
0xd9: {  	[sflag:s15] =	ssyncadd.s32 $0xFFFFEC78  }
0xda: {  	_ =	sfence.sel $0x180000  }
0xdb: {  	[bflag:$0x0] =	sbarrier.arrive $0xFFFF  }
0xdc: {  	_ =	strace $0x9000004A  }
0xdd: {  	s0 =	stileid.u32;
	[bflag:$0x2] =	sbarrier.arrive $0xFFFF  }
0xde: {  	p0 =	sne.s32 s0, $0x0;
	s0 =	rddreg [dreg:$0x4]  }
0xdf: {  	s0 =	sadd.s32 @!p0 $0x100000, s0  }
0xe0: {  	[sflag:s0] =	ssyncadd.tile.s32 @!p0 $0x1;
	_ =	shalt  }
.Lfunc_end2:
_tile_overlayer_lowered:
.L_overlay_start_2:
0xe1: {  	(tag) =	ssettag $0x2  }
0xe2: {  	s0 =	rddreg [dreg:$0x0];
	s2 =	stileid.u32  }
0xe3: {  	s1 =	rddreg [dreg:$0x1];
	p0 =	sne.s32 s2, $0x0  }
0xe4: {  	s3 =	rddreg [dreg:$0x2];
	[bflag:$0x3] =	sbarrier.arrive $0xFFFF;
	s2 =	simm.s32 @!p0 $0x1C0B  }
0xe5: {  	[timem:s3], [sflag:s2] =	dma.local @!p0 [hbm:s0], s1  }
0xe6: {  	s0 =	simm.s32 @!p0 $0xB  }
0xe7: {  	_ =	swait.ge @!p0 [sflag:s0], s1  }
0xe8: {  	s1 =	ssub.s32 @!p0 $0x0, s1;
	[sflag:s0] =	ssyncset.done @!p0 $0x0  }
0xe9: {  	[sflag:s0] =	ssyncadd.s32 @!p0 s1  }
0xea: {  	[bflag:$0x3] =	sbarrier.arrive $0xFFFF  }
0xeb: {  	_ =	shalt  }

// kernel: kernel.15.cloned.1.call-start
scs
__scs_entry_jumppad:
0x0: {  	(pc) =	sbr.rel $0x88, $3  }
0x1: {  	(tag) =	ssettag $0x0;
	lr =	simm.s32 $0x1  }
0x2: {  	[smem:$0x3F99] =	sst lr;
	_ =	strace $0xD0000000  }
0x3: {  	_ = 	snop  }
0x4: {  	_ = 	snop  }
0x5: {  	_ = 	snop  }
0x6: {  	_ = 	snop  }
0x7: {  	_ = 	snop  }
__scs_overlays_trampoline_lowered:
0x8: {  	[smem:$0x3FA8] =	sst s0  }
0x9: {  	[smem:$0x3FA9] =	sst s1  }
0xa: {  	[smem:$0x3FAA] =	sst s2  }
0xb: {  	[smem:$0x3FAB] =	sst s3  }
0xc: {  	[smem:$0x3FAC] =	sst s4  }
0xd: {  	[smem:$0x3FAD] =	sst s5  }
0xe: {  	[smem:$0x3FAE] =	sst s6  }
0xf: {  	[smem:$0x3FAF] =	sst s7  }
0x10: {  	[smem:$0x3FB0] =	sst s8  }
0x11: {  	[smem:$0x3FB1] =	sst s9;
	s0 =	simm.s32 @!p0 $0x0  }
0x12: {  	s1 =	sld [smem:$0x3F97];
	s0 =	simm.s32 @p0 $0x1  }
0x13: {  	[smem:$0x3FB2] =	sst s0;
	s0 =	simm.s32 @!p1 $0x0  }
0x14: {  	s2 =	sld [smem:$0x3F96];
	s0 =	simm.s32 @p1 $0x1  }
0x15: {  	[smem:$0x3FB3] =	sst s0;
	s0 =	simm.s32 @!p2 $0x0  }
0x16: {  	s3 =	sld [smem:$0x3FDB];
	s0 =	simm.s32 @p2 $0x1  }
0x17: {  	s4 =	simm.s32 $0x1BF5;
	[smem:$0x3FB5] =	sst s0  }
0x18: {  	s0 =	sld [smem:$0x3F98];
	_ =	swait.ge [sflag:s4], $0x0  }
0x19: {  	s7 =	sld [smem:$0x3F99]  }
0x1a: {  	s8 =	sadd.s32 $0xFFFFE003, lr  }
0x1b: {  	s9 =	sadd.s32 $0xFFFFFEF7, lr;
	s5 =	simm.s32 $0xFFFFFFFF;
	p2 =	slt.u32 s8, $0xFFFFF086  }
0x1c: {  	p1 =	slt.u32 s9, $0xF7A;
	s5 =	simm.s32 @!p2 $0x0  }
0x1d: {  	s5 =	simm.s32 @p1 $0x1;
	p0 =	seq.s32 s7, s2  }
0x1e: {  	s7 =	smul.u32 @!p0 $0xF7A, s2;
	p2 =	seq.s32 @!p0 s5, $0x0  }
0x1f: {  	s9 =	smul.u32 $0xF7A, s1;
	s8 =	simm.s32 @!p0 $0x1BF5;
	p2 =	por !p2, p0  }
0x20: {  	[sflag:s8] =	ssyncset.s32 @!p0 $0xFFFFF086;
	s6 =	sadd.s32 @!p0 s3, s7;
	s7 =	simm.s32 @!p0 $0x108  }
0x21: {  	s3 =	sadd.s32 s3, s9;
	s6 =	sadd.s32 @!p0 $0x88, s6;
	s7 =	simm.s32 @p2 $0x1082  }
0x22: {  	[simem:s7], [sflag:s8] =	dma.local @!p0 [hbm:s6], $0xF7A  }
0x23: {  	s9 =	sor.u32 $0xD0000000, s2;
	s6 =	simm.s32 $0x108;
	_ =	swait.ge @!p0 [sflag:s8], $0x0  }
0x24: {  	s3 =	sadd.s32 $0x88, s3;
	s6 =	simm.s32 @!p1 $0x1082;
	[sflag:s4] =	ssyncset.s32 $0xFFFFF086  }
0x25: {  	[simem:s6], [sflag:s4] =	dma.local [hbm:s3], $0xF7A  }
0x26: {  	[smem:$0x3F99] =	sst s1;
	(tag) =	ssettag s2;
	_ =	strace s9  }
0x27: {  	s1 =	sld [smem:$0x3FA9]  }
0x28: {  	s2 =	sld [smem:$0x3FAA]  }
0x29: {  	s4 =	sld [smem:$0x3FAC]  }
0x2a: {  	p0 =	seq.s32 s5, $0x0;
	s5 =	sld [smem:$0x3FAD]  }
0x2b: {  	s6 =	sld [smem:$0x3FAE]  }
0x2c: {  	s7 =	sld [smem:$0x3FAF]  }
0x2d: {  	s3 =	simm.s32 $0x108;
	s8 =	sld [smem:$0x3FB0]  }
0x2e: {  	s3 =	simm.s32 @!p0 $0x1082;
	s9 =	sld [smem:$0x3FB1]  }
0x2f: {  	lr =	sadd.s32 s0, s3;
	s0 =	sld [smem:$0x3FA8]  }
0x30: {  	s3 =	sld [smem:$0x3FAB]  }
0x31: {  	[smem:$0x3FB4] =	sst s10  }
0x32: {  	s10 =	sld [smem:$0x3FB2];
	_ =	sdelay $0x3  }
0x33: {  	p0 =	seq.s32 s10, $0x1;
	s10 =	sld [smem:$0x3FB4];
	_ =	sdelay $0x3  }
0x34: {  	[smem:$0x3FB4] =	sst s10  }
0x35: {  	s10 =	sld [smem:$0x3FB3];
	_ =	sdelay $0x3  }
0x36: {  	p1 =	seq.s32 s10, $0x1;
	s10 =	sld [smem:$0x3FB4];
	_ =	sdelay $0x3  }
0x37: {  	[smem:$0x3FB4] =	sst s10  }
0x38: {  	s10 =	sld [smem:$0x3FB5]  }
0x39: {  	_ = 	snop;
	(pc) =	sbr.ind lr, $3  }
0x3a: {  	_ = 	snop  }
0x3b: {  	_ = 	snop  }
0x3c: {  	p2 =	seq.s32 s10, $0x1;
	s10 =	sld [smem:$0x3FB4]  }
0x3d: {  	_ =	shalt  }
0x3e: {  	_ =	shalt  }
0x3f: {  	_ =	shalt  }
0x40: {  	_ =	shalt  }
0x41: {  	_ =	shalt  }
0x42: {  	_ =	shalt  }
0x43: {  	_ =	shalt  }
0x44: {  	_ =	shalt  }
0x45: {  	_ =	shalt  }
0x46: {  	_ =	shalt  }
0x47: {  	_ =	shalt  }
0x48: {  	_ =	shalt  }
0x49: {  	_ =	shalt  }
0x4a: {  	_ =	shalt  }
0x4b: {  	_ =	shalt  }
0x4c: {  	_ =	shalt  }
0x4d: {  	_ =	shalt  }
0x4e: {  	_ =	shalt  }
0x4f: {  	_ =	shalt  }
0x50: {  	_ =	shalt  }
0x51: {  	_ =	shalt  }
0x52: {  	_ =	shalt  }
0x53: {  	_ =	shalt  }
0x54: {  	_ =	shalt  }
0x55: {  	_ =	shalt  }
0x56: {  	_ =	shalt  }
0x57: {  	_ =	shalt  }
0x58: {  	_ =	shalt  }
0x59: {  	_ =	shalt  }
0x5a: {  	_ =	shalt  }
0x5b: {  	_ =	shalt  }
0x5c: {  	_ =	shalt  }
0x5d: {  	_ =	shalt  }
0x5e: {  	_ =	shalt  }
0x5f: {  	_ =	shalt  }
0x60: {  	_ =	shalt  }
0x61: {  	_ =	shalt  }
0x62: {  	_ =	shalt  }
0x63: {  	_ =	shalt  }
0x64: {  	_ =	shalt  }
0x65: {  	_ =	shalt  }
0x66: {  	_ =	shalt  }
0x67: {  	_ =	shalt  }
0x68: {  	_ =	shalt  }
0x69: {  	_ =	shalt  }
0x6a: {  	_ =	shalt  }
0x6b: {  	_ =	shalt  }
0x6c: {  	_ =	shalt  }
0x6d: {  	_ =	shalt  }
0x6e: {  	_ =	shalt  }
0x6f: {  	_ =	shalt  }
0x70: {  	_ =	shalt  }
0x71: {  	_ =	shalt  }
0x72: {  	_ =	shalt  }
0x73: {  	_ =	shalt  }
0x74: {  	_ =	shalt  }
0x75: {  	_ =	shalt  }
0x76: {  	_ =	shalt  }
0x77: {  	_ =	shalt  }
0x78: {  	_ =	shalt  }
0x79: {  	_ =	shalt  }
0x7a: {  	_ =	shalt  }
0x7b: {  	_ =	shalt  }
0x7c: {  	_ =	shalt  }
0x7d: {  	_ =	shalt  }
0x7e: {  	_ =	shalt  }
0x7f: {  	_ =	shalt  }
0x80: {  	_ =	shalt  }
0x81: {  	_ =	shalt  }
0x82: {  	_ =	shalt  }
0x83: {  	_ =	shalt  }
0x84: {  	_ =	shalt  }
0x85: {  	_ =	shalt  }
0x86: {  	_ =	shalt  }
0x87: {  	_ =	shalt  }
.Lfunc_end0:
.L_simem_size_0:
called_computation.2_lowered:
.L_overlay_start_0:
0x88: {  	s2 =	sld [smem:$0x3FD9]  }
0x89: {  	s3 =	sld [smem:$0x3FFE];
	_ =	sdelay $0x1  }
0x8a: {  	s1 =	srdreg.scid  }
0x8b: {  	s0 =	sand.u32 $0x1, s1  }
0x8c: {  	s14 =	sshll.u32 s0, $0xA;
	s2 =	sadd.s32 s3, s2  }
0x8d: {  	s2 =	sadd.s32 s2, s14  }
0x8e: {  	[smem:$0x3FC0] =	sst s2  }
0x8f: {  	_ = 	snop  }
0x90: {  	s2 =	sld [smem:$0x3FD0];
	_ =	sdelay $0x2  }
0x91: {  	s15 =	simm.s32 $0xA;
	s4 =	simm.s32 $0x10  }
0x92: {  	[smem:s4], [sflag:s15] =	dma.local [hbm:s2], $0x1  }
0x93: {  	_ =	swait.eq [sflag:s15], $0x1  }
0x94: {  	[sflag:s15] =	ssyncset.done $0x0  }
0x95: {  	s16 =	sld [smem:$0x10];
	[sflag:s15] =	ssyncadd.s32 $0xFFFFFFFF  }
0x96: {  	s17 =	sld [smem:$0x11];
	(tm) =	ssettm $0x1  }
0x97: {  	s18 =	sld [smem:$0x3FFB];
	_ =	sdelay $0x3  }
0x98: {  	_ =	strace s18  }
0x99: {  	s4 =	sld [smem:$0x3FFC];
	_ =	sdelay $0x3  }
0x9a: {  	_ =	strace s4  }
0x9b: {  	s4 =	sld [smem:$0x3FFD];
	_ =	sdelay $0x3  }
0x9c: {  	_ =	strace s4  }
0x9d: {  	_ =	strace $0x8FFFFFFF  }
0x9e: {  	s19 =	sld [smem:$0x3FDB];
	_ =	sdelay $0x1  }
0x9f: {  	s5 =	simm.s32 $_scs_section_size  }
0xa0: {  	s6 =	simm.s32 $_size__tile_overlayer_lowered;
	s7 =	simm.s32 $_tile_overlayer_lowered  }
0xa1: {  	s22 =	simm.s32 $0x1BFF;
	s21 =	sshll.u32 s7, $0x1;
	s4 =	sadd.s32 s5, s19  }
0xa2: {  	s8 =	simm.s32 $0x0;
	s20 =	sshll.u32 s6, $0x1;
	s6 =	sadd.s32 s21, s4  }
0xa3: {  	[timem:s8], [sflag:s22] =	dma.local [hbm:s6], s20  }
0xa4: {  	_ =	swait.ge [sflag:s22], s20  }
0xa5: {  	s5 =	ssub.s32 $0x0, s20;
	[sflag:s22] =	ssyncset.done $0x0  }
0xa6: {  	[sflag:s22] =	ssyncadd.s32 s5;
	_ =	sdelay $0x1  }
0xa7: {  	s23 =	simm.s32 $0x1B8B  }
0xa8: {  	_ =	swait.ge [sflag:s23], $0x1  }
0xa9: {  	[sflag:s23] =	ssyncset.done $0x0  }
0xaa: {  	s25 =	simm.s32 $0x1B8E;
	s24 =	sld [smem:$0x3FFE];
	[sflag:s23] =	ssyncadd.s32 $0xFFFFFFFF  }
0xab: {  	s26 =	simm.s32 $execute0_lowered;
	[smem:$0x3FD2] =	sst s25  }
0xac: {  	s6 =	sshll.u32 s26, $0x1;
	_ =	strace $0x8000004C;
	[dreg:$0x1] =	wrdreg $0xFFFFFFFF  }
0xad: {  	s28 =	simm.s32 $_size_execute0_lowered;
	s4 =	sadd.s32 s4, s6;
	[dreg:$0x0] =	wrdreg $0x0  }
0xae: {  	s6 =	sshll.u32 s28, $0x1;
	[dreg:$0x2] =	wrdreg s4  }
0xaf: {  	[dreg:$0x3] =	wrdreg s6  }
0xb0: {  	[dreg:$0x4] =	wrdreg $0xC0  }
0xb1: {  	_ =	task [dreg:s8], $0x5FFFF  }
0xb2: {  	[dreg:$0x1] =	wrdreg $0xFFFFFFFF  }
0xb3: {  	[dreg:$0x0] =	wrdreg $0x60  }
0xb4: {  	[dreg:$0x2] =	wrdreg s16  }
0xb5: {  	[dreg:$0x3] =	wrdreg s17  }
0xb6: {  	[dreg:$0x4] =	wrdreg s24  }
0xb7: {  	[dreg:$0x5] =	wrdreg $0xB2200  }
0xb8: {  	[dreg:$0x6] =	wrdreg $0x9  }
0xb9: {  	_ =	task.clear_ibuf [dreg:s8], $0x7FFFF;
	_ =	strace $0x9000004C  }
0xba: {  	s29 =	simm.s32 $0x9;
	_ =	strace $0x8000004E  }
0xbb: {  	_ =	swait.ge [sflag:s29], $0x1  }
0xbc: {  	[sflag:s29] =	ssyncadd.s32 $0xFFFFFFFF  }
0xbd: {  	_ =	strace $0x9000004E  }
0xbe: {  	_ =	sfence  }
0xbf: {  	s30 =	sld [smem:$0x0];
	_ =	sdelay $0x2  }
0xc0: {  	s31 =	sshll.u32 s1, $0xD;
	s1 =	sshrl.u32 s1, $0x2  }
0xc1: {  	s3 =	sand.u32 $0x4000, s31;
	s1 =	sadd.s32 s1, s30  }
0xc2: {  	s0 =	sor.u32 s3, s0;
	s1 =	sshll.u32 s1, $0x11  }
0xc3: {  	s0 =	sor.u32 s1, s0  }
0xc4: {  	s0 =	sadd.s32 $0x8F2B, s0  }
0xc5: {  	[sflag:s0] =	ssyncadd.remote.s32 $0x1  }
0xc6: {  	_ =	sfence.sel $0xFFFF  }
0xc7: {  	[dreg:$0x0] =	wrdreg $0xFFFFFFFF;
	(pc) =	sbr.abs _section_cstart, $3  }
0xc8: {  	[dreg:$0x1] =	wrdreg $0xFFFFFFFF  }
0xc9: {  	_ =	task.clear_ibuf [dreg:s8], $0x2FFFF;
	_ =	strace $0x9FFFFFFF  }
0xca: {  	(tm) =	ssettm $0x7FFFFFFF  }
0xcb: {  	_ =	shalt  }
tec
execute0_lowered:
.L_overlay_start_1:
0x0: {  	(tag) =	ssettag $0x1  }
0x1: {  	s1 =	rddreg [dreg:$0x0]  }
0x2: {  	s0 =	rddreg [dreg:$0x1]  }
0x3: {  	s2 =	rddreg [dreg:$0x2]  }
0x4: {  	s3 =	rddreg [dreg:$0x3]  }
0x5: {  	s4 =	simm.s32 $0x0;
	s5 =	srdreg.scid;
	s10 =	stileid.u32  }
0x6: {  	s14 =	simm.s32 $0x4E20;
	s15 =	simm.s32 $0xB;
	s16 =	smul.u32 $0x27100, s10  }
0x7: {  	s28 =	simm.s32 $0x9E20;
	s29 =	simm.s32 $0x1;
	s9 =	smul.u32 $0x9C40, s10  }
0x8: {  	s30 =	simm.s32 $0x2;
	s6 =	sand.u32 $0x1, s5;
	s21 =	smul.u32 $0x9C4, s10  }
0x9: {  	s31 =	simm.s32 $0x3;
	[smem:$0x7FF] =	sst s4;
	s7 =	smul.u32 $0x13880, s6  }
0xa: {  	_ =	strace $0x8000004D;
	s8 =	ssub.s32 $0x2, s6;
	s6 =	smul.u32 $0x4E2, s6  }
0xb: {  	s5 =	sshrl.u32 s16, $0x2;
	s17 =	sshrl.u32 s8, $0x1;
	s16 =	sadd.s32 s0, s21  }
0xc: {  	s0 =	sadd.s32 $0x9C40, s0;
	s2 =	sadd.s32 s7, s2;
	s12 =	sadd.s32 s5, s3  }
0xd: {  	s7 =	ssub.s32 s8, s17;
	s5 =	sadd.s32 s9, s3;
	s26 =	sadd.s32 s6, s16  }
0xe: {  	s9 =	sshrl.u32 s9, $0x3;
	s18 =	sadd.s32 $0x1400, s12;
	[dreg:$0xd] =	wrdreg s26  }
0xf: {  	s0 =	sadd.s32 s21, s0;
	s19 =	sadd.s32 $0x2800, s12;
	[dreg:$0x5] =	wrdreg s18  }
0x10: {  	s21 =	simm.s32 $0x7;
	s20 =	sadd.s32 $0x3C00, s12;
	[dreg:$0x6] =	wrdreg s19  }
0x11: {  	s22 =	sadd.s32 $0x5000, s12;
	s23 =	sadd.s32 $0x6400, s12;
	[dreg:$0x7] =	wrdreg s20  }
0x12: {  	s24 =	sadd.s32 $0x7800, s12;
	s25 =	sadd.s32 $0x8C00, s12;
	[dreg:$0x8] =	wrdreg s22  }
0x13: {  	s2 =	sadd.s32 $0x2400, s2;
	s7 =	smax.u32 s7, $0x1;
	[dreg:$0x9] =	wrdreg s23  }
0x14: {  	s17 =	sadd.s32 s6, s0;
	s0 =	simm.s32 $0x6;
	[dreg:$0xa] =	wrdreg s24  }
0x15: {  	s26 =	simm.s32 $0x9;
	s6 =	simm.s32 $0xA;
	[dreg:$0xb] =	wrdreg s25  }
0x16: {  	[dreg:$0xc] =	wrdreg s7;
	s19 =	simm.s32 $0x50;
	s20 =	simm.s32 $0x6220  }
0x17: {  	s22 =	simm.s32 $0x7620;
	s24 =	sadd.s32 s9, s2;
	s25 =	simm.s32 $0x8A20  }
0x18: {  	v0 =	vimm.f32 $0.0e+00;
	s18 =	simm.s32 $0x4;
	s2 =	simm.s32 $0x5;
	s23 =	simm.s32 $0x8  }
.LBB2_1:
0x19: {  	s8 =	simm.s32 $0x100;
	s7 =	simm.s32 $0x0  }
.LBB2_2:
0x1a: {  	p0 =	sne.s32 s8, $0x4F00;
	[tilespmem:s7+$0x4E50] =	vst v0;
	s9 =	smov.u32 s8;
	s8 =	sadd.s32 $0x100, s8  }
.Ltmp0:
0x1b: {  	[tilespmem:s7+$0x4E40] =	vst v0;
	(pc) =	sbr.rel @p0 .LBB2_2-.Ltmp0, $3  }
0x1c: {  	[tilespmem:s7+$0x4E20] =	vst v0  }
0x1d: {  	[tilespmem:s7+$0x4E30] =	vst v0;
	_ =	sdelay $0x1  }
0x1e: {  	s7 =	sshra.s32 s9, $0x2  }
0x1f: {  	[tilespmem:s7+$0x4E50] =	vst v0  }
0x20: {  	[tilespmem:s7+$0x4E40] =	vst v0  }
0x21: {  	[tilespmem:s7+$0x4E20] =	vst v0  }
0x22: {  	[tilespmem:s7+$0x4E30] =	vst v0  }
0x23: {  	[spmem:s5] =	stream.linear.scatter [tilespmem:s14], [sflag:$0xB], $0x1400, $0x38;
	[tilespmem:$0x14E60] =	vst v63  }
0x24: {  	_ =	swait.ge [sflag:s15], $0x1400  }
0x25: {  	[sflag:s15] =	ssyncset.done $0x0  }
0x26: {  	s9 =	rddreg [dreg:$0x5];
	[sflag:s15] =	ssyncadd.s32 $0xFFFFEC00  }
0x27: {  	[spmem:s9] =	stream.linear.scatter [tilespmem:s14], [sflag:$0xB], $0x1400, $0x38;
	[tilespmem:$0x14E60] =	vst v63  }
0x28: {  	_ =	swait.ge [sflag:s15], $0x1400  }
0x29: {  	[sflag:s15] =	ssyncset.done $0x0  }
0x2a: {  	s10 =	rddreg [dreg:$0x6];
	[sflag:s15] =	ssyncadd.s32 $0xFFFFEC00  }
0x2b: {  	[spmem:s10] =	stream.linear.scatter [tilespmem:s14], [sflag:$0xB], $0x1400, $0x38;
	[tilespmem:$0x14E60] =	vst v63  }
0x2c: {  	_ =	swait.ge [sflag:s15], $0x1400  }
0x2d: {  	[sflag:s15] =	ssyncset.done $0x0  }
0x2e: {  	s11 =	rddreg [dreg:$0x7];
	[sflag:s15] =	ssyncadd.s32 $0xFFFFEC00  }
0x2f: {  	[spmem:s11] =	stream.linear.scatter [tilespmem:s14], [sflag:$0xB], $0x1400, $0x38;
	[tilespmem:$0x14E60] =	vst v63  }
0x30: {  	_ =	swait.ge [sflag:s15], $0x1400  }
0x31: {  	[sflag:s15] =	ssyncset.done $0x0  }
0x32: {  	s12 =	rddreg [dreg:$0x8];
	[sflag:s15] =	ssyncadd.s32 $0xFFFFEC00  }
0x33: {  	[spmem:s12] =	stream.linear.scatter [tilespmem:s14], [sflag:$0xB], $0x1400, $0x38;
	[tilespmem:$0x14E60] =	vst v63  }
0x34: {  	_ =	swait.ge [sflag:s15], $0x1400  }
0x35: {  	[sflag:s15] =	ssyncset.done $0x0  }
0x36: {  	s13 =	rddreg [dreg:$0x9];
	[sflag:s15] =	ssyncadd.s32 $0xFFFFEC00  }
0x37: {  	[spmem:s13] =	stream.linear.scatter [tilespmem:s14], [sflag:$0xB], $0x1400, $0x38;
	[tilespmem:$0x14E60] =	vst v63  }
0x38: {  	_ =	swait.ge [sflag:s15], $0x1400  }
0x39: {  	[sflag:s15] =	ssyncset.done $0x0  }
0x3a: {  	s16 =	rddreg [dreg:$0xa];
	[sflag:s15] =	ssyncadd.s32 $0xFFFFEC00  }
0x3b: {  	[spmem:s16] =	stream.linear.scatter [tilespmem:s14], [sflag:$0xB], $0x1400, $0x38;
	[tilespmem:$0x14E60] =	vst v63  }
0x3c: {  	_ =	swait.ge [sflag:s15], $0x1400  }
0x3d: {  	[sflag:s15] =	ssyncset.done $0x0  }
0x3e: {  	s8 =	rddreg [dreg:$0xb];
	[sflag:s15] =	ssyncadd.s32 $0xFFFFEC00  }
0x3f: {  	[spmem:s8] =	stream.linear.scatter [tilespmem:s14], [sflag:$0xB], $0x1040, $0x38;
	[tilespmem:$0x14E60] =	vst v63  }
0x40: {  	_ =	swait.ge [sflag:s15], $0x1040  }
0x41: {  	[sflag:s15] =	ssyncset.done $0x0  }
0x42: {  	s9 =	simm.s32 $0x0;
	s8 =	rddreg [dreg:$0xd];
	[sflag:s15] =	ssyncadd.s32 $0xFFFFEFC0  }
0x43: {  	[tilespmem:s9], [sflag:$0xB] =	stream.linear.gather [hbm4b:s8+s9], $0x2710, $0x38;
	[tilespmem:$0x14E60] =	vst v63  }
0x44: {  	_ =	swait.ge [sflag:s15], $0x2710  }
0x45: {  	[sflag:s15] =	ssyncset.done $0x0  }
0x46: {  	s10 =	simm.s32 $0x2710;
	[sflag:s15] =	ssyncadd.s32 $0xFFFFD8F0  }
0x47: {  	[tilespmem:s10], [sflag:$0xB] =	stream.linear.gather [hbm4b:s17+s9], $0x2710, $0x38;
	[tilespmem:$0x14E60] =	vst v63  }
0x48: {  	_ =	swait.ge [sflag:s15], $0x2710  }
0x49: {  	[sflag:s15] =	ssyncset.done $0x0  }
0x4a: {  	[sflag:s15] =	ssyncadd.s32 $0xFFFFD8F0  }
0x4b: {  	[bflag:$0x0] =	sbarrier.arrive $0xFFFF  }
0x4c: {  	[tilespmem:s14], [sflag:$0x1] =	stream.indirect.gather [hbm4b:s1+s19], $0x40, s9, s19, $0xb8;
	[tilespmem:$0x14E60] =	vst v63  }
0x4d: {  	_ = 	snop  }
0x4e: {  	[tilespmem:s20], [sflag:$0x2] =	stream.indirect.gather [hbm4b:s1+s19], $0x40, s19, s19, $0xb8;
	[tilespmem:$0x14E60] =	vst v63  }
0x4f: {  	s11 =	simm.s32 $0xA0  }
0x50: {  	[tilespmem:s22], [sflag:$0x3] =	stream.indirect.gather [hbm4b:s1+s19], $0x40, s11, s19, $0xb8;
	[tilespmem:$0x14E60] =	vst v63  }
0x51: {  	s12 =	simm.s32 $0xF0  }
0x52: {  	[tilespmem:s25], [sflag:$0x4] =	stream.indirect.gather [hbm4b:s1+s19], $0x40, s12, s19, $0xb8;
	[tilespmem:$0x14E60] =	vst v63  }
0x53: {  	s13 =	simm.s32 $0x140  }
0x54: {  	[tilespmem:s28], [sflag:$0x5] =	stream.indirect.gather [hbm4b:s1+s19], $0x40, s13, s19, $0xb8;
	[tilespmem:$0x14E60] =	vst v63  }
0x55: {  	_ =	swait.ge [sflag:s29], $0x1400  }
0x56: {  	p0 =	por $0x1, $0x1;
	[sflag:s29] =	ssyncset.done $0x0  }
0x57: {  	s16 =	simm.s32 $0x2710;
	s8 =	simm.s32 @!p0 $0x9;
	[sflag:s29] =	ssyncadd.s32 $0xFFFFEC00  }
0x58: {  	[spmem:s3] =	stream.indirect.scatter.add.f32 [tilespmem:s14], [sflag:$0x6], $0x40, s16, s19, $0xb8;
	[tilespmem:$0x14E60] =	vst v63  }
0x59: {  	_ =	swait.ge @!p0 [sflag:s8], $0x1400  }
0x5a: {  	s7 =	simm.s32 @!p0 $0xF0;
	[sflag:s8] =	ssyncset.done @!p0 $0x0  }
0x5b: {  	s9 =	simm.s32 @!p0 $0x50;
	[sflag:s8] =	ssyncadd.s32 @!p0 $0xFFFFEC00;
	s8 =	simm.s32 @!p0 $0x8A20  }
0x5c: {  	[tilespmem:s8], [sflag:$0x4] =	stream.indirect.gather @!p0 [hbm4b:s1+s9], $0x40, s7, s9, $0xb8;
	[tilespmem:$0x14E60] =	vst v63  }
0x5d: {  	_ =	swait.ge [sflag:s30], $0x1400  }
0x5e: {  	p0 =	por $0x1, $0x1;
	[sflag:s30] =	ssyncset.done $0x0  }
0x5f: {  	s9 =	simm.s32 $0x2760;
	s8 =	simm.s32 @!p0 $0xA;
	[sflag:s30] =	ssyncadd.s32 $0xFFFFEC00  }
0x60: {  	[spmem:s3] =	stream.indirect.scatter.add.f32 [tilespmem:s20], [sflag:$0x7], $0x40, s9, s19, $0xb8;
	[tilespmem:$0x14E60] =	vst v63  }
0x61: {  	_ =	swait.ge @!p0 [sflag:s8], $0x1400  }
0x62: {  	s7 =	simm.s32 @!p0 $0x140;
	[sflag:s8] =	ssyncset.done @!p0 $0x0  }
0x63: {  	s9 =	simm.s32 @!p0 $0x50;
	[sflag:s8] =	ssyncadd.s32 @!p0 $0xFFFFEC00;
	s8 =	simm.s32 @!p0 $0x9E20  }
0x64: {  	[tilespmem:s8], [sflag:$0x5] =	stream.indirect.gather @!p0 [hbm4b:s1+s9], $0x40, s7, s9, $0xb8;
	[tilespmem:$0x14E60] =	vst v63  }
0x65: {  	_ =	swait.ge [sflag:s31], $0x1400  }
0x66: {  	[sflag:s31] =	ssyncset.done $0x0  }
0x67: {  	s10 =	simm.s32 $0x27B0;
	[sflag:s31] =	ssyncadd.s32 $0xFFFFEC00  }
0x68: {  	[spmem:s3] =	stream.indirect.scatter.add.f32 [tilespmem:s22], [sflag:$0x8], $0x40, s10, s19, $0xb8;
	[tilespmem:$0x14E60] =	vst v63  }
0x69: {  	_ =	swait.ge [sflag:s0], $0x1400  }
0x6a: {  	[sflag:s0] =	ssyncset.done $0x0  }
0x6b: {  	s11 =	simm.s32 $0x190;
	[sflag:s0] =	ssyncadd.s32 $0xFFFFEC00  }
0x6c: {  	[tilespmem:s14], [sflag:$0x1] =	stream.indirect.gather [hbm4b:s1+s19], $0x40, s11, s19, $0xb8;
	[tilespmem:$0x14E60] =	vst v63  }
0x6d: {  	_ =	swait.ge [sflag:s18], $0x1400  }
0x6e: {  	[sflag:s18] =	ssyncset.done $0x0  }
0x6f: {  	s12 =	simm.s32 $0x2800;
	[sflag:s18] =	ssyncadd.s32 $0xFFFFEC00  }
0x70: {  	[spmem:s3] =	stream.indirect.scatter.add.f32 [tilespmem:s25], [sflag:$0x9], $0x40, s12, s19, $0xb8;
	[tilespmem:$0x14E60] =	vst v63  }
0x71: {  	_ =	swait.ge [sflag:s21], $0x1400  }
0x72: {  	[sflag:s21] =	ssyncset.done $0x0  }
0x73: {  	s13 =	simm.s32 $0x1E0;
	[sflag:s21] =	ssyncadd.s32 $0xFFFFEC00  }
0x74: {  	[tilespmem:s20], [sflag:$0x2] =	stream.indirect.gather [hbm4b:s1+s19], $0x40, s13, s19, $0xb8;
	[tilespmem:$0x14E60] =	vst v63  }
0x75: {  	_ =	swait.ge [sflag:s2], $0x1400  }
0x76: {  	[sflag:s2] =	ssyncset.done $0x0  }
0x77: {  	s16 =	simm.s32 $0x2850;
	[sflag:s2] =	ssyncadd.s32 $0xFFFFEC00  }
0x78: {  	[spmem:s3] =	stream.indirect.scatter.add.f32 [tilespmem:s28], [sflag:$0xA], $0x40, s16, s19, $0xb8;
	[tilespmem:$0x14E60] =	vst v63  }
0x79: {  	s7 =	simm.s32 $0xFFFFFFFE;
	_ =	swait.ge [sflag:s23], $0x1400  }
0x7a: {  	s8 =	simm.s32 $0x640;
	s9 =	simm.s32 $0x230;
	[sflag:s23] =	ssyncset.done $0x0  }
.LBB2_4:
0x7b: {  	[sflag:s23] =	ssyncadd.s32 $0xFFFFEC00  }
0x7c: {  	s7 =	sadd.s32 $0x5, s7;
	s10 =	smov.u32 s8;
	s8 =	sadd.s32 $0x640, s8  }
0x7d: {  	[tilespmem:s22], [sflag:$0x3] =	stream.indirect.gather [hbm4b:s1+s19], $0x40, s9, s19, $0xb8;
	[tilespmem:$0x14E60] =	vst v63  }
0x7e: {  	s9 =	sshra.s32 s10, $0x2;
	p0 =	sne.s32 s8, $0x9600;
	_ =	swait.ge [sflag:s29], $0x1400  }
0x7f: {  	p1 =	sgt.u32 s7, $0x77;
	s11 =	sadd.s32 $0x2710, s9;
	[sflag:s29] =	ssyncset.done $0x0  }
0x80: {  	s12 =	simm.s32 @!p1 $0x9;
	s13 =	sshra.s32 @!p1 s10, $0x2;
	[sflag:s29] =	ssyncadd.s32 $0xFFFFEC00  }
0x81: {  	[spmem:s3] =	stream.indirect.scatter.add.f32 [tilespmem:s14], [sflag:$0x6], $0x40, s11, s19, $0xb8;
	[tilespmem:$0x14E60] =	vst v63  }
0x82: {  	s11 =	sadd.s32 @!p1 $0xF0, s13;
	_ =	swait.ge @!p1 [sflag:s12], $0x1400  }
0x83: {  	s16 =	simm.s32 @!p1 $0x8A20;
	s13 =	simm.s32 @!p1 $0x50;
	[sflag:s12] =	ssyncset.done @!p1 $0x0  }
0x84: {  	[sflag:s12] =	ssyncadd.s32 @!p1 $0xFFFFEC00  }
0x85: {  	[tilespmem:s16], [sflag:$0x4] =	stream.indirect.gather @!p1 [hbm4b:s1+s13], $0x40, s11, s13, $0xb8;
	[tilespmem:$0x14E60] =	vst v63  }
0x86: {  	s11 =	sadd.s32 $0x1, s7;
	_ =	swait.ge [sflag:s30], $0x1400  }
0x87: {  	s12 =	sadd.s32 $0x2760, s9;
	p1 =	sgt.u32 s11, $0x77;
	[sflag:s30] =	ssyncset.done $0x0  }
0x88: {  	s11 =	simm.s32 @!p1 $0xA;
	s10 =	sshra.s32 @!p1 s10, $0x2;
	[sflag:s30] =	ssyncadd.s32 $0xFFFFEC00  }
0x89: {  	[spmem:s3] =	stream.indirect.scatter.add.f32 [tilespmem:s20], [sflag:$0x7], $0x40, s12, s19, $0xb8;
	[tilespmem:$0x14E60] =	vst v63  }
0x8a: {  	s10 =	sadd.s32 @!p1 $0x140, s10;
	_ =	swait.ge @!p1 [sflag:s11], $0x1400  }
0x8b: {  	s13 =	simm.s32 @!p1 $0x9E20;
	s12 =	simm.s32 @!p1 $0x50;
	[sflag:s11] =	ssyncset.done @!p1 $0x0  }
0x8c: {  	[sflag:s11] =	ssyncadd.s32 @!p1 $0xFFFFEC00  }
0x8d: {  	[tilespmem:s13], [sflag:$0x5] =	stream.indirect.gather @!p1 [hbm4b:s1+s12], $0x40, s10, s12, $0xb8;
	[tilespmem:$0x14E60] =	vst v63  }
0x8e: {  	_ =	swait.ge [sflag:s31], $0x1400  }
0x8f: {  	s10 =	sadd.s32 $0x27B0, s9;
	[sflag:s31] =	ssyncset.done $0x0  }
0x90: {  	[sflag:s31] =	ssyncadd.s32 $0xFFFFEC00  }
0x91: {  	[spmem:s3] =	stream.indirect.scatter.add.f32 [tilespmem:s22], [sflag:$0x8], $0x40, s10, s19, $0xb8;
	[tilespmem:$0x14E60] =	vst v63  }
0x92: {  	_ =	swait.ge [sflag:s0], $0x1400  }
0x93: {  	s10 =	sadd.s32 $0x190, s9;
	[sflag:s0] =	ssyncset.done $0x0  }
0x94: {  	[sflag:s0] =	ssyncadd.s32 $0xFFFFEC00  }
0x95: {  	[tilespmem:s14], [sflag:$0x1] =	stream.indirect.gather [hbm4b:s1+s19], $0x40, s10, s19, $0xb8;
	[tilespmem:$0x14E60] =	vst v63  }
0x96: {  	_ =	swait.ge [sflag:s18], $0x1400  }
0x97: {  	s10 =	sadd.s32 $0x2800, s9;
	[sflag:s18] =	ssyncset.done $0x0  }
0x98: {  	[sflag:s18] =	ssyncadd.s32 $0xFFFFEC00  }
0x99: {  	[spmem:s3] =	stream.indirect.scatter.add.f32 [tilespmem:s25], [sflag:$0x9], $0x40, s10, s19, $0xb8;
	[tilespmem:$0x14E60] =	vst v63  }
0x9a: {  	_ =	swait.ge [sflag:s21], $0x1400  }
0x9b: {  	s10 =	sadd.s32 $0x1E0, s9;
	[sflag:s21] =	ssyncset.done $0x0  }
0x9c: {  	[sflag:s21] =	ssyncadd.s32 $0xFFFFEC00  }
0x9d: {  	[tilespmem:s20], [sflag:$0x2] =	stream.indirect.gather [hbm4b:s1+s19], $0x40, s10, s19, $0xb8;
	[tilespmem:$0x14E60] =	vst v63  }
0x9e: {  	_ =	swait.ge [sflag:s2], $0x1400  }
.Ltmp1:
0x9f: {  	s10 =	sadd.s32 $0x2850, s9;
	[sflag:s2] =	ssyncset.done $0x0;
	(pc) =	sbr.rel @p0 .LBB2_4-.Ltmp1, $4  }
0xa0: {  	[sflag:s2] =	ssyncadd.s32 $0xFFFFEC00  }
0xa1: {  	[spmem:s3] =	stream.indirect.scatter.add.f32 [tilespmem:s28], [sflag:$0xA], $0x40, s10, s19, $0xb8;
	[tilespmem:$0x14E60] =	vst v63  }
0xa2: {  	_ =	swait.ge [sflag:s23], $0x1400  }
0xa3: {  	s9 =	sadd.s32 $0x230, s9;
	[sflag:s23] =	ssyncset.done $0x0  }
0xa4: {  	[sflag:s23] =	ssyncadd.s32 $0xFFFFEC00  }
0xa5: {  	[tilespmem:s22], [sflag:$0x3] =	stream.indirect.gather [hbm4b:s1+s19], $0x40, s9, s19, $0xb8;
	[tilespmem:$0x14E60] =	vst v63  }
0xa6: {  	_ =	swait.ge [sflag:s29], $0x1400  }
0xa7: {  	[sflag:s29] =	ssyncset.done $0x0  }
0xa8: {  	s7 =	simm.s32 $0x4C90;
	[sflag:s29] =	ssyncadd.s32 $0xFFFFEC00  }
0xa9: {  	[spmem:s3] =	stream.indirect.scatter.add.f32 [tilespmem:s14], [sflag:$0x6], $0x40, s7, s19, $0xb8;
	[tilespmem:$0x14E60] =	vst v63  }
0xaa: {  	_ =	swait.ge [sflag:s26], $0x1400  }
0xab: {  	[sflag:s26] =	ssyncset.done $0x0  }
0xac: {  	s16 =	simm.s32 $0x2670;
	[sflag:s26] =	ssyncadd.s32 $0xFFFFEC00  }
0xad: {  	[tilespmem:s25], [sflag:$0x4] =	stream.indirect.gather [hbm4b:s1+s19], $0x40, s16, s19, $0xb8;
	[tilespmem:$0x14E60] =	vst v63  }
0xae: {  	_ =	swait.ge [sflag:s30], $0x1400  }
0xaf: {  	[sflag:s30] =	ssyncset.done $0x0  }
0xb0: {  	s8 =	simm.s32 $0x4CE0;
	[sflag:s30] =	ssyncadd.s32 $0xFFFFEC00  }
0xb1: {  	[spmem:s3] =	stream.indirect.scatter.add.f32 [tilespmem:s20], [sflag:$0x7], $0x40, s8, s19, $0xb8;
	[tilespmem:$0x14E60] =	vst v63  }
0xb2: {  	_ =	swait.ge [sflag:s6], $0x1400  }
0xb3: {  	[sflag:s6] =	ssyncset.done $0x0  }
0xb4: {  	s9 =	simm.s32 $0x26C0;
	[sflag:s6] =	ssyncadd.s32 $0xFFFFEC00  }
0xb5: {  	[tilespmem:s28], [sflag:$0x5] =	stream.indirect.gather [hbm4b:s1+s19], $0x40, s9, s19, $0xb8;
	[tilespmem:$0x14E60] =	vst v63  }
0xb6: {  	_ =	swait.ge [sflag:s31], $0x1400  }
0xb7: {  	[sflag:s31] =	ssyncset.done $0x0  }
0xb8: {  	s10 =	simm.s32 $0x4D30;
	[sflag:s31] =	ssyncadd.s32 $0xFFFFEC00  }
0xb9: {  	[spmem:s3] =	stream.indirect.scatter.add.f32 [tilespmem:s22], [sflag:$0x8], $0x40, s10, s19, $0xb8;
	[tilespmem:$0x14E60] =	vst v63  }
0xba: {  	_ =	swait.ge [sflag:s18], $0x1400  }
0xbb: {  	[sflag:s18] =	ssyncset.done $0x0  }
0xbc: {  	s11 =	simm.s32 $0x4D80;
	[sflag:s18] =	ssyncadd.s32 $0xFFFFEC00  }
0xbd: {  	[spmem:s3] =	stream.indirect.scatter.add.f32 [tilespmem:s25], [sflag:$0x9], $0x40, s11, s19, $0xb8;
	[tilespmem:$0x14E60] =	vst v63  }
0xbe: {  	_ =	swait.ge [sflag:s2], $0x1400  }
0xbf: {  	[sflag:s2] =	ssyncset.done $0x0  }
0xc0: {  	s12 =	simm.s32 $0x4DD0;
	[sflag:s2] =	ssyncadd.s32 $0xFFFFEC00  }
0xc1: {  	[spmem:s3] =	stream.indirect.scatter.add.f32 [tilespmem:s28], [sflag:$0xA], $0x40, s12, s19, $0xb8;
	[tilespmem:$0x14E60] =	vst v63  }
0xc2: {  	_ =	swait.ge [sflag:s0], $0x1400  }
0xc3: {  	[sflag:s0] =	ssyncset.done $0x0  }
0xc4: {  	[sflag:s0] =	ssyncadd.s32 $0xFFFFEC00  }
0xc5: {  	_ =	swait.ge [sflag:s21], $0x1400  }
0xc6: {  	[sflag:s21] =	ssyncset.done $0x0  }
0xc7: {  	[sflag:s21] =	ssyncadd.s32 $0xFFFFEC00  }
0xc8: {  	_ =	swait.ge [sflag:s23], $0x1400  }
0xc9: {  	[sflag:s23] =	ssyncset.done $0x0  }
0xca: {  	[sflag:s23] =	ssyncadd.s32 $0xFFFFEC00  }
0xcb: {  	_ =	swait.ge [sflag:s26], $0x1400  }
0xcc: {  	[sflag:s26] =	ssyncset.done $0x0  }
0xcd: {  	[sflag:s26] =	ssyncadd.s32 $0xFFFFEC00  }
0xce: {  	_ =	swait.ge [sflag:s6], $0x1400  }
0xcf: {  	s13 =	stileid.u32;
	[sflag:s6] =	ssyncset.done $0x0  }
0xd0: {  	s7 =	sshll.u32 s13, $0x6;
	[sflag:s6] =	ssyncadd.s32 $0xFFFFEC00  }
0xd1: {  	s7 =	sor.u32 $0x1C0B, s7;
	s8 =	sshrl.u32 s5, $0x3;
	[bflag:$0x0] =	sbarrier.arrive $0xFFFF  }
0xd2: {  	[hbm:s24], [sflag:s7] =	dma.local [spmem:s8], $0x1388  }
0xd3: {  	_ =	swait.ge [sflag:s15], $0x1388  }
0xd4: {  	s4 =	sadd.s32 $0x1, s4;
	s16 =	rddreg [dreg:$0xc]  }
0xd5: {  	p0 =	sne.s32 s4, s16  }
.Ltmp2:
0xd6: {  	_ = 	snop;
	(pc) =	sbr.rel @p0 .LBB2_1-.Ltmp2, $3  }
0xd7: {  	_ =	sdelay $0x1  }
0xd8: {  	[sflag:s15] =	ssyncset.done $0x0  }
0xd9: {  	[sflag:s15] =	ssyncadd.s32 $0xFFFFEC78  }
0xda: {  	_ =	sfence.sel $0x180000  }
0xdb: {  	[bflag:$0x0] =	sbarrier.arrive $0xFFFF  }
0xdc: {  	_ =	strace $0x9000004D  }
0xdd: {  	s0 =	stileid.u32;
	[bflag:$0x2] =	sbarrier.arrive $0xFFFF  }
0xde: {  	p0 =	sne.s32 s0, $0x0;
	s0 =	rddreg [dreg:$0x4]  }
0xdf: {  	s0 =	sadd.s32 @!p0 $0x100000, s0  }
0xe0: {  	[sflag:s0] =	ssyncadd.tile.s32 @!p0 $0x1;
	_ =	shalt  }
.Lfunc_end2:
_tile_overlayer_lowered:
.L_overlay_start_2:
0xe1: {  	(tag) =	ssettag $0x2  }
0xe2: {  	s0 =	rddreg [dreg:$0x0];
	s2 =	stileid.u32  }
0xe3: {  	s1 =	rddreg [dreg:$0x1];
	p0 =	sne.s32 s2, $0x0  }
0xe4: {  	s3 =	rddreg [dreg:$0x2];
	[bflag:$0x3] =	sbarrier.arrive $0xFFFF;
	s2 =	simm.s32 @!p0 $0x1C0B  }
0xe5: {  	[timem:s3], [sflag:s2] =	dma.local @!p0 [hbm:s0], s1  }
0xe6: {  	s0 =	simm.s32 @!p0 $0xB  }
0xe7: {  	_ =	swait.ge @!p0 [sflag:s0], s1  }
0xe8: {  	s1 =	ssub.s32 @!p0 $0x0, s1;
	[sflag:s0] =	ssyncset.done @!p0 $0x0  }
0xe9: {  	[sflag:s0] =	ssyncadd.s32 @!p0 s1  }
0xea: {  	[bflag:$0x3] =	sbarrier.arrive $0xFFFF  }
0xeb: {  	_ =	shalt  }

// kernel: kernel.9.cloned.1.call-start
scs
__scs_entry_jumppad:
0x0: {  	(pc) =	sbr.rel $0x88, $3  }
0x1: {  	(tag) =	ssettag $0x0;
	lr =	simm.s32 $0x1  }
0x2: {  	[smem:$0x3F99] =	sst lr;
	_ =	strace $0xD0000000  }
0x3: {  	_ = 	snop  }
0x4: {  	_ = 	snop  }
0x5: {  	_ = 	snop  }
0x6: {  	_ = 	snop  }
0x7: {  	_ = 	snop  }
__scs_overlays_trampoline_lowered:
0x8: {  	[smem:$0x3FA8] =	sst s0  }
0x9: {  	[smem:$0x3FA9] =	sst s1  }
0xa: {  	[smem:$0x3FAA] =	sst s2  }
0xb: {  	[smem:$0x3FAB] =	sst s3  }
0xc: {  	[smem:$0x3FAC] =	sst s4  }
0xd: {  	[smem:$0x3FAD] =	sst s5  }
0xe: {  	[smem:$0x3FAE] =	sst s6  }
0xf: {  	[smem:$0x3FAF] =	sst s7  }
0x10: {  	[smem:$0x3FB0] =	sst s8  }
0x11: {  	[smem:$0x3FB1] =	sst s9;
	s0 =	simm.s32 @!p0 $0x0  }
0x12: {  	s1 =	sld [smem:$0x3F97];
	s0 =	simm.s32 @p0 $0x1  }
0x13: {  	[smem:$0x3FB2] =	sst s0;
	s0 =	simm.s32 @!p1 $0x0  }
0x14: {  	s2 =	sld [smem:$0x3F96];
	s0 =	simm.s32 @p1 $0x1  }
0x15: {  	[smem:$0x3FB3] =	sst s0;
	s0 =	simm.s32 @!p2 $0x0  }
0x16: {  	s3 =	sld [smem:$0x3FDB];
	s0 =	simm.s32 @p2 $0x1  }
0x17: {  	s4 =	simm.s32 $0x1BF5;
	[smem:$0x3FB5] =	sst s0  }
0x18: {  	s0 =	sld [smem:$0x3F98];
	_ =	swait.ge [sflag:s4], $0x0  }
0x19: {  	s7 =	sld [smem:$0x3F99]  }
0x1a: {  	s8 =	sadd.s32 $0xFFFFE003, lr  }
0x1b: {  	s9 =	sadd.s32 $0xFFFFFEF7, lr;
	s5 =	simm.s32 $0xFFFFFFFF;
	p2 =	slt.u32 s8, $0xFFFFF086  }
0x1c: {  	p1 =	slt.u32 s9, $0xF7A;
	s5 =	simm.s32 @!p2 $0x0  }
0x1d: {  	s5 =	simm.s32 @p1 $0x1;
	p0 =	seq.s32 s7, s2  }
0x1e: {  	s7 =	smul.u32 @!p0 $0xF7A, s2;
	p2 =	seq.s32 @!p0 s5, $0x0  }
0x1f: {  	s9 =	smul.u32 $0xF7A, s1;
	s8 =	simm.s32 @!p0 $0x1BF5;
	p2 =	por !p2, p0  }
0x20: {  	[sflag:s8] =	ssyncset.s32 @!p0 $0xFFFFF086;
	s6 =	sadd.s32 @!p0 s3, s7;
	s7 =	simm.s32 @!p0 $0x108  }
0x21: {  	s3 =	sadd.s32 s3, s9;
	s6 =	sadd.s32 @!p0 $0x88, s6;
	s7 =	simm.s32 @p2 $0x1082  }
0x22: {  	[simem:s7], [sflag:s8] =	dma.local @!p0 [hbm:s6], $0xF7A  }
0x23: {  	s9 =	sor.u32 $0xD0000000, s2;
	s6 =	simm.s32 $0x108;
	_ =	swait.ge @!p0 [sflag:s8], $0x0  }
0x24: {  	s3 =	sadd.s32 $0x88, s3;
	s6 =	simm.s32 @!p1 $0x1082;
	[sflag:s4] =	ssyncset.s32 $0xFFFFF086  }
0x25: {  	[simem:s6], [sflag:s4] =	dma.local [hbm:s3], $0xF7A  }
0x26: {  	[smem:$0x3F99] =	sst s1;
	(tag) =	ssettag s2;
	_ =	strace s9  }
0x27: {  	s1 =	sld [smem:$0x3FA9]  }
0x28: {  	s2 =	sld [smem:$0x3FAA]  }
0x29: {  	s4 =	sld [smem:$0x3FAC]  }
0x2a: {  	p0 =	seq.s32 s5, $0x0;
	s5 =	sld [smem:$0x3FAD]  }
0x2b: {  	s6 =	sld [smem:$0x3FAE]  }
0x2c: {  	s7 =	sld [smem:$0x3FAF]  }
0x2d: {  	s3 =	simm.s32 $0x108;
	s8 =	sld [smem:$0x3FB0]  }
0x2e: {  	s3 =	simm.s32 @!p0 $0x1082;
	s9 =	sld [smem:$0x3FB1]  }
0x2f: {  	lr =	sadd.s32 s0, s3;
	s0 =	sld [smem:$0x3FA8]  }
0x30: {  	s3 =	sld [smem:$0x3FAB]  }
0x31: {  	[smem:$0x3FB4] =	sst s10  }
0x32: {  	s10 =	sld [smem:$0x3FB2];
	_ =	sdelay $0x3  }
0x33: {  	p0 =	seq.s32 s10, $0x1;
	s10 =	sld [smem:$0x3FB4];
	_ =	sdelay $0x3  }
0x34: {  	[smem:$0x3FB4] =	sst s10  }
0x35: {  	s10 =	sld [smem:$0x3FB3];
	_ =	sdelay $0x3  }
0x36: {  	p1 =	seq.s32 s10, $0x1;
	s10 =	sld [smem:$0x3FB4];
	_ =	sdelay $0x3  }
0x37: {  	[smem:$0x3FB4] =	sst s10  }
0x38: {  	s10 =	sld [smem:$0x3FB5]  }
0x39: {  	_ = 	snop;
	(pc) =	sbr.ind lr, $3  }
0x3a: {  	_ = 	snop  }
0x3b: {  	_ = 	snop  }
0x3c: {  	p2 =	seq.s32 s10, $0x1;
	s10 =	sld [smem:$0x3FB4]  }
0x3d: {  	_ =	shalt  }
0x3e: {  	_ =	shalt  }
0x3f: {  	_ =	shalt  }
0x40: {  	_ =	shalt  }
0x41: {  	_ =	shalt  }
0x42: {  	_ =	shalt  }
0x43: {  	_ =	shalt  }
0x44: {  	_ =	shalt  }
0x45: {  	_ =	shalt  }
0x46: {  	_ =	shalt  }
0x47: {  	_ =	shalt  }
0x48: {  	_ =	shalt  }
0x49: {  	_ =	shalt  }
0x4a: {  	_ =	shalt  }
0x4b: {  	_ =	shalt  }
0x4c: {  	_ =	shalt  }
0x4d: {  	_ =	shalt  }
0x4e: {  	_ =	shalt  }
0x4f: {  	_ =	shalt  }
0x50: {  	_ =	shalt  }
0x51: {  	_ =	shalt  }
0x52: {  	_ =	shalt  }
0x53: {  	_ =	shalt  }
0x54: {  	_ =	shalt  }
0x55: {  	_ =	shalt  }
0x56: {  	_ =	shalt  }
0x57: {  	_ =	shalt  }
0x58: {  	_ =	shalt  }
0x59: {  	_ =	shalt  }
0x5a: {  	_ =	shalt  }
0x5b: {  	_ =	shalt  }
0x5c: {  	_ =	shalt  }
0x5d: {  	_ =	shalt  }
0x5e: {  	_ =	shalt  }
0x5f: {  	_ =	shalt  }
0x60: {  	_ =	shalt  }
0x61: {  	_ =	shalt  }
0x62: {  	_ =	shalt  }
0x63: {  	_ =	shalt  }
0x64: {  	_ =	shalt  }
0x65: {  	_ =	shalt  }
0x66: {  	_ =	shalt  }
0x67: {  	_ =	shalt  }
0x68: {  	_ =	shalt  }
0x69: {  	_ =	shalt  }
0x6a: {  	_ =	shalt  }
0x6b: {  	_ =	shalt  }
0x6c: {  	_ =	shalt  }
0x6d: {  	_ =	shalt  }
0x6e: {  	_ =	shalt  }
0x6f: {  	_ =	shalt  }
0x70: {  	_ =	shalt  }
0x71: {  	_ =	shalt  }
0x72: {  	_ =	shalt  }
0x73: {  	_ =	shalt  }
0x74: {  	_ =	shalt  }
0x75: {  	_ =	shalt  }
0x76: {  	_ =	shalt  }
0x77: {  	_ =	shalt  }
0x78: {  	_ =	shalt  }
0x79: {  	_ =	shalt  }
0x7a: {  	_ =	shalt  }
0x7b: {  	_ =	shalt  }
0x7c: {  	_ =	shalt  }
0x7d: {  	_ =	shalt  }
0x7e: {  	_ =	shalt  }
0x7f: {  	_ =	shalt  }
0x80: {  	_ =	shalt  }
0x81: {  	_ =	shalt  }
0x82: {  	_ =	shalt  }
0x83: {  	_ =	shalt  }
0x84: {  	_ =	shalt  }
0x85: {  	_ =	shalt  }
0x86: {  	_ =	shalt  }
0x87: {  	_ =	shalt  }
.Lfunc_end0:
.L_simem_size_0:
called_computation_lowered:
.L_overlay_start_0:
0x88: {  	s2 =	sld [smem:$0x3FD9]  }
0x89: {  	s3 =	sld [smem:$0x3FFE];
	_ =	sdelay $0x1  }
0x8a: {  	s1 =	srdreg.scid  }
0x8b: {  	s0 =	sand.u32 $0x1, s1  }
0x8c: {  	s15 =	sshll.u32 s0, $0xA;
	s2 =	sadd.s32 s3, s2  }
0x8d: {  	s2 =	sadd.s32 s2, s15  }
0x8e: {  	[smem:$0x3FC0] =	sst s2  }
0x8f: {  	_ = 	snop  }
0x90: {  	s2 =	sld [smem:$0x3FD0];
	_ =	sdelay $0x2  }
0x91: {  	s16 =	simm.s32 $0xA;
	s4 =	simm.s32 $0x10  }
0x92: {  	[smem:s4], [sflag:s16] =	dma.local [hbm:s2], $0x1  }
0x93: {  	_ =	swait.eq [sflag:s16], $0x1  }
0x94: {  	[sflag:s16] =	ssyncset.done $0x0  }
0x95: {  	s17 =	sld [smem:$0x10];
	[sflag:s16] =	ssyncadd.s32 $0xFFFFFFFF  }
0x96: {  	s18 =	sld [smem:$0x11];
	(tm) =	ssettm $0x1  }
0x97: {  	s19 =	sld [smem:$0x3FFB];
	_ =	sdelay $0x3  }
0x98: {  	_ =	strace s19  }
0x99: {  	s4 =	sld [smem:$0x3FFC];
	_ =	sdelay $0x3  }
0x9a: {  	_ =	strace s4  }
0x9b: {  	s4 =	sld [smem:$0x3FFD];
	_ =	sdelay $0x3  }
0x9c: {  	_ =	strace s4  }
0x9d: {  	_ =	strace $0x8FFFFFFF  }
0x9e: {  	s20 =	sld [smem:$0x3FDB];
	_ =	sdelay $0x1  }
0x9f: {  	s5 =	simm.s32 $_scs_section_size  }
0xa0: {  	s6 =	simm.s32 $_size__tile_overlayer_lowered;
	s7 =	simm.s32 $_tile_overlayer_lowered  }
0xa1: {  	s23 =	simm.s32 $0x1BFF;
	s22 =	sshll.u32 s7, $0x1;
	s4 =	sadd.s32 s5, s20  }
0xa2: {  	s8 =	simm.s32 $0x0;
	s21 =	sshll.u32 s6, $0x1;
	s6 =	sadd.s32 s22, s4  }
0xa3: {  	[timem:s8], [sflag:s23] =	dma.local [hbm:s6], s21  }
0xa4: {  	_ =	swait.ge [sflag:s23], s21  }
0xa5: {  	s5 =	ssub.s32 $0x0, s21;
	[sflag:s23] =	ssyncset.done $0x0  }
0xa6: {  	[sflag:s23] =	ssyncadd.s32 s5;
	_ =	sdelay $0x1  }
0xa7: {  	s24 =	simm.s32 $0x1B8B  }
0xa8: {  	_ =	swait.ge [sflag:s24], $0x1  }
0xa9: {  	[sflag:s24] =	ssyncset.done $0x0  }
0xaa: {  	s25 =	simm.s32 $0x1B8E;
	[sflag:s24] =	ssyncadd.s32 $0xFFFFFFFF  }
0xab: {  	s26 =	simm.s32 $execute0_lowered;
	[smem:$0x3FD2] =	sst s25  }
0xac: {  	s5 =	sshll.u32 s26, $0x1;
	_ =	strace $0x80000046;
	[dreg:$0x1] =	wrdreg $0xFFFFFFFF  }
0xad: {  	s28 =	simm.s32 $_size_execute0_lowered;
	s4 =	sadd.s32 s4, s5;
	[dreg:$0x0] =	wrdreg $0x0  }
0xae: {  	s5 =	sshll.u32 s28, $0x1;
	[dreg:$0x2] =	wrdreg s4  }
0xaf: {  	[dreg:$0x3] =	wrdreg s5  }
0xb0: {  	[dreg:$0x4] =	wrdreg $0xC0  }
0xb1: {  	_ =	task [dreg:s8], $0x5FFFF  }
0xb2: {  	[dreg:$0x1] =	wrdreg $0xFFFFFFFF  }
0xb3: {  	[dreg:$0x0] =	wrdreg $0x60  }
0xb4: {  	[dreg:$0x2] =	wrdreg s18  }
0xb5: {  	[dreg:$0x3] =	wrdreg s17  }
0xb6: {  	[dreg:$0x4] =	wrdreg $0x2C100  }
0xb7: {  	[dreg:$0x5] =	wrdreg $0x9  }
0xb8: {  	_ =	task.clear_ibuf [dreg:s8], $0x6FFFF;
	_ =	strace $0x90000046  }
0xb9: {  	s29 =	simm.s32 $0x9;
	_ =	strace $0x80000048  }
0xba: {  	_ =	swait.ge [sflag:s29], $0x1  }
0xbb: {  	[sflag:s29] =	ssyncadd.s32 $0xFFFFFFFF  }
0xbc: {  	_ =	strace $0x90000048  }
0xbd: {  	_ =	sfence  }
0xbe: {  	s30 =	sld [smem:$0x0];
	_ =	sdelay $0x2  }
0xbf: {  	s31 =	sshll.u32 s1, $0xD;
	s1 =	sshrl.u32 s1, $0x2  }
0xc0: {  	s3 =	sand.u32 $0x4000, s31;
	s1 =	sadd.s32 s1, s30  }
0xc1: {  	s0 =	sor.u32 s3, s0;
	s1 =	sshll.u32 s1, $0x11  }
0xc2: {  	s0 =	sor.u32 s1, s0  }
0xc3: {  	s0 =	sadd.s32 $0x8F2B, s0  }
0xc4: {  	[sflag:s0] =	ssyncadd.remote.s32 $0x1  }
0xc5: {  	_ =	sfence.sel $0xFFFF  }
0xc6: {  	[dreg:$0x0] =	wrdreg $0xFFFFFFFF;
	(pc) =	sbr.abs _section_cstart, $3  }
0xc7: {  	[dreg:$0x1] =	wrdreg $0xFFFFFFFF  }
0xc8: {  	_ =	task.clear_ibuf [dreg:s8], $0x2FFFF;
	_ =	strace $0x9FFFFFFF  }
0xc9: {  	(tm) =	ssettm $0x7FFFFFFF  }
tec
execute0_lowered:
.L_overlay_start_1:
0x0: {  	(tag) =	ssettag $0x1  }
0x1: {  	s12 =	rddreg [dreg:$0x0]  }
0x2: {  	s13 =	rddreg [dreg:$0x1]  }
0x3: {  	s2 =	rddreg [dreg:$0x2]  }
0x4: {  	s0 =	rddreg [dreg:$0x3];
	s4 =	srdreg.scid  }
0x5: {  	s1 =	stileid.u32;
	s3 =	simm.s32 $0x0;
	s21 =	simm.s32 $0x2  }
0x6: {  	s22 =	simm.s32 $0x3;
	s23 =	simm.s32 $0x4;
	s30 =	smul.u32 $0x9C40, s1  }
0x7: {  	s26 =	simm.s32 $0x0;
	s14 =	sand.u32 $0x1, s4;
	s15 =	smul.u32 $0x2710, s1  }
0x8: {  	[smem:$0x7FF] =	sst s3;
	s17 =	smul.u32 $0x9C4, s1;
	s19 =	sadd.s32 $0x9C40, s12  }
0x9: {  	s5 =	ssub.s32 $0x2, s14;
	_ =	strace $0x80000047;
	s18 =	smul.u32 $0x4E20, s14  }
0xa: {  	s20 =	smul.u32 $0x4E2, s14;
	s14 =	simm.s32 $0x6;
	s6 =	sshrl.u32 s5, $0x1  }
0xb: {  	s4 =	sshrl.u32 s30, $0x2;
	s25 =	sshrl.u32 s15, $0x3;
	s31 =	sadd.s32 s17, s19  }
0xc: {  	s17 =	simm.s32 $0xA0;
	s19 =	simm.s32 $0x140;
	s16 =	ssub.s32 s5, s6  }
0xd: {  	s11 =	sadd.s32 s4, s2;
	s4 =	sadd.s32 s15, s2;
	s24 =	sadd.s32 s13, s18  }
0xe: {  	s13 =	simm.s32 $0x2710;
	s15 =	sadd.s32 s20, s31;
	s18 =	simm.s32 $0xF0  }
0xf: {  	s20 =	simm.s32 $0x1;
	s5 =	sadd.s32 $0x500, s11;
	s6 =	sadd.s32 $0xA00, s11  }
0x10: {  	s7 =	sadd.s32 $0xF00, s11;
	s8 =	sadd.s32 $0x1400, s11;
	s9 =	sadd.s32 $0x1900, s11  }
0x11: {  	s10 =	sadd.s32 $0x1E00, s11;
	s11 =	sadd.s32 $0x2300, s11;
	s12 =	smax.u32 s16, $0x1  }
0x12: {  	v0 =	vimm.f32 $0.0e+00;
	v1 =	vimm.f32 $1.000000000e+00;
	s16 =	simm.s32 $0x50;
	s24 =	sadd.s32 s25, s24;
	s25 =	simm.s32 $0x5  }
.LBB2_1:
0x13: {  	s28 =	simm.s32 $0x40;
	s29 =	simm.s32 $0x0  }
.LBB2_2:
0x14: {  	p0 =	sne.s32 s28, $0x13C0;
	[tilespmem:s29+$0x2710] =	vst v0;
	s29 =	smov.u32 s28;
	s28 =	sadd.s32 $0x40, s28  }
.Ltmp0:
0x15: {  	(pc) =	sbr.rel @p0 .LBB2_2-.Ltmp0, $2  }
0x16: {  	_ =	sdelay $0x2  }
0x17: {  	s29 =	sshra.s32 s29, $0x2  }
0x18: {  	[tilespmem:s29+$0x2710] =	vst v0  }
0x19: {  	[spmem:s4] =	stream.linear.scatter [tilespmem:s13], [sflag:$0x6], $0x500, $0x38;
	[tilespmem:$0x5320] =	vst v63  }
0x1a: {  	_ =	swait.ge [sflag:s14], $0x500  }
0x1b: {  	[sflag:s14] =	ssyncset.done $0x0  }
0x1c: {  	[sflag:s14] =	ssyncadd.s32 $0xFFFFFB00  }
0x1d: {  	[spmem:s5] =	stream.linear.scatter [tilespmem:s13], [sflag:$0x6], $0x500, $0x38;
	[tilespmem:$0x5320] =	vst v63  }
0x1e: {  	_ =	swait.ge [sflag:s14], $0x500  }
0x1f: {  	[sflag:s14] =	ssyncset.done $0x0  }
0x20: {  	[sflag:s14] =	ssyncadd.s32 $0xFFFFFB00  }
0x21: {  	[spmem:s6] =	stream.linear.scatter [tilespmem:s13], [sflag:$0x6], $0x500, $0x38;
	[tilespmem:$0x5320] =	vst v63  }
0x22: {  	_ =	swait.ge [sflag:s14], $0x500  }
0x23: {  	[sflag:s14] =	ssyncset.done $0x0  }
0x24: {  	[sflag:s14] =	ssyncadd.s32 $0xFFFFFB00  }
0x25: {  	[spmem:s7] =	stream.linear.scatter [tilespmem:s13], [sflag:$0x6], $0x500, $0x38;
	[tilespmem:$0x5320] =	vst v63  }
0x26: {  	_ =	swait.ge [sflag:s14], $0x500  }
0x27: {  	[sflag:s14] =	ssyncset.done $0x0  }
0x28: {  	[sflag:s14] =	ssyncadd.s32 $0xFFFFFB00  }
0x29: {  	[spmem:s8] =	stream.linear.scatter [tilespmem:s13], [sflag:$0x6], $0x500, $0x38;
	[tilespmem:$0x5320] =	vst v63  }
0x2a: {  	_ =	swait.ge [sflag:s14], $0x500  }
0x2b: {  	[sflag:s14] =	ssyncset.done $0x0  }
0x2c: {  	[sflag:s14] =	ssyncadd.s32 $0xFFFFFB00  }
0x2d: {  	[spmem:s9] =	stream.linear.scatter [tilespmem:s13], [sflag:$0x6], $0x500, $0x38;
	[tilespmem:$0x5320] =	vst v63  }
0x2e: {  	_ =	swait.ge [sflag:s14], $0x500  }
0x2f: {  	[sflag:s14] =	ssyncset.done $0x0  }
0x30: {  	[sflag:s14] =	ssyncadd.s32 $0xFFFFFB00  }
0x31: {  	[spmem:s10] =	stream.linear.scatter [tilespmem:s13], [sflag:$0x6], $0x500, $0x38;
	[tilespmem:$0x5320] =	vst v63  }
0x32: {  	_ =	swait.ge [sflag:s14], $0x500  }
0x33: {  	[sflag:s14] =	ssyncset.done $0x0  }
0x34: {  	[sflag:s14] =	ssyncadd.s32 $0xFFFFFB00  }
0x35: {  	[spmem:s11] =	stream.linear.scatter [tilespmem:s13], [sflag:$0x6], $0x410, $0x38;
	[tilespmem:$0x5320] =	vst v63  }
0x36: {  	_ =	swait.ge [sflag:s14], $0x410  }
0x37: {  	[sflag:s14] =	ssyncset.done $0x0  }
0x38: {  	s28 =	simm.s32 $0x40;
	s29 =	simm.s32 $0x0;
	[sflag:s14] =	ssyncadd.s32 $0xFFFFFBF0  }
.LBB2_4:
0x39: {  	p0 =	sne.s32 s28, $0x13C0;
	[tilespmem:s29+$0x2710] =	vst v1;
	s29 =	smov.u32 s28;
	s28 =	sadd.s32 $0x40, s28  }
.Ltmp1:
0x3a: {  	(pc) =	sbr.rel @p0 .LBB2_4-.Ltmp1, $2  }
0x3b: {  	_ =	sdelay $0x2  }
0x3c: {  	s29 =	sshra.s32 s29, $0x2  }
0x3d: {  	[tilespmem:s29+$0x2710] =	vst v1  }
0x3e: {  	[tilespmem:s3], [sflag:$0x6] =	stream.linear.gather [hbm4b:s15+s3], $0x2710, $0x38;
	[tilespmem:$0x5320] =	vst v63  }
0x3f: {  	_ =	swait.ge [sflag:s14], $0x2710  }
0x40: {  	[sflag:s14] =	ssyncset.done $0x0  }
0x41: {  	[sflag:s14] =	ssyncadd.s32 $0xFFFFD8F0  }
0x42: {  	[bflag:$0x0] =	sbarrier.arrive $0xFFFF  }
0x43: {  	[spmem:s2] =	stream.indirect.scatter.add.f32 [tilespmem:s13], [sflag:$0x1], $0x10, s3, s16, $0xb8;
	[tilespmem:$0x5320] =	vst v63  }
0x44: {  	_ = 	snop  }
0x45: {  	[spmem:s2] =	stream.indirect.scatter.add.f32 [tilespmem:s13], [sflag:$0x2], $0x10, s16, s16, $0xb8;
	[tilespmem:$0x5320] =	vst v63  }
0x46: {  	_ = 	snop  }
0x47: {  	[spmem:s2] =	stream.indirect.scatter.add.f32 [tilespmem:s13], [sflag:$0x3], $0x10, s17, s16, $0xb8;
	[tilespmem:$0x5320] =	vst v63  }
0x48: {  	_ = 	snop  }
0x49: {  	[spmem:s2] =	stream.indirect.scatter.add.f32 [tilespmem:s13], [sflag:$0x4], $0x10, s18, s16, $0xb8;
	[tilespmem:$0x5320] =	vst v63  }
0x4a: {  	_ = 	snop  }
0x4b: {  	[spmem:s2] =	stream.indirect.scatter.add.f32 [tilespmem:s13], [sflag:$0x5], $0x10, s19, s16, $0xb8;
	[tilespmem:$0x5320] =	vst v63  }
0x4c: {  	_ =	swait.ge [sflag:s20], $0x500  }
0x4d: {  	[sflag:s20] =	ssyncset.done $0x0  }
0x4e: {  	s28 =	simm.s32 $0x190;
	[sflag:s20] =	ssyncadd.s32 $0xFFFFFB00  }
0x4f: {  	[spmem:s2] =	stream.indirect.scatter.add.f32 [tilespmem:s13], [sflag:$0x1], $0x10, s28, s16, $0xb8;
	[tilespmem:$0x5320] =	vst v63  }
0x50: {  	_ =	swait.ge [sflag:s21], $0x500  }
0x51: {  	[sflag:s21] =	ssyncset.done $0x0  }
0x52: {  	s28 =	simm.s32 $0x1E0;
	[sflag:s21] =	ssyncadd.s32 $0xFFFFFB00  }
0x53: {  	[spmem:s2] =	stream.indirect.scatter.add.f32 [tilespmem:s13], [sflag:$0x2], $0x10, s28, s16, $0xb8;
	[tilespmem:$0x5320] =	vst v63  }
0x54: {  	_ =	swait.ge [sflag:s22], $0x500  }
0x55: {  	[sflag:s22] =	ssyncset.done $0x0  }
0x56: {  	s28 =	simm.s32 $0x230;
	[sflag:s22] =	ssyncadd.s32 $0xFFFFFB00  }
0x57: {  	[spmem:s2] =	stream.indirect.scatter.add.f32 [tilespmem:s13], [sflag:$0x3], $0x10, s28, s16, $0xb8;
	[tilespmem:$0x5320] =	vst v63  }
0x58: {  	_ =	swait.ge [sflag:s23], $0x500  }
0x59: {  	[sflag:s23] =	ssyncset.done $0x0  }
0x5a: {  	s28 =	simm.s32 $0x280;
	[sflag:s23] =	ssyncadd.s32 $0xFFFFFB00  }
0x5b: {  	[spmem:s2] =	stream.indirect.scatter.add.f32 [tilespmem:s13], [sflag:$0x4], $0x10, s28, s16, $0xb8;
	[tilespmem:$0x5320] =	vst v63  }
0x5c: {  	_ =	swait.ge [sflag:s25], $0x500  }
0x5d: {  	[sflag:s25] =	ssyncset.done $0x0  }
0x5e: {  	s29 =	simm.s32 $0x2D0;
	s28 =	simm.s32 $0xFFFF7040;
	[sflag:s25] =	ssyncadd.s32 $0xFFFFFB00  }
.LBB2_6:
0x5f: {  	[spmem:s2] =	stream.indirect.scatter.add.f32 [tilespmem:s13], [sflag:$0x5], $0x10, s29, s16, $0xb8;
	[tilespmem:$0x5320] =	vst v63  }
0x60: {  	s29 =	smov.u32 s28  }
0x61: {  	p0 =	sne.s32 s28, $0xFFFFF9C0;
	s28 =	sadd.s32 $0x640, s28;
	_ =	swait.ge [sflag:s20], $0x500  }
0x62: {  	s29 =	sshra.s32 s29, $0x2;
	[sflag:s20] =	ssyncset.done $0x0  }
0x63: {  	s30 =	sadd.s32 $0x2710, s29;
	[sflag:s20] =	ssyncadd.s32 $0xFFFFFB00  }
0x64: {  	[spmem:s2] =	stream.indirect.scatter.add.f32 [tilespmem:s13], [sflag:$0x1], $0x10, s30, s16, $0xb8;
	[tilespmem:$0x5320] =	vst v63  }
0x65: {  	_ =	swait.ge [sflag:s21], $0x500  }
0x66: {  	[sflag:s21] =	ssyncset.done $0x0  }
0x67: {  	s30 =	sadd.s32 $0x2760, s29;
	[sflag:s21] =	ssyncadd.s32 $0xFFFFFB00  }
0x68: {  	[spmem:s2] =	stream.indirect.scatter.add.f32 [tilespmem:s13], [sflag:$0x2], $0x10, s30, s16, $0xb8;
	[tilespmem:$0x5320] =	vst v63  }
0x69: {  	_ =	swait.ge [sflag:s22], $0x500  }
0x6a: {  	[sflag:s22] =	ssyncset.done $0x0  }
0x6b: {  	s30 =	sadd.s32 $0x27B0, s29;
	[sflag:s22] =	ssyncadd.s32 $0xFFFFFB00  }
0x6c: {  	[spmem:s2] =	stream.indirect.scatter.add.f32 [tilespmem:s13], [sflag:$0x3], $0x10, s30, s16, $0xb8;
	[tilespmem:$0x5320] =	vst v63  }
0x6d: {  	_ =	swait.ge [sflag:s23], $0x500  }
0x6e: {  	[sflag:s23] =	ssyncset.done $0x0  }
.Ltmp2:
0x6f: {  	s30 =	sadd.s32 $0x2800, s29;
	[sflag:s23] =	ssyncadd.s32 $0xFFFFFB00;
	(pc) =	sbr.rel @p0 .LBB2_6-.Ltmp2, $4  }
0x70: {  	[spmem:s2] =	stream.indirect.scatter.add.f32 [tilespmem:s13], [sflag:$0x4], $0x10, s30, s16, $0xb8;
	[tilespmem:$0x5320] =	vst v63  }
0x71: {  	_ =	swait.ge [sflag:s25], $0x500  }
0x72: {  	[sflag:s25] =	ssyncset.done $0x0  }
0x73: {  	s29 =	sadd.s32 $0x2850, s29;
	[sflag:s25] =	ssyncadd.s32 $0xFFFFFB00  }
0x74: {  	[spmem:s2] =	stream.indirect.scatter.add.f32 [tilespmem:s13], [sflag:$0x5], $0x10, s29, s16, $0xb8;
	[tilespmem:$0x5320] =	vst v63  }
0x75: {  	_ =	swait.ge [sflag:s20], $0x500  }
0x76: {  	[sflag:s20] =	ssyncset.done $0x0  }
0x77: {  	[sflag:s20] =	ssyncadd.s32 $0xFFFFFB00  }
0x78: {  	_ =	swait.ge [sflag:s21], $0x500  }
0x79: {  	[sflag:s21] =	ssyncset.done $0x0  }
0x7a: {  	[sflag:s21] =	ssyncadd.s32 $0xFFFFFB00  }
0x7b: {  	_ =	swait.ge [sflag:s22], $0x500  }
0x7c: {  	[sflag:s22] =	ssyncset.done $0x0  }
0x7d: {  	[sflag:s22] =	ssyncadd.s32 $0xFFFFFB00  }
0x7e: {  	_ =	swait.ge [sflag:s23], $0x500  }
0x7f: {  	[sflag:s23] =	ssyncset.done $0x0  }
0x80: {  	[sflag:s23] =	ssyncadd.s32 $0xFFFFFB00  }
0x81: {  	_ =	swait.ge [sflag:s25], $0x500  }
0x82: {  	s28 =	sshll.u32 s1, $0x6;
	s26 =	sadd.s32 $0x1, s26;
	[sflag:s25] =	ssyncset.done $0x0  }
0x83: {  	s31 =	sshrl.u32 s4, $0x3;
	p0 =	sne.s32 s26, s12;
	[sflag:s25] =	ssyncadd.s32 $0xFFFFFB00  }
.Ltmp3:
0x84: {  	s28 =	sor.u32 $0x1C06, s28;
	[bflag:$0x0] =	sbarrier.arrive $0xFFFF;
	(pc) =	sbr.rel @p0 .LBB2_1-.Ltmp3, $4  }
0x85: {  	[hbm:s24], [sflag:s28] =	dma.local [spmem:s31], $0x4E2  }
0x86: {  	_ =	swait.ge [sflag:s14], $0x4E2  }
0x87: {  	[sflag:s14] =	ssyncset.done $0x0  }
0x88: {  	[sflag:s14] =	ssyncadd.s32 $0xFFFFFB1E  }
0x89: {  	_ =	sfence.sel $0x180000  }
0x8a: {  	[bflag:$0x0] =	sbarrier.arrive $0xFFFF  }
0x8b: {  	p0 =	sne.s32 s1, $0x0;
	_ =	strace $0x90000047  }
0x8c: {  	s0 =	sadd.s32 @!p0 $0x100000, s0;
	[bflag:$0x2] =	sbarrier.arrive $0xFFFF  }
0x8d: {  	[sflag:s0] =	ssyncadd.tile.s32 @!p0 $0x1;
	_ =	shalt  }
.Lfunc_end2:
_tile_overlayer_lowered:
.L_overlay_start_2:
0x8e: {  	(tag) =	ssettag $0x2  }
0x8f: {  	s0 =	rddreg [dreg:$0x0];
	s2 =	stileid.u32  }
0x90: {  	s1 =	rddreg [dreg:$0x1];
	p0 =	sne.s32 s2, $0x0  }
0x91: {  	s3 =	rddreg [dreg:$0x2];
	[bflag:$0x3] =	sbarrier.arrive $0xFFFF;
	s2 =	simm.s32 @!p0 $0x1C06  }
0x92: {  	[timem:s3], [sflag:s2] =	dma.local @!p0 [hbm:s0], s1  }
0x93: {  	s0 =	simm.s32 @!p0 $0x6  }
0x94: {  	_ =	swait.ge @!p0 [sflag:s0], s1  }
0x95: {  	s1 =	ssub.s32 @!p0 $0x0, s1;
	[sflag:s0] =	ssyncset.done @!p0 $0x0  }
0x96: {  	[sflag:s0] =	ssyncadd.s32 @!p0 s1  }
0x97: {  	[bflag:$0x3] =	sbarrier.arrive $0xFFFF  }
0x98: {  	_ =	shalt  }

</sc_bundles>
